<compile_context>
chip_gen: v7x
topology: tpu7x:2x2x1
jax: 0.10.2.dev20260603
libtpu: 0.0.44.dev20260713+nightly
codegen_flags: <defaults>
</compile_context>

<pallas_src>
import jax
import jax.numpy as jnp
from jax import lax
from jax.experimental import pallas as pl
from jax.experimental.pallas import tpu as pltpu
from jax.experimental.pallas import tpu_sc as plsc

_ALPHA = 0.25
_THR_POS = 0.05
_THR_NEG = 0.02

_NC = 2
_NS = 16
_NW = _NC * _NS
_L = 16

_B = 16
_H = 128
_W = 128
_LOCT = (_B * _H * _W) // _NW
_ROWS = _LOCT // _W
_NB = 1024
_BOXT = (_B * _NB) // _NW
_GRCNN = _BOXT // _L
_NLOC = _B * _H * _W


def _softplus(d):
    z = jnp.exp(-jnp.abs(d))
    s = z / (2.0 + z)
    s2 = s * s
    p = s * (2.0 + s2 * (2.0 / 3.0 + s2 * (2.0 / 5.0 + s2 * (
        2.0 / 7.0 + s2 * (2.0 / 9.0 + s2 * (2.0 / 11.0))))))
    return jnp.maximum(d, 0.0) + p


def _body(cl_h, re_h, cf_h, op_h, bb_h, br_h, gb_h, gr_h, gt_h, out_h,
          cl_v, re_v, gr_v, gt_v, cf_v, op_v, bb_v, br_v, gb_v,
          part_v, outrow_v, red_v, shared):
    c = lax.axis_index("c")
    s = lax.axis_index("s")
    wid = c * _NS + s

    loc0 = wid * _LOCT
    pltpu.sync_copy(cl_h.at[pl.ds(2 * loc0, 2 * _LOCT)], cl_v)
    pltpu.sync_copy(re_h.at[pl.ds(4 * loc0, 4 * _LOCT)], re_v)
    pltpu.sync_copy(gr_h.at[pl.ds(4 * loc0, 4 * _LOCT)], gr_v)
    pltpu.sync_copy(gt_h.at[pl.ds(loc0, _LOCT)], gt_v)
    box0 = wid * _BOXT
    pltpu.sync_copy(cf_h.at[pl.ds(8 * box0, 8 * _BOXT)], cf_v)
    pltpu.sync_copy(op_h.at[pl.ds(box0, _BOXT)], op_v)
    pltpu.sync_copy(bb_h.at[pl.ds(4 * box0, 4 * _BOXT)], bb_v)
    pltpu.sync_copy(br_h.at[pl.ds(4 * box0, 4 * _BOXT)], br_v)
    b = wid // 2
    pltpu.sync_copy(gb_h, gb_v)

    iota = lax.iota(jnp.int32, _L)
    i2 = iota * 2
    i4 = iota * 4
    i8 = iota * 8
    zf = jnp.zeros((_L,), jnp.float32)

    def rpn_body(r, accs):
        af, ar, am = accs
        for k in range(8):
            base = (r * 8 + k) * _L
            x0 = plsc.load_gather(cl_v, [i2 + 2 * base])
            x1 = plsc.load_gather(cl_v, [i2 + 2 * base + 1])
            gtv = gt_v[pl.ds(base, _L)]
            is1 = gtv == 1
            d = jnp.where(is1, x1 - x0, x0 - x1)
            sp = _softplus(d)
            pt = jnp.exp(-sp)
            at = jnp.where(is1, _ALPHA, 1.0 - _ALPHA)
            om = 1.0 - pt
            af = af + at * om * om * sp

            r0 = plsc.load_gather(re_v, [i4 + 4 * base])
            r1 = plsc.load_gather(re_v, [i4 + 4 * base + 1])
            r2 = plsc.load_gather(re_v, [i4 + 4 * base + 2])
            r3 = plsc.load_gather(re_v, [i4 + 4 * base + 3])
            q0 = plsc.load_gather(gr_v, [i4 + 4 * base])
            q1 = plsc.load_gather(gr_v, [i4 + 4 * base + 1])
            q2 = plsc.load_gather(gr_v, [i4 + 4 * base + 2])
            q3 = plsc.load_gather(gr_v, [i4 + 4 * base + 3])
            inter = (jnp.minimum(r0, q0) + jnp.minimum(r2, q2)) * \
                    (jnp.minimum(r1, q1) + jnp.minimum(r3, q3))
            ga = (q0 + q2) * (q1 + q3)
            ra = (r0 + r2) * (r1 + r3)
            union = ga + ra - inter + 1e-7
            iou = (inter + 1.0) / (union + 1.0)
            mk = jnp.where(gtv != 0, 1.0, 0.0)
            ar = ar + (1.0 - iou) * mk
            am = am + mk
        return af, ar, am

    af, ar, am = plsc.parallel_loop(
        0, _ROWS, carry=(zf, zf, zf), unroll=1)(rpn_body)

    gb0 = jnp.full((_L,), 4 * b, jnp.int32)
    gx1 = plsc.load_gather(gb_v, [gb0])
    gy1 = plsc.load_gather(gb_v, [gb0 + 1])
    gx2 = plsc.load_gather(gb_v, [gb0 + 2])
    gy2 = plsc.load_gather(gb_v, [gb0 + 3])
    ga_area = jnp.maximum(gx2 - gx1, 0.0) * jnp.maximum(gy2 - gy1, 0.0)

    def rcnn_body(g, accs):
        ap, an, abce, acp, acn, anl, abb = accs
        base = g * _L
        bx1 = plsc.load_gather(br_v, [i4 + 4 * base])
        by1 = plsc.load_gather(br_v, [i4 + 4 * base + 1])
        bx2 = plsc.load_gather(br_v, [i4 + 4 * base + 2])
        by2 = plsc.load_gather(br_v, [i4 + 4 * base + 3])
        wx = jnp.maximum(jnp.minimum(gx2, bx2) - jnp.maximum(gx1, bx1), 0.0)
        wy = jnp.maximum(jnp.minimum(gy2, by2) - jnp.maximum(gy1, by1), 0.0)
        inter = wx * wy
        area_b = jnp.maximum(bx2 - bx1, 0.0) * jnp.maximum(by2 - by1, 0.0)
        union = ga_area + area_b - inter + 1e-7
        iou = inter / jnp.maximum(union, 1e-12)
        pos = jnp.where(iou >= _THR_POS, 1.0, 0.0)
        neg = jnp.where(iou < _THR_NEG, 1.0, 0.0)
        ap = ap + pos
        an = an + neg

        x = op_v[pl.ds(base, _L)]
        abce = abce + (_softplus(x) - x * iou) * pos

        a0 = plsc.load_gather(cf_v, [i8 + 8 * base])
        b0g = plsc.load_gather(cf_v, [i8 + 8 * base + 1])
        acp = acp + _softplus(b0g - a0) * pos
        acn = acn + _softplus(a0 - b0g) * neg
        n10 = plsc.load_gather(cf_v, [i8 + 8 * base + 2])
        n11 = plsc.load_gather(cf_v, [i8 + 8 * base + 3])
        n20 = plsc.load_gather(cf_v, [i8 + 8 * base + 4])
        n21 = plsc.load_gather(cf_v, [i8 + 8 * base + 5])
        n30 = plsc.load_gather(cf_v, [i8 + 8 * base + 6])
        n31 = plsc.load_gather(cf_v, [i8 + 8 * base + 7])
        anl = anl + (_softplus(n10 - n11) + _softplus(n20 - n21) +
                     _softplus(n30 - n31)) * pos

        cx1 = plsc.load_gather(bb_v, [i4 + 4 * base])
        cy1 = plsc.load_gather(bb_v, [i4 + 4 * base + 1])
        cx2 = plsc.load_gather(bb_v, [i4 + 4 * base + 2])
        cy2 = plsc.load_gather(bb_v, [i4 + 4 * base + 3])
        wxc = jnp.maximum(jnp.minimum(gx2, cx2) - jnp.maximum(gx1, cx1), 0.0)
        wyc = jnp.maximum(jnp.minimum(gy2, cy2) - jnp.maximum(gy1, cy1), 0.0)
        inter_c = wxc * wyc
        area_c = jnp.maximum(cx2 - cx1, 0.0) * jnp.maximum(cy2 - cy1, 0.0)
        union_c = ga_area + area_c - inter_c + 1.0
        iou_c = inter_c / jnp.maximum(union_c, 1e-12)
        abb = abb + (1.0 - iou_c) * pos
        return ap, an, abce, acp, acn, anl, abb

    ap, an, abce, acp, acn, anl, abb = plsc.parallel_loop(
        0, _GRCNN, carry=(zf, zf, zf, zf, zf, zf, zf), unroll=4)(rcnn_body)

    vals = (jnp.sum(af), jnp.sum(ar), jnp.sum(am), jnp.sum(ap), jnp.sum(an),
            jnp.sum(abce), jnp.sum(acp), jnp.sum(acn), jnp.sum(anl),
            jnp.sum(abb))
    pv = zf
    for q, val in enumerate(vals):
        pv = jnp.where(iota == q, val, pv)
    part_v[...] = pv
    pltpu.sync_copy(part_v, shared.at[pl.ds(s * _L, _L)])
    plsc.subcore_barrier()

    @pl.when(s == 0)
    def _reduce():
        pltpu.sync_copy(shared, red_v)
        lane_lt8 = iota < 8
        row_e = jnp.where(lane_lt8, iota * 2, 0)
        row_o = jnp.where(lane_lt8, iota * 2 + 1, 0)

        def qpair(q):
            return (plsc.load_gather(red_v, [row_e * _L + q]) +
                    plsc.load_gather(red_v, [row_o * _L + q]))

        def qall(q):
            return jnp.sum(plsc.load_gather(red_v, [iota * _L + q]))

        pn = qpair(3)
        nn = qpair(4)
        inv_pn = 1.0 / jnp.maximum(pn, 1.0)
        l_op = qpair(5) * inv_pn
        l_cfp = qpair(6) * inv_pn
        l_cfnb = jnp.where(nn > 0, qpair(7) / jnp.maximum(nn, 1.0), 0.0)
        l_cfn = qpair(8) / jnp.maximum(pn * 3.0, 1.0)
        l_bb = qpair(9) * inv_pn
        li = jnp.where((pn > 0) & lane_lt8,
                       l_cfp + l_cfnb + l_cfn + l_bb + l_op, 0.0)
        rc_part = jnp.sum(li)
        tp_part = jnp.sum(jnp.where(lane_lt8, pn, 0.0))
        outs = (qall(0), qall(1), qall(2), rc_part, tp_part)
        ov = zf
        for q, val in enumerate(outs):
            ov = jnp.where(iota == q, val, ov)
        outrow_v[...] = ov
        pltpu.sync_copy(outrow_v, out_h.at[c])


_sc_loss = pl.kernel(
    _body,
    out_type=jax.ShapeDtypeStruct((_NC, _L), jnp.float32),
    mesh=plsc.VectorSubcoreMesh(core_axis_name="c", subcore_axis_name="s",
                                num_cores=_NC, num_subcores=_NS),
    scratch_types=[
        pltpu.VMEM((2 * _LOCT,), jnp.float32),
        pltpu.VMEM((4 * _LOCT,), jnp.float32),
        pltpu.VMEM((4 * _LOCT,), jnp.float32),
        pltpu.VMEM((_LOCT,), jnp.int32),
        pltpu.VMEM((8 * _BOXT,), jnp.float32),
        pltpu.VMEM((_BOXT,), jnp.float32),
        pltpu.VMEM((4 * _BOXT,), jnp.float32),
        pltpu.VMEM((4 * _BOXT,), jnp.float32),
        pltpu.VMEM((4 * _B,), jnp.float32),
        pltpu.VMEM((_L,), jnp.float32),
        pltpu.VMEM((_L,), jnp.float32),
        pltpu.VMEM((_NS * _L,), jnp.float32),
        pltpu.VMEM_SHARED((_NS * _L,), jnp.float32),
    ],
    compiler_params=pltpu.CompilerParams(needs_layout_passes=False),
)


@jax.jit
def kernel(cl, re, cf, op, bb, br, gb, gr, gt):
    out = _sc_loss(cl.reshape(-1), re.reshape(-1), cf.reshape(-1),
                   op.reshape(-1), bb.reshape(-1), br.reshape(-1),
                   gb.reshape(-1), gr.reshape(-1), gt.reshape(-1))
    f = out[0, 0] + out[1, 0]
    rs = out[0, 1] + out[1, 1]
    ms = out[0, 2] + out[1, 2]
    rcnn = (out[0, 3] + out[1, 3]) / float(_B)
    total_pos = out[0, 4] + out[1, 4]
    rpn0 = f / float(_NLOC)
    rpn1 = jnp.where(ms > 0, rs / jnp.maximum(ms, 1.0), 0.0)
    total = rpn0 + rpn1 + rcnn
    return (total, rpn0, rpn1, rcnn, total_pos)

# --- scband reference (transcript-rebuilt; emitter-appended) ---
"""Pipeline reference for scband-track-loss-18056042512996 (READ-ONLY COPY).

The authoritative reference and input builder live on the scoring server;
editing this copy changes nothing except your own understanding.
"""

import jax, jax.numpy as jnp
import numpy as np

GAMMA = 2.0
ALPHA = 0.25
LOSS_LAMBDA = 1.0
THR_POS = 0.05
THR_NEG = 0.02
HEAD_OPROI = True


def jaccard(a, b, eps=1e-7):
    # a: [A,4], b: [B,4] boxes in (x1,y1,x2,y2)
    max_xy = jnp.minimum(a[:, None, 2:], b[None, :, 2:])
    min_xy = jnp.maximum(a[:, None, :2], b[None, :, :2])
    wh = jnp.clip(max_xy - min_xy, 0.0, None)
    inter = wh[..., 0] * wh[..., 1]
    area_a = jnp.clip(a[:, 2] - a[:, 0], 0.0, None) * jnp.clip(a[:, 3] - a[:, 1], 0.0, None)
    area_b = jnp.clip(b[:, 2] - b[:, 0], 0.0, None) * jnp.clip(b[:, 3] - b[:, 1], 0.0, None)
    union = area_a[:, None] + area_b[None, :] - inter + eps
    return inter / jnp.maximum(union, 1e-12)


def focal_loss(logits, target):
    logpt_all = jax.nn.log_softmax(logits, axis=-1)
    logpt = jnp.take_along_axis(logpt_all, target[:, None], axis=-1)[:, 0]
    pt = jnp.exp(logpt)
    at = jnp.where(target == 0, ALPHA, 1.0 - ALPHA)
    return jnp.mean(-at * ((1.0 - pt) ** GAMMA) * logpt)


def cl_loss_fn(cl, gt):
    cl_f = cl.reshape(-1, 2)
    tgt = (1 - gt.reshape(-1)).astype(jnp.int32)
    return focal_loss(cl_f, tgt)


def re_loss_fn(re, gr, gt):
    mask = (gt.reshape(-1) != 0).astype(jnp.float32)
    gr_f = gr.reshape(-1, 4)
    re_f = re.reshape(-1, 4)
    mn = jnp.minimum(re_f, gr_f)
    inter = (mn[:, 0] + mn[:, 2]) * (mn[:, 1] + mn[:, 3])
    ga = (gr_f[:, 0] + gr_f[:, 2]) * (gr_f[:, 1] + gr_f[:, 3])
    ra = (re_f[:, 0] + re_f[:, 2]) * (re_f[:, 1] + re_f[:, 3])
    union = ga + ra - inter + 1e-7
    iou = (inter + 1.0) / (union + 1.0)
    pn = jnp.sum(mask)
    return jnp.where(pn > 0, jnp.sum((1.0 - iou) * mask) / jnp.maximum(pn, 1.0), 0.0)


def rcnn_loss_fn(cf, op, bb, br, gb):
    B = cf.shape[0]
    num_negbb = cf.shape[2] - 1
    loss = jnp.float32(0.0)
    total_pos = jnp.float32(0.0)
    for i in range(B):
        cf_i = cf[i]
        op_i = op[i]
        bb_i = bb[i]
        br_i = br[i]
        gb_i = gb[i][None, :]
        iou_br = jaccard(gb_i, br_i)[0]
        pos = (iou_br >= THR_POS).astype(jnp.float32)
        neg = (iou_br < THR_NEG).astype(jnp.float32)
        pn = jnp.sum(pos)
        nn_ = jnp.sum(neg)
        total_pos = total_pos + pn
        if HEAD_OPROI:
            x = op_i[..., 0]
            y = iou_br
            bce = jnp.maximum(x, 0.0) - x * y + jnp.log1p(jnp.exp(-jnp.abs(x)))
            loss_op = jnp.where(pn > 0, jnp.sum(bce * pos) / jnp.maximum(pn, 1.0), 0.0)
        else:
            loss_op = 0.0
        logp0 = jax.nn.log_softmax(cf_i[:, 0, :], axis=-1)
        loss_cf_pos = jnp.where(pn > 0, jnp.sum(-logp0[:, 0] * pos) / jnp.maximum(pn, 1.0), 0.0)
        loss_cf_negb = jnp.where(nn_ > 0, jnp.sum(-logp0[:, 1] * neg) / jnp.maximum(nn_, 1.0), 0.0)
        if num_negbb > 0:
            logpn = jax.nn.log_softmax(cf_i[:, 1:, :], axis=-1)
            nll_neg = -logpn[..., 1]
            loss_cf_neg = jnp.where(pn > 0, jnp.sum(nll_neg * pos[:, None]) / jnp.maximum(pn * num_negbb, 1.0), 0.0)
        else:
            loss_cf_neg = 0.0
        iou_bb = jaccard(gb_i, bb_i, eps=1.0)[0]
        loss_bb = jnp.where(pn > 0, jnp.sum((1.0 - iou_bb) * pos) / jnp.maximum(pn, 1.0), 0.0)
        loss_i = jnp.where(pn > 0, loss_cf_pos + loss_cf_negb + loss_cf_neg + loss_bb + loss_op, 0.0)
        loss = loss + loss_i
    return loss / B, total_pos


def _forward(cl, re, cf, op, bb, br, gb, gr, gt):
    rpn0 = cl_loss_fn(cl, gt)
    rpn1 = re_loss_fn(re, gr, gt)
    rcnn, total_pos = rcnn_loss_fn(cf, op, bb, br, gb)
    total = rpn0 + rpn1 + LOSS_LAMBDA * rcnn
    return total, rpn0, rpn1, rcnn, total_pos


def setup_inputs(seed: int = 0):
    key = jax.random.key(seed)
    ks = jax.random.split(key, 9)
    B, H, W, NB, NEG = 16, 128, 128, 1024, 3
    cl = jax.random.normal(ks[0], (B, H, W, 2), dtype=jnp.float32)
    re = jax.random.uniform(ks[1], (B, H, W, 4), dtype=jnp.float32)
    cf = jax.random.normal(ks[2], (B, NB, 1 + NEG, 2), dtype=jnp.float32)
    op = jax.random.normal(ks[3], (B, NB, 1), dtype=jnp.float32)
    bb = jax.random.uniform(ks[4], (B, NB, 4), dtype=jnp.float32)
    br = jax.random.uniform(ks[5], (B, NB, 4), dtype=jnp.float32)
    gb = jax.random.uniform(ks[6], (B, 4), dtype=jnp.float32)
    gr = jax.random.uniform(ks[7], (B, H, W, 4), dtype=jnp.float32)
    gt = jax.random.randint(ks[8], (B, H, W), 0, 2).astype(jnp.int32)
    return {"cl": cl, "re": re, "cf": cf, "op": op, "bb": bb, "br": br, "gb": gb, "gr": gr, "gt": gt}


def reference(cl, re, cf, op, bb, br, gb, gr, gt):
    total, rpn0, rpn1, rcnn, total_pos = _forward(cl, re, cf, op, bb, br, gb, gr, gt)
    return (total, rpn0, rpn1, rcnn, total_pos)

if __name__ == "__main__":
    import jax
    _d = setup_inputs()
    print(jax.jit(kernel)(*tuple(_d.values())))

</pallas_src>

<mosaic_0001>
#map = affine_map<(d0, d1) -> (0)>
#map1 = affine_map<(d0, d1) -> (0, 0)>
module attributes {stable_mosaic.version = 14 : i64} {
  func.func @_body(%arg0: i32, %arg1: i32, %arg2: memref<524288xf32, #tpu.memory_space<hbm>>, %arg3: memref<1048576xf32, #tpu.memory_space<hbm>>, %arg4: memref<131072xf32, #tpu.memory_space<hbm>>, %arg5: memref<16384xf32, #tpu.memory_space<hbm>>, %arg6: memref<65536xf32, #tpu.memory_space<hbm>>, %arg7: memref<65536xf32, #tpu.memory_space<hbm>>, %arg8: memref<64xf32, #tpu.memory_space<hbm>>, %arg9: memref<1048576xf32, #tpu.memory_space<hbm>>, %arg10: memref<262144xi32, #tpu.memory_space<hbm>>, %arg11: memref<2x16xf32, #tpu.memory_space<hbm>>, %arg12: memref<16384xf32, #tpu.memory_space<vmem>>, %arg13: memref<32768xf32, #tpu.memory_space<vmem>>, %arg14: memref<32768xf32, #tpu.memory_space<vmem>>, %arg15: memref<8192xi32, #tpu.memory_space<vmem>>, %arg16: memref<4096xf32, #tpu.memory_space<vmem>>, %arg17: memref<512xf32, #tpu.memory_space<vmem>>, %arg18: memref<2048xf32, #tpu.memory_space<vmem>>, %arg19: memref<2048xf32, #tpu.memory_space<vmem>>, %arg20: memref<64xf32, #tpu.memory_space<vmem>>, %arg21: memref<16xf32, #tpu.memory_space<vmem>>, %arg22: memref<16xf32, #tpu.memory_space<vmem>>, %arg23: memref<256xf32, #tpu.memory_space<vmem>>, %arg24: memref<256xf32, #tpu.memory_space<vmem_shared>>) attributes {dimension_semantics = [#tpu.dimension_semantics<core_parallel>, #tpu.dimension_semantics<subcore_parallel>], iteration_bounds = array<i64: 2, 16>, scalar_prefetch = 0 : i64, scratch_operands = 13 : i64, tpu.core_type = #tpu.core_type<sc_vector_subcore>, window_params = [{transform_indices = #map}, {transform_indices = #map}, {transform_indices = #map}, {transform_indices = #map}, {transform_indices = #map}, {transform_indices = #map}, {transform_indices = #map}, {transform_indices = #map}, {transform_indices = #map}, {transform_indices = #map1}]} {
    %mul3A = arith.constant 16 : i32
    %mul3A_0 = arith.muli %arg0, %mul3A : i32
    %add3A = arith.addi %mul3A_0, %arg1 : i32
    %mul3A_1 = arith.constant 8192 : i32
    %mul3A_2 = arith.muli %add3A, %mul3A_1 : i32
    %mul3A_3 = arith.constant 2 : i32
    %mul3A_4 = arith.muli %mul3A_3, %mul3A_2 : i32
    "tpu.region"() ({
      %run_scoped3A = tpu.sem_alloc : memref<!tpu.dma_semaphore, #tpu.memory_space<semaphore_mem>>
      %dma_start3A = tpu.memref_slice %arg2[%mul3A_4] : memref<524288xf32, #tpu.memory_space<hbm>> -> memref<16384xf32, #tpu.memory_space<hbm>>
      %dma_start3A_167 = tpu.memref_slice %arg2[%mul3A_4] : memref<524288xf32, #tpu.memory_space<hbm>> -> memref<16384xf32, #tpu.memory_space<hbm>>
      tpu.enqueue_dma source(%dma_start3A_167 : memref<16384xf32, #tpu.memory_space<hbm>>) target(%arg12 : memref<16384xf32, #tpu.memory_space<vmem>>) target_semaphore(%run_scoped3A : memref<!tpu.dma_semaphore, #tpu.memory_space<semaphore_mem>>)
      %dma_wait3A = tpu.memref_slice %arg2[%mul3A_4] : memref<524288xf32, #tpu.memory_space<hbm>> -> memref<16384xf32, #tpu.memory_space<hbm>>
      %dma_wait3A_168 = tpu.memref_slice %arg2[%mul3A_4] : memref<524288xf32, #tpu.memory_space<hbm>> -> memref<16384xf32, #tpu.memory_space<hbm>>
      tpu.wait_dma2 semaphore(%run_scoped3A : memref<!tpu.dma_semaphore, #tpu.memory_space<semaphore_mem>>) src(%dma_wait3A_168 : memref<16384xf32, #tpu.memory_space<hbm>>) dst(%arg12 : memref<16384xf32, #tpu.memory_space<vmem>>)
      tpu.yield
    }) : () -> ()
    %mul3A_5 = arith.constant 4 : i32
    %mul3A_6 = arith.muli %mul3A_5, %mul3A_2 : i32
    "tpu.region"() ({
      %run_scoped3A = tpu.sem_alloc : memref<!tpu.dma_semaphore, #tpu.memory_space<semaphore_mem>>
      %dma_start3A = tpu.memref_slice %arg3[%mul3A_6] : memref<1048576xf32, #tpu.memory_space<hbm>> -> memref<32768xf32, #tpu.memory_space<hbm>>
      %dma_start3A_167 = tpu.memref_slice %arg3[%mul3A_6] : memref<1048576xf32, #tpu.memory_space<hbm>> -> memref<32768xf32, #tpu.memory_space<hbm>>
      tpu.enqueue_dma source(%dma_start3A_167 : memref<32768xf32, #tpu.memory_space<hbm>>) target(%arg13 : memref<32768xf32, #tpu.memory_space<vmem>>) target_semaphore(%run_scoped3A : memref<!tpu.dma_semaphore, #tpu.memory_space<semaphore_mem>>)
      %dma_wait3A = tpu.memref_slice %arg3[%mul3A_6] : memref<1048576xf32, #tpu.memory_space<hbm>> -> memref<32768xf32, #tpu.memory_space<hbm>>
      %dma_wait3A_168 = tpu.memref_slice %arg3[%mul3A_6] : memref<1048576xf32, #tpu.memory_space<hbm>> -> memref<32768xf32, #tpu.memory_space<hbm>>
      tpu.wait_dma2 semaphore(%run_scoped3A : memref<!tpu.dma_semaphore, #tpu.memory_space<semaphore_mem>>) src(%dma_wait3A_168 : memref<32768xf32, #tpu.memory_space<hbm>>) dst(%arg13 : memref<32768xf32, #tpu.memory_space<vmem>>)
      tpu.yield
    }) : () -> ()
    %mul3A_7 = arith.constant 4 : i32
    %mul3A_8 = arith.muli %mul3A_7, %mul3A_2 : i32
    "tpu.region"() ({
      %run_scoped3A = tpu.sem_alloc : memref<!tpu.dma_semaphore, #tpu.memory_space<semaphore_mem>>
      %dma_start3A = tpu.memref_slice %arg9[%mul3A_8] : memref<1048576xf32, #tpu.memory_space<hbm>> -> memref<32768xf32, #tpu.memory_space<hbm>>
      %dma_start3A_167 = tpu.memref_slice %arg9[%mul3A_8] : memref<1048576xf32, #tpu.memory_space<hbm>> -> memref<32768xf32, #tpu.memory_space<hbm>>
      tpu.enqueue_dma source(%dma_start3A_167 : memref<32768xf32, #tpu.memory_space<hbm>>) target(%arg14 : memref<32768xf32, #tpu.memory_space<vmem>>) target_semaphore(%run_scoped3A : memref<!tpu.dma_semaphore, #tpu.memory_space<semaphore_mem>>)
      %dma_wait3A = tpu.memref_slice %arg9[%mul3A_8] : memref<1048576xf32, #tpu.memory_space<hbm>> -> memref<32768xf32, #tpu.memory_space<hbm>>
      %dma_wait3A_168 = tpu.memref_slice %arg9[%mul3A_8] : memref<1048576xf32, #tpu.memory_space<hbm>> -> memref<32768xf32, #tpu.memory_space<hbm>>
      tpu.wait_dma2 semaphore(%run_scoped3A : memref<!tpu.dma_semaphore, #tpu.memory_space<semaphore_mem>>) src(%dma_wait3A_168 : memref<32768xf32, #tpu.memory_space<hbm>>) dst(%arg14 : memref<32768xf32, #tpu.memory_space<vmem>>)
      tpu.yield
    }) : () -> ()
    "tpu.region"() ({
      %run_scoped3A = tpu.sem_alloc : memref<!tpu.dma_semaphore, #tpu.memory_space<semaphore_mem>>
      %dma_start3A = tpu.memref_slice %arg10[%mul3A_2] : memref<262144xi32, #tpu.memory_space<hbm>> -> memref<8192xi32, #tpu.memory_space<hbm>>
      %dma_start3A_167 = tpu.memref_slice %arg10[%mul3A_2] : memref<262144xi32, #tpu.memory_space<hbm>> -> memref<8192xi32, #tpu.memory_space<hbm>>
      tpu.enqueue_dma source(%dma_start3A_167 : memref<8192xi32, #tpu.memory_space<hbm>>) target(%arg15 : memref<8192xi32, #tpu.memory_space<vmem>>) target_semaphore(%run_scoped3A : memref<!tpu.dma_semaphore, #tpu.memory_space<semaphore_mem>>)
      %dma_wait3A = tpu.memref_slice %arg10[%mul3A_2] : memref<262144xi32, #tpu.memory_space<hbm>> -> memref<8192xi32, #tpu.memory_space<hbm>>
      %dma_wait3A_168 = tpu.memref_slice %arg10[%mul3A_2] : memref<262144xi32, #tpu.memory_space<hbm>> -> memref<8192xi32, #tpu.memory_space<hbm>>
      tpu.wait_dma2 semaphore(%run_scoped3A : memref<!tpu.dma_semaphore, #tpu.memory_space<semaphore_mem>>) src(%dma_wait3A_168 : memref<8192xi32, #tpu.memory_space<hbm>>) dst(%arg15 : memref<8192xi32, #tpu.memory_space<vmem>>)
      tpu.yield
    }) : () -> ()
    %mul3A_9 = arith.constant 512 : i32
    %mul3A_10 = arith.muli %add3A, %mul3A_9 : i32
    %mul3A_11 = arith.constant 8 : i32
    %mul3A_12 = arith.muli %mul3A_11, %mul3A_10 : i32
    "tpu.region"() ({
      %run_scoped3A = tpu.sem_alloc : memref<!tpu.dma_semaphore, #tpu.memory_space<semaphore_mem>>
      %dma_start3A = tpu.memref_slice %arg4[%mul3A_12] : memref<131072xf32, #tpu.memory_space<hbm>> -> memref<4096xf32, #tpu.memory_space<hbm>>
      %dma_start3A_167 = tpu.memref_slice %arg4[%mul3A_12] : memref<131072xf32, #tpu.memory_space<hbm>> -> memref<4096xf32, #tpu.memory_space<hbm>>
      tpu.enqueue_dma source(%dma_start3A_167 : memref<4096xf32, #tpu.memory_space<hbm>>) target(%arg16 : memref<4096xf32, #tpu.memory_space<vmem>>) target_semaphore(%run_scoped3A : memref<!tpu.dma_semaphore, #tpu.memory_space<semaphore_mem>>)
      %dma_wait3A = tpu.memref_slice %arg4[%mul3A_12] : memref<131072xf32, #tpu.memory_space<hbm>> -> memref<4096xf32, #tpu.memory_space<hbm>>
      %dma_wait3A_168 = tpu.memref_slice %arg4[%mul3A_12] : memref<131072xf32, #tpu.memory_space<hbm>> -> memref<4096xf32, #tpu.memory_space<hbm>>
      tpu.wait_dma2 semaphore(%run_scoped3A : memref<!tpu.dma_semaphore, #tpu.memory_space<semaphore_mem>>) src(%dma_wait3A_168 : memref<4096xf32, #tpu.memory_space<hbm>>) dst(%arg16 : memref<4096xf32, #tpu.memory_space<vmem>>)
      tpu.yield
    }) : () -> ()
    "tpu.region"() ({
      %run_scoped3A = tpu.sem_alloc : memref<!tpu.dma_semaphore, #tpu.memory_space<semaphore_mem>>
      %dma_start3A = tpu.memref_slice %arg5[%mul3A_10] : memref<16384xf32, #tpu.memory_space<hbm>> -> memref<512xf32, #tpu.memory_space<hbm>>
      %dma_start3A_167 = tpu.memref_slice %arg5[%mul3A_10] : memref<16384xf32, #tpu.memory_space<hbm>> -> memref<512xf32, #tpu.memory_space<hbm>>
      tpu.enqueue_dma source(%dma_start3A_167 : memref<512xf32, #tpu.memory_space<hbm>>) target(%arg17 : memref<512xf32, #tpu.memory_space<vmem>>) target_semaphore(%run_scoped3A : memref<!tpu.dma_semaphore, #tpu.memory_space<semaphore_mem>>)
      %dma_wait3A = tpu.memref_slice %arg5[%mul3A_10] : memref<16384xf32, #tpu.memory_space<hbm>> -> memref<512xf32, #tpu.memory_space<hbm>>
      %dma_wait3A_168 = tpu.memref_slice %arg5[%mul3A_10] : memref<16384xf32, #tpu.memory_space<hbm>> -> memref<512xf32, #tpu.memory_space<hbm>>
      tpu.wait_dma2 semaphore(%run_scoped3A : memref<!tpu.dma_semaphore, #tpu.memory_space<semaphore_mem>>) src(%dma_wait3A_168 : memref<512xf32, #tpu.memory_space<hbm>>) dst(%arg17 : memref<512xf32, #tpu.memory_space<vmem>>)
      tpu.yield
    }) : () -> ()
    %mul3A_13 = arith.constant 4 : i32
    %mul3A_14 = arith.muli %mul3A_13, %mul3A_10 : i32
    "tpu.region"() ({
      %run_scoped3A = tpu.sem_alloc : memref<!tpu.dma_semaphore, #tpu.memory_space<semaphore_mem>>
      %dma_start3A = tpu.memref_slice %arg6[%mul3A_14] : memref<65536xf32, #tpu.memory_space<hbm>> -> memref<2048xf32, #tpu.memory_space<hbm>>
      %dma_start3A_167 = tpu.memref_slice %arg6[%mul3A_14] : memref<65536xf32, #tpu.memory_space<hbm>> -> memref<2048xf32, #tpu.memory_space<hbm>>
      tpu.enqueue_dma source(%dma_start3A_167 : memref<2048xf32, #tpu.memory_space<hbm>>) target(%arg18 : memref<2048xf32, #tpu.memory_space<vmem>>) target_semaphore(%run_scoped3A : memref<!tpu.dma_semaphore, #tpu.memory_space<semaphore_mem>>)
      %dma_wait3A = tpu.memref_slice %arg6[%mul3A_14] : memref<65536xf32, #tpu.memory_space<hbm>> -> memref<2048xf32, #tpu.memory_space<hbm>>
      %dma_wait3A_168 = tpu.memref_slice %arg6[%mul3A_14] : memref<65536xf32, #tpu.memory_space<hbm>> -> memref<2048xf32, #tpu.memory_space<hbm>>
      tpu.wait_dma2 semaphore(%run_scoped3A : memref<!tpu.dma_semaphore, #tpu.memory_space<semaphore_mem>>) src(%dma_wait3A_168 : memref<2048xf32, #tpu.memory_space<hbm>>) dst(%arg18 : memref<2048xf32, #tpu.memory_space<vmem>>)
      tpu.yield
    }) : () -> ()
    %mul3A_15 = arith.constant 4 : i32
    %mul3A_16 = arith.muli %mul3A_15, %mul3A_10 : i32
    "tpu.region"() ({
      %run_scoped3A = tpu.sem_alloc : memref<!tpu.dma_semaphore, #tpu.memory_space<semaphore_mem>>
      %dma_start3A = tpu.memref_slice %arg7[%mul3A_16] : memref<65536xf32, #tpu.memory_space<hbm>> -> memref<2048xf32, #tpu.memory_space<hbm>>
      %dma_start3A_167 = tpu.memref_slice %arg7[%mul3A_16] : memref<65536xf32, #tpu.memory_space<hbm>> -> memref<2048xf32, #tpu.memory_space<hbm>>
      tpu.enqueue_dma source(%dma_start3A_167 : memref<2048xf32, #tpu.memory_space<hbm>>) target(%arg19 : memref<2048xf32, #tpu.memory_space<vmem>>) target_semaphore(%run_scoped3A : memref<!tpu.dma_semaphore, #tpu.memory_space<semaphore_mem>>)
      %dma_wait3A = tpu.memref_slice %arg7[%mul3A_16] : memref<65536xf32, #tpu.memory_space<hbm>> -> memref<2048xf32, #tpu.memory_space<hbm>>
      %dma_wait3A_168 = tpu.memref_slice %arg7[%mul3A_16] : memref<65536xf32, #tpu.memory_space<hbm>> -> memref<2048xf32, #tpu.memory_space<hbm>>
      tpu.wait_dma2 semaphore(%run_scoped3A : memref<!tpu.dma_semaphore, #tpu.memory_space<semaphore_mem>>) src(%dma_wait3A_168 : memref<2048xf32, #tpu.memory_space<hbm>>) dst(%arg19 : memref<2048xf32, #tpu.memory_space<vmem>>)
      tpu.yield
    }) : () -> ()
    %jit3A = arith.constant 2 : i32
    %div3A = arith.divsi %add3A, %jit3A : i32
    %sign3A = arith.constant 0 : i32
    %sign3A_17 = arith.cmpi sgt, %add3A, %sign3A : i32
    %sign3A_18 = arith.extui %sign3A_17 : i1 to i32
    %sign3A_19 = arith.constant 0 : i32
    %sign3A_20 = arith.cmpi slt, %add3A, %sign3A_19 : i32
    %sign3A_21 = arith.extui %sign3A_20 : i1 to i32
    %sign3A_22 = arith.subi %sign3A_18, %sign3A_21 : i32
    %sign3A_23 = arith.constant 0 : i32
    %sign3A_24 = arith.cmpi sgt, %jit3A, %sign3A_23 : i32
    %sign3A_25 = arith.extui %sign3A_24 : i1 to i32
    %sign3A_26 = arith.constant 0 : i32
    %sign3A_27 = arith.cmpi slt, %jit3A, %sign3A_26 : i32
    %sign3A_28 = arith.extui %sign3A_27 : i1 to i32
    %sign3A_29 = arith.subi %sign3A_25, %sign3A_28 : i32
    %ne3A = arith.cmpi ne, %sign3A_22, %sign3A_29 : i32
    %rem3A = arith.remsi %add3A, %jit3A : i32
    %ne3A_30 = arith.constant 0 : i32
    %ne3A_31 = arith.cmpi ne, %rem3A, %ne3A_30 : i32
    %and3A = arith.andi %ne3A, %ne3A_31 : i1
    %sub3A = arith.constant 1 : i32
    %sub3A_32 = arith.subi %div3A, %sub3A : i32
    %select_n3A = arith.select %and3A, %sub3A_32, %div3A : i32
    "tpu.region"() ({
      %run_scoped3A = tpu.sem_alloc : memref<!tpu.dma_semaphore, #tpu.memory_space<semaphore_mem>>
      tpu.enqueue_dma source(%arg8 : memref<64xf32, #tpu.memory_space<hbm>>) target(%arg20 : memref<64xf32, #tpu.memory_space<vmem>>) target_semaphore(%run_scoped3A : memref<!tpu.dma_semaphore, #tpu.memory_space<semaphore_mem>>)
      tpu.wait_dma2 semaphore(%run_scoped3A : memref<!tpu.dma_semaphore, #tpu.memory_space<semaphore_mem>>) src(%arg8 : memref<64xf32, #tpu.memory_space<hbm>>) dst(%arg20 : memref<64xf32, #tpu.memory_space<vmem>>)
      tpu.yield
    }) : () -> ()
    %iota3A = tpu.iota {dimensions = array<i32: 0>} : vector<16xi32>
    %mul3A_33 = arith.constant 2 : i32
    %mul3A_34 = vector.broadcast %mul3A_33 : i32 to vector<16xi32>
    %mul3A_35 = arith.muli %iota3A, %mul3A_34 : vector<16xi32>
    %mul3A_36 = arith.constant 4 : i32
    %mul3A_37 = vector.broadcast %mul3A_36 : i32 to vector<16xi32>
    %mul3A_38 = arith.muli %iota3A, %mul3A_37 : vector<16xi32>
    %mul3A_39 = arith.constant 8 : i32
    %mul3A_40 = vector.broadcast %mul3A_39 : i32 to vector<16xi32>
    %mul3A_41 = arith.muli %iota3A, %mul3A_40 : vector<16xi32>
    %broadcast_in_dim3A = arith.constant 0.000000e+00 : f32
    %broadcast_in_dim3A_42 = vector.broadcast %broadcast_in_dim3A : f32 to vector<16xf32>
    %parallel_loop3A = arith.constant 0 : i32
    %parallel_loop3A_43 = arith.constant 64 : i32
    %parallel_loop3A_44 = arith.constant 1 : i32
    %parallel_loop3A_45:3 = scf.for %parallel_loop3A_167 = %parallel_loop3A to %parallel_loop3A_43 step %parallel_loop3A_44 iter_args(%parallel_loop3A_168 = %broadcast_in_dim3A_42, %parallel_loop3A_169 = %broadcast_in_dim3A_42, %parallel_loop3A_170 = %broadcast_in_dim3A_42) -> (vector<16xf32>, vector<16xf32>, vector<16xf32>)  : i32 {
      %parallel_loop3A_171 = arith.constant 8 : i32
      %parallel_loop3A_172 = arith.muli %parallel_loop3A_167, %parallel_loop3A_171 : i32
      %parallel_loop3A_173 = arith.constant 0 : i32
      %parallel_loop3A_174 = arith.addi %parallel_loop3A_172, %parallel_loop3A_173 : i32
      %parallel_loop3A_175 = arith.constant 16 : i32
      %parallel_loop3A_176 = arith.muli %parallel_loop3A_174, %parallel_loop3A_175 : i32
      %parallel_loop3A_177 = arith.constant 2 : i32
      %parallel_loop3A_178 = arith.muli %parallel_loop3A_177, %parallel_loop3A_176 : i32
      %parallel_loop3A_179 = vector.broadcast %parallel_loop3A_178 : i32 to vector<16xi32>
      %parallel_loop3A_180 = arith.addi %mul3A_35, %parallel_loop3A_179 : vector<16xi32>
      %parallel_loop3A_181 = tpu.vector_load_idx %arg12[%parallel_loop3A_180] : memref<16384xf32, #tpu.memory_space<vmem>>[vector<16xi32>], vector<16xf32>,
      %parallel_loop3A_182 = arith.constant 2 : i32
      %parallel_loop3A_183 = arith.muli %parallel_loop3A_182, %parallel_loop3A_176 : i32
      %parallel_loop3A_184 = vector.broadcast %parallel_loop3A_183 : i32 to vector<16xi32>
      %parallel_loop3A_185 = arith.addi %mul3A_35, %parallel_loop3A_184 : vector<16xi32>
      %parallel_loop3A_186 = arith.constant 1 : i32
      %parallel_loop3A_187 = vector.broadcast %parallel_loop3A_186 : i32 to vector<16xi32>
      %parallel_loop3A_188 = arith.addi %parallel_loop3A_185, %parallel_loop3A_187 : vector<16xi32>
      %parallel_loop3A_189 = tpu.vector_load_idx %arg12[%parallel_loop3A_188] : memref<16384xf32, #tpu.memory_space<vmem>>[vector<16xi32>], vector<16xf32>,
      %parallel_loop3A_190 = arith.index_cast %parallel_loop3A_176 : i32 to index
      %parallel_loop3A_191 = tpu.vector_load %arg15[%parallel_loop3A_190] {strides = array<i32>} : memref<8192xi32, #tpu.memory_space<vmem>>, vector<16xi32>,
      %parallel_loop3A_192 = arith.constant 1 : i32
      %parallel_loop3A_193 = vector.broadcast %parallel_loop3A_192 : i32 to vector<16xi32>
      %parallel_loop3A_194 = arith.cmpi eq, %parallel_loop3A_191, %parallel_loop3A_193 : vector<16xi32>
      %parallel_loop3A_195 = arith.subf %parallel_loop3A_189, %parallel_loop3A_181 : vector<16xf32>
      %parallel_loop3A_196 = arith.subf %parallel_loop3A_181, %parallel_loop3A_189 : vector<16xf32>
      %parallel_loop3A_197 = arith.select %parallel_loop3A_194, %parallel_loop3A_195, %parallel_loop3A_196 : vector<16xi1>, vector<16xf32>
      %parallel_loop3A_198 = math.absf %parallel_loop3A_197 : vector<16xf32>
      %parallel_loop3A_199 = arith.constant 0.000000e+00 : f32
      %parallel_loop3A_200 = vector.broadcast %parallel_loop3A_199 : f32 to vector<16xf32>
      %parallel_loop3A_201 = arith.subf %parallel_loop3A_200, %parallel_loop3A_198 : vector<16xf32>
      %parallel_loop3A_202 = math.exp %parallel_loop3A_201 : vector<16xf32>
      %parallel_loop3A_203 = arith.constant 2.000000e+00 : f32
      %parallel_loop3A_204 = vector.broadcast %parallel_loop3A_203 : f32 to vector<16xf32>
      %parallel_loop3A_205 = arith.addf %parallel_loop3A_204, %parallel_loop3A_202 : vector<16xf32>
      %parallel_loop3A_206 = arith.divf %parallel_loop3A_202, %parallel_loop3A_205 : vector<16xf32>
      %parallel_loop3A_207 = arith.mulf %parallel_loop3A_206, %parallel_loop3A_206 : vector<16xf32>
      %parallel_loop3A_208 = arith.constant 0.181818187 : f32
      %parallel_loop3A_209 = vector.broadcast %parallel_loop3A_208 : f32 to vector<16xf32>
      %parallel_loop3A_210 = arith.mulf %parallel_loop3A_207, %parallel_loop3A_209 : vector<16xf32>
      %parallel_loop3A_211 = arith.constant 0.222222224 : f32
      %parallel_loop3A_212 = vector.broadcast %parallel_loop3A_211 : f32 to vector<16xf32>
      %parallel_loop3A_213 = arith.addf %parallel_loop3A_212, %parallel_loop3A_210 : vector<16xf32>
      %parallel_loop3A_214 = arith.mulf %parallel_loop3A_207, %parallel_loop3A_213 : vector<16xf32>
      %parallel_loop3A_215 = arith.constant 0.285714298 : f32
      %parallel_loop3A_216 = vector.broadcast %parallel_loop3A_215 : f32 to vector<16xf32>
      %parallel_loop3A_217 = arith.addf %parallel_loop3A_216, %parallel_loop3A_214 : vector<16xf32>
      %parallel_loop3A_218 = arith.mulf %parallel_loop3A_207, %parallel_loop3A_217 : vector<16xf32>
      %parallel_loop3A_219 = arith.constant 4.000000e-01 : f32
      %parallel_loop3A_220 = vector.broadcast %parallel_loop3A_219 : f32 to vector<16xf32>
      %parallel_loop3A_221 = arith.addf %parallel_loop3A_220, %parallel_loop3A_218 : vector<16xf32>
      %parallel_loop3A_222 = arith.mulf %parallel_loop3A_207, %parallel_loop3A_221 : vector<16xf32>
      %parallel_loop3A_223 = arith.constant 0.666666686 : f32
      %parallel_loop3A_224 = vector.broadcast %parallel_loop3A_223 : f32 to vector<16xf32>
      %parallel_loop3A_225 = arith.addf %parallel_loop3A_224, %parallel_loop3A_222 : vector<16xf32>
      %parallel_loop3A_226 = arith.mulf %parallel_loop3A_207, %parallel_loop3A_225 : vector<16xf32>
      %parallel_loop3A_227 = arith.constant 2.000000e+00 : f32
      %parallel_loop3A_228 = vector.broadcast %parallel_loop3A_227 : f32 to vector<16xf32>
      %parallel_loop3A_229 = arith.addf %parallel_loop3A_228, %parallel_loop3A_226 : vector<16xf32>
      %parallel_loop3A_230 = arith.mulf %parallel_loop3A_206, %parallel_loop3A_229 : vector<16xf32>
      %parallel_loop3A_231 = arith.constant 0.000000e+00 : f32
      %parallel_loop3A_232 = vector.broadcast %parallel_loop3A_231 : f32 to vector<16xf32>
      %parallel_loop3A_233 = arith.maximumf %parallel_loop3A_197, %parallel_loop3A_232 : vector<16xf32>
      %parallel_loop3A_234 = arith.addf %parallel_loop3A_233, %parallel_loop3A_230 : vector<16xf32>
      %parallel_loop3A_235 = arith.constant 0.000000e+00 : f32
      %parallel_loop3A_236 = vector.broadcast %parallel_loop3A_235 : f32 to vector<16xf32>
      %parallel_loop3A_237 = arith.subf %parallel_loop3A_236, %parallel_loop3A_234 : vector<16xf32>
      %parallel_loop3A_238 = math.exp %parallel_loop3A_237 : vector<16xf32>
      %parallel_loop3A_239 = arith.constant 2.500000e-01 : f32
      %parallel_loop3A_240 = arith.constant 7.500000e-01 : f32
      %parallel_loop3A_241 = vector.broadcast %parallel_loop3A_239 : f32 to vector<16xf32>
      %parallel_loop3A_242 = vector.broadcast %parallel_loop3A_240 : f32 to vector<16xf32>
      %parallel_loop3A_243 = arith.select %parallel_loop3A_194, %parallel_loop3A_241, %parallel_loop3A_242 : vector<16xi1>, vector<16xf32>
      %parallel_loop3A_244 = arith.constant 1.000000e+00 : f32
      %parallel_loop3A_245 = vector.broadcast %parallel_loop3A_244 : f32 to vector<16xf32>
      %parallel_loop3A_246 = arith.subf %parallel_loop3A_245, %parallel_loop3A_238 : vector<16xf32>
      %parallel_loop3A_247 = arith.mulf %parallel_loop3A_243, %parallel_loop3A_246 : vector<16xf32>
      %parallel_loop3A_248 = arith.mulf %parallel_loop3A_247, %parallel_loop3A_246 : vector<16xf32>
      %parallel_loop3A_249 = arith.mulf %parallel_loop3A_248, %parallel_loop3A_234 : vector<16xf32>
      %parallel_loop3A_250 = arith.addf %parallel_loop3A_168, %parallel_loop3A_249 : vector<16xf32>
      %parallel_loop3A_251 = arith.constant 4 : i32
      %parallel_loop3A_252 = arith.muli %parallel_loop3A_251, %parallel_loop3A_176 : i32
      %parallel_loop3A_253 = vector.broadcast %parallel_loop3A_252 : i32 to vector<16xi32>
      %parallel_loop3A_254 = arith.addi %mul3A_38, %parallel_loop3A_253 : vector<16xi32>
      %parallel_loop3A_255 = tpu.vector_load_idx %arg13[%parallel_loop3A_254] : memref<32768xf32, #tpu.memory_space<vmem>>[vector<16xi32>], vector<16xf32>,
      %parallel_loop3A_256 = arith.constant 4 : i32
      %parallel_loop3A_257 = arith.muli %parallel_loop3A_256, %parallel_loop3A_176 : i32
      %parallel_loop3A_258 = vector.broadcast %parallel_loop3A_257 : i32 to vector<16xi32>
      %parallel_loop3A_259 = arith.addi %mul3A_38, %parallel_loop3A_258 : vector<16xi32>
      %parallel_loop3A_260 = arith.constant 1 : i32
      %parallel_loop3A_261 = vector.broadcast %parallel_loop3A_260 : i32 to vector<16xi32>
      %parallel_loop3A_262 = arith.addi %parallel_loop3A_259, %parallel_loop3A_261 : vector<16xi32>
      %parallel_loop3A_263 = tpu.vector_load_idx %arg13[%parallel_loop3A_262] : memref<32768xf32, #tpu.memory_space<vmem>>[vector<16xi32>], vector<16xf32>,
      %parallel_loop3A_264 = arith.constant 4 : i32
      %parallel_loop3A_265 = arith.muli %parallel_loop3A_264, %parallel_loop3A_176 : i32
      %parallel_loop3A_266 = vector.broadcast %parallel_loop3A_265 : i32 to vector<16xi32>
      %parallel_loop3A_267 = arith.addi %mul3A_38, %parallel_loop3A_266 : vector<16xi32>
      %parallel_loop3A_268 = arith.constant 2 : i32
      %parallel_loop3A_269 = vector.broadcast %parallel_loop3A_268 : i32 to vector<16xi32>
      %parallel_loop3A_270 = arith.addi %parallel_loop3A_267, %parallel_loop3A_269 : vector<16xi32>
      %parallel_loop3A_271 = tpu.vector_load_idx %arg13[%parallel_loop3A_270] : memref<32768xf32, #tpu.memory_space<vmem>>[vector<16xi32>], vector<16xf32>,
      %parallel_loop3A_272 = arith.constant 4 : i32
      %parallel_loop3A_273 = arith.muli %parallel_loop3A_272, %parallel_loop3A_176 : i32
      %parallel_loop3A_274 = vector.broadcast %parallel_loop3A_273 : i32 to vector<16xi32>
      %parallel_loop3A_275 = arith.addi %mul3A_38, %parallel_loop3A_274 : vector<16xi32>
      %parallel_loop3A_276 = arith.constant 3 : i32
      %parallel_loop3A_277 = vector.broadcast %parallel_loop3A_276 : i32 to vector<16xi32>
      %parallel_loop3A_278 = arith.addi %parallel_loop3A_275, %parallel_loop3A_277 : vector<16xi32>
      %parallel_loop3A_279 = tpu.vector_load_idx %arg13[%parallel_loop3A_278] : memref<32768xf32, #tpu.memory_space<vmem>>[vector<16xi32>], vector<16xf32>,
      %parallel_loop3A_280 = arith.constant 4 : i32
      %parallel_loop3A_281 = arith.muli %parallel_loop3A_280, %parallel_loop3A_176 : i32
      %parallel_loop3A_282 = vector.broadcast %parallel_loop3A_281 : i32 to vector<16xi32>
      %parallel_loop3A_283 = arith.addi %mul3A_38, %parallel_loop3A_282 : vector<16xi32>
      %parallel_loop3A_284 = tpu.vector_load_idx %arg14[%parallel_loop3A_283] : memref<32768xf32, #tpu.memory_space<vmem>>[vector<16xi32>], vector<16xf32>,
      %parallel_loop3A_285 = arith.constant 4 : i32
      %parallel_loop3A_286 = arith.muli %parallel_loop3A_285, %parallel_loop3A_176 : i32
      %parallel_loop3A_287 = vector.broadcast %parallel_loop3A_286 : i32 to vector<16xi32>
      %parallel_loop3A_288 = arith.addi %mul3A_38, %parallel_loop3A_287 : vector<16xi32>
      %parallel_loop3A_289 = arith.constant 1 : i32
      %parallel_loop3A_290 = vector.broadcast %parallel_loop3A_289 : i32 to vector<16xi32>
      %parallel_loop3A_291 = arith.addi %parallel_loop3A_288, %parallel_loop3A_290 : vector<16xi32>
      %parallel_loop3A_292 = tpu.vector_load_idx %arg14[%parallel_loop3A_291] : memref<32768xf32, #tpu.memory_space<vmem>>[vector<16xi32>], vector<16xf32>,
      %parallel_loop3A_293 = arith.constant 4 : i32
      %parallel_loop3A_294 = arith.muli %parallel_loop3A_293, %parallel_loop3A_176 : i32
      %parallel_loop3A_295 = vector.broadcast %parallel_loop3A_294 : i32 to vector<16xi32>
      %parallel_loop3A_296 = arith.addi %mul3A_38, %parallel_loop3A_295 : vector<16xi32>
      %parallel_loop3A_297 = arith.constant 2 : i32
      %parallel_loop3A_298 = vector.broadcast %parallel_loop3A_297 : i32 to vector<16xi32>
      %parallel_loop3A_299 = arith.addi %parallel_loop3A_296, %parallel_loop3A_298 : vector<16xi32>
      %parallel_loop3A_300 = tpu.vector_load_idx %arg14[%parallel_loop3A_299] : memref<32768xf32, #tpu.memory_space<vmem>>[vector<16xi32>], vector<16xf32>,
      %parallel_loop3A_301 = arith.constant 4 : i32
      %parallel_loop3A_302 = arith.muli %parallel_loop3A_301, %parallel_loop3A_176 : i32
      %parallel_loop3A_303 = vector.broadcast %parallel_loop3A_302 : i32 to vector<16xi32>
      %parallel_loop3A_304 = arith.addi %mul3A_38, %parallel_loop3A_303 : vector<16xi32>
      %parallel_loop3A_305 = arith.constant 3 : i32
      %parallel_loop3A_306 = vector.broadcast %parallel_loop3A_305 : i32 to vector<16xi32>
      %parallel_loop3A_307 = arith.addi %parallel_loop3A_304, %parallel_loop3A_306 : vector<16xi32>
      %parallel_loop3A_308 = tpu.vector_load_idx %arg14[%parallel_loop3A_307] : memref<32768xf32, #tpu.memory_space<vmem>>[vector<16xi32>], vector<16xf32>,
      %parallel_loop3A_309 = arith.minimumf %parallel_loop3A_255, %parallel_loop3A_284 : vector<16xf32>
      %parallel_loop3A_310 = arith.minimumf %parallel_loop3A_271, %parallel_loop3A_300 : vector<16xf32>
      %parallel_loop3A_311 = arith.addf %parallel_loop3A_309, %parallel_loop3A_310 : vector<16xf32>
      %parallel_loop3A_312 = arith.minimumf %parallel_loop3A_263, %parallel_loop3A_292 : vector<16xf32>
      %parallel_loop3A_313 = arith.minimumf %parallel_loop3A_279, %parallel_loop3A_308 : vector<16xf32>
      %parallel_loop3A_314 = arith.addf %parallel_loop3A_312, %parallel_loop3A_313 : vector<16xf32>
      %parallel_loop3A_315 = arith.mulf %parallel_loop3A_311, %parallel_loop3A_314 : vector<16xf32>
      %parallel_loop3A_316 = arith.addf %parallel_loop3A_284, %parallel_loop3A_300 : vector<16xf32>
      %parallel_loop3A_317 = arith.addf %parallel_loop3A_292, %parallel_loop3A_308 : vector<16xf32>
      %parallel_loop3A_318 = arith.mulf %parallel_loop3A_316, %parallel_loop3A_317 : vector<16xf32>
      %parallel_loop3A_319 = arith.addf %parallel_loop3A_255, %parallel_loop3A_271 : vector<16xf32>
      %parallel_loop3A_320 = arith.addf %parallel_loop3A_263, %parallel_loop3A_279 : vector<16xf32>
      %parallel_loop3A_321 = arith.mulf %parallel_loop3A_319, %parallel_loop3A_320 : vector<16xf32>
      %parallel_loop3A_322 = arith.addf %parallel_loop3A_318, %parallel_loop3A_321 : vector<16xf32>
      %parallel_loop3A_323 = arith.subf %parallel_loop3A_322, %parallel_loop3A_315 : vector<16xf32>
      %parallel_loop3A_324 = arith.constant 1.000000e-07 : f32
      %parallel_loop3A_325 = vector.broadcast %parallel_loop3A_324 : f32 to vector<16xf32>
      %parallel_loop3A_326 = arith.addf %parallel_loop3A_323, %parallel_loop3A_325 : vector<16xf32>
      %parallel_loop3A_327 = arith.constant 1.000000e+00 : f32
      %parallel_loop3A_328 = vector.broadcast %parallel_loop3A_327 : f32 to vector<16xf32>
      %parallel_loop3A_329 = arith.addf %parallel_loop3A_315, %parallel_loop3A_328 : vector<16xf32>
      %parallel_loop3A_330 = arith.constant 1.000000e+00 : f32
      %parallel_loop3A_331 = vector.broadcast %parallel_loop3A_330 : f32 to vector<16xf32>
      %parallel_loop3A_332 = arith.addf %parallel_loop3A_326, %parallel_loop3A_331 : vector<16xf32>
      %parallel_loop3A_333 = arith.divf %parallel_loop3A_329, %parallel_loop3A_332 : vector<16xf32>
      %parallel_loop3A_334 = arith.constant 0 : i32
      %parallel_loop3A_335 = vector.broadcast %parallel_loop3A_334 : i32 to vector<16xi32>
      %parallel_loop3A_336 = arith.cmpi ne, %parallel_loop3A_191, %parallel_loop3A_335 : vector<16xi32>
      %parallel_loop3A_337 = arith.constant 1.000000e+00 : f32
      %parallel_loop3A_338 = arith.constant 0.000000e+00 : f32
      %parallel_loop3A_339 = vector.broadcast %parallel_loop3A_337 : f32 to vector<16xf32>
      %parallel_loop3A_340 = vector.broadcast %parallel_loop3A_338 : f32 to vector<16xf32>
      %parallel_loop3A_341 = arith.select %parallel_loop3A_336, %parallel_loop3A_339, %parallel_loop3A_340 : vector<16xi1>, vector<16xf32>
      %parallel_loop3A_342 = arith.constant 1.000000e+00 : f32
      %parallel_loop3A_343 = vector.broadcast %parallel_loop3A_342 : f32 to vector<16xf32>
      %parallel_loop3A_344 = arith.subf %parallel_loop3A_343, %parallel_loop3A_333 : vector<16xf32>
      %parallel_loop3A_345 = arith.mulf %parallel_loop3A_344, %parallel_loop3A_341 : vector<16xf32>
      %parallel_loop3A_346 = arith.addf %parallel_loop3A_169, %parallel_loop3A_345 : vector<16xf32>
      %parallel_loop3A_347 = arith.addf %parallel_loop3A_170, %parallel_loop3A_341 : vector<16xf32>
      %parallel_loop3A_348 = arith.constant 8 : i32
      %parallel_loop3A_349 = arith.muli %parallel_loop3A_167, %parallel_loop3A_348 : i32
      %parallel_loop3A_350 = arith.constant 1 : i32
      %parallel_loop3A_351 = arith.addi %parallel_loop3A_349, %parallel_loop3A_350 : i32
      %parallel_loop3A_352 = arith.constant 16 : i32
      %parallel_loop3A_353 = arith.muli %parallel_loop3A_351, %parallel_loop3A_352 : i32
      %parallel_loop3A_354 = arith.constant 2 : i32
      %parallel_loop3A_355 = arith.muli %parallel_loop3A_354, %parallel_loop3A_353 : i32
      %parallel_loop3A_356 = vector.broadcast %parallel_loop3A_355 : i32 to vector<16xi32>
      %parallel_loop3A_357 = arith.addi %mul3A_35, %parallel_loop3A_356 : vector<16xi32>
      %parallel_loop3A_358 = tpu.vector_load_idx %arg12[%parallel_loop3A_357] : memref<16384xf32, #tpu.memory_space<vmem>>[vector<16xi32>], vector<16xf32>,
      %parallel_loop3A_359 = arith.constant 2 : i32
      %parallel_loop3A_360 = arith.muli %parallel_loop3A_359, %parallel_loop3A_353 : i32
      %parallel_loop3A_361 = vector.broadcast %parallel_loop3A_360 : i32 to vector<16xi32>
      %parallel_loop3A_362 = arith.addi %mul3A_35, %parallel_loop3A_361 : vector<16xi32>
      %parallel_loop3A_363 = arith.constant 1 : i32
      %parallel_loop3A_364 = vector.broadcast %parallel_loop3A_363 : i32 to vector<16xi32>
      %parallel_loop3A_365 = arith.addi %parallel_loop3A_362, %parallel_loop3A_364 : vector<16xi32>
      %parallel_loop3A_366 = tpu.vector_load_idx %arg12[%parallel_loop3A_365] : memref<16384xf32, #tpu.memory_space<vmem>>[vector<16xi32>], vector<16xf32>,
      %parallel_loop3A_367 = arith.index_cast %parallel_loop3A_353 : i32 to index
      %parallel_loop3A_368 = tpu.vector_load %arg15[%parallel_loop3A_367] {strides = array<i32>} : memref<8192xi32, #tpu.memory_space<vmem>>, vector<16xi32>,
      %parallel_loop3A_369 = arith.constant 1 : i32
      %parallel_loop3A_370 = vector.broadcast %parallel_loop3A_369 : i32 to vector<16xi32>
      %parallel_loop3A_371 = arith.cmpi eq, %parallel_loop3A_368, %parallel_loop3A_370 : vector<16xi32>
      %parallel_loop3A_372 = arith.subf %parallel_loop3A_366, %parallel_loop3A_358 : vector<16xf32>
      %parallel_loop3A_373 = arith.subf %parallel_loop3A_358, %parallel_loop3A_366 : vector<16xf32>
      %parallel_loop3A_374 = arith.select %parallel_loop3A_371, %parallel_loop3A_372, %parallel_loop3A_373 : vector<16xi1>, vector<16xf32>
      %parallel_loop3A_375 = math.absf %parallel_loop3A_374 : vector<16xf32>
      %parallel_loop3A_376 = arith.constant 0.000000e+00 : f32
      %parallel_loop3A_377 = vector.broadcast %parallel_loop3A_376 : f32 to vector<16xf32>
      %parallel_loop3A_378 = arith.subf %parallel_loop3A_377, %parallel_loop3A_375 : vector<16xf32>
      %parallel_loop3A_379 = math.exp %parallel_loop3A_378 : vector<16xf32>
      %parallel_loop3A_380 = arith.constant 2.000000e+00 : f32
      %parallel_loop3A_381 = vector.broadcast %parallel_loop3A_380 : f32 to vector<16xf32>
      %parallel_loop3A_382 = arith.addf %parallel_loop3A_381, %parallel_loop3A_379 : vector<16xf32>
      %parallel_loop3A_383 = arith.divf %parallel_loop3A_379, %parallel_loop3A_382 : vector<16xf32>
      %parallel_loop3A_384 = arith.mulf %parallel_loop3A_383, %parallel_loop3A_383 : vector<16xf32>
      %parallel_loop3A_385 = arith.constant 0.181818187 : f32
      %parallel_loop3A_386 = vector.broadcast %parallel_loop3A_385 : f32 to vector<16xf32>
      %parallel_loop3A_387 = arith.mulf %parallel_loop3A_384, %parallel_loop3A_386 : vector<16xf32>
      %parallel_loop3A_388 = arith.constant 0.222222224 : f32
      %parallel_loop3A_389 = vector.broadcast %parallel_loop3A_388 : f32 to vector<16xf32>
      %parallel_loop3A_390 = arith.addf %parallel_loop3A_389, %parallel_loop3A_387 : vector<16xf32>
      %parallel_loop3A_391 = arith.mulf %parallel_loop3A_384, %parallel_loop3A_390 : vector<16xf32>
      %parallel_loop3A_392 = arith.constant 0.285714298 : f32
      %parallel_loop3A_393 = vector.broadcast %parallel_loop3A_392 : f32 to vector<16xf32>
      %parallel_loop3A_394 = arith.addf %parallel_loop3A_393, %parallel_loop3A_391 : vector<16xf32>
      %parallel_loop3A_395 = arith.mulf %parallel_loop3A_384, %parallel_loop3A_394 : vector<16xf32>
      %parallel_loop3A_396 = arith.constant 4.000000e-01 : f32
      %parallel_loop3A_397 = vector.broadcast %parallel_loop3A_396 : f32 to vector<16xf32>
      %parallel_loop3A_398 = arith.addf %parallel_loop3A_397, %parallel_loop3A_395 : vector<16xf32>
      %parallel_loop3A_399 = arith.mulf %parallel_loop3A_384, %parallel_loop3A_398 : vector<16xf32>
      %parallel_loop3A_400 = arith.constant 0.666666686 : f32
      %parallel_loop3A_401 = vector.broadcast %parallel_loop3A_400 : f32 to vector<16xf32>
      %parallel_loop3A_402 = arith.addf %parallel_loop3A_401, %parallel_loop3A_399 : vector<16xf32>
      %parallel_loop3A_403 = arith.mulf %parallel_loop3A_384, %parallel_loop3A_402 : vector<16xf32>
      %parallel_loop3A_404 = arith.constant 2.000000e+00 : f32
      %parallel_loop3A_405 = vector.broadcast %parallel_loop3A_404 : f32 to vector<16xf32>
      %parallel_loop3A_406 = arith.addf %parallel_loop3A_405, %parallel_loop3A_403 : vector<16xf32>
      %parallel_loop3A_407 = arith.mulf %parallel_loop3A_383, %parallel_loop3A_406 : vector<16xf32>
      %parallel_loop3A_408 = arith.constant 0.000000e+00 : f32
      %parallel_loop3A_409 = vector.broadcast %parallel_loop3A_408 : f32 to vector<16xf32>
      %parallel_loop3A_410 = arith.maximumf %parallel_loop3A_374, %parallel_loop3A_409 : vector<16xf32>
      %parallel_loop3A_411 = arith.addf %parallel_loop3A_410, %parallel_loop3A_407 : vector<16xf32>
      %parallel_loop3A_412 = arith.constant 0.000000e+00 : f32
      %parallel_loop3A_413 = vector.broadcast %parallel_loop3A_412 : f32 to vector<16xf32>
      %parallel_loop3A_414 = arith.subf %parallel_loop3A_413, %parallel_loop3A_411 : vector<16xf32>
      %parallel_loop3A_415 = math.exp %parallel_loop3A_414 : vector<16xf32>
      %parallel_loop3A_416 = arith.constant 2.500000e-01 : f32
      %parallel_loop3A_417 = arith.constant 7.500000e-01 : f32
      %parallel_loop3A_418 = vector.broadcast %parallel_loop3A_416 : f32 to vector<16xf32>
      %parallel_loop3A_419 = vector.broadcast %parallel_loop3A_417 : f32 to vector<16xf32>
      %parallel_loop3A_420 = arith.select %parallel_loop3A_371, %parallel_loop3A_418, %parallel_loop3A_419 : vector<16xi1>, vector<16xf32>
      %parallel_loop3A_421 = arith.constant 1.000000e+00 : f32
      %parallel_loop3A_422 = vector.broadcast %parallel_loop3A_421 : f32 to vector<16xf32>
      %parallel_loop3A_423 = arith.subf %parallel_loop3A_422, %parallel_loop3A_415 : vector<16xf32>
      %parallel_loop3A_424 = arith.mulf %parallel_loop3A_420, %parallel_loop3A_423 : vector<16xf32>
      %parallel_loop3A_425 = arith.mulf %parallel_loop3A_424, %parallel_loop3A_423 : vector<16xf32>
      %parallel_loop3A_426 = arith.mulf %parallel_loop3A_425, %parallel_loop3A_411 : vector<16xf32>
      %parallel_loop3A_427 = arith.addf %parallel_loop3A_250, %parallel_loop3A_426 : vector<16xf32>
      %parallel_loop3A_428 = arith.constant 4 : i32
      %parallel_loop3A_429 = arith.muli %parallel_loop3A_428, %parallel_loop3A_353 : i32
      %parallel_loop3A_430 = vector.broadcast %parallel_loop3A_429 : i32 to vector<16xi32>
      %parallel_loop3A_431 = arith.addi %mul3A_38, %parallel_loop3A_430 : vector<16xi32>
      %parallel_loop3A_432 = tpu.vector_load_idx %arg13[%parallel_loop3A_431] : memref<32768xf32, #tpu.memory_space<vmem>>[vector<16xi32>], vector<16xf32>,
      %parallel_loop3A_433 = arith.constant 4 : i32
      %parallel_loop3A_434 = arith.muli %parallel_loop3A_433, %parallel_loop3A_353 : i32
      %parallel_loop3A_435 = vector.broadcast %parallel_loop3A_434 : i32 to vector<16xi32>
      %parallel_loop3A_436 = arith.addi %mul3A_38, %parallel_loop3A_435 : vector<16xi32>
      %parallel_loop3A_437 = arith.constant 1 : i32
      %parallel_loop3A_438 = vector.broadcast %parallel_loop3A_437 : i32 to vector<16xi32>
      %parallel_loop3A_439 = arith.addi %parallel_loop3A_436, %parallel_loop3A_438 : vector<16xi32>
      %parallel_loop3A_440 = tpu.vector_load_idx %arg13[%parallel_loop3A_439] : memref<32768xf32, #tpu.memory_space<vmem>>[vector<16xi32>], vector<16xf32>,
      %parallel_loop3A_441 = arith.constant 4 : i32
      %parallel_loop3A_442 = arith.muli %parallel_loop3A_441, %parallel_loop3A_353 : i32
      %parallel_loop3A_443 = vector.broadcast %parallel_loop3A_442 : i32 to vector<16xi32>
      %parallel_loop3A_444 = arith.addi %mul3A_38, %parallel_loop3A_443 : vector<16xi32>
      %parallel_loop3A_445 = arith.constant 2 : i32
      %parallel_loop3A_446 = vector.broadcast %parallel_loop3A_445 : i32 to vector<16xi32>
      %parallel_loop3A_447 = arith.addi %parallel_loop3A_444, %parallel_loop3A_446 : vector<16xi32>
      %parallel_loop3A_448 = tpu.vector_load_idx %arg13[%parallel_loop3A_447] : memref<32768xf32, #tpu.memory_space<vmem>>[vector<16xi32>], vector<16xf32>,
      %parallel_loop3A_449 = arith.constant 4 : i32
      %parallel_loop3A_450 = arith.muli %parallel_loop3A_449, %parallel_loop3A_353 : i32
      %parallel_loop3A_451 = vector.broadcast %parallel_loop3A_450 : i32 to vector<16xi32>
      %parallel_loop3A_452 = arith.addi %mul3A_38, %parallel_loop3A_451 : vector<16xi32>
      %parallel_loop3A_453 = arith.constant 3 : i32
      %parallel_loop3A_454 = vector.broadcast %parallel_loop3A_453 : i32 to vector<16xi32>
      %parallel_loop3A_455 = arith.addi %parallel_loop3A_452, %parallel_loop3A_454 : vector<16xi32>
      %parallel_loop3A_456 = tpu.vector_load_idx %arg13[%parallel_loop3A_455] : memref<32768xf32, #tpu.memory_space<vmem>>[vector<16xi32>], vector<16xf32>,
      %parallel_loop3A_457 = arith.constant 4 : i32
      %parallel_loop3A_458 = arith.muli %parallel_loop3A_457, %parallel_loop3A_353 : i32
      %parallel_loop3A_459 = vector.broadcast %parallel_loop3A_458 : i32 to vector<16xi32>
      %parallel_loop3A_460 = arith.addi %mul3A_38, %parallel_loop3A_459 : vector<16xi32>
      %parallel_loop3A_461 = tpu.vector_load_idx %arg14[%parallel_loop3A_460] : memref<32768xf32, #tpu.memory_space<vmem>>[vector<16xi32>], vector<16xf32>,
      %parallel_loop3A_462 = arith.constant 4 : i32
      %parallel_loop3A_463 = arith.muli %parallel_loop3A_462, %parallel_loop3A_353 : i32
      %parallel_loop3A_464 = vector.broadcast %parallel_loop3A_463 : i32 to vector<16xi32>
      %parallel_loop3A_465 = arith.addi %mul3A_38, %parallel_loop3A_464 : vector<16xi32>
      %parallel_loop3A_466 = arith.constant 1 : i32
      %parallel_loop3A_467 = vector.broadcast %parallel_loop3A_466 : i32 to vector<16xi32>
      %parallel_loop3A_468 = arith.addi %parallel_loop3A_465, %parallel_loop3A_467 : vector<16xi32>
      %parallel_loop3A_469 = tpu.vector_load_idx %arg14[%parallel_loop3A_468] : memref<32768xf32, #tpu.memory_space<vmem>>[vector<16xi32>], vector<16xf32>,
      %parallel_loop3A_470 = arith.constant 4 : i32
      %parallel_loop3A_471 = arith.muli %parallel_loop3A_470, %parallel_loop3A_353 : i32
      %parallel_loop3A_472 = vector.broadcast %parallel_loop3A_471 : i32 to vector<16xi32>
      %parallel_loop3A_473 = arith.addi %mul3A_38, %parallel_loop3A_472 : vector<16xi32>
      %parallel_loop3A_474 = arith.constant 2 : i32
      %parallel_loop3A_475 = vector.broadcast %parallel_loop3A_474 : i32 to vector<16xi32>
      %parallel_loop3A_476 = arith.addi %parallel_loop3A_473, %parallel_loop3A_475 : vector<16xi32>
      %parallel_loop3A_477 = tpu.vector_load_idx %arg14[%parallel_loop3A_476] : memref<32768xf32, #tpu.memory_space<vmem>>[vector<16xi32>], vector<16xf32>,
      %parallel_loop3A_478 = arith.constant 4 : i32
      %parallel_loop3A_479 = arith.muli %parallel_loop3A_478, %parallel_loop3A_353 : i32
      %parallel_loop3A_480 = vector.broadcast %parallel_loop3A_479 : i32 to vector<16xi32>
      %parallel_loop3A_481 = arith.addi %mul3A_38, %parallel_loop3A_480 : vector<16xi32>
      %parallel_loop3A_482 = arith.constant 3 : i32
      %parallel_loop3A_483 = vector.broadcast %parallel_loop3A_482 : i32 to vector<16xi32>
      %parallel_loop3A_484 = arith.addi %parallel_loop3A_481, %parallel_loop3A_483 : vector<16xi32>
      %parallel_loop3A_485 = tpu.vector_load_idx %arg14[%parallel_loop3A_484] : memref<32768xf32, #tpu.memory_space<vmem>>[vector<16xi32>], vector<16xf32>,
      %parallel_loop3A_486 = arith.minimumf %parallel_loop3A_432, %parallel_loop3A_461 : vector<16xf32>
      %parallel_loop3A_487 = arith.minimumf %parallel_loop3A_448, %parallel_loop3A_477 : vector<16xf32>
      %parallel_loop3A_488 = arith.addf %parallel_loop3A_486, %parallel_loop3A_487 : vector<16xf32>
      %parallel_loop3A_489 = arith.minimumf %parallel_loop3A_440, %parallel_loop3A_469 : vector<16xf32>
      %parallel_loop3A_490 = arith.minimumf %parallel_loop3A_456, %parallel_loop3A_485 : vector<16xf32>
      %parallel_loop3A_491 = arith.addf %parallel_loop3A_489, %parallel_loop3A_490 : vector<16xf32>
      %parallel_loop3A_492 = arith.mulf %parallel_loop3A_488, %parallel_loop3A_491 : vector<16xf32>
      %parallel_loop3A_493 = arith.addf %parallel_loop3A_461, %parallel_loop3A_477 : vector<16xf32>
      %parallel_loop3A_494 = arith.addf %parallel_loop3A_469, %parallel_loop3A_485 : vector<16xf32>
      %parallel_loop3A_495 = arith.mulf %parallel_loop3A_493, %parallel_loop3A_494 : vector<16xf32>
      %parallel_loop3A_496 = arith.addf %parallel_loop3A_432, %parallel_loop3A_448 : vector<16xf32>
      %parallel_loop3A_497 = arith.addf %parallel_loop3A_440, %parallel_loop3A_456 : vector<16xf32>
      %parallel_loop3A_498 = arith.mulf %parallel_loop3A_496, %parallel_loop3A_497 : vector<16xf32>
      %parallel_loop3A_499 = arith.addf %parallel_loop3A_495, %parallel_loop3A_498 : vector<16xf32>
      %parallel_loop3A_500 = arith.subf %parallel_loop3A_499, %parallel_loop3A_492 : vector<16xf32>
      %parallel_loop3A_501 = arith.constant 1.000000e-07 : f32
      %parallel_loop3A_502 = vector.broadcast %parallel_loop3A_501 : f32 to vector<16xf32>
      %parallel_loop3A_503 = arith.addf %parallel_loop3A_500, %parallel_loop3A_502 : vector<16xf32>
      %parallel_loop3A_504 = arith.constant 1.000000e+00 : f32
      %parallel_loop3A_505 = vector.broadcast %parallel_loop3A_504 : f32 to vector<16xf32>
      %parallel_loop3A_506 = arith.addf %parallel_loop3A_492, %parallel_loop3A_505 : vector<16xf32>
      %parallel_loop3A_507 = arith.constant 1.000000e+00 : f32
      %parallel_loop3A_508 = vector.broadcast %parallel_loop3A_507 : f32 to vector<16xf32>
      %parallel_loop3A_509 = arith.addf %parallel_loop3A_503, %parallel_loop3A_508 : vector<16xf32>
      %parallel_loop3A_510 = arith.divf %parallel_loop3A_506, %parallel_loop3A_509 : vector<16xf32>
      %parallel_loop3A_511 = arith.constant 0 : i32
      %parallel_loop3A_512 = vector.broadcast %parallel_loop3A_511 : i32 to vector<16xi32>
      %parallel_loop3A_513 = arith.cmpi ne, %parallel_loop3A_368, %parallel_loop3A_512 : vector<16xi32>
      %parallel_loop3A_514 = arith.constant 1.000000e+00 : f32
      %parallel_loop3A_515 = arith.constant 0.000000e+00 : f32
      %parallel_loop3A_516 = vector.broadcast %parallel_loop3A_514 : f32 to vector<16xf32>
      %parallel_loop3A_517 = vector.broadcast %parallel_loop3A_515 : f32 to vector<16xf32>
      %parallel_loop3A_518 = arith.select %parallel_loop3A_513, %parallel_loop3A_516, %parallel_loop3A_517 : vector<16xi1>, vector<16xf32>
      %parallel_loop3A_519 = arith.constant 1.000000e+00 : f32
      %parallel_loop3A_520 = vector.broadcast %parallel_loop3A_519 : f32 to vector<16xf32>
      %parallel_loop3A_521 = arith.subf %parallel_loop3A_520, %parallel_loop3A_510 : vector<16xf32>
      %parallel_loop3A_522 = arith.mulf %parallel_loop3A_521, %parallel_loop3A_518 : vector<16xf32>
      %parallel_loop3A_523 = arith.addf %parallel_loop3A_346, %parallel_loop3A_522 : vector<16xf32>
      %parallel_loop3A_524 = arith.addf %parallel_loop3A_347, %parallel_loop3A_518 : vector<16xf32>
      %parallel_loop3A_525 = arith.constant 8 : i32
      %parallel_loop3A_526 = arith.muli %parallel_loop3A_167, %parallel_loop3A_525 : i32
      %parallel_loop3A_527 = arith.constant 2 : i32
      %parallel_loop3A_528 = arith.addi %parallel_loop3A_526, %parallel_loop3A_527 : i32
      %parallel_loop3A_529 = arith.constant 16 : i32
      %parallel_loop3A_530 = arith.muli %parallel_loop3A_528, %parallel_loop3A_529 : i32
      %parallel_loop3A_531 = arith.constant 2 : i32
      %parallel_loop3A_532 = arith.muli %parallel_loop3A_531, %parallel_loop3A_530 : i32
      %parallel_loop3A_533 = vector.broadcast %parallel_loop3A_532 : i32 to vector<16xi32>
      %parallel_loop3A_534 = arith.addi %mul3A_35, %parallel_loop3A_533 : vector<16xi32>
      %parallel_loop3A_535 = tpu.vector_load_idx %arg12[%parallel_loop3A_534] : memref<16384xf32, #tpu.memory_space<vmem>>[vector<16xi32>], vector<16xf32>,
      %parallel_loop3A_536 = arith.constant 2 : i32
      %parallel_loop3A_537 = arith.muli %parallel_loop3A_536, %parallel_loop3A_530 : i32
      %parallel_loop3A_538 = vector.broadcast %parallel_loop3A_537 : i32 to vector<16xi32>
      %parallel_loop3A_539 = arith.addi %mul3A_35, %parallel_loop3A_538 : vector<16xi32>
      %parallel_loop3A_540 = arith.constant 1 : i32
      %parallel_loop3A_541 = vector.broadcast %parallel_loop3A_540 : i32 to vector<16xi32>
      %parallel_loop3A_542 = arith.addi %parallel_loop3A_539, %parallel_loop3A_541 : vector<16xi32>
      %parallel_loop3A_543 = tpu.vector_load_idx %arg12[%parallel_loop3A_542] : memref<16384xf32, #tpu.memory_space<vmem>>[vector<16xi32>], vector<16xf32>,
      %parallel_loop3A_544 = arith.index_cast %parallel_loop3A_530 : i32 to index
      %parallel_loop3A_545 = tpu.vector_load %arg15[%parallel_loop3A_544] {strides = array<i32>} : memref<8192xi32, #tpu.memory_space<vmem>>, vector<16xi32>,
      %parallel_loop3A_546 = arith.constant 1 : i32
      %parallel_loop3A_547 = vector.broadcast %parallel_loop3A_546 : i32 to vector<16xi32>
      %parallel_loop3A_548 = arith.cmpi eq, %parallel_loop3A_545, %parallel_loop3A_547 : vector<16xi32>
      %parallel_loop3A_549 = arith.subf %parallel_loop3A_543, %parallel_loop3A_535 : vector<16xf32>
      %parallel_loop3A_550 = arith.subf %parallel_loop3A_535, %parallel_loop3A_543 : vector<16xf32>
      %parallel_loop3A_551 = arith.select %parallel_loop3A_548, %parallel_loop3A_549, %parallel_loop3A_550 : vector<16xi1>, vector<16xf32>
      %parallel_loop3A_552 = math.absf %parallel_loop3A_551 : vector<16xf32>
      %parallel_loop3A_553 = arith.constant 0.000000e+00 : f32
      %parallel_loop3A_554 = vector.broadcast %parallel_loop3A_553 : f32 to vector<16xf32>
      %parallel_loop3A_555 = arith.subf %parallel_loop3A_554, %parallel_loop3A_552 : vector<16xf32>
      %parallel_loop3A_556 = math.exp %parallel_loop3A_555 : vector<16xf32>
      %parallel_loop3A_557 = arith.constant 2.000000e+00 : f32
      %parallel_loop3A_558 = vector.broadcast %parallel_loop3A_557 : f32 to vector<16xf32>
      %parallel_loop3A_559 = arith.addf %parallel_loop3A_558, %parallel_loop3A_556 : vector<16xf32>
      %parallel_loop3A_560 = arith.divf %parallel_loop3A_556, %parallel_loop3A_559 : vector<16xf32>
      %parallel_loop3A_561 = arith.mulf %parallel_loop3A_560, %parallel_loop3A_560 : vector<16xf32>
      %parallel_loop3A_562 = arith.constant 0.181818187 : f32
      %parallel_loop3A_563 = vector.broadcast %parallel_loop3A_562 : f32 to vector<16xf32>
      %parallel_loop3A_564 = arith.mulf %parallel_loop3A_561, %parallel_loop3A_563 : vector<16xf32>
      %parallel_loop3A_565 = arith.constant 0.222222224 : f32
      %parallel_loop3A_566 = vector.broadcast %parallel_loop3A_565 : f32 to vector<16xf32>
      %parallel_loop3A_567 = arith.addf %parallel_loop3A_566, %parallel_loop3A_564 : vector<16xf32>
      %parallel_loop3A_568 = arith.mulf %parallel_loop3A_561, %parallel_loop3A_567 : vector<16xf32>
      %parallel_loop3A_569 = arith.constant 0.285714298 : f32
      %parallel_loop3A_570 = vector.broadcast %parallel_loop3A_569 : f32 to vector<16xf32>
      %parallel_loop3A_571 = arith.addf %parallel_loop3A_570, %parallel_loop3A_568 : vector<16xf32>
      %parallel_loop3A_572 = arith.mulf %parallel_loop3A_561, %parallel_loop3A_571 : vector<16xf32>
      %parallel_loop3A_573 = arith.constant 4.000000e-01 : f32
      %parallel_loop3A_574 = vector.broadcast %parallel_loop3A_573 : f32 to vector<16xf32>
      %parallel_loop3A_575 = arith.addf %parallel_loop3A_574, %parallel_loop3A_572 : vector<16xf32>
      %parallel_loop3A_576 = arith.mulf %parallel_loop3A_561, %parallel_loop3A_575 : vector<16xf32>
      %parallel_loop3A_577 = arith.constant 0.666666686 : f32
      %parallel_loop3A_578 = vector.broadcast %parallel_loop3A_577 : f32 to vector<16xf32>
      %parallel_loop3A_579 = arith.addf %parallel_loop3A_578, %parallel_loop3A_576 : vector<16xf32>
      %parallel_loop3A_580 = arith.mulf %parallel_loop3A_561, %parallel_loop3A_579 : vector<16xf32>
      %parallel_loop3A_581 = arith.constant 2.000000e+00 : f32
      %parallel_loop3A_582 = vector.broadcast %parallel_loop3A_581 : f32 to vector<16xf32>
      %parallel_loop3A_583 = arith.addf %parallel_loop3A_582, %parallel_loop3A_580 : vector<16xf32>
      %parallel_loop3A_584 = arith.mulf %parallel_loop3A_560, %parallel_loop3A_583 : vector<16xf32>
      %parallel_loop3A_585 = arith.constant 0.000000e+00 : f32
      %parallel_loop3A_586 = vector.broadcast %parallel_loop3A_585 : f32 to vector<16xf32>
      %parallel_loop3A_587 = arith.maximumf %parallel_loop3A_551, %parallel_loop3A_586 : vector<16xf32>
      %parallel_loop3A_588 = arith.addf %parallel_loop3A_587, %parallel_loop3A_584 : vector<16xf32>
      %parallel_loop3A_589 = arith.constant 0.000000e+00 : f32
      %parallel_loop3A_590 = vector.broadcast %parallel_loop3A_589 : f32 to vector<16xf32>
      %parallel_loop3A_591 = arith.subf %parallel_loop3A_590, %parallel_loop3A_588 : vector<16xf32>
      %parallel_loop3A_592 = math.exp %parallel_loop3A_591 : vector<16xf32>
      %parallel_loop3A_593 = arith.constant 2.500000e-01 : f32
      %parallel_loop3A_594 = arith.constant 7.500000e-01 : f32
      %parallel_loop3A_595 = vector.broadcast %parallel_loop3A_593 : f32 to vector<16xf32>
      %parallel_loop3A_596 = vector.broadcast %parallel_loop3A_594 : f32 to vector<16xf32>
      %parallel_loop3A_597 = arith.select %parallel_loop3A_548, %parallel_loop3A_595, %parallel_loop3A_596 : vector<16xi1>, vector<16xf32>
      %parallel_loop3A_598 = arith.constant 1.000000e+00 : f32
      %parallel_loop3A_599 = vector.broadcast %parallel_loop3A_598 : f32 to vector<16xf32>
      %parallel_loop3A_600 = arith.subf %parallel_loop3A_599, %parallel_loop3A_592 : vector<16xf32>
      %parallel_loop3A_601 = arith.mulf %parallel_loop3A_597, %parallel_loop3A_600 : vector<16xf32>
      %parallel_loop3A_602 = arith.mulf %parallel_loop3A_601, %parallel_loop3A_600 : vector<16xf32>
      %parallel_loop3A_603 = arith.mulf %parallel_loop3A_602, %parallel_loop3A_588 : vector<16xf32>
      %parallel_loop3A_604 = arith.addf %parallel_loop3A_427, %parallel_loop3A_603 : vector<16xf32>
      %parallel_loop3A_605 = arith.constant 4 : i32
      %parallel_loop3A_606 = arith.muli %parallel_loop3A_605, %parallel_loop3A_530 : i32
      %parallel_loop3A_607 = vector.broadcast %parallel_loop3A_606 : i32 to vector<16xi32>
      %parallel_loop3A_608 = arith.addi %mul3A_38, %parallel_loop3A_607 : vector<16xi32>
      %parallel_loop3A_609 = tpu.vector_load_idx %arg13[%parallel_loop3A_608] : memref<32768xf32, #tpu.memory_space<vmem>>[vector<16xi32>], vector<16xf32>,
      %parallel_loop3A_610 = arith.constant 4 : i32
      %parallel_loop3A_611 = arith.muli %parallel_loop3A_610, %parallel_loop3A_530 : i32
      %parallel_loop3A_612 = vector.broadcast %parallel_loop3A_611 : i32 to vector<16xi32>
      %parallel_loop3A_613 = arith.addi %mul3A_38, %parallel_loop3A_612 : vector<16xi32>
      %parallel_loop3A_614 = arith.constant 1 : i32
      %parallel_loop3A_615 = vector.broadcast %parallel_loop3A_614 : i32 to vector<16xi32>
      %parallel_loop3A_616 = arith.addi %parallel_loop3A_613, %parallel_loop3A_615 : vector<16xi32>
      %parallel_loop3A_617 = tpu.vector_load_idx %arg13[%parallel_loop3A_616] : memref<32768xf32, #tpu.memory_space<vmem>>[vector<16xi32>], vector<16xf32>,
      %parallel_loop3A_618 = arith.constant 4 : i32
      %parallel_loop3A_619 = arith.muli %parallel_loop3A_618, %parallel_loop3A_530 : i32
      %parallel_loop3A_620 = vector.broadcast %parallel_loop3A_619 : i32 to vector<16xi32>
      %parallel_loop3A_621 = arith.addi %mul3A_38, %parallel_loop3A_620 : vector<16xi32>
      %parallel_loop3A_622 = arith.constant 2 : i32
      %parallel_loop3A_623 = vector.broadcast %parallel_loop3A_622 : i32 to vector<16xi32>
      %parallel_loop3A_624 = arith.addi %parallel_loop3A_621, %parallel_loop3A_623 : vector<16xi32>
      %parallel_loop3A_625 = tpu.vector_load_idx %arg13[%parallel_loop3A_624] : memref<32768xf32, #tpu.memory_space<vmem>>[vector<16xi32>], vector<16xf32>,
      %parallel_loop3A_626 = arith.constant 4 : i32
      %parallel_loop3A_627 = arith.muli %parallel_loop3A_626, %parallel_loop3A_530 : i32
      %parallel_loop3A_628 = vector.broadcast %parallel_loop3A_627 : i32 to vector<16xi32>
      %parallel_loop3A_629 = arith.addi %mul3A_38, %parallel_loop3A_628 : vector<16xi32>
      %parallel_loop3A_630 = arith.constant 3 : i32
      %parallel_loop3A_631 = vector.broadcast %parallel_loop3A_630 : i32 to vector<16xi32>
      %parallel_loop3A_632 = arith.addi %parallel_loop3A_629, %parallel_loop3A_631 : vector<16xi32>
      %parallel_loop3A_633 = tpu.vector_load_idx %arg13[%parallel_loop3A_632] : memref<32768xf32, #tpu.memory_space<vmem>>[vector<16xi32>], vector<16xf32>,
      %parallel_loop3A_634 = arith.constant 4 : i32
      %parallel_loop3A_635 = arith.muli %parallel_loop3A_634, %parallel_loop3A_530 : i32
      %parallel_loop3A_636 = vector.broadcast %parallel_loop3A_635 : i32 to vector<16xi32>
      %parallel_loop3A_637 = arith.addi %mul3A_38, %parallel_loop3A_636 : vector<16xi32>
      %parallel_loop3A_638 = tpu.vector_load_idx %arg14[%parallel_loop3A_637] : memref<32768xf32, #tpu.memory_space<vmem>>[vector<16xi32>], vector<16xf32>,
      %parallel_loop3A_639 = arith.constant 4 : i32
      %parallel_loop3A_640 = arith.muli %parallel_loop3A_639, %parallel_loop3A_530 : i32
      %parallel_loop3A_641 = vector.broadcast %parallel_loop3A_640 : i32 to vector<16xi32>
      %parallel_loop3A_642 = arith.addi %mul3A_38, %parallel_loop3A_641 : vector<16xi32>
      %parallel_loop3A_643 = arith.constant 1 : i32
      %parallel_loop3A_644 = vector.broadcast %parallel_loop3A_643 : i32 to vector<16xi32>
      %parallel_loop3A_645 = arith.addi %parallel_loop3A_642, %parallel_loop3A_644 : vector<16xi32>
      %parallel_loop3A_646 = tpu.vector_load_idx %arg14[%parallel_loop3A_645] : memref<32768xf32, #tpu.memory_space<vmem>>[vector<16xi32>], vector<16xf32>,
      %parallel_loop3A_647 = arith.constant 4 : i32
      %parallel_loop3A_648 = arith.muli %parallel_loop3A_647, %parallel_loop3A_530 : i32
      %parallel_loop3A_649 = vector.broadcast %parallel_loop3A_648 : i32 to vector<16xi32>
      %parallel_loop3A_650 = arith.addi %mul3A_38, %parallel_loop3A_649 : vector<16xi32>
      %parallel_loop3A_651 = arith.constant 2 : i32
      %parallel_loop3A_652 = vector.broadcast %parallel_loop3A_651 : i32 to vector<16xi32>
      %parallel_loop3A_653 = arith.addi %parallel_loop3A_650, %parallel_loop3A_652 : vector<16xi32>
      %parallel_loop3A_654 = tpu.vector_load_idx %arg14[%parallel_loop3A_653] : memref<32768xf32, #tpu.memory_space<vmem>>[vector<16xi32>], vector<16xf32>,
      %parallel_loop3A_655 = arith.constant 4 : i32
      %parallel_loop3A_656 = arith.muli %parallel_loop3A_655, %parallel_loop3A_530 : i32
      %parallel_loop3A_657 = vector.broadcast %parallel_loop3A_656 : i32 to vector<16xi32>
      %parallel_loop3A_658 = arith.addi %mul3A_38, %parallel_loop3A_657 : vector<16xi32>
      %parallel_loop3A_659 = arith.constant 3 : i32
      %parallel_loop3A_660 = vector.broadcast %parallel_loop3A_659 : i32 to vector<16xi32>
      %parallel_loop3A_661 = arith.addi %parallel_loop3A_658, %parallel_loop3A_660 : vector<16xi32>
      %parallel_loop3A_662 = tpu.vector_load_idx %arg14[%parallel_loop3A_661] : memref<32768xf32, #tpu.memory_space<vmem>>[vector<16xi32>], vector<16xf32>,
      %parallel_loop3A_663 = arith.minimumf %parallel_loop3A_609, %parallel_loop3A_638 : vector<16xf32>
      %parallel_loop3A_664 = arith.minimumf %parallel_loop3A_625, %parallel_loop3A_654 : vector<16xf32>
      %parallel_loop3A_665 = arith.addf %parallel_loop3A_663, %parallel_loop3A_664 : vector<16xf32>
      %parallel_loop3A_666 = arith.minimumf %parallel_loop3A_617, %parallel_loop3A_646 : vector<16xf32>
      %parallel_loop3A_667 = arith.minimumf %parallel_loop3A_633, %parallel_loop3A_662 : vector<16xf32>
      %parallel_loop3A_668 = arith.addf %parallel_loop3A_666, %parallel_loop3A_667 : vector<16xf32>
      %parallel_loop3A_669 = arith.mulf %parallel_loop3A_665, %parallel_loop3A_668 : vector<16xf32>
      %parallel_loop3A_670 = arith.addf %parallel_loop3A_638, %parallel_loop3A_654 : vector<16xf32>
      %parallel_loop3A_671 = arith.addf %parallel_loop3A_646, %parallel_loop3A_662 : vector<16xf32>
      %parallel_loop3A_672 = arith.mulf %parallel_loop3A_670, %parallel_loop3A_671 : vector<16xf32>
      %parallel_loop3A_673 = arith.addf %parallel_loop3A_609, %parallel_loop3A_625 : vector<16xf32>
      %parallel_loop3A_674 = arith.addf %parallel_loop3A_617, %parallel_loop3A_633 : vector<16xf32>
      %parallel_loop3A_675 = arith.mulf %parallel_loop3A_673, %parallel_loop3A_674 : vector<16xf32>
      %parallel_loop3A_676 = arith.addf %parallel_loop3A_672, %parallel_loop3A_675 : vector<16xf32>
      %parallel_loop3A_677 = arith.subf %parallel_loop3A_676, %parallel_loop3A_669 : vector<16xf32>
      %parallel_loop3A_678 = arith.constant 1.000000e-07 : f32
      %parallel_loop3A_679 = vector.broadcast %parallel_loop3A_678 : f32 to vector<16xf32>
      %parallel_loop3A_680 = arith.addf %parallel_loop3A_677, %parallel_loop3A_679 : vector<16xf32>
      %parallel_loop3A_681 = arith.constant 1.000000e+00 : f32
      %parallel_loop3A_682 = vector.broadcast %parallel_loop3A_681 : f32 to vector<16xf32>
      %parallel_loop3A_683 = arith.addf %parallel_loop3A_669, %parallel_loop3A_682 : vector<16xf32>
      %parallel_loop3A_684 = arith.constant 1.000000e+00 : f32
      %parallel_loop3A_685 = vector.broadcast %parallel_loop3A_684 : f32 to vector<16xf32>
      %parallel_loop3A_686 = arith.addf %parallel_loop3A_680, %parallel_loop3A_685 : vector<16xf32>
      %parallel_loop3A_687 = arith.divf %parallel_loop3A_683, %parallel_loop3A_686 : vector<16xf32>
      %parallel_loop3A_688 = arith.constant 0 : i32
      %parallel_loop3A_689 = vector.broadcast %parallel_loop3A_688 : i32 to vector<16xi32>
      %parallel_loop3A_690 = arith.cmpi ne, %parallel_loop3A_545, %parallel_loop3A_689 : vector<16xi32>
      %parallel_loop3A_691 = arith.constant 1.000000e+00 : f32
      %parallel_loop3A_692 = arith.constant 0.000000e+00 : f32
      %parallel_loop3A_693 = vector.broadcast %parallel_loop3A_691 : f32 to vector<16xf32>
      %parallel_loop3A_694 = vector.broadcast %parallel_loop3A_692 : f32 to vector<16xf32>
      %parallel_loop3A_695 = arith.select %parallel_loop3A_690, %parallel_loop3A_693, %parallel_loop3A_694 : vector<16xi1>, vector<16xf32>
      %parallel_loop3A_696 = arith.constant 1.000000e+00 : f32
      %parallel_loop3A_697 = vector.broadcast %parallel_loop3A_696 : f32 to vector<16xf32>
      %parallel_loop3A_698 = arith.subf %parallel_loop3A_697, %parallel_loop3A_687 : vector<16xf32>
      %parallel_loop3A_699 = arith.mulf %parallel_loop3A_698, %parallel_loop3A_695 : vector<16xf32>
      %parallel_loop3A_700 = arith.addf %parallel_loop3A_523, %parallel_loop3A_699 : vector<16xf32>
      %parallel_loop3A_701 = arith.addf %parallel_loop3A_524, %parallel_loop3A_695 : vector<16xf32>
      %parallel_loop3A_702 = arith.constant 8 : i32
      %parallel_loop3A_703 = arith.muli %parallel_loop3A_167, %parallel_loop3A_702 : i32
      %parallel_loop3A_704 = arith.constant 3 : i32
      %parallel_loop3A_705 = arith.addi %parallel_loop3A_703, %parallel_loop3A_704 : i32
      %parallel_loop3A_706 = arith.constant 16 : i32
      %parallel_loop3A_707 = arith.muli %parallel_loop3A_705, %parallel_loop3A_706 : i32
      %parallel_loop3A_708 = arith.constant 2 : i32
      %parallel_loop3A_709 = arith.muli %parallel_loop3A_708, %parallel_loop3A_707 : i32
      %parallel_loop3A_710 = vector.broadcast %parallel_loop3A_709 : i32 to vector<16xi32>
      %parallel_loop3A_711 = arith.addi %mul3A_35, %parallel_loop3A_710 : vector<16xi32>
      %parallel_loop3A_712 = tpu.vector_load_idx %arg12[%parallel_loop3A_711] : memref<16384xf32, #tpu.memory_space<vmem>>[vector<16xi32>], vector<16xf32>,
      %parallel_loop3A_713 = arith.constant 2 : i32
      %parallel_loop3A_714 = arith.muli %parallel_loop3A_713, %parallel_loop3A_707 : i32
      %parallel_loop3A_715 = vector.broadcast %parallel_loop3A_714 : i32 to vector<16xi32>
      %parallel_loop3A_716 = arith.addi %mul3A_35, %parallel_loop3A_715 : vector<16xi32>
      %parallel_loop3A_717 = arith.constant 1 : i32
      %parallel_loop3A_718 = vector.broadcast %parallel_loop3A_717 : i32 to vector<16xi32>
      %parallel_loop3A_719 = arith.addi %parallel_loop3A_716, %parallel_loop3A_718 : vector<16xi32>
      %parallel_loop3A_720 = tpu.vector_load_idx %arg12[%parallel_loop3A_719] : memref<16384xf32, #tpu.memory_space<vmem>>[vector<16xi32>], vector<16xf32>,
      %parallel_loop3A_721 = arith.index_cast %parallel_loop3A_707 : i32 to index
      %parallel_loop3A_722 = tpu.vector_load %arg15[%parallel_loop3A_721] {strides = array<i32>} : memref<8192xi32, #tpu.memory_space<vmem>>, vector<16xi32>,
      %parallel_loop3A_723 = arith.constant 1 : i32
      %parallel_loop3A_724 = vector.broadcast %parallel_loop3A_723 : i32 to vector<16xi32>
      %parallel_loop3A_725 = arith.cmpi eq, %parallel_loop3A_722, %parallel_loop3A_724 : vector<16xi32>
      %parallel_loop3A_726 = arith.subf %parallel_loop3A_720, %parallel_loop3A_712 : vector<16xf32>
      %parallel_loop3A_727 = arith.subf %parallel_loop3A_712, %parallel_loop3A_720 : vector<16xf32>
      %parallel_loop3A_728 = arith.select %parallel_loop3A_725, %parallel_loop3A_726, %parallel_loop3A_727 : vector<16xi1>, vector<16xf32>
      %parallel_loop3A_729 = math.absf %parallel_loop3A_728 : vector<16xf32>
      %parallel_loop3A_730 = arith.constant 0.000000e+00 : f32
      %parallel_loop3A_731 = vector.broadcast %parallel_loop3A_730 : f32 to vector<16xf32>
      %parallel_loop3A_732 = arith.subf %parallel_loop3A_731, %parallel_loop3A_729 : vector<16xf32>
      %parallel_loop3A_733 = math.exp %parallel_loop3A_732 : vector<16xf32>
      %parallel_loop3A_734 = arith.constant 2.000000e+00 : f32
      %parallel_loop3A_735 = vector.broadcast %parallel_loop3A_734 : f32 to vector<16xf32>
      %parallel_loop3A_736 = arith.addf %parallel_loop3A_735, %parallel_loop3A_733 : vector<16xf32>
      %parallel_loop3A_737 = arith.divf %parallel_loop3A_733, %parallel_loop3A_736 : vector<16xf32>
      %parallel_loop3A_738 = arith.mulf %parallel_loop3A_737, %parallel_loop3A_737 : vector<16xf32>
      %parallel_loop3A_739 = arith.constant 0.181818187 : f32
      %parallel_loop3A_740 = vector.broadcast %parallel_loop3A_739 : f32 to vector<16xf32>
      %parallel_loop3A_741 = arith.mulf %parallel_loop3A_738, %parallel_loop3A_740 : vector<16xf32>
      %parallel_loop3A_742 = arith.constant 0.222222224 : f32
      %parallel_loop3A_743 = vector.broadcast %parallel_loop3A_742 : f32 to vector<16xf32>
      %parallel_loop3A_744 = arith.addf %parallel_loop3A_743, %parallel_loop3A_741 : vector<16xf32>
      %parallel_loop3A_745 = arith.mulf %parallel_loop3A_738, %parallel_loop3A_744 : vector<16xf32>
      %parallel_loop3A_746 = arith.constant 0.285714298 : f32
      %parallel_loop3A_747 = vector.broadcast %parallel_loop3A_746 : f32 to vector<16xf32>
      %parallel_loop3A_748 = arith.addf %parallel_loop3A_747, %parallel_loop3A_745 : vector<16xf32>
      %parallel_loop3A_749 = arith.mulf %parallel_loop3A_738, %parallel_loop3A_748 : vector<16xf32>
      %parallel_loop3A_750 = arith.constant 4.000000e-01 : f32
      %parallel_loop3A_751 = vector.broadcast %parallel_loop3A_750 : f32 to vector<16xf32>
      %parallel_loop3A_752 = arith.addf %parallel_loop3A_751, %parallel_loop3A_749 : vector<16xf32>
      %parallel_loop3A_753 = arith.mulf %parallel_loop3A_738, %parallel_loop3A_752 : vector<16xf32>
      %parallel_loop3A_754 = arith.constant 0.666666686 : f32
      %parallel_loop3A_755 = vector.broadcast %parallel_loop3A_754 : f32 to vector<16xf32>
      %parallel_loop3A_756 = arith.addf %parallel_loop3A_755, %parallel_loop3A_753 : vector<16xf32>
      %parallel_loop3A_757 = arith.mulf %parallel_loop3A_738, %parallel_loop3A_756 : vector<16xf32>
      %parallel_loop3A_758 = arith.constant 2.000000e+00 : f32
      %parallel_loop3A_759 = vector.broadcast %parallel_loop3A_758 : f32 to vector<16xf32>
      %parallel_loop3A_760 = arith.addf %parallel_loop3A_759, %parallel_loop3A_757 : vector<16xf32>
      %parallel_loop3A_761 = arith.mulf %parallel_loop3A_737, %parallel_loop3A_760 : vector<16xf32>
      %parallel_loop3A_762 = arith.constant 0.000000e+00 : f32
      %parallel_loop3A_763 = vector.broadcast %parallel_loop3A_762 : f32 to vector<16xf32>
      %parallel_loop3A_764 = arith.maximumf %parallel_loop3A_728, %parallel_loop3A_763 : vector<16xf32>
      %parallel_loop3A_765 = arith.addf %parallel_loop3A_764, %parallel_loop3A_761 : vector<16xf32>
      %parallel_loop3A_766 = arith.constant 0.000000e+00 : f32
      %parallel_loop3A_767 = vector.broadcast %parallel_loop3A_766 : f32 to vector<16xf32>
      %parallel_loop3A_768 = arith.subf %parallel_loop3A_767, %parallel_loop3A_765 : vector<16xf32>
      %parallel_loop3A_769 = math.exp %parallel_loop3A_768 : vector<16xf32>
      %parallel_loop3A_770 = arith.constant 2.500000e-01 : f32
      %parallel_loop3A_771 = arith.constant 7.500000e-01 : f32
      %parallel_loop3A_772 = vector.broadcast %parallel_loop3A_770 : f32 to vector<16xf32>
      %parallel_loop3A_773 = vector.broadcast %parallel_loop3A_771 : f32 to vector<16xf32>
      %parallel_loop3A_774 = arith.select %parallel_loop3A_725, %parallel_loop3A_772, %parallel_loop3A_773 : vector<16xi1>, vector<16xf32>
      %parallel_loop3A_775 = arith.constant 1.000000e+00 : f32
      %parallel_loop3A_776 = vector.broadcast %parallel_loop3A_775 : f32 to vector<16xf32>
      %parallel_loop3A_777 = arith.subf %parallel_loop3A_776, %parallel_loop3A_769 : vector<16xf32>
      %parallel_loop3A_778 = arith.mulf %parallel_loop3A_774, %parallel_loop3A_777 : vector<16xf32>
      %parallel_loop3A_779 = arith.mulf %parallel_loop3A_778, %parallel_loop3A_777 : vector<16xf32>
      %parallel_loop3A_780 = arith.mulf %parallel_loop3A_779, %parallel_loop3A_765 : vector<16xf32>
      %parallel_loop3A_781 = arith.addf %parallel_loop3A_604, %parallel_loop3A_780 : vector<16xf32>
      %parallel_loop3A_782 = arith.constant 4 : i32
      %parallel_loop3A_783 = arith.muli %parallel_loop3A_782, %parallel_loop3A_707 : i32
      %parallel_loop3A_784 = vector.broadcast %parallel_loop3A_783 : i32 to vector<16xi32>
      %parallel_loop3A_785 = arith.addi %mul3A_38, %parallel_loop3A_784 : vector<16xi32>
      %parallel_loop3A_786 = tpu.vector_load_idx %arg13[%parallel_loop3A_785] : memref<32768xf32, #tpu.memory_space<vmem>>[vector<16xi32>], vector<16xf32>,
      %parallel_loop3A_787 = arith.constant 4 : i32
      %parallel_loop3A_788 = arith.muli %parallel_loop3A_787, %parallel_loop3A_707 : i32
      %parallel_loop3A_789 = vector.broadcast %parallel_loop3A_788 : i32 to vector<16xi32>
      %parallel_loop3A_790 = arith.addi %mul3A_38, %parallel_loop3A_789 : vector<16xi32>
      %parallel_loop3A_791 = arith.constant 1 : i32
      %parallel_loop3A_792 = vector.broadcast %parallel_loop3A_791 : i32 to vector<16xi32>
      %parallel_loop3A_793 = arith.addi %parallel_loop3A_790, %parallel_loop3A_792 : vector<16xi32>
      %parallel_loop3A_794 = tpu.vector_load_idx %arg13[%parallel_loop3A_793] : memref<32768xf32, #tpu.memory_space<vmem>>[vector<16xi32>], vector<16xf32>,
      %parallel_loop3A_795 = arith.constant 4 : i32
      %parallel_loop3A_796 = arith.muli %parallel_loop3A_795, %parallel_loop3A_707 : i32
      %parallel_loop3A_797 = vector.broadcast %parallel_loop3A_796 : i32 to vector<16xi32>
      %parallel_loop3A_798 = arith.addi %mul3A_38, %parallel_loop3A_797 : vector<16xi32>
      %parallel_loop3A_799 = arith.constant 2 : i32
      %parallel_loop3A_800 = vector.broadcast %parallel_loop3A_799 : i32 to vector<16xi32>
      %parallel_loop3A_801 = arith.addi %parallel_loop3A_798, %parallel_loop3A_800 : vector<16xi32>
      %parallel_loop3A_802 = tpu.vector_load_idx %arg13[%parallel_loop3A_801] : memref<32768xf32, #tpu.memory_space<vmem>>[vector<16xi32>], vector<16xf32>,
      %parallel_loop3A_803 = arith.constant 4 : i32
      %parallel_loop3A_804 = arith.muli %parallel_loop3A_803, %parallel_loop3A_707 : i32
      %parallel_loop3A_805 = vector.broadcast %parallel_loop3A_804 : i32 to vector<16xi32>
      %parallel_loop3A_806 = arith.addi %mul3A_38, %parallel_loop3A_805 : vector<16xi32>
      %parallel_loop3A_807 = arith.constant 3 : i32
      %parallel_loop3A_808 = vector.broadcast %parallel_loop3A_807 : i32 to vector<16xi32>
      %parallel_loop3A_809 = arith.addi %parallel_loop3A_806, %parallel_loop3A_808 : vector<16xi32>
      %parallel_loop3A_810 = tpu.vector_load_idx %arg13[%parallel_loop3A_809] : memref<32768xf32, #tpu.memory_space<vmem>>[vector<16xi32>], vector<16xf32>,
      %parallel_loop3A_811 = arith.constant 4 : i32
      %parallel_loop3A_812 = arith.muli %parallel_loop3A_811, %parallel_loop3A_707 : i32
      %parallel_loop3A_813 = vector.broadcast %parallel_loop3A_812 : i32 to vector<16xi32>
      %parallel_loop3A_814 = arith.addi %mul3A_38, %parallel_loop3A_813 : vector<16xi32>
      %parallel_loop3A_815 = tpu.vector_load_idx %arg14[%parallel_loop3A_814] : memref<32768xf32, #tpu.memory_space<vmem>>[vector<16xi32>], vector<16xf32>,
      %parallel_loop3A_816 = arith.constant 4 : i32
      %parallel_loop3A_817 = arith.muli %parallel_loop3A_816, %parallel_loop3A_707 : i32
      %parallel_loop3A_818 = vector.broadcast %parallel_loop3A_817 : i32 to vector<16xi32>
      %parallel_loop3A_819 = arith.addi %mul3A_38, %parallel_loop3A_818 : vector<16xi32>
      %parallel_loop3A_820 = arith.constant 1 : i32
      %parallel_loop3A_821 = vector.broadcast %parallel_loop3A_820 : i32 to vector<16xi32>
      %parallel_loop3A_822 = arith.addi %parallel_loop3A_819, %parallel_loop3A_821 : vector<16xi32>
      %parallel_loop3A_823 = tpu.vector_load_idx %arg14[%parallel_loop3A_822] : memref<32768xf32, #tpu.memory_space<vmem>>[vector<16xi32>], vector<16xf32>,
      %parallel_loop3A_824 = arith.constant 4 : i32
      %parallel_loop3A_825 = arith.muli %parallel_loop3A_824, %parallel_loop3A_707 : i32
      %parallel_loop3A_826 = vector.broadcast %parallel_loop3A_825 : i32 to vector<16xi32>
      %parallel_loop3A_827 = arith.addi %mul3A_38, %parallel_loop3A_826 : vector<16xi32>
      %parallel_loop3A_828 = arith.constant 2 : i32
      %parallel_loop3A_829 = vector.broadcast %parallel_loop3A_828 : i32 to vector<16xi32>
      %parallel_loop3A_830 = arith.addi %parallel_loop3A_827, %parallel_loop3A_829 : vector<16xi32>
      %parallel_loop3A_831 = tpu.vector_load_idx %arg14[%parallel_loop3A_830] : memref<32768xf32, #tpu.memory_space<vmem>>[vector<16xi32>], vector<16xf32>,
      %parallel_loop3A_832 = arith.constant 4 : i32
      %parallel_loop3A_833 = arith.muli %parallel_loop3A_832, %parallel_loop3A_707 : i32
      %parallel_loop3A_834 = vector.broadcast %parallel_loop3A_833 : i32 to vector<16xi32>
      %parallel_loop3A_835 = arith.addi %mul3A_38, %parallel_loop3A_834 : vector<16xi32>
      %parallel_loop3A_836 = arith.constant 3 : i32
      %parallel_loop3A_837 = vector.broadcast %parallel_loop3A_836 : i32 to vector<16xi32>
      %parallel_loop3A_838 = arith.addi %parallel_loop3A_835, %parallel_loop3A_837 : vector<16xi32>
      %parallel_loop3A_839 = tpu.vector_load_idx %arg14[%parallel_loop3A_838] : memref<32768xf32, #tpu.memory_space<vmem>>[vector<16xi32>], vector<16xf32>,
      %parallel_loop3A_840 = arith.minimumf %parallel_loop3A_786, %parallel_loop3A_815 : vector<16xf32>
      %parallel_loop3A_841 = arith.minimumf %parallel_loop3A_802, %parallel_loop3A_831 : vector<16xf32>
      %parallel_loop3A_842 = arith.addf %parallel_loop3A_840, %parallel_loop3A_841 : vector<16xf32>
      %parallel_loop3A_843 = arith.minimumf %parallel_loop3A_794, %parallel_loop3A_823 : vector<16xf32>
      %parallel_loop3A_844 = arith.minimumf %parallel_loop3A_810, %parallel_loop3A_839 : vector<16xf32>
      %parallel_loop3A_845 = arith.addf %parallel_loop3A_843, %parallel_loop3A_844 : vector<16xf32>
      %parallel_loop3A_846 = arith.mulf %parallel_loop3A_842, %parallel_loop3A_845 : vector<16xf32>
      %parallel_loop3A_847 = arith.addf %parallel_loop3A_815, %parallel_loop3A_831 : vector<16xf32>
      %parallel_loop3A_848 = arith.addf %parallel_loop3A_823, %parallel_loop3A_839 : vector<16xf32>
      %parallel_loop3A_849 = arith.mulf %parallel_loop3A_847, %parallel_loop3A_848 : vector<16xf32>
      %parallel_loop3A_850 = arith.addf %parallel_loop3A_786, %parallel_loop3A_802 : vector<16xf32>
      %parallel_loop3A_851 = arith.addf %parallel_loop3A_794, %parallel_loop3A_810 : vector<16xf32>
      %parallel_loop3A_852 = arith.mulf %parallel_loop3A_850, %parallel_loop3A_851 : vector<16xf32>
      %parallel_loop3A_853 = arith.addf %parallel_loop3A_849, %parallel_loop3A_852 : vector<16xf32>
      %parallel_loop3A_854 = arith.subf %parallel_loop3A_853, %parallel_loop3A_846 : vector<16xf32>
      %parallel_loop3A_855 = arith.constant 1.000000e-07 : f32
      %parallel_loop3A_856 = vector.broadcast %parallel_loop3A_855 : f32 to vector<16xf32>
      %parallel_loop3A_857 = arith.addf %parallel_loop3A_854, %parallel_loop3A_856 : vector<16xf32>
      %parallel_loop3A_858 = arith.constant 1.000000e+00 : f32
      %parallel_loop3A_859 = vector.broadcast %parallel_loop3A_858 : f32 to vector<16xf32>
      %parallel_loop3A_860 = arith.addf %parallel_loop3A_846, %parallel_loop3A_859 : vector<16xf32>
      %parallel_loop3A_861 = arith.constant 1.000000e+00 : f32
      %parallel_loop3A_862 = vector.broadcast %parallel_loop3A_861 : f32 to vector<16xf32>
      %parallel_loop3A_863 = arith.addf %parallel_loop3A_857, %parallel_loop3A_862 : vector<16xf32>
      %parallel_loop3A_864 = arith.divf %parallel_loop3A_860, %parallel_loop3A_863 : vector<16xf32>
      %parallel_loop3A_865 = arith.constant 0 : i32
      %parallel_loop3A_866 = vector.broadcast %parallel_loop3A_865 : i32 to vector<16xi32>
      %parallel_loop3A_867 = arith.cmpi ne, %parallel_loop3A_722, %parallel_loop3A_866 : vector<16xi32>
      %parallel_loop3A_868 = arith.constant 1.000000e+00 : f32
      %parallel_loop3A_869 = arith.constant 0.000000e+00 : f32
      %parallel_loop3A_870 = vector.broadcast %parallel_loop3A_868 : f32 to vector<16xf32>
      %parallel_loop3A_871 = vector.broadcast %parallel_loop3A_869 : f32 to vector<16xf32>
      %parallel_loop3A_872 = arith.select %parallel_loop3A_867, %parallel_loop3A_870, %parallel_loop3A_871 : vector<16xi1>, vector<16xf32>
      %parallel_loop3A_873 = arith.constant 1.000000e+00 : f32
      %parallel_loop3A_874 = vector.broadcast %parallel_loop3A_873 : f32 to vector<16xf32>
      %parallel_loop3A_875 = arith.subf %parallel_loop3A_874, %parallel_loop3A_864 : vector<16xf32>
      %parallel_loop3A_876 = arith.mulf %parallel_loop3A_875, %parallel_loop3A_872 : vector<16xf32>
      %parallel_loop3A_877 = arith.addf %parallel_loop3A_700, %parallel_loop3A_876 : vector<16xf32>
      %parallel_loop3A_878 = arith.addf %parallel_loop3A_701, %parallel_loop3A_872 : vector<16xf32>
      %parallel_loop3A_879 = arith.constant 8 : i32
      %parallel_loop3A_880 = arith.muli %parallel_loop3A_167, %parallel_loop3A_879 : i32
      %parallel_loop3A_881 = arith.constant 4 : i32
      %parallel_loop3A_882 = arith.addi %parallel_loop3A_880, %parallel_loop3A_881 : i32
      %parallel_loop3A_883 = arith.constant 16 : i32
      %parallel_loop3A_884 = arith.muli %parallel_loop3A_882, %parallel_loop3A_883 : i32
      %parallel_loop3A_885 = arith.constant 2 : i32
      %parallel_loop3A_886 = arith.muli %parallel_loop3A_885, %parallel_loop3A_884 : i32
      %parallel_loop3A_887 = vector.broadcast %parallel_loop3A_886 : i32 to vector<16xi32>
      %parallel_loop3A_888 = arith.addi %mul3A_35, %parallel_loop3A_887 : vector<16xi32>
      %parallel_loop3A_889 = tpu.vector_load_idx %arg12[%parallel_loop3A_888] : memref<16384xf32, #tpu.memory_space<vmem>>[vector<16xi32>], vector<16xf32>,
      %parallel_loop3A_890 = arith.constant 2 : i32
      %parallel_loop3A_891 = arith.muli %parallel_loop3A_890, %parallel_loop3A_884 : i32
      %parallel_loop3A_892 = vector.broadcast %parallel_loop3A_891 : i32 to vector<16xi32>
      %parallel_loop3A_893 = arith.addi %mul3A_35, %parallel_loop3A_892 : vector<16xi32>
      %parallel_loop3A_894 = arith.constant 1 : i32
      %parallel_loop3A_895 = vector.broadcast %parallel_loop3A_894 : i32 to vector<16xi32>
      %parallel_loop3A_896 = arith.addi %parallel_loop3A_893, %parallel_loop3A_895 : vector<16xi32>
      %parallel_loop3A_897 = tpu.vector_load_idx %arg12[%parallel_loop3A_896] : memref<16384xf32, #tpu.memory_space<vmem>>[vector<16xi32>], vector<16xf32>,
      %parallel_loop3A_898 = arith.index_cast %parallel_loop3A_884 : i32 to index
      %parallel_loop3A_899 = tpu.vector_load %arg15[%parallel_loop3A_898] {strides = array<i32>} : memref<8192xi32, #tpu.memory_space<vmem>>, vector<16xi32>,
      %parallel_loop3A_900 = arith.constant 1 : i32
      %parallel_loop3A_901 = vector.broadcast %parallel_loop3A_900 : i32 to vector<16xi32>
      %parallel_loop3A_902 = arith.cmpi eq, %parallel_loop3A_899, %parallel_loop3A_901 : vector<16xi32>
      %parallel_loop3A_903 = arith.subf %parallel_loop3A_897, %parallel_loop3A_889 : vector<16xf32>
      %parallel_loop3A_904 = arith.subf %parallel_loop3A_889, %parallel_loop3A_897 : vector<16xf32>
      %parallel_loop3A_905 = arith.select %parallel_loop3A_902, %parallel_loop3A_903, %parallel_loop3A_904 : vector<16xi1>, vector<16xf32>
      %parallel_loop3A_906 = math.absf %parallel_loop3A_905 : vector<16xf32>
      %parallel_loop3A_907 = arith.constant 0.000000e+00 : f32
      %parallel_loop3A_908 = vector.broadcast %parallel_loop3A_907 : f32 to vector<16xf32>
      %parallel_loop3A_909 = arith.subf %parallel_loop3A_908, %parallel_loop3A_906 : vector<16xf32>
      %parallel_loop3A_910 = math.exp %parallel_loop3A_909 : vector<16xf32>
      %parallel_loop3A_911 = arith.constant 2.000000e+00 : f32
      %parallel_loop3A_912 = vector.broadcast %parallel_loop3A_911 : f32 to vector<16xf32>
      %parallel_loop3A_913 = arith.addf %parallel_loop3A_912, %parallel_loop3A_910 : vector<16xf32>
      %parallel_loop3A_914 = arith.divf %parallel_loop3A_910, %parallel_loop3A_913 : vector<16xf32>
      %parallel_loop3A_915 = arith.mulf %parallel_loop3A_914, %parallel_loop3A_914 : vector<16xf32>
      %parallel_loop3A_916 = arith.constant 0.181818187 : f32
      %parallel_loop3A_917 = vector.broadcast %parallel_loop3A_916 : f32 to vector<16xf32>
      %parallel_loop3A_918 = arith.mulf %parallel_loop3A_915, %parallel_loop3A_917 : vector<16xf32>
      %parallel_loop3A_919 = arith.constant 0.222222224 : f32
      %parallel_loop3A_920 = vector.broadcast %parallel_loop3A_919 : f32 to vector<16xf32>
      %parallel_loop3A_921 = arith.addf %parallel_loop3A_920, %parallel_loop3A_918 : vector<16xf32>
      %parallel_loop3A_922 = arith.mulf %parallel_loop3A_915, %parallel_loop3A_921 : vector<16xf32>
      %parallel_loop3A_923 = arith.constant 0.285714298 : f32
      %parallel_loop3A_924 = vector.broadcast %parallel_loop3A_923 : f32 to vector<16xf32>
      %parallel_loop3A_925 = arith.addf %parallel_loop3A_924, %parallel_loop3A_922 : vector<16xf32>
      %parallel_loop3A_926 = arith.mulf %parallel_loop3A_915, %parallel_loop3A_925 : vector<16xf32>
      %parallel_loop3A_927 = arith.constant 4.000000e-01 : f32
      %parallel_loop3A_928 = vector.broadcast %parallel_loop3A_927 : f32 to vector<16xf32>
      %parallel_loop3A_929 = arith.addf %parallel_loop3A_928, %parallel_loop3A_926 : vector<16xf32>
      %parallel_loop3A_930 = arith.mulf %parallel_loop3A_915, %parallel_loop3A_929 : vector<16xf32>
      %parallel_loop3A_931 = arith.constant 0.666666686 : f32
      %parallel_loop3A_932 = vector.broadcast %parallel_loop3A_931 : f32 to vector<16xf32>
      %parallel_loop3A_933 = arith.addf %parallel_loop3A_932, %parallel_loop3A_930 : vector<16xf32>
      %parallel_loop3A_934 = arith.mulf %parallel_loop3A_915, %parallel_loop3A_933 : vector<16xf32>
      %parallel_loop3A_935 = arith.constant 2.000000e+00 : f32
      %parallel_loop3A_936 = vector.broadcast %parallel_loop3A_935 : f32 to vector<16xf32>
      %parallel_loop3A_937 = arith.addf %parallel_loop3A_936, %parallel_loop3A_934 : vector<16xf32>
      %parallel_loop3A_938 = arith.mulf %parallel_loop3A_914, %parallel_loop3A_937 : vector<16xf32>
      %parallel_loop3A_939 = arith.constant 0.000000e+00 : f32
      %parallel_loop3A_940 = vector.broadcast %parallel_loop3A_939 : f32 to vector<16xf32>
      %parallel_loop3A_941 = arith.maximumf %parallel_loop3A_905, %parallel_loop3A_940 : vector<16xf32>
      %parallel_loop3A_942 = arith.addf %parallel_loop3A_941, %parallel_loop3A_938 : vector<16xf32>
      %parallel_loop3A_943 = arith.constant 0.000000e+00 : f32
      %parallel_loop3A_944 = vector.broadcast %parallel_loop3A_943 : f32 to vector<16xf32>
      %parallel_loop3A_945 = arith.subf %parallel_loop3A_944, %parallel_loop3A_942 : vector<16xf32>
      %parallel_loop3A_946 = math.exp %parallel_loop3A_945 : vector<16xf32>
      %parallel_loop3A_947 = arith.constant 2.500000e-01 : f32
      %parallel_loop3A_948 = arith.constant 7.500000e-01 : f32
      %parallel_loop3A_949 = vector.broadcast %parallel_loop3A_947 : f32 to vector<16xf32>
      %parallel_loop3A_950 = vector.broadcast %parallel_loop3A_948 : f32 to vector<16xf32>
      %parallel_loop3A_951 = arith.select %parallel_loop3A_902, %parallel_loop3A_949, %parallel_loop3A_950 : vector<16xi1>, vector<16xf32>
      %parallel_loop3A_952 = arith.constant 1.000000e+00 : f32
      %parallel_loop3A_953 = vector.broadcast %parallel_loop3A_952 : f32 to vector<16xf32>
      %parallel_loop3A_954 = arith.subf %parallel_loop3A_953, %parallel_loop3A_946 : vector<16xf32>
      %parallel_loop3A_955 = arith.mulf %parallel_loop3A_951, %parallel_loop3A_954 : vector<16xf32>
      %parallel_loop3A_956 = arith.mulf %parallel_loop3A_955, %parallel_loop3A_954 : vector<16xf32>
      %parallel_loop3A_957 = arith.mulf %parallel_loop3A_956, %parallel_loop3A_942 : vector<16xf32>
      %parallel_loop3A_958 = arith.addf %parallel_loop3A_781, %parallel_loop3A_957 : vector<16xf32>
      %parallel_loop3A_959 = arith.constant 4 : i32
      %parallel_loop3A_960 = arith.muli %parallel_loop3A_959, %parallel_loop3A_884 : i32
      %parallel_loop3A_961 = vector.broadcast %parallel_loop3A_960 : i32 to vector<16xi32>
      %parallel_loop3A_962 = arith.addi %mul3A_38, %parallel_loop3A_961 : vector<16xi32>
      %parallel_loop3A_963 = tpu.vector_load_idx %arg13[%parallel_loop3A_962] : memref<32768xf32, #tpu.memory_space<vmem>>[vector<16xi32>], vector<16xf32>,
      %parallel_loop3A_964 = arith.constant 4 : i32
      %parallel_loop3A_965 = arith.muli %parallel_loop3A_964, %parallel_loop3A_884 : i32
      %parallel_loop3A_966 = vector.broadcast %parallel_loop3A_965 : i32 to vector<16xi32>
      %parallel_loop3A_967 = arith.addi %mul3A_38, %parallel_loop3A_966 : vector<16xi32>
      %parallel_loop3A_968 = arith.constant 1 : i32
      %parallel_loop3A_969 = vector.broadcast %parallel_loop3A_968 : i32 to vector<16xi32>
      %parallel_loop3A_970 = arith.addi %parallel_loop3A_967, %parallel_loop3A_969 : vector<16xi32>
      %parallel_loop3A_971 = tpu.vector_load_idx %arg13[%parallel_loop3A_970] : memref<32768xf32, #tpu.memory_space<vmem>>[vector<16xi32>], vector<16xf32>,
      %parallel_loop3A_972 = arith.constant 4 : i32
      %parallel_loop3A_973 = arith.muli %parallel_loop3A_972, %parallel_loop3A_884 : i32
      %parallel_loop3A_974 = vector.broadcast %parallel_loop3A_973 : i32 to vector<16xi32>
      %parallel_loop3A_975 = arith.addi %mul3A_38, %parallel_loop3A_974 : vector<16xi32>
      %parallel_loop3A_976 = arith.constant 2 : i32
      %parallel_loop3A_977 = vector.broadcast %parallel_loop3A_976 : i32 to vector<16xi32>
      %parallel_loop3A_978 = arith.addi %parallel_loop3A_975, %parallel_loop3A_977 : vector<16xi32>
      %parallel_loop3A_979 = tpu.vector_load_idx %arg13[%parallel_loop3A_978] : memref<32768xf32, #tpu.memory_space<vmem>>[vector<16xi32>], vector<16xf32>,
      %parallel_loop3A_980 = arith.constant 4 : i32
      %parallel_loop3A_981 = arith.muli %parallel_loop3A_980, %parallel_loop3A_884 : i32
      %parallel_loop3A_982 = vector.broadcast %parallel_loop3A_981 : i32 to vector<16xi32>
      %parallel_loop3A_983 = arith.addi %mul3A_38, %parallel_loop3A_982 : vector<16xi32>
      %parallel_loop3A_984 = arith.constant 3 : i32
      %parallel_loop3A_985 = vector.broadcast %parallel_loop3A_984 : i32 to vector<16xi32>
      %parallel_loop3A_986 = arith.addi %parallel_loop3A_983, %parallel_loop3A_985 : vector<16xi32>
      %parallel_loop3A_987 = tpu.vector_load_idx %arg13[%parallel_loop3A_986] : memref<32768xf32, #tpu.memory_space<vmem>>[vector<16xi32>], vector<16xf32>,
      %parallel_loop3A_988 = arith.constant 4 : i32
      %parallel_loop3A_989 = arith.muli %parallel_loop3A_988, %parallel_loop3A_884 : i32
      %parallel_loop3A_990 = vector.broadcast %parallel_loop3A_989 : i32 to vector<16xi32>
      %parallel_loop3A_991 = arith.addi %mul3A_38, %parallel_loop3A_990 : vector<16xi32>
      %parallel_loop3A_992 = tpu.vector_load_idx %arg14[%parallel_loop3A_991] : memref<32768xf32, #tpu.memory_space<vmem>>[vector<16xi32>], vector<16xf32>,
      %parallel_loop3A_993 = arith.constant 4 : i32
      %parallel_loop3A_994 = arith.muli %parallel_loop3A_993, %parallel_loop3A_884 : i32
      %parallel_loop3A_995 = vector.broadcast %parallel_loop3A_994 : i32 to vector<16xi32>
      %parallel_loop3A_996 = arith.addi %mul3A_38, %parallel_loop3A_995 : vector<16xi32>
      %parallel_loop3A_997 = arith.constant 1 : i32
      %parallel_loop3A_998 = vector.broadcast %parallel_loop3A_997 : i32 to vector<16xi32>
      %parallel_loop3A_999 = arith.addi %parallel_loop3A_996, %parallel_loop3A_998 : vector<16xi32>
      %parallel_loop3A_1000 = tpu.vector_load_idx %arg14[%parallel_loop3A_999] : memref<32768xf32, #tpu.memory_space<vmem>>[vector<16xi32>], vector<16xf32>,
      %parallel_loop3A_1001 = arith.constant 4 : i32
      %parallel_loop3A_1002 = arith.muli %parallel_loop3A_1001, %parallel_loop3A_884 : i32
      %parallel_loop3A_1003 = vector.broadcast %parallel_loop3A_1002 : i32 to vector<16xi32>
      %parallel_loop3A_1004 = arith.addi %mul3A_38, %parallel_loop3A_1003 : vector<16xi32>
      %parallel_loop3A_1005 = arith.constant 2 : i32
      %parallel_loop3A_1006 = vector.broadcast %parallel_loop3A_1005 : i32 to vector<16xi32>
      %parallel_loop3A_1007 = arith.addi %parallel_loop3A_1004, %parallel_loop3A_1006 : vector<16xi32>
      %parallel_loop3A_1008 = tpu.vector_load_idx %arg14[%parallel_loop3A_1007] : memref<32768xf32, #tpu.memory_space<vmem>>[vector<16xi32>], vector<16xf32>,
      %parallel_loop3A_1009 = arith.constant 4 : i32
      %parallel_loop3A_1010 = arith.muli %parallel_loop3A_1009, %parallel_loop3A_884 : i32
      %parallel_loop3A_1011 = vector.broadcast %parallel_loop3A_1010 : i32 to vector<16xi32>
      %parallel_loop3A_1012 = arith.addi %mul3A_38, %parallel_loop3A_1011 : vector<16xi32>
      %parallel_loop3A_1013 = arith.constant 3 : i32
      %parallel_loop3A_1014 = vector.broadcast %parallel_loop3A_1013 : i32 to vector<16xi32>
      %parallel_loop3A_1015 = arith.addi %parallel_loop3A_1012, %parallel_loop3A_1014 : vector<16xi32>
      %parallel_loop3A_1016 = tpu.vector_load_idx %arg14[%parallel_loop3A_1015] : memref<32768xf32, #tpu.memory_space<vmem>>[vector<16xi32>], vector<16xf32>,
      %parallel_loop3A_1017 = arith.minimumf %parallel_loop3A_963, %parallel_loop3A_992 : vector<16xf32>
      %parallel_loop3A_1018 = arith.minimumf %parallel_loop3A_979, %parallel_loop3A_1008 : vector<16xf32>
      %parallel_loop3A_1019 = arith.addf %parallel_loop3A_1017, %parallel_loop3A_1018 : vector<16xf32>
      %parallel_loop3A_1020 = arith.minimumf %parallel_loop3A_971, %parallel_loop3A_1000 : vector<16xf32>
      %parallel_loop3A_1021 = arith.minimumf %parallel_loop3A_987, %parallel_loop3A_1016 : vector<16xf32>
      %parallel_loop3A_1022 = arith.addf %parallel_loop3A_1020, %parallel_loop3A_1021 : vector<16xf32>
      %parallel_loop3A_1023 = arith.mulf %parallel_loop3A_1019, %parallel_loop3A_1022 : vector<16xf32>
      %parallel_loop3A_1024 = arith.addf %parallel_loop3A_992, %parallel_loop3A_1008 : vector<16xf32>
      %parallel_loop3A_1025 = arith.addf %parallel_loop3A_1000, %parallel_loop3A_1016 : vector<16xf32>
      %parallel_loop3A_1026 = arith.mulf %parallel_loop3A_1024, %parallel_loop3A_1025 : vector<16xf32>
      %parallel_loop3A_1027 = arith.addf %parallel_loop3A_963, %parallel_loop3A_979 : vector<16xf32>
      %parallel_loop3A_1028 = arith.addf %parallel_loop3A_971, %parallel_loop3A_987 : vector<16xf32>
      %parallel_loop3A_1029 = arith.mulf %parallel_loop3A_1027, %parallel_loop3A_1028 : vector<16xf32>
      %parallel_loop3A_1030 = arith.addf %parallel_loop3A_1026, %parallel_loop3A_1029 : vector<16xf32>
      %parallel_loop3A_1031 = arith.subf %parallel_loop3A_1030, %parallel_loop3A_1023 : vector<16xf32>
      %parallel_loop3A_1032 = arith.constant 1.000000e-07 : f32
      %parallel_loop3A_1033 = vector.broadcast %parallel_loop3A_1032 : f32 to vector<16xf32>
      %parallel_loop3A_1034 = arith.addf %parallel_loop3A_1031, %parallel_loop3A_1033 : vector<16xf32>
      %parallel_loop3A_1035 = arith.constant 1.000000e+00 : f32
      %parallel_loop3A_1036 = vector.broadcast %parallel_loop3A_1035 : f32 to vector<16xf32>
      %parallel_loop3A_1037 = arith.addf %parallel_loop3A_1023, %parallel_loop3A_1036 : vector<16xf32>
      %parallel_loop3A_1038 = arith.constant 1.000000e+00 : f32
      %parallel_loop3A_1039 = vector.broadcast %parallel_loop3A_1038 : f32 to vector<16xf32>
      %parallel_loop3A_1040 = arith.addf %parallel_loop3A_1034, %parallel_loop3A_1039 : vector<16xf32>
      %parallel_loop3A_1041 = arith.divf %parallel_loop3A_1037, %parallel_loop3A_1040 : vector<16xf32>
      %parallel_loop3A_1042 = arith.constant 0 : i32
      %parallel_loop3A_1043 = vector.broadcast %parallel_loop3A_1042 : i32 to vector<16xi32>
      %parallel_loop3A_1044 = arith.cmpi ne, %parallel_loop3A_899, %parallel_loop3A_1043 : vector<16xi32>
      %parallel_loop3A_1045 = arith.constant 1.000000e+00 : f32
      %parallel_loop3A_1046 = arith.constant 0.000000e+00 : f32
      %parallel_loop3A_1047 = vector.broadcast %parallel_loop3A_1045 : f32 to vector<16xf32>
      %parallel_loop3A_1048 = vector.broadcast %parallel_loop3A_1046 : f32 to vector<16xf32>
      %parallel_loop3A_1049 = arith.select %parallel_loop3A_1044, %parallel_loop3A_1047, %parallel_loop3A_1048 : vector<16xi1>, vector<16xf32>
      %parallel_loop3A_1050 = arith.constant 1.000000e+00 : f32
      %parallel_loop3A_1051 = vector.broadcast %parallel_loop3A_1050 : f32 to vector<16xf32>
      %parallel_loop3A_1052 = arith.subf %parallel_loop3A_1051, %parallel_loop3A_1041 : vector<16xf32>
      %parallel_loop3A_1053 = arith.mulf %parallel_loop3A_1052, %parallel_loop3A_1049 : vector<16xf32>
      %parallel_loop3A_1054 = arith.addf %parallel_loop3A_877, %parallel_loop3A_1053 : vector<16xf32>
      %parallel_loop3A_1055 = arith.addf %parallel_loop3A_878, %parallel_loop3A_1049 : vector<16xf32>
      %parallel_loop3A_1056 = arith.constant 8 : i32
      %parallel_loop3A_1057 = arith.muli %parallel_loop3A_167, %parallel_loop3A_1056 : i32
      %parallel_loop3A_1058 = arith.constant 5 : i32
      %parallel_loop3A_1059 = arith.addi %parallel_loop3A_1057, %parallel_loop3A_1058 : i32
      %parallel_loop3A_1060 = arith.constant 16 : i32
      %parallel_loop3A_1061 = arith.muli %parallel_loop3A_1059, %parallel_loop3A_1060 : i32
      %parallel_loop3A_1062 = arith.constant 2 : i32
      %parallel_loop3A_1063 = arith.muli %parallel_loop3A_1062, %parallel_loop3A_1061 : i32
      %parallel_loop3A_1064 = vector.broadcast %parallel_loop3A_1063 : i32 to vector<16xi32>
      %parallel_loop3A_1065 = arith.addi %mul3A_35, %parallel_loop3A_1064 : vector<16xi32>
      %parallel_loop3A_1066 = tpu.vector_load_idx %arg12[%parallel_loop3A_1065] : memref<16384xf32, #tpu.memory_space<vmem>>[vector<16xi32>], vector<16xf32>,
      %parallel_loop3A_1067 = arith.constant 2 : i32
      %parallel_loop3A_1068 = arith.muli %parallel_loop3A_1067, %parallel_loop3A_1061 : i32
      %parallel_loop3A_1069 = vector.broadcast %parallel_loop3A_1068 : i32 to vector<16xi32>
      %parallel_loop3A_1070 = arith.addi %mul3A_35, %parallel_loop3A_1069 : vector<16xi32>
      %parallel_loop3A_1071 = arith.constant 1 : i32
      %parallel_loop3A_1072 = vector.broadcast %parallel_loop3A_1071 : i32 to vector<16xi32>
      %parallel_loop3A_1073 = arith.addi %parallel_loop3A_1070, %parallel_loop3A_1072 : vector<16xi32>
      %parallel_loop3A_1074 = tpu.vector_load_idx %arg12[%parallel_loop3A_1073] : memref<16384xf32, #tpu.memory_space<vmem>>[vector<16xi32>], vector<16xf32>,
      %parallel_loop3A_1075 = arith.index_cast %parallel_loop3A_1061 : i32 to index
      %parallel_loop3A_1076 = tpu.vector_load %arg15[%parallel_loop3A_1075] {strides = array<i32>} : memref<8192xi32, #tpu.memory_space<vmem>>, vector<16xi32>,
      %parallel_loop3A_1077 = arith.constant 1 : i32
      %parallel_loop3A_1078 = vector.broadcast %parallel_loop3A_1077 : i32 to vector<16xi32>
      %parallel_loop3A_1079 = arith.cmpi eq, %parallel_loop3A_1076, %parallel_loop3A_1078 : vector<16xi32>
      %parallel_loop3A_1080 = arith.subf %parallel_loop3A_1074, %parallel_loop3A_1066 : vector<16xf32>
      %parallel_loop3A_1081 = arith.subf %parallel_loop3A_1066, %parallel_loop3A_1074 : vector<16xf32>
      %parallel_loop3A_1082 = arith.select %parallel_loop3A_1079, %parallel_loop3A_1080, %parallel_loop3A_1081 : vector<16xi1>, vector<16xf32>
      %parallel_loop3A_1083 = math.absf %parallel_loop3A_1082 : vector<16xf32>
      %parallel_loop3A_1084 = arith.constant 0.000000e+00 : f32
      %parallel_loop3A_1085 = vector.broadcast %parallel_loop3A_1084 : f32 to vector<16xf32>
      %parallel_loop3A_1086 = arith.subf %parallel_loop3A_1085, %parallel_loop3A_1083 : vector<16xf32>
      %parallel_loop3A_1087 = math.exp %parallel_loop3A_1086 : vector<16xf32>
      %parallel_loop3A_1088 = arith.constant 2.000000e+00 : f32
      %parallel_loop3A_1089 = vector.broadcast %parallel_loop3A_1088 : f32 to vector<16xf32>
      %parallel_loop3A_1090 = arith.addf %parallel_loop3A_1089, %parallel_loop3A_1087 : vector<16xf32>
      %parallel_loop3A_1091 = arith.divf %parallel_loop3A_1087, %parallel_loop3A_1090 : vector<16xf32>
      %parallel_loop3A_1092 = arith.mulf %parallel_loop3A_1091, %parallel_loop3A_1091 : vector<16xf32>
      %parallel_loop3A_1093 = arith.constant 0.181818187 : f32
      %parallel_loop3A_1094 = vector.broadcast %parallel_loop3A_1093 : f32 to vector<16xf32>
      %parallel_loop3A_1095 = arith.mulf %parallel_loop3A_1092, %parallel_loop3A_1094 : vector<16xf32>
      %parallel_loop3A_1096 = arith.constant 0.222222224 : f32
      %parallel_loop3A_1097 = vector.broadcast %parallel_loop3A_1096 : f32 to vector<16xf32>
      %parallel_loop3A_1098 = arith.addf %parallel_loop3A_1097, %parallel_loop3A_1095 : vector<16xf32>
      %parallel_loop3A_1099 = arith.mulf %parallel_loop3A_1092, %parallel_loop3A_1098 : vector<16xf32>
      %parallel_loop3A_1100 = arith.constant 0.285714298 : f32
      %parallel_loop3A_1101 = vector.broadcast %parallel_loop3A_1100 : f32 to vector<16xf32>
      %parallel_loop3A_1102 = arith.addf %parallel_loop3A_1101, %parallel_loop3A_1099 : vector<16xf32>
      %parallel_loop3A_1103 = arith.mulf %parallel_loop3A_1092, %parallel_loop3A_1102 : vector<16xf32>
      %parallel_loop3A_1104 = arith.constant 4.000000e-01 : f32
      %parallel_loop3A_1105 = vector.broadcast %parallel_loop3A_1104 : f32 to vector<16xf32>
      %parallel_loop3A_1106 = arith.addf %parallel_loop3A_1105, %parallel_loop3A_1103 : vector<16xf32>
      %parallel_loop3A_1107 = arith.mulf %parallel_loop3A_1092, %parallel_loop3A_1106 : vector<16xf32>
      %parallel_loop3A_1108 = arith.constant 0.666666686 : f32
      %parallel_loop3A_1109 = vector.broadcast %parallel_loop3A_1108 : f32 to vector<16xf32>
      %parallel_loop3A_1110 = arith.addf %parallel_loop3A_1109, %parallel_loop3A_1107 : vector<16xf32>
      %parallel_loop3A_1111 = arith.mulf %parallel_loop3A_1092, %parallel_loop3A_1110 : vector<16xf32>
      %parallel_loop3A_1112 = arith.constant 2.000000e+00 : f32
      %parallel_loop3A_1113 = vector.broadcast %parallel_loop3A_1112 : f32 to vector<16xf32>
      %parallel_loop3A_1114 = arith.addf %parallel_loop3A_1113, %parallel_loop3A_1111 : vector<16xf32>
      %parallel_loop3A_1115 = arith.mulf %parallel_loop3A_1091, %parallel_loop3A_1114 : vector<16xf32>
      %parallel_loop3A_1116 = arith.constant 0.000000e+00 : f32
      %parallel_loop3A_1117 = vector.broadcast %parallel_loop3A_1116 : f32 to vector<16xf32>
      %parallel_loop3A_1118 = arith.maximumf %parallel_loop3A_1082, %parallel_loop3A_1117 : vector<16xf32>
      %parallel_loop3A_1119 = arith.addf %parallel_loop3A_1118, %parallel_loop3A_1115 : vector<16xf32>
      %parallel_loop3A_1120 = arith.constant 0.000000e+00 : f32
      %parallel_loop3A_1121 = vector.broadcast %parallel_loop3A_1120 : f32 to vector<16xf32>
      %parallel_loop3A_1122 = arith.subf %parallel_loop3A_1121, %parallel_loop3A_1119 : vector<16xf32>
      %parallel_loop3A_1123 = math.exp %parallel_loop3A_1122 : vector<16xf32>
      %parallel_loop3A_1124 = arith.constant 2.500000e-01 : f32
      %parallel_loop3A_1125 = arith.constant 7.500000e-01 : f32
      %parallel_loop3A_1126 = vector.broadcast %parallel_loop3A_1124 : f32 to vector<16xf32>
      %parallel_loop3A_1127 = vector.broadcast %parallel_loop3A_1125 : f32 to vector<16xf32>
      %parallel_loop3A_1128 = arith.select %parallel_loop3A_1079, %parallel_loop3A_1126, %parallel_loop3A_1127 : vector<16xi1>, vector<16xf32>
      %parallel_loop3A_1129 = arith.constant 1.000000e+00 : f32
      %parallel_loop3A_1130 = vector.broadcast %parallel_loop3A_1129 : f32 to vector<16xf32>
      %parallel_loop3A_1131 = arith.subf %parallel_loop3A_1130, %parallel_loop3A_1123 : vector<16xf32>
      %parallel_loop3A_1132 = arith.mulf %parallel_loop3A_1128, %parallel_loop3A_1131 : vector<16xf32>
      %parallel_loop3A_1133 = arith.mulf %parallel_loop3A_1132, %parallel_loop3A_1131 : vector<16xf32>
      %parallel_loop3A_1134 = arith.mulf %parallel_loop3A_1133, %parallel_loop3A_1119 : vector<16xf32>
      %parallel_loop3A_1135 = arith.addf %parallel_loop3A_958, %parallel_loop3A_1134 : vector<16xf32>
      %parallel_loop3A_1136 = arith.constant 4 : i32
      %parallel_loop3A_1137 = arith.muli %parallel_loop3A_1136, %parallel_loop3A_1061 : i32
      %parallel_loop3A_1138 = vector.broadcast %parallel_loop3A_1137 : i32 to vector<16xi32>
      %parallel_loop3A_1139 = arith.addi %mul3A_38, %parallel_loop3A_1138 : vector<16xi32>
      %parallel_loop3A_1140 = tpu.vector_load_idx %arg13[%parallel_loop3A_1139] : memref<32768xf32, #tpu.memory_space<vmem>>[vector<16xi32>], vector<16xf32>,
      %parallel_loop3A_1141 = arith.constant 4 : i32
      %parallel_loop3A_1142 = arith.muli %parallel_loop3A_1141, %parallel_loop3A_1061 : i32
      %parallel_loop3A_1143 = vector.broadcast %parallel_loop3A_1142 : i32 to vector<16xi32>
      %parallel_loop3A_1144 = arith.addi %mul3A_38, %parallel_loop3A_1143 : vector<16xi32>
      %parallel_loop3A_1145 = arith.constant 1 : i32
      %parallel_loop3A_1146 = vector.broadcast %parallel_loop3A_1145 : i32 to vector<16xi32>
      %parallel_loop3A_1147 = arith.addi %parallel_loop3A_1144, %parallel_loop3A_1146 : vector<16xi32>
      %parallel_loop3A_1148 = tpu.vector_load_idx %arg13[%parallel_loop3A_1147] : memref<32768xf32, #tpu.memory_space<vmem>>[vector<16xi32>], vector<16xf32>,
      %parallel_loop3A_1149 = arith.constant 4 : i32
      %parallel_loop3A_1150 = arith.muli %parallel_loop3A_1149, %parallel_loop3A_1061 : i32
      %parallel_loop3A_1151 = vector.broadcast %parallel_loop3A_1150 : i32 to vector<16xi32>
      %parallel_loop3A_1152 = arith.addi %mul3A_38, %parallel_loop3A_1151 : vector<16xi32>
      %parallel_loop3A_1153 = arith.constant 2 : i32
      %parallel_loop3A_1154 = vector.broadcast %parallel_loop3A_1153 : i32 to vector<16xi32>
      %parallel_loop3A_1155 = arith.addi %parallel_loop3A_1152, %parallel_loop3A_1154 : vector<16xi32>
      %parallel_loop3A_1156 = tpu.vector_load_idx %arg13[%parallel_loop3A_1155] : memref<32768xf32, #tpu.memory_space<vmem>>[vector<16xi32>], vector<16xf32>,
      %parallel_loop3A_1157 = arith.constant 4 : i32
      %parallel_loop3A_1158 = arith.muli %parallel_loop3A_1157, %parallel_loop3A_1061 : i32
      %parallel_loop3A_1159 = vector.broadcast %parallel_loop3A_1158 : i32 to vector<16xi32>
      %parallel_loop3A_1160 = arith.addi %mul3A_38, %parallel_loop3A_1159 : vector<16xi32>
      %parallel_loop3A_1161 = arith.constant 3 : i32
      %parallel_loop3A_1162 = vector.broadcast %parallel_loop3A_1161 : i32 to vector<16xi32>
      %parallel_loop3A_1163 = arith.addi %parallel_loop3A_1160, %parallel_loop3A_1162 : vector<16xi32>
      %parallel_loop3A_1164 = tpu.vector_load_idx %arg13[%parallel_loop3A_1163] : memref<32768xf32, #tpu.memory_space<vmem>>[vector<16xi32>], vector<16xf32>,
      %parallel_loop3A_1165 = arith.constant 4 : i32
      %parallel_loop3A_1166 = arith.muli %parallel_loop3A_1165, %parallel_loop3A_1061 : i32
      %parallel_loop3A_1167 = vector.broadcast %parallel_loop3A_1166 : i32 to vector<16xi32>
      %parallel_loop3A_1168 = arith.addi %mul3A_38, %parallel_loop3A_1167 : vector<16xi32>
      %parallel_loop3A_1169 = tpu.vector_load_idx %arg14[%parallel_loop3A_1168] : memref<32768xf32, #tpu.memory_space<vmem>>[vector<16xi32>], vector<16xf32>,
      %parallel_loop3A_1170 = arith.constant 4 : i32
      %parallel_loop3A_1171 = arith.muli %parallel_loop3A_1170, %parallel_loop3A_1061 : i32
      %parallel_loop3A_1172 = vector.broadcast %parallel_loop3A_1171 : i32 to vector<16xi32>
      %parallel_loop3A_1173 = arith.addi %mul3A_38, %parallel_loop3A_1172 : vector<16xi32>
      %parallel_loop3A_1174 = arith.constant 1 : i32
      %parallel_loop3A_1175 = vector.broadcast %parallel_loop3A_1174 : i32 to vector<16xi32>
      %parallel_loop3A_1176 = arith.addi %parallel_loop3A_1173, %parallel_loop3A_1175 : vector<16xi32>
      %parallel_loop3A_1177 = tpu.vector_load_idx %arg14[%parallel_loop3A_1176] : memref<32768xf32, #tpu.memory_space<vmem>>[vector<16xi32>], vector<16xf32>,
      %parallel_loop3A_1178 = arith.constant 4 : i32
      %parallel_loop3A_1179 = arith.muli %parallel_loop3A_1178, %parallel_loop3A_1061 : i32
      %parallel_loop3A_1180 = vector.broadcast %parallel_loop3A_1179 : i32 to vector<16xi32>
      %parallel_loop3A_1181 = arith.addi %mul3A_38, %parallel_loop3A_1180 : vector<16xi32>
      %parallel_loop3A_1182 = arith.constant 2 : i32
      %parallel_loop3A_1183 = vector.broadcast %parallel_loop3A_1182 : i32 to vector<16xi32>
      %parallel_loop3A_1184 = arith.addi %parallel_loop3A_1181, %parallel_loop3A_1183 : vector<16xi32>
      %parallel_loop3A_1185 = tpu.vector_load_idx %arg14[%parallel_loop3A_1184] : memref<32768xf32, #tpu.memory_space<vmem>>[vector<16xi32>], vector<16xf32>,
      %parallel_loop3A_1186 = arith.constant 4 : i32
      %parallel_loop3A_1187 = arith.muli %parallel_loop3A_1186, %parallel_loop3A_1061 : i32
      %parallel_loop3A_1188 = vector.broadcast %parallel_loop3A_1187 : i32 to vector<16xi32>
      %parallel_loop3A_1189 = arith.addi %mul3A_38, %parallel_loop3A_1188 : vector<16xi32>
      %parallel_loop3A_1190 = arith.constant 3 : i32
      %parallel_loop3A_1191 = vector.broadcast %parallel_loop3A_1190 : i32 to vector<16xi32>
      %parallel_loop3A_1192 = arith.addi %parallel_loop3A_1189, %parallel_loop3A_1191 : vector<16xi32>
      %parallel_loop3A_1193 = tpu.vector_load_idx %arg14[%parallel_loop3A_1192] : memref<32768xf32, #tpu.memory_space<vmem>>[vector<16xi32>], vector<16xf32>,
      %parallel_loop3A_1194 = arith.minimumf %parallel_loop3A_1140, %parallel_loop3A_1169 : vector<16xf32>
      %parallel_loop3A_1195 = arith.minimumf %parallel_loop3A_1156, %parallel_loop3A_1185 : vector<16xf32>
      %parallel_loop3A_1196 = arith.addf %parallel_loop3A_1194, %parallel_loop3A_1195 : vector<16xf32>
      %parallel_loop3A_1197 = arith.minimumf %parallel_loop3A_1148, %parallel_loop3A_1177 : vector<16xf32>
      %parallel_loop3A_1198 = arith.minimumf %parallel_loop3A_1164, %parallel_loop3A_1193 : vector<16xf32>
      %parallel_loop3A_1199 = arith.addf %parallel_loop3A_1197, %parallel_loop3A_1198 : vector<16xf32>
      %parallel_loop3A_1200 = arith.mulf %parallel_loop3A_1196, %parallel_loop3A_1199 : vector<16xf32>
      %parallel_loop3A_1201 = arith.addf %parallel_loop3A_1169, %parallel_loop3A_1185 : vector<16xf32>
      %parallel_loop3A_1202 = arith.addf %parallel_loop3A_1177, %parallel_loop3A_1193 : vector<16xf32>
      %parallel_loop3A_1203 = arith.mulf %parallel_loop3A_1201, %parallel_loop3A_1202 : vector<16xf32>
      %parallel_loop3A_1204 = arith.addf %parallel_loop3A_1140, %parallel_loop3A_1156 : vector<16xf32>
      %parallel_loop3A_1205 = arith.addf %parallel_loop3A_1148, %parallel_loop3A_1164 : vector<16xf32>
      %parallel_loop3A_1206 = arith.mulf %parallel_loop3A_1204, %parallel_loop3A_1205 : vector<16xf32>
      %parallel_loop3A_1207 = arith.addf %parallel_loop3A_1203, %parallel_loop3A_1206 : vector<16xf32>
      %parallel_loop3A_1208 = arith.subf %parallel_loop3A_1207, %parallel_loop3A_1200 : vector<16xf32>
      %parallel_loop3A_1209 = arith.constant 1.000000e-07 : f32
      %parallel_loop3A_1210 = vector.broadcast %parallel_loop3A_1209 : f32 to vector<16xf32>
      %parallel_loop3A_1211 = arith.addf %parallel_loop3A_1208, %parallel_loop3A_1210 : vector<16xf32>
      %parallel_loop3A_1212 = arith.constant 1.000000e+00 : f32
      %parallel_loop3A_1213 = vector.broadcast %parallel_loop3A_1212 : f32 to vector<16xf32>
      %parallel_loop3A_1214 = arith.addf %parallel_loop3A_1200, %parallel_loop3A_1213 : vector<16xf32>
      %parallel_loop3A_1215 = arith.constant 1.000000e+00 : f32
      %parallel_loop3A_1216 = vector.broadcast %parallel_loop3A_1215 : f32 to vector<16xf32>
      %parallel_loop3A_1217 = arith.addf %parallel_loop3A_1211, %parallel_loop3A_1216 : vector<16xf32>
      %parallel_loop3A_1218 = arith.divf %parallel_loop3A_1214, %parallel_loop3A_1217 : vector<16xf32>
      %parallel_loop3A_1219 = arith.constant 0 : i32
      %parallel_loop3A_1220 = vector.broadcast %parallel_loop3A_1219 : i32 to vector<16xi32>
      %parallel_loop3A_1221 = arith.cmpi ne, %parallel_loop3A_1076, %parallel_loop3A_1220 : vector<16xi32>
      %parallel_loop3A_1222 = arith.constant 1.000000e+00 : f32
      %parallel_loop3A_1223 = arith.constant 0.000000e+00 : f32
      %parallel_loop3A_1224 = vector.broadcast %parallel_loop3A_1222 : f32 to vector<16xf32>
      %parallel_loop3A_1225 = vector.broadcast %parallel_loop3A_1223 : f32 to vector<16xf32>
      %parallel_loop3A_1226 = arith.select %parallel_loop3A_1221, %parallel_loop3A_1224, %parallel_loop3A_1225 : vector<16xi1>, vector<16xf32>
      %parallel_loop3A_1227 = arith.constant 1.000000e+00 : f32
      %parallel_loop3A_1228 = vector.broadcast %parallel_loop3A_1227 : f32 to vector<16xf32>
      %parallel_loop3A_1229 = arith.subf %parallel_loop3A_1228, %parallel_loop3A_1218 : vector<16xf32>
      %parallel_loop3A_1230 = arith.mulf %parallel_loop3A_1229, %parallel_loop3A_1226 : vector<16xf32>
      %parallel_loop3A_1231 = arith.addf %parallel_loop3A_1054, %parallel_loop3A_1230 : vector<16xf32>
      %parallel_loop3A_1232 = arith.addf %parallel_loop3A_1055, %parallel_loop3A_1226 : vector<16xf32>
      %parallel_loop3A_1233 = arith.constant 8 : i32
      %parallel_loop3A_1234 = arith.muli %parallel_loop3A_167, %parallel_loop3A_1233 : i32
      %parallel_loop3A_1235 = arith.constant 6 : i32
      %parallel_loop3A_1236 = arith.addi %parallel_loop3A_1234, %parallel_loop3A_1235 : i32
      %parallel_loop3A_1237 = arith.constant 16 : i32
      %parallel_loop3A_1238 = arith.muli %parallel_loop3A_1236, %parallel_loop3A_1237 : i32
      %parallel_loop3A_1239 = arith.constant 2 : i32
      %parallel_loop3A_1240 = arith.muli %parallel_loop3A_1239, %parallel_loop3A_1238 : i32
      %parallel_loop3A_1241 = vector.broadcast %parallel_loop3A_1240 : i32 to vector<16xi32>
      %parallel_loop3A_1242 = arith.addi %mul3A_35, %parallel_loop3A_1241 : vector<16xi32>
      %parallel_loop3A_1243 = tpu.vector_load_idx %arg12[%parallel_loop3A_1242] : memref<16384xf32, #tpu.memory_space<vmem>>[vector<16xi32>], vector<16xf32>,
      %parallel_loop3A_1244 = arith.constant 2 : i32
      %parallel_loop3A_1245 = arith.muli %parallel_loop3A_1244, %parallel_loop3A_1238 : i32
      %parallel_loop3A_1246 = vector.broadcast %parallel_loop3A_1245 : i32 to vector<16xi32>
      %parallel_loop3A_1247 = arith.addi %mul3A_35, %parallel_loop3A_1246 : vector<16xi32>
      %parallel_loop3A_1248 = arith.constant 1 : i32
      %parallel_loop3A_1249 = vector.broadcast %parallel_loop3A_1248 : i32 to vector<16xi32>
      %parallel_loop3A_1250 = arith.addi %parallel_loop3A_1247, %parallel_loop3A_1249 : vector<16xi32>
      %parallel_loop3A_1251 = tpu.vector_load_idx %arg12[%parallel_loop3A_1250] : memref<16384xf32, #tpu.memory_space<vmem>>[vector<16xi32>], vector<16xf32>,
      %parallel_loop3A_1252 = arith.index_cast %parallel_loop3A_1238 : i32 to index
      %parallel_loop3A_1253 = tpu.vector_load %arg15[%parallel_loop3A_1252] {strides = array<i32>} : memref<8192xi32, #tpu.memory_space<vmem>>, vector<16xi32>,
      %parallel_loop3A_1254 = arith.constant 1 : i32
      %parallel_loop3A_1255 = vector.broadcast %parallel_loop3A_1254 : i32 to vector<16xi32>
      %parallel_loop3A_1256 = arith.cmpi eq, %parallel_loop3A_1253, %parallel_loop3A_1255 : vector<16xi32>
      %parallel_loop3A_1257 = arith.subf %parallel_loop3A_1251, %parallel_loop3A_1243 : vector<16xf32>
      %parallel_loop3A_1258 = arith.subf %parallel_loop3A_1243, %parallel_loop3A_1251 : vector<16xf32>
      %parallel_loop3A_1259 = arith.select %parallel_loop3A_1256, %parallel_loop3A_1257, %parallel_loop3A_1258 : vector<16xi1>, vector<16xf32>
      %parallel_loop3A_1260 = math.absf %parallel_loop3A_1259 : vector<16xf32>
      %parallel_loop3A_1261 = arith.constant 0.000000e+00 : f32
      %parallel_loop3A_1262 = vector.broadcast %parallel_loop3A_1261 : f32 to vector<16xf32>
      %parallel_loop3A_1263 = arith.subf %parallel_loop3A_1262, %parallel_loop3A_1260 : vector<16xf32>
      %parallel_loop3A_1264 = math.exp %parallel_loop3A_1263 : vector<16xf32>
      %parallel_loop3A_1265 = arith.constant 2.000000e+00 : f32
      %parallel_loop3A_1266 = vector.broadcast %parallel_loop3A_1265 : f32 to vector<16xf32>
      %parallel_loop3A_1267 = arith.addf %parallel_loop3A_1266, %parallel_loop3A_1264 : vector<16xf32>
      %parallel_loop3A_1268 = arith.divf %parallel_loop3A_1264, %parallel_loop3A_1267 : vector<16xf32>
      %parallel_loop3A_1269 = arith.mulf %parallel_loop3A_1268, %parallel_loop3A_1268 : vector<16xf32>
      %parallel_loop3A_1270 = arith.constant 0.181818187 : f32
      %parallel_loop3A_1271 = vector.broadcast %parallel_loop3A_1270 : f32 to vector<16xf32>
      %parallel_loop3A_1272 = arith.mulf %parallel_loop3A_1269, %parallel_loop3A_1271 : vector<16xf32>
      %parallel_loop3A_1273 = arith.constant 0.222222224 : f32
      %parallel_loop3A_1274 = vector.broadcast %parallel_loop3A_1273 : f32 to vector<16xf32>
      %parallel_loop3A_1275 = arith.addf %parallel_loop3A_1274, %parallel_loop3A_1272 : vector<16xf32>
      %parallel_loop3A_1276 = arith.mulf %parallel_loop3A_1269, %parallel_loop3A_1275 : vector<16xf32>
      %parallel_loop3A_1277 = arith.constant 0.285714298 : f32
      %parallel_loop3A_1278 = vector.broadcast %parallel_loop3A_1277 : f32 to vector<16xf32>
      %parallel_loop3A_1279 = arith.addf %parallel_loop3A_1278, %parallel_loop3A_1276 : vector<16xf32>
      %parallel_loop3A_1280 = arith.mulf %parallel_loop3A_1269, %parallel_loop3A_1279 : vector<16xf32>
      %parallel_loop3A_1281 = arith.constant 4.000000e-01 : f32
      %parallel_loop3A_1282 = vector.broadcast %parallel_loop3A_1281 : f32 to vector<16xf32>
      %parallel_loop3A_1283 = arith.addf %parallel_loop3A_1282, %parallel_loop3A_1280 : vector<16xf32>
      %parallel_loop3A_1284 = arith.mulf %parallel_loop3A_1269, %parallel_loop3A_1283 : vector<16xf32>
      %parallel_loop3A_1285 = arith.constant 0.666666686 : f32
      %parallel_loop3A_1286 = vector.broadcast %parallel_loop3A_1285 : f32 to vector<16xf32>
      %parallel_loop3A_1287 = arith.addf %parallel_loop3A_1286, %parallel_loop3A_1284 : vector<16xf32>
      %parallel_loop3A_1288 = arith.mulf %parallel_loop3A_1269, %parallel_loop3A_1287 : vector<16xf32>
      %parallel_loop3A_1289 = arith.constant 2.000000e+00 : f32
      %parallel_loop3A_1290 = vector.broadcast %parallel_loop3A_1289 : f32 to vector<16xf32>
      %parallel_loop3A_1291 = arith.addf %parallel_loop3A_1290, %parallel_loop3A_1288 : vector<16xf32>
      %parallel_loop3A_1292 = arith.mulf %parallel_loop3A_1268, %parallel_loop3A_1291 : vector<16xf32>
      %parallel_loop3A_1293 = arith.constant 0.000000e+00 : f32
      %parallel_loop3A_1294 = vector.broadcast %parallel_loop3A_1293 : f32 to vector<16xf32>
      %parallel_loop3A_1295 = arith.maximumf %parallel_loop3A_1259, %parallel_loop3A_1294 : vector<16xf32>
      %parallel_loop3A_1296 = arith.addf %parallel_loop3A_1295, %parallel_loop3A_1292 : vector<16xf32>
      %parallel_loop3A_1297 = arith.constant 0.000000e+00 : f32
      %parallel_loop3A_1298 = vector.broadcast %parallel_loop3A_1297 : f32 to vector<16xf32>
      %parallel_loop3A_1299 = arith.subf %parallel_loop3A_1298, %parallel_loop3A_1296 : vector<16xf32>
      %parallel_loop3A_1300 = math.exp %parallel_loop3A_1299 : vector<16xf32>
      %parallel_loop3A_1301 = arith.constant 2.500000e-01 : f32
      %parallel_loop3A_1302 = arith.constant 7.500000e-01 : f32
      %parallel_loop3A_1303 = vector.broadcast %parallel_loop3A_1301 : f32 to vector<16xf32>
      %parallel_loop3A_1304 = vector.broadcast %parallel_loop3A_1302 : f32 to vector<16xf32>
      %parallel_loop3A_1305 = arith.select %parallel_loop3A_1256, %parallel_loop3A_1303, %parallel_loop3A_1304 : vector<16xi1>, vector<16xf32>
      %parallel_loop3A_1306 = arith.constant 1.000000e+00 : f32
      %parallel_loop3A_1307 = vector.broadcast %parallel_loop3A_1306 : f32 to vector<16xf32>
      %parallel_loop3A_1308 = arith.subf %parallel_loop3A_1307, %parallel_loop3A_1300 : vector<16xf32>
      %parallel_loop3A_1309 = arith.mulf %parallel_loop3A_1305, %parallel_loop3A_1308 : vector<16xf32>
      %parallel_loop3A_1310 = arith.mulf %parallel_loop3A_1309, %parallel_loop3A_1308 : vector<16xf32>
      %parallel_loop3A_1311 = arith.mulf %parallel_loop3A_1310, %parallel_loop3A_1296 : vector<16xf32>
      %parallel_loop3A_1312 = arith.addf %parallel_loop3A_1135, %parallel_loop3A_1311 : vector<16xf32>
      %parallel_loop3A_1313 = arith.constant 4 : i32
      %parallel_loop3A_1314 = arith.muli %parallel_loop3A_1313, %parallel_loop3A_1238 : i32
      %parallel_loop3A_1315 = vector.broadcast %parallel_loop3A_1314 : i32 to vector<16xi32>
      %parallel_loop3A_1316 = arith.addi %mul3A_38, %parallel_loop3A_1315 : vector<16xi32>
      %parallel_loop3A_1317 = tpu.vector_load_idx %arg13[%parallel_loop3A_1316] : memref<32768xf32, #tpu.memory_space<vmem>>[vector<16xi32>], vector<16xf32>,
      %parallel_loop3A_1318 = arith.constant 4 : i32
      %parallel_loop3A_1319 = arith.muli %parallel_loop3A_1318, %parallel_loop3A_1238 : i32
      %parallel_loop3A_1320 = vector.broadcast %parallel_loop3A_1319 : i32 to vector<16xi32>
      %parallel_loop3A_1321 = arith.addi %mul3A_38, %parallel_loop3A_1320 : vector<16xi32>
      %parallel_loop3A_1322 = arith.constant 1 : i32
      %parallel_loop3A_1323 = vector.broadcast %parallel_loop3A_1322 : i32 to vector<16xi32>
      %parallel_loop3A_1324 = arith.addi %parallel_loop3A_1321, %parallel_loop3A_1323 : vector<16xi32>
      %parallel_loop3A_1325 = tpu.vector_load_idx %arg13[%parallel_loop3A_1324] : memref<32768xf32, #tpu.memory_space<vmem>>[vector<16xi32>], vector<16xf32>,
      %parallel_loop3A_1326 = arith.constant 4 : i32
      %parallel_loop3A_1327 = arith.muli %parallel_loop3A_1326, %parallel_loop3A_1238 : i32
      %parallel_loop3A_1328 = vector.broadcast %parallel_loop3A_1327 : i32 to vector<16xi32>
      %parallel_loop3A_1329 = arith.addi %mul3A_38, %parallel_loop3A_1328 : vector<16xi32>
      %parallel_loop3A_1330 = arith.constant 2 : i32
      %parallel_loop3A_1331 = vector.broadcast %parallel_loop3A_1330 : i32 to vector<16xi32>
      %parallel_loop3A_1332 = arith.addi %parallel_loop3A_1329, %parallel_loop3A_1331 : vector<16xi32>
      %parallel_loop3A_1333 = tpu.vector_load_idx %arg13[%parallel_loop3A_1332] : memref<32768xf32, #tpu.memory_space<vmem>>[vector<16xi32>], vector<16xf32>,
      %parallel_loop3A_1334 = arith.constant 4 : i32
      %parallel_loop3A_1335 = arith.muli %parallel_loop3A_1334, %parallel_loop3A_1238 : i32
      %parallel_loop3A_1336 = vector.broadcast %parallel_loop3A_1335 : i32 to vector<16xi32>
      %parallel_loop3A_1337 = arith.addi %mul3A_38, %parallel_loop3A_1336 : vector<16xi32>
      %parallel_loop3A_1338 = arith.constant 3 : i32
      %parallel_loop3A_1339 = vector.broadcast %parallel_loop3A_1338 : i32 to vector<16xi32>
      %parallel_loop3A_1340 = arith.addi %parallel_loop3A_1337, %parallel_loop3A_1339 : vector<16xi32>
      %parallel_loop3A_1341 = tpu.vector_load_idx %arg13[%parallel_loop3A_1340] : memref<32768xf32, #tpu.memory_space<vmem>>[vector<16xi32>], vector<16xf32>,
      %parallel_loop3A_1342 = arith.constant 4 : i32
      %parallel_loop3A_1343 = arith.muli %parallel_loop3A_1342, %parallel_loop3A_1238 : i32
      %parallel_loop3A_1344 = vector.broadcast %parallel_loop3A_1343 : i32 to vector<16xi32>
      %parallel_loop3A_1345 = arith.addi %mul3A_38, %parallel_loop3A_1344 : vector<16xi32>
      %parallel_loop3A_1346 = tpu.vector_load_idx %arg14[%parallel_loop3A_1345] : memref<32768xf32, #tpu.memory_space<vmem>>[vector<16xi32>], vector<16xf32>,
      %parallel_loop3A_1347 = arith.constant 4 : i32
      %parallel_loop3A_1348 = arith.muli %parallel_loop3A_1347, %parallel_loop3A_1238 : i32
      %parallel_loop3A_1349 = vector.broadcast %parallel_loop3A_1348 : i32 to vector<16xi32>
      %parallel_loop3A_1350 = arith.addi %mul3A_38, %parallel_loop3A_1349 : vector<16xi32>
      %parallel_loop3A_1351 = arith.constant 1 : i32
      %parallel_loop3A_1352 = vector.broadcast %parallel_loop3A_1351 : i32 to vector<16xi32>
      %parallel_loop3A_1353 = arith.addi %parallel_loop3A_1350, %parallel_loop3A_1352 : vector<16xi32>
      %parallel_loop3A_1354 = tpu.vector_load_idx %arg14[%parallel_loop3A_1353] : memref<32768xf32, #tpu.memory_space<vmem>>[vector<16xi32>], vector<16xf32>,
      %parallel_loop3A_1355 = arith.constant 4 : i32
      %parallel_loop3A_1356 = arith.muli %parallel_loop3A_1355, %parallel_loop3A_1238 : i32
      %parallel_loop3A_1357 = vector.broadcast %parallel_loop3A_1356 : i32 to vector<16xi32>
      %parallel_loop3A_1358 = arith.addi %mul3A_38, %parallel_loop3A_1357 : vector<16xi32>
      %parallel_loop3A_1359 = arith.constant 2 : i32
      %parallel_loop3A_1360 = vector.broadcast %parallel_loop3A_1359 : i32 to vector<16xi32>
      %parallel_loop3A_1361 = arith.addi %parallel_loop3A_1358, %parallel_loop3A_1360 : vector<16xi32>
      %parallel_loop3A_1362 = tpu.vector_load_idx %arg14[%parallel_loop3A_1361] : memref<32768xf32, #tpu.memory_space<vmem>>[vector<16xi32>], vector<16xf32>,
      %parallel_loop3A_1363 = arith.constant 4 : i32
      %parallel_loop3A_1364 = arith.muli %parallel_loop3A_1363, %parallel_loop3A_1238 : i32
      %parallel_loop3A_1365 = vector.broadcast %parallel_loop3A_1364 : i32 to vector<16xi32>
      %parallel_loop3A_1366 = arith.addi %mul3A_38, %parallel_loop3A_1365 : vector<16xi32>
      %parallel_loop3A_1367 = arith.constant 3 : i32
      %parallel_loop3A_1368 = vector.broadcast %parallel_loop3A_1367 : i32 to vector<16xi32>
      %parallel_loop3A_1369 = arith.addi %parallel_loop3A_1366, %parallel_loop3A_1368 : vector<16xi32>
      %parallel_loop3A_1370 = tpu.vector_load_idx %arg14[%parallel_loop3A_1369] : memref<32768xf32, #tpu.memory_space<vmem>>[vector<16xi32>], vector<16xf32>,
      %parallel_loop3A_1371 = arith.minimumf %parallel_loop3A_1317, %parallel_loop3A_1346 : vector<16xf32>
      %parallel_loop3A_1372 = arith.minimumf %parallel_loop3A_1333, %parallel_loop3A_1362 : vector<16xf32>
      %parallel_loop3A_1373 = arith.addf %parallel_loop3A_1371, %parallel_loop3A_1372 : vector<16xf32>
      %parallel_loop3A_1374 = arith.minimumf %parallel_loop3A_1325, %parallel_loop3A_1354 : vector<16xf32>
      %parallel_loop3A_1375 = arith.minimumf %parallel_loop3A_1341, %parallel_loop3A_1370 : vector<16xf32>
      %parallel_loop3A_1376 = arith.addf %parallel_loop3A_1374, %parallel_loop3A_1375 : vector<16xf32>
      %parallel_loop3A_1377 = arith.mulf %parallel_loop3A_1373, %parallel_loop3A_1376 : vector<16xf32>
      %parallel_loop3A_1378 = arith.addf %parallel_loop3A_1346, %parallel_loop3A_1362 : vector<16xf32>
      %parallel_loop3A_1379 = arith.addf %parallel_loop3A_1354, %parallel_loop3A_1370 : vector<16xf32>
      %parallel_loop3A_1380 = arith.mulf %parallel_loop3A_1378, %parallel_loop3A_1379 : vector<16xf32>
      %parallel_loop3A_1381 = arith.addf %parallel_loop3A_1317, %parallel_loop3A_1333 : vector<16xf32>
      %parallel_loop3A_1382 = arith.addf %parallel_loop3A_1325, %parallel_loop3A_1341 : vector<16xf32>
      %parallel_loop3A_1383 = arith.mulf %parallel_loop3A_1381, %parallel_loop3A_1382 : vector<16xf32>
      %parallel_loop3A_1384 = arith.addf %parallel_loop3A_1380, %parallel_loop3A_1383 : vector<16xf32>
      %parallel_loop3A_1385 = arith.subf %parallel_loop3A_1384, %parallel_loop3A_1377 : vector<16xf32>
      %parallel_loop3A_1386 = arith.constant 1.000000e-07 : f32
      %parallel_loop3A_1387 = vector.broadcast %parallel_loop3A_1386 : f32 to vector<16xf32>
      %parallel_loop3A_1388 = arith.addf %parallel_loop3A_1385, %parallel_loop3A_1387 : vector<16xf32>
      %parallel_loop3A_1389 = arith.constant 1.000000e+00 : f32
      %parallel_loop3A_1390 = vector.broadcast %parallel_loop3A_1389 : f32 to vector<16xf32>
      %parallel_loop3A_1391 = arith.addf %parallel_loop3A_1377, %parallel_loop3A_1390 : vector<16xf32>
      %parallel_loop3A_1392 = arith.constant 1.000000e+00 : f32
      %parallel_loop3A_1393 = vector.broadcast %parallel_loop3A_1392 : f32 to vector<16xf32>
      %parallel_loop3A_1394 = arith.addf %parallel_loop3A_1388, %parallel_loop3A_1393 : vector<16xf32>
      %parallel_loop3A_1395 = arith.divf %parallel_loop3A_1391, %parallel_loop3A_1394 : vector<16xf32>
      %parallel_loop3A_1396 = arith.constant 0 : i32
      %parallel_loop3A_1397 = vector.broadcast %parallel_loop3A_1396 : i32 to vector<16xi32>
      %parallel_loop3A_1398 = arith.cmpi ne, %parallel_loop3A_1253, %parallel_loop3A_1397 : vector<16xi32>
      %parallel_loop3A_1399 = arith.constant 1.000000e+00 : f32
      %parallel_loop3A_1400 = arith.constant 0.000000e+00 : f32
      %parallel_loop3A_1401 = vector.broadcast %parallel_loop3A_1399 : f32 to vector<16xf32>
      %parallel_loop3A_1402 = vector.broadcast %parallel_loop3A_1400 : f32 to vector<16xf32>
      %parallel_loop3A_1403 = arith.select %parallel_loop3A_1398, %parallel_loop3A_1401, %parallel_loop3A_1402 : vector<16xi1>, vector<16xf32>
      %parallel_loop3A_1404 = arith.constant 1.000000e+00 : f32
      %parallel_loop3A_1405 = vector.broadcast %parallel_loop3A_1404 : f32 to vector<16xf32>
      %parallel_loop3A_1406 = arith.subf %parallel_loop3A_1405, %parallel_loop3A_1395 : vector<16xf32>
      %parallel_loop3A_1407 = arith.mulf %parallel_loop3A_1406, %parallel_loop3A_1403 : vector<16xf32>
      %parallel_loop3A_1408 = arith.addf %parallel_loop3A_1231, %parallel_loop3A_1407 : vector<16xf32>
      %parallel_loop3A_1409 = arith.addf %parallel_loop3A_1232, %parallel_loop3A_1403 : vector<16xf32>
      %parallel_loop3A_1410 = arith.constant 8 : i32
      %parallel_loop3A_1411 = arith.muli %parallel_loop3A_167, %parallel_loop3A_1410 : i32
      %parallel_loop3A_1412 = arith.constant 7 : i32
      %parallel_loop3A_1413 = arith.addi %parallel_loop3A_1411, %parallel_loop3A_1412 : i32
      %parallel_loop3A_1414 = arith.constant 16 : i32
      %parallel_loop3A_1415 = arith.muli %parallel_loop3A_1413, %parallel_loop3A_1414 : i32
      %parallel_loop3A_1416 = arith.constant 2 : i32
      %parallel_loop3A_1417 = arith.muli %parallel_loop3A_1416, %parallel_loop3A_1415 : i32
      %parallel_loop3A_1418 = vector.broadcast %parallel_loop3A_1417 : i32 to vector<16xi32>
      %parallel_loop3A_1419 = arith.addi %mul3A_35, %parallel_loop3A_1418 : vector<16xi32>
      %parallel_loop3A_1420 = tpu.vector_load_idx %arg12[%parallel_loop3A_1419] : memref<16384xf32, #tpu.memory_space<vmem>>[vector<16xi32>], vector<16xf32>,
      %parallel_loop3A_1421 = arith.constant 2 : i32
      %parallel_loop3A_1422 = arith.muli %parallel_loop3A_1421, %parallel_loop3A_1415 : i32
      %parallel_loop3A_1423 = vector.broadcast %parallel_loop3A_1422 : i32 to vector<16xi32>
      %parallel_loop3A_1424 = arith.addi %mul3A_35, %parallel_loop3A_1423 : vector<16xi32>
      %parallel_loop3A_1425 = arith.constant 1 : i32
      %parallel_loop3A_1426 = vector.broadcast %parallel_loop3A_1425 : i32 to vector<16xi32>
      %parallel_loop3A_1427 = arith.addi %parallel_loop3A_1424, %parallel_loop3A_1426 : vector<16xi32>
      %parallel_loop3A_1428 = tpu.vector_load_idx %arg12[%parallel_loop3A_1427] : memref<16384xf32, #tpu.memory_space<vmem>>[vector<16xi32>], vector<16xf32>,
      %parallel_loop3A_1429 = arith.index_cast %parallel_loop3A_1415 : i32 to index
      %parallel_loop3A_1430 = tpu.vector_load %arg15[%parallel_loop3A_1429] {strides = array<i32>} : memref<8192xi32, #tpu.memory_space<vmem>>, vector<16xi32>,
      %parallel_loop3A_1431 = arith.constant 1 : i32
      %parallel_loop3A_1432 = vector.broadcast %parallel_loop3A_1431 : i32 to vector<16xi32>
      %parallel_loop3A_1433 = arith.cmpi eq, %parallel_loop3A_1430, %parallel_loop3A_1432 : vector<16xi32>
      %parallel_loop3A_1434 = arith.subf %parallel_loop3A_1428, %parallel_loop3A_1420 : vector<16xf32>
      %parallel_loop3A_1435 = arith.subf %parallel_loop3A_1420, %parallel_loop3A_1428 : vector<16xf32>
      %parallel_loop3A_1436 = arith.select %parallel_loop3A_1433, %parallel_loop3A_1434, %parallel_loop3A_1435 : vector<16xi1>, vector<16xf32>
      %parallel_loop3A_1437 = math.absf %parallel_loop3A_1436 : vector<16xf32>
      %parallel_loop3A_1438 = arith.constant 0.000000e+00 : f32
      %parallel_loop3A_1439 = vector.broadcast %parallel_loop3A_1438 : f32 to vector<16xf32>
      %parallel_loop3A_1440 = arith.subf %parallel_loop3A_1439, %parallel_loop3A_1437 : vector<16xf32>
      %parallel_loop3A_1441 = math.exp %parallel_loop3A_1440 : vector<16xf32>
      %parallel_loop3A_1442 = arith.constant 2.000000e+00 : f32
      %parallel_loop3A_1443 = vector.broadcast %parallel_loop3A_1442 : f32 to vector<16xf32>
      %parallel_loop3A_1444 = arith.addf %parallel_loop3A_1443, %parallel_loop3A_1441 : vector<16xf32>
      %parallel_loop3A_1445 = arith.divf %parallel_loop3A_1441, %parallel_loop3A_1444 : vector<16xf32>
      %parallel_loop3A_1446 = arith.mulf %parallel_loop3A_1445, %parallel_loop3A_1445 : vector<16xf32>
      %parallel_loop3A_1447 = arith.constant 0.181818187 : f32
      %parallel_loop3A_1448 = vector.broadcast %parallel_loop3A_1447 : f32 to vector<16xf32>
      %parallel_loop3A_1449 = arith.mulf %parallel_loop3A_1446, %parallel_loop3A_1448 : vector<16xf32>
      %parallel_loop3A_1450 = arith.constant 0.222222224 : f32
      %parallel_loop3A_1451 = vector.broadcast %parallel_loop3A_1450 : f32 to vector<16xf32>
      %parallel_loop3A_1452 = arith.addf %parallel_loop3A_1451, %parallel_loop3A_1449 : vector<16xf32>
      %parallel_loop3A_1453 = arith.mulf %parallel_loop3A_1446, %parallel_loop3A_1452 : vector<16xf32>
      %parallel_loop3A_1454 = arith.constant 0.285714298 : f32
      %parallel_loop3A_1455 = vector.broadcast %parallel_loop3A_1454 : f32 to vector<16xf32>
      %parallel_loop3A_1456 = arith.addf %parallel_loop3A_1455, %parallel_loop3A_1453 : vector<16xf32>
      %parallel_loop3A_1457 = arith.mulf %parallel_loop3A_1446, %parallel_loop3A_1456 : vector<16xf32>
      %parallel_loop3A_1458 = arith.constant 4.000000e-01 : f32
      %parallel_loop3A_1459 = vector.broadcast %parallel_loop3A_1458 : f32 to vector<16xf32>
      %parallel_loop3A_1460 = arith.addf %parallel_loop3A_1459, %parallel_loop3A_1457 : vector<16xf32>
      %parallel_loop3A_1461 = arith.mulf %parallel_loop3A_1446, %parallel_loop3A_1460 : vector<16xf32>
      %parallel_loop3A_1462 = arith.constant 0.666666686 : f32
      %parallel_loop3A_1463 = vector.broadcast %parallel_loop3A_1462 : f32 to vector<16xf32>
      %parallel_loop3A_1464 = arith.addf %parallel_loop3A_1463, %parallel_loop3A_1461 : vector<16xf32>
      %parallel_loop3A_1465 = arith.mulf %parallel_loop3A_1446, %parallel_loop3A_1464 : vector<16xf32>
      %parallel_loop3A_1466 = arith.constant 2.000000e+00 : f32
      %parallel_loop3A_1467 = vector.broadcast %parallel_loop3A_1466 : f32 to vector<16xf32>
      %parallel_loop3A_1468 = arith.addf %parallel_loop3A_1467, %parallel_loop3A_1465 : vector<16xf32>
      %parallel_loop3A_1469 = arith.mulf %parallel_loop3A_1445, %parallel_loop3A_1468 : vector<16xf32>
      %parallel_loop3A_1470 = arith.constant 0.000000e+00 : f32
      %parallel_loop3A_1471 = vector.broadcast %parallel_loop3A_1470 : f32 to vector<16xf32>
      %parallel_loop3A_1472 = arith.maximumf %parallel_loop3A_1436, %parallel_loop3A_1471 : vector<16xf32>
      %parallel_loop3A_1473 = arith.addf %parallel_loop3A_1472, %parallel_loop3A_1469 : vector<16xf32>
      %parallel_loop3A_1474 = arith.constant 0.000000e+00 : f32
      %parallel_loop3A_1475 = vector.broadcast %parallel_loop3A_1474 : f32 to vector<16xf32>
      %parallel_loop3A_1476 = arith.subf %parallel_loop3A_1475, %parallel_loop3A_1473 : vector<16xf32>
      %parallel_loop3A_1477 = math.exp %parallel_loop3A_1476 : vector<16xf32>
      %parallel_loop3A_1478 = arith.constant 2.500000e-01 : f32
      %parallel_loop3A_1479 = arith.constant 7.500000e-01 : f32
      %parallel_loop3A_1480 = vector.broadcast %parallel_loop3A_1478 : f32 to vector<16xf32>
      %parallel_loop3A_1481 = vector.broadcast %parallel_loop3A_1479 : f32 to vector<16xf32>
      %parallel_loop3A_1482 = arith.select %parallel_loop3A_1433, %parallel_loop3A_1480, %parallel_loop3A_1481 : vector<16xi1>, vector<16xf32>
      %parallel_loop3A_1483 = arith.constant 1.000000e+00 : f32
      %parallel_loop3A_1484 = vector.broadcast %parallel_loop3A_1483 : f32 to vector<16xf32>
      %parallel_loop3A_1485 = arith.subf %parallel_loop3A_1484, %parallel_loop3A_1477 : vector<16xf32>
      %parallel_loop3A_1486 = arith.mulf %parallel_loop3A_1482, %parallel_loop3A_1485 : vector<16xf32>
      %parallel_loop3A_1487 = arith.mulf %parallel_loop3A_1486, %parallel_loop3A_1485 : vector<16xf32>
      %parallel_loop3A_1488 = arith.mulf %parallel_loop3A_1487, %parallel_loop3A_1473 : vector<16xf32>
      %parallel_loop3A_1489 = arith.addf %parallel_loop3A_1312, %parallel_loop3A_1488 : vector<16xf32>
      %parallel_loop3A_1490 = arith.constant 4 : i32
      %parallel_loop3A_1491 = arith.muli %parallel_loop3A_1490, %parallel_loop3A_1415 : i32
      %parallel_loop3A_1492 = vector.broadcast %parallel_loop3A_1491 : i32 to vector<16xi32>
      %parallel_loop3A_1493 = arith.addi %mul3A_38, %parallel_loop3A_1492 : vector<16xi32>
      %parallel_loop3A_1494 = tpu.vector_load_idx %arg13[%parallel_loop3A_1493] : memref<32768xf32, #tpu.memory_space<vmem>>[vector<16xi32>], vector<16xf32>,
      %parallel_loop3A_1495 = arith.constant 4 : i32
      %parallel_loop3A_1496 = arith.muli %parallel_loop3A_1495, %parallel_loop3A_1415 : i32
      %parallel_loop3A_1497 = vector.broadcast %parallel_loop3A_1496 : i32 to vector<16xi32>
      %parallel_loop3A_1498 = arith.addi %mul3A_38, %parallel_loop3A_1497 : vector<16xi32>
      %parallel_loop3A_1499 = arith.constant 1 : i32
      %parallel_loop3A_1500 = vector.broadcast %parallel_loop3A_1499 : i32 to vector<16xi32>
      %parallel_loop3A_1501 = arith.addi %parallel_loop3A_1498, %parallel_loop3A_1500 : vector<16xi32>
      %parallel_loop3A_1502 = tpu.vector_load_idx %arg13[%parallel_loop3A_1501] : memref<32768xf32, #tpu.memory_space<vmem>>[vector<16xi32>], vector<16xf32>,
      %parallel_loop3A_1503 = arith.constant 4 : i32
      %parallel_loop3A_1504 = arith.muli %parallel_loop3A_1503, %parallel_loop3A_1415 : i32
      %parallel_loop3A_1505 = vector.broadcast %parallel_loop3A_1504 : i32 to vector<16xi32>
      %parallel_loop3A_1506 = arith.addi %mul3A_38, %parallel_loop3A_1505 : vector<16xi32>
      %parallel_loop3A_1507 = arith.constant 2 : i32
      %parallel_loop3A_1508 = vector.broadcast %parallel_loop3A_1507 : i32 to vector<16xi32>
      %parallel_loop3A_1509 = arith.addi %parallel_loop3A_1506, %parallel_loop3A_1508 : vector<16xi32>
      %parallel_loop3A_1510 = tpu.vector_load_idx %arg13[%parallel_loop3A_1509] : memref<32768xf32, #tpu.memory_space<vmem>>[vector<16xi32>], vector<16xf32>,
      %parallel_loop3A_1511 = arith.constant 4 : i32
      %parallel_loop3A_1512 = arith.muli %parallel_loop3A_1511, %parallel_loop3A_1415 : i32
      %parallel_loop3A_1513 = vector.broadcast %parallel_loop3A_1512 : i32 to vector<16xi32>
      %parallel_loop3A_1514 = arith.addi %mul3A_38, %parallel_loop3A_1513 : vector<16xi32>
      %parallel_loop3A_1515 = arith.constant 3 : i32
      %parallel_loop3A_1516 = vector.broadcast %parallel_loop3A_1515 : i32 to vector<16xi32>
      %parallel_loop3A_1517 = arith.addi %parallel_loop3A_1514, %parallel_loop3A_1516 : vector<16xi32>
      %parallel_loop3A_1518 = tpu.vector_load_idx %arg13[%parallel_loop3A_1517] : memref<32768xf32, #tpu.memory_space<vmem>>[vector<16xi32>], vector<16xf32>,
      %parallel_loop3A_1519 = arith.constant 4 : i32
      %parallel_loop3A_1520 = arith.muli %parallel_loop3A_1519, %parallel_loop3A_1415 : i32
      %parallel_loop3A_1521 = vector.broadcast %parallel_loop3A_1520 : i32 to vector<16xi32>
      %parallel_loop3A_1522 = arith.addi %mul3A_38, %parallel_loop3A_1521 : vector<16xi32>
      %parallel_loop3A_1523 = tpu.vector_load_idx %arg14[%parallel_loop3A_1522] : memref<32768xf32, #tpu.memory_space<vmem>>[vector<16xi32>], vector<16xf32>,
      %parallel_loop3A_1524 = arith.constant 4 : i32
      %parallel_loop3A_1525 = arith.muli %parallel_loop3A_1524, %parallel_loop3A_1415 : i32
      %parallel_loop3A_1526 = vector.broadcast %parallel_loop3A_1525 : i32 to vector<16xi32>
      %parallel_loop3A_1527 = arith.addi %mul3A_38, %parallel_loop3A_1526 : vector<16xi32>
      %parallel_loop3A_1528 = arith.constant 1 : i32
      %parallel_loop3A_1529 = vector.broadcast %parallel_loop3A_1528 : i32 to vector<16xi32>
      %parallel_loop3A_1530 = arith.addi %parallel_loop3A_1527, %parallel_loop3A_1529 : vector<16xi32>
      %parallel_loop3A_1531 = tpu.vector_load_idx %arg14[%parallel_loop3A_1530] : memref<32768xf32, #tpu.memory_space<vmem>>[vector<16xi32>], vector<16xf32>,
      %parallel_loop3A_1532 = arith.constant 4 : i32
      %parallel_loop3A_1533 = arith.muli %parallel_loop3A_1532, %parallel_loop3A_1415 : i32
      %parallel_loop3A_1534 = vector.broadcast %parallel_loop3A_1533 : i32 to vector<16xi32>
      %parallel_loop3A_1535 = arith.addi %mul3A_38, %parallel_loop3A_1534 : vector<16xi32>
      %parallel_loop3A_1536 = arith.constant 2 : i32
      %parallel_loop3A_1537 = vector.broadcast %parallel_loop3A_1536 : i32 to vector<16xi32>
      %parallel_loop3A_1538 = arith.addi %parallel_loop3A_1535, %parallel_loop3A_1537 : vector<16xi32>
      %parallel_loop3A_1539 = tpu.vector_load_idx %arg14[%parallel_loop3A_1538] : memref<32768xf32, #tpu.memory_space<vmem>>[vector<16xi32>], vector<16xf32>,
      %parallel_loop3A_1540 = arith.constant 4 : i32
      %parallel_loop3A_1541 = arith.muli %parallel_loop3A_1540, %parallel_loop3A_1415 : i32
      %parallel_loop3A_1542 = vector.broadcast %parallel_loop3A_1541 : i32 to vector<16xi32>
      %parallel_loop3A_1543 = arith.addi %mul3A_38, %parallel_loop3A_1542 : vector<16xi32>
      %parallel_loop3A_1544 = arith.constant 3 : i32
      %parallel_loop3A_1545 = vector.broadcast %parallel_loop3A_1544 : i32 to vector<16xi32>
      %parallel_loop3A_1546 = arith.addi %parallel_loop3A_1543, %parallel_loop3A_1545 : vector<16xi32>
      %parallel_loop3A_1547 = tpu.vector_load_idx %arg14[%parallel_loop3A_1546] : memref<32768xf32, #tpu.memory_space<vmem>>[vector<16xi32>], vector<16xf32>,
      %parallel_loop3A_1548 = arith.minimumf %parallel_loop3A_1494, %parallel_loop3A_1523 : vector<16xf32>
      %parallel_loop3A_1549 = arith.minimumf %parallel_loop3A_1510, %parallel_loop3A_1539 : vector<16xf32>
      %parallel_loop3A_1550 = arith.addf %parallel_loop3A_1548, %parallel_loop3A_1549 : vector<16xf32>
      %parallel_loop3A_1551 = arith.minimumf %parallel_loop3A_1502, %parallel_loop3A_1531 : vector<16xf32>
      %parallel_loop3A_1552 = arith.minimumf %parallel_loop3A_1518, %parallel_loop3A_1547 : vector<16xf32>
      %parallel_loop3A_1553 = arith.addf %parallel_loop3A_1551, %parallel_loop3A_1552 : vector<16xf32>
      %parallel_loop3A_1554 = arith.mulf %parallel_loop3A_1550, %parallel_loop3A_1553 : vector<16xf32>
      %parallel_loop3A_1555 = arith.addf %parallel_loop3A_1523, %parallel_loop3A_1539 : vector<16xf32>
      %parallel_loop3A_1556 = arith.addf %parallel_loop3A_1531, %parallel_loop3A_1547 : vector<16xf32>
      %parallel_loop3A_1557 = arith.mulf %parallel_loop3A_1555, %parallel_loop3A_1556 : vector<16xf32>
      %parallel_loop3A_1558 = arith.addf %parallel_loop3A_1494, %parallel_loop3A_1510 : vector<16xf32>
      %parallel_loop3A_1559 = arith.addf %parallel_loop3A_1502, %parallel_loop3A_1518 : vector<16xf32>
      %parallel_loop3A_1560 = arith.mulf %parallel_loop3A_1558, %parallel_loop3A_1559 : vector<16xf32>
      %parallel_loop3A_1561 = arith.addf %parallel_loop3A_1557, %parallel_loop3A_1560 : vector<16xf32>
      %parallel_loop3A_1562 = arith.subf %parallel_loop3A_1561, %parallel_loop3A_1554 : vector<16xf32>
      %parallel_loop3A_1563 = arith.constant 1.000000e-07 : f32
      %parallel_loop3A_1564 = vector.broadcast %parallel_loop3A_1563 : f32 to vector<16xf32>
      %parallel_loop3A_1565 = arith.addf %parallel_loop3A_1562, %parallel_loop3A_1564 : vector<16xf32>
      %parallel_loop3A_1566 = arith.constant 1.000000e+00 : f32
      %parallel_loop3A_1567 = vector.broadcast %parallel_loop3A_1566 : f32 to vector<16xf32>
      %parallel_loop3A_1568 = arith.addf %parallel_loop3A_1554, %parallel_loop3A_1567 : vector<16xf32>
      %parallel_loop3A_1569 = arith.constant 1.000000e+00 : f32
      %parallel_loop3A_1570 = vector.broadcast %parallel_loop3A_1569 : f32 to vector<16xf32>
      %parallel_loop3A_1571 = arith.addf %parallel_loop3A_1565, %parallel_loop3A_1570 : vector<16xf32>
      %parallel_loop3A_1572 = arith.divf %parallel_loop3A_1568, %parallel_loop3A_1571 : vector<16xf32>
      %parallel_loop3A_1573 = arith.constant 0 : i32
      %parallel_loop3A_1574 = vector.broadcast %parallel_loop3A_1573 : i32 to vector<16xi32>
      %parallel_loop3A_1575 = arith.cmpi ne, %parallel_loop3A_1430, %parallel_loop3A_1574 : vector<16xi32>
      %parallel_loop3A_1576 = arith.constant 1.000000e+00 : f32
      %parallel_loop3A_1577 = arith.constant 0.000000e+00 : f32
      %parallel_loop3A_1578 = vector.broadcast %parallel_loop3A_1576 : f32 to vector<16xf32>
      %parallel_loop3A_1579 = vector.broadcast %parallel_loop3A_1577 : f32 to vector<16xf32>
      %parallel_loop3A_1580 = arith.select %parallel_loop3A_1575, %parallel_loop3A_1578, %parallel_loop3A_1579 : vector<16xi1>, vector<16xf32>
      %parallel_loop3A_1581 = arith.constant 1.000000e+00 : f32
      %parallel_loop3A_1582 = vector.broadcast %parallel_loop3A_1581 : f32 to vector<16xf32>
      %parallel_loop3A_1583 = arith.subf %parallel_loop3A_1582, %parallel_loop3A_1572 : vector<16xf32>
      %parallel_loop3A_1584 = arith.mulf %parallel_loop3A_1583, %parallel_loop3A_1580 : vector<16xf32>
      %parallel_loop3A_1585 = arith.addf %parallel_loop3A_1408, %parallel_loop3A_1584 : vector<16xf32>
      %parallel_loop3A_1586 = arith.addf %parallel_loop3A_1409, %parallel_loop3A_1580 : vector<16xf32>
      scf.yield %parallel_loop3A_1489, %parallel_loop3A_1585, %parallel_loop3A_1586 : vector<16xf32>, vector<16xf32>, vector<16xf32>
    } {sc.loop_unroll_factor = 1 : i64, sc.parallel_access}
    %mul3A_46 = arith.constant 4 : i32
    %mul3A_47 = arith.muli %mul3A_46, %select_n3A : i32
    %broadcast_in_dim3A_48 = vector.broadcast %mul3A_47 : i32 to vector<16xi32>
    %gather3A = tpu.vector_load_idx %arg20[%broadcast_in_dim3A_48] : memref<64xf32, #tpu.memory_space<vmem>>[vector<16xi32>], vector<16xf32>,
    %add3A_49 = arith.constant 1 : i32
    %add3A_50 = vector.broadcast %add3A_49 : i32 to vector<16xi32>
    %add3A_51 = arith.addi %broadcast_in_dim3A_48, %add3A_50 : vector<16xi32>
    %gather3A_52 = tpu.vector_load_idx %arg20[%add3A_51] : memref<64xf32, #tpu.memory_space<vmem>>[vector<16xi32>], vector<16xf32>,
    %add3A_53 = arith.constant 2 : i32
    %add3A_54 = vector.broadcast %add3A_53 : i32 to vector<16xi32>
    %add3A_55 = arith.addi %broadcast_in_dim3A_48, %add3A_54 : vector<16xi32>
    %gather3A_56 = tpu.vector_load_idx %arg20[%add3A_55] : memref<64xf32, #tpu.memory_space<vmem>>[vector<16xi32>], vector<16xf32>,
    %add3A_57 = arith.constant 3 : i32
    %add3A_58 = vector.broadcast %add3A_57 : i32 to vector<16xi32>
    %add3A_59 = arith.addi %broadcast_in_dim3A_48, %add3A_58 : vector<16xi32>
    %gather3A_60 = tpu.vector_load_idx %arg20[%add3A_59] : memref<64xf32, #tpu.memory_space<vmem>>[vector<16xi32>], vector<16xf32>,
    %sub3A_61 = arith.subf %gather3A_56, %gather3A : vector<16xf32>
    %max3A = arith.constant 0.000000e+00 : f32
    %max3A_62 = vector.broadcast %max3A : f32 to vector<16xf32>
    %max3A_63 = arith.maximumf %sub3A_61, %max3A_62 : vector<16xf32>
    %sub3A_64 = arith.subf %gather3A_60, %gather3A_52 : vector<16xf32>
    %max3A_65 = arith.constant 0.000000e+00 : f32
    %max3A_66 = vector.broadcast %max3A_65 : f32 to vector<16xf32>
    %max3A_67 = arith.maximumf %sub3A_64, %max3A_66 : vector<16xf32>
    %mul3A_68 = arith.mulf %max3A_63, %max3A_67 : vector<16xf32>
    %parallel_loop3A_69 = arith.constant 0 : i32
    %parallel_loop3A_70 = arith.constant 32 : i32
    %parallel_loop3A_71 = arith.constant 1 : i32
    %parallel_loop3A_72:7 = scf.for %parallel_loop3A_167 = %parallel_loop3A_69 to %parallel_loop3A_70 step %parallel_loop3A_71 iter_args(%parallel_loop3A_168 = %broadcast_in_dim3A_42, %parallel_loop3A_169 = %broadcast_in_dim3A_42, %parallel_loop3A_170 = %broadcast_in_dim3A_42, %parallel_loop3A_171 = %broadcast_in_dim3A_42, %parallel_loop3A_172 = %broadcast_in_dim3A_42, %parallel_loop3A_173 = %broadcast_in_dim3A_42, %parallel_loop3A_174 = %broadcast_in_dim3A_42) -> (vector<16xf32>, vector<16xf32>, vector<16xf32>, vector<16xf32>, vector<16xf32>, vector<16xf32>, vector<16xf32>)  : i32 {
      %parallel_loop3A_175 = arith.constant 16 : i32
      %parallel_loop3A_176 = arith.muli %parallel_loop3A_167, %parallel_loop3A_175 : i32
      %parallel_loop3A_177 = arith.constant 4 : i32
      %parallel_loop3A_178 = arith.muli %parallel_loop3A_177, %parallel_loop3A_176 : i32
      %parallel_loop3A_179 = vector.broadcast %parallel_loop3A_178 : i32 to vector<16xi32>
      %parallel_loop3A_180 = arith.addi %mul3A_38, %parallel_loop3A_179 : vector<16xi32>
      %parallel_loop3A_181 = tpu.vector_load_idx %arg19[%parallel_loop3A_180] : memref<2048xf32, #tpu.memory_space<vmem>>[vector<16xi32>], vector<16xf32>,
      %parallel_loop3A_182 = arith.constant 4 : i32
      %parallel_loop3A_183 = arith.muli %parallel_loop3A_182, %parallel_loop3A_176 : i32
      %parallel_loop3A_184 = vector.broadcast %parallel_loop3A_183 : i32 to vector<16xi32>
      %parallel_loop3A_185 = arith.addi %mul3A_38, %parallel_loop3A_184 : vector<16xi32>
      %parallel_loop3A_186 = arith.constant 1 : i32
      %parallel_loop3A_187 = vector.broadcast %parallel_loop3A_186 : i32 to vector<16xi32>
      %parallel_loop3A_188 = arith.addi %parallel_loop3A_185, %parallel_loop3A_187 : vector<16xi32>
      %parallel_loop3A_189 = tpu.vector_load_idx %arg19[%parallel_loop3A_188] : memref<2048xf32, #tpu.memory_space<vmem>>[vector<16xi32>], vector<16xf32>,
      %parallel_loop3A_190 = arith.constant 4 : i32
      %parallel_loop3A_191 = arith.muli %parallel_loop3A_190, %parallel_loop3A_176 : i32
      %parallel_loop3A_192 = vector.broadcast %parallel_loop3A_191 : i32 to vector<16xi32>
      %parallel_loop3A_193 = arith.addi %mul3A_38, %parallel_loop3A_192 : vector<16xi32>
      %parallel_loop3A_194 = arith.constant 2 : i32
      %parallel_loop3A_195 = vector.broadcast %parallel_loop3A_194 : i32 to vector<16xi32>
      %parallel_loop3A_196 = arith.addi %parallel_loop3A_193, %parallel_loop3A_195 : vector<16xi32>
      %parallel_loop3A_197 = tpu.vector_load_idx %arg19[%parallel_loop3A_196] : memref<2048xf32, #tpu.memory_space<vmem>>[vector<16xi32>], vector<16xf32>,
      %parallel_loop3A_198 = arith.constant 4 : i32
      %parallel_loop3A_199 = arith.muli %parallel_loop3A_198, %parallel_loop3A_176 : i32
      %parallel_loop3A_200 = vector.broadcast %parallel_loop3A_199 : i32 to vector<16xi32>
      %parallel_loop3A_201 = arith.addi %mul3A_38, %parallel_loop3A_200 : vector<16xi32>
      %parallel_loop3A_202 = arith.constant 3 : i32
      %parallel_loop3A_203 = vector.broadcast %parallel_loop3A_202 : i32 to vector<16xi32>
      %parallel_loop3A_204 = arith.addi %parallel_loop3A_201, %parallel_loop3A_203 : vector<16xi32>
      %parallel_loop3A_205 = tpu.vector_load_idx %arg19[%parallel_loop3A_204] : memref<2048xf32, #tpu.memory_space<vmem>>[vector<16xi32>], vector<16xf32>,
      %parallel_loop3A_206 = arith.minimumf %gather3A_56, %parallel_loop3A_197 : vector<16xf32>
      %parallel_loop3A_207 = arith.maximumf %gather3A, %parallel_loop3A_181 : vector<16xf32>
      %parallel_loop3A_208 = arith.subf %parallel_loop3A_206, %parallel_loop3A_207 : vector<16xf32>
      %parallel_loop3A_209 = arith.constant 0.000000e+00 : f32
      %parallel_loop3A_210 = vector.broadcast %parallel_loop3A_209 : f32 to vector<16xf32>
      %parallel_loop3A_211 = arith.maximumf %parallel_loop3A_208, %parallel_loop3A_210 : vector<16xf32>
      %parallel_loop3A_212 = arith.minimumf %gather3A_60, %parallel_loop3A_205 : vector<16xf32>
      %parallel_loop3A_213 = arith.maximumf %gather3A_52, %parallel_loop3A_189 : vector<16xf32>
      %parallel_loop3A_214 = arith.subf %parallel_loop3A_212, %parallel_loop3A_213 : vector<16xf32>
      %parallel_loop3A_215 = arith.constant 0.000000e+00 : f32
      %parallel_loop3A_216 = vector.broadcast %parallel_loop3A_215 : f32 to vector<16xf32>
      %parallel_loop3A_217 = arith.maximumf %parallel_loop3A_214, %parallel_loop3A_216 : vector<16xf32>
      %parallel_loop3A_218 = arith.mulf %parallel_loop3A_211, %parallel_loop3A_217 : vector<16xf32>
      %parallel_loop3A_219 = arith.subf %parallel_loop3A_197, %parallel_loop3A_181 : vector<16xf32>
      %parallel_loop3A_220 = arith.constant 0.000000e+00 : f32
      %parallel_loop3A_221 = vector.broadcast %parallel_loop3A_220 : f32 to vector<16xf32>
      %parallel_loop3A_222 = arith.maximumf %parallel_loop3A_219, %parallel_loop3A_221 : vector<16xf32>
      %parallel_loop3A_223 = arith.subf %parallel_loop3A_205, %parallel_loop3A_189 : vector<16xf32>
      %parallel_loop3A_224 = arith.constant 0.000000e+00 : f32
      %parallel_loop3A_225 = vector.broadcast %parallel_loop3A_224 : f32 to vector<16xf32>
      %parallel_loop3A_226 = arith.maximumf %parallel_loop3A_223, %parallel_loop3A_225 : vector<16xf32>
      %parallel_loop3A_227 = arith.mulf %parallel_loop3A_222, %parallel_loop3A_226 : vector<16xf32>
      %parallel_loop3A_228 = arith.addf %mul3A_68, %parallel_loop3A_227 : vector<16xf32>
      %parallel_loop3A_229 = arith.subf %parallel_loop3A_228, %parallel_loop3A_218 : vector<16xf32>
      %parallel_loop3A_230 = arith.constant 1.000000e-07 : f32
      %parallel_loop3A_231 = vector.broadcast %parallel_loop3A_230 : f32 to vector<16xf32>
      %parallel_loop3A_232 = arith.addf %parallel_loop3A_229, %parallel_loop3A_231 : vector<16xf32>
      %parallel_loop3A_233 = arith.constant 9.99999996E-13 : f32
      %parallel_loop3A_234 = vector.broadcast %parallel_loop3A_233 : f32 to vector<16xf32>
      %parallel_loop3A_235 = arith.maximumf %parallel_loop3A_232, %parallel_loop3A_234 : vector<16xf32>
      %parallel_loop3A_236 = arith.divf %parallel_loop3A_218, %parallel_loop3A_235 : vector<16xf32>
      %parallel_loop3A_237 = arith.constant 5.000000e-02 : f32
      %parallel_loop3A_238 = vector.broadcast %parallel_loop3A_237 : f32 to vector<16xf32>
      %parallel_loop3A_239 = arith.cmpf oge, %parallel_loop3A_236, %parallel_loop3A_238 : vector<16xf32>
      %parallel_loop3A_240 = arith.constant 1.000000e+00 : f32
      %parallel_loop3A_241 = arith.constant 0.000000e+00 : f32
      %parallel_loop3A_242 = vector.broadcast %parallel_loop3A_240 : f32 to vector<16xf32>
      %parallel_loop3A_243 = vector.broadcast %parallel_loop3A_241 : f32 to vector<16xf32>
      %parallel_loop3A_244 = arith.select %parallel_loop3A_239, %parallel_loop3A_242, %parallel_loop3A_243 : vector<16xi1>, vector<16xf32>
      %parallel_loop3A_245 = arith.constant 2.000000e-02 : f32
      %parallel_loop3A_246 = vector.broadcast %parallel_loop3A_245 : f32 to vector<16xf32>
      %parallel_loop3A_247 = arith.cmpf olt, %parallel_loop3A_236, %parallel_loop3A_246 : vector<16xf32>
      %parallel_loop3A_248 = arith.constant 1.000000e+00 : f32
      %parallel_loop3A_249 = arith.constant 0.000000e+00 : f32
      %parallel_loop3A_250 = vector.broadcast %parallel_loop3A_248 : f32 to vector<16xf32>
      %parallel_loop3A_251 = vector.broadcast %parallel_loop3A_249 : f32 to vector<16xf32>
      %parallel_loop3A_252 = arith.select %parallel_loop3A_247, %parallel_loop3A_250, %parallel_loop3A_251 : vector<16xi1>, vector<16xf32>
      %parallel_loop3A_253 = arith.addf %parallel_loop3A_168, %parallel_loop3A_244 : vector<16xf32>
      %parallel_loop3A_254 = arith.addf %parallel_loop3A_169, %parallel_loop3A_252 : vector<16xf32>
      %parallel_loop3A_255 = arith.index_cast %parallel_loop3A_176 : i32 to index
      %parallel_loop3A_256 = tpu.vector_load %arg17[%parallel_loop3A_255] {strides = array<i32>} : memref<512xf32, #tpu.memory_space<vmem>>, vector<16xf32>,
      %parallel_loop3A_257 = math.absf %parallel_loop3A_256 : vector<16xf32>
      %parallel_loop3A_258 = arith.constant 0.000000e+00 : f32
      %parallel_loop3A_259 = vector.broadcast %parallel_loop3A_258 : f32 to vector<16xf32>
      %parallel_loop3A_260 = arith.subf %parallel_loop3A_259, %parallel_loop3A_257 : vector<16xf32>
      %parallel_loop3A_261 = math.exp %parallel_loop3A_260 : vector<16xf32>
      %parallel_loop3A_262 = arith.constant 2.000000e+00 : f32
      %parallel_loop3A_263 = vector.broadcast %parallel_loop3A_262 : f32 to vector<16xf32>
      %parallel_loop3A_264 = arith.addf %parallel_loop3A_263, %parallel_loop3A_261 : vector<16xf32>
      %parallel_loop3A_265 = arith.divf %parallel_loop3A_261, %parallel_loop3A_264 : vector<16xf32>
      %parallel_loop3A_266 = arith.mulf %parallel_loop3A_265, %parallel_loop3A_265 : vector<16xf32>
      %parallel_loop3A_267 = arith.constant 0.181818187 : f32
      %parallel_loop3A_268 = vector.broadcast %parallel_loop3A_267 : f32 to vector<16xf32>
      %parallel_loop3A_269 = arith.mulf %parallel_loop3A_266, %parallel_loop3A_268 : vector<16xf32>
      %parallel_loop3A_270 = arith.constant 0.222222224 : f32
      %parallel_loop3A_271 = vector.broadcast %parallel_loop3A_270 : f32 to vector<16xf32>
      %parallel_loop3A_272 = arith.addf %parallel_loop3A_271, %parallel_loop3A_269 : vector<16xf32>
      %parallel_loop3A_273 = arith.mulf %parallel_loop3A_266, %parallel_loop3A_272 : vector<16xf32>
      %parallel_loop3A_274 = arith.constant 0.285714298 : f32
      %parallel_loop3A_275 = vector.broadcast %parallel_loop3A_274 : f32 to vector<16xf32>
      %parallel_loop3A_276 = arith.addf %parallel_loop3A_275, %parallel_loop3A_273 : vector<16xf32>
      %parallel_loop3A_277 = arith.mulf %parallel_loop3A_266, %parallel_loop3A_276 : vector<16xf32>
      %parallel_loop3A_278 = arith.constant 4.000000e-01 : f32
      %parallel_loop3A_279 = vector.broadcast %parallel_loop3A_278 : f32 to vector<16xf32>
      %parallel_loop3A_280 = arith.addf %parallel_loop3A_279, %parallel_loop3A_277 : vector<16xf32>
      %parallel_loop3A_281 = arith.mulf %parallel_loop3A_266, %parallel_loop3A_280 : vector<16xf32>
      %parallel_loop3A_282 = arith.constant 0.666666686 : f32
      %parallel_loop3A_283 = vector.broadcast %parallel_loop3A_282 : f32 to vector<16xf32>
      %parallel_loop3A_284 = arith.addf %parallel_loop3A_283, %parallel_loop3A_281 : vector<16xf32>
      %parallel_loop3A_285 = arith.mulf %parallel_loop3A_266, %parallel_loop3A_284 : vector<16xf32>
      %parallel_loop3A_286 = arith.constant 2.000000e+00 : f32
      %parallel_loop3A_287 = vector.broadcast %parallel_loop3A_286 : f32 to vector<16xf32>
      %parallel_loop3A_288 = arith.addf %parallel_loop3A_287, %parallel_loop3A_285 : vector<16xf32>
      %parallel_loop3A_289 = arith.mulf %parallel_loop3A_265, %parallel_loop3A_288 : vector<16xf32>
      %parallel_loop3A_290 = arith.constant 0.000000e+00 : f32
      %parallel_loop3A_291 = vector.broadcast %parallel_loop3A_290 : f32 to vector<16xf32>
      %parallel_loop3A_292 = arith.maximumf %parallel_loop3A_256, %parallel_loop3A_291 : vector<16xf32>
      %parallel_loop3A_293 = arith.addf %parallel_loop3A_292, %parallel_loop3A_289 : vector<16xf32>
      %parallel_loop3A_294 = arith.mulf %parallel_loop3A_256, %parallel_loop3A_236 : vector<16xf32>
      %parallel_loop3A_295 = arith.subf %parallel_loop3A_293, %parallel_loop3A_294 : vector<16xf32>
      %parallel_loop3A_296 = arith.mulf %parallel_loop3A_295, %parallel_loop3A_244 : vector<16xf32>
      %parallel_loop3A_297 = arith.addf %parallel_loop3A_170, %parallel_loop3A_296 : vector<16xf32>
      %parallel_loop3A_298 = arith.constant 8 : i32
      %parallel_loop3A_299 = arith.muli %parallel_loop3A_298, %parallel_loop3A_176 : i32
      %parallel_loop3A_300 = vector.broadcast %parallel_loop3A_299 : i32 to vector<16xi32>
      %parallel_loop3A_301 = arith.addi %mul3A_41, %parallel_loop3A_300 : vector<16xi32>
      %parallel_loop3A_302 = tpu.vector_load_idx %arg16[%parallel_loop3A_301] : memref<4096xf32, #tpu.memory_space<vmem>>[vector<16xi32>], vector<16xf32>,
      %parallel_loop3A_303 = arith.constant 8 : i32
      %parallel_loop3A_304 = arith.muli %parallel_loop3A_303, %parallel_loop3A_176 : i32
      %parallel_loop3A_305 = vector.broadcast %parallel_loop3A_304 : i32 to vector<16xi32>
      %parallel_loop3A_306 = arith.addi %mul3A_41, %parallel_loop3A_305 : vector<16xi32>
      %parallel_loop3A_307 = arith.constant 1 : i32
      %parallel_loop3A_308 = vector.broadcast %parallel_loop3A_307 : i32 to vector<16xi32>
      %parallel_loop3A_309 = arith.addi %parallel_loop3A_306, %parallel_loop3A_308 : vector<16xi32>
      %parallel_loop3A_310 = tpu.vector_load_idx %arg16[%parallel_loop3A_309] : memref<4096xf32, #tpu.memory_space<vmem>>[vector<16xi32>], vector<16xf32>,
      %parallel_loop3A_311 = arith.subf %parallel_loop3A_310, %parallel_loop3A_302 : vector<16xf32>
      %parallel_loop3A_312 = math.absf %parallel_loop3A_311 : vector<16xf32>
      %parallel_loop3A_313 = arith.constant 0.000000e+00 : f32
      %parallel_loop3A_314 = vector.broadcast %parallel_loop3A_313 : f32 to vector<16xf32>
      %parallel_loop3A_315 = arith.subf %parallel_loop3A_314, %parallel_loop3A_312 : vector<16xf32>
      %parallel_loop3A_316 = math.exp %parallel_loop3A_315 : vector<16xf32>
      %parallel_loop3A_317 = arith.constant 2.000000e+00 : f32
      %parallel_loop3A_318 = vector.broadcast %parallel_loop3A_317 : f32 to vector<16xf32>
      %parallel_loop3A_319 = arith.addf %parallel_loop3A_318, %parallel_loop3A_316 : vector<16xf32>
      %parallel_loop3A_320 = arith.divf %parallel_loop3A_316, %parallel_loop3A_319 : vector<16xf32>
      %parallel_loop3A_321 = arith.mulf %parallel_loop3A_320, %parallel_loop3A_320 : vector<16xf32>
      %parallel_loop3A_322 = arith.constant 0.181818187 : f32
      %parallel_loop3A_323 = vector.broadcast %parallel_loop3A_322 : f32 to vector<16xf32>
      %parallel_loop3A_324 = arith.mulf %parallel_loop3A_321, %parallel_loop3A_323 : vector<16xf32>
      %parallel_loop3A_325 = arith.constant 0.222222224 : f32
      %parallel_loop3A_326 = vector.broadcast %parallel_loop3A_325 : f32 to vector<16xf32>
      %parallel_loop3A_327 = arith.addf %parallel_loop3A_326, %parallel_loop3A_324 : vector<16xf32>
      %parallel_loop3A_328 = arith.mulf %parallel_loop3A_321, %parallel_loop3A_327 : vector<16xf32>
      %parallel_loop3A_329 = arith.constant 0.285714298 : f32
      %parallel_loop3A_330 = vector.broadcast %parallel_loop3A_329 : f32 to vector<16xf32>
      %parallel_loop3A_331 = arith.addf %parallel_loop3A_330, %parallel_loop3A_328 : vector<16xf32>
      %parallel_loop3A_332 = arith.mulf %parallel_loop3A_321, %parallel_loop3A_331 : vector<16xf32>
      %parallel_loop3A_333 = arith.constant 4.000000e-01 : f32
      %parallel_loop3A_334 = vector.broadcast %parallel_loop3A_333 : f32 to vector<16xf32>
      %parallel_loop3A_335 = arith.addf %parallel_loop3A_334, %parallel_loop3A_332 : vector<16xf32>
      %parallel_loop3A_336 = arith.mulf %parallel_loop3A_321, %parallel_loop3A_335 : vector<16xf32>
      %parallel_loop3A_337 = arith.constant 0.666666686 : f32
      %parallel_loop3A_338 = vector.broadcast %parallel_loop3A_337 : f32 to vector<16xf32>
      %parallel_loop3A_339 = arith.addf %parallel_loop3A_338, %parallel_loop3A_336 : vector<16xf32>
      %parallel_loop3A_340 = arith.mulf %parallel_loop3A_321, %parallel_loop3A_339 : vector<16xf32>
      %parallel_loop3A_341 = arith.constant 2.000000e+00 : f32
      %parallel_loop3A_342 = vector.broadcast %parallel_loop3A_341 : f32 to vector<16xf32>
      %parallel_loop3A_343 = arith.addf %parallel_loop3A_342, %parallel_loop3A_340 : vector<16xf32>
      %parallel_loop3A_344 = arith.mulf %parallel_loop3A_320, %parallel_loop3A_343 : vector<16xf32>
      %parallel_loop3A_345 = arith.constant 0.000000e+00 : f32
      %parallel_loop3A_346 = vector.broadcast %parallel_loop3A_345 : f32 to vector<16xf32>
      %parallel_loop3A_347 = arith.maximumf %parallel_loop3A_311, %parallel_loop3A_346 : vector<16xf32>
      %parallel_loop3A_348 = arith.addf %parallel_loop3A_347, %parallel_loop3A_344 : vector<16xf32>
      %parallel_loop3A_349 = arith.mulf %parallel_loop3A_348, %parallel_loop3A_244 : vector<16xf32>
      %parallel_loop3A_350 = arith.addf %parallel_loop3A_171, %parallel_loop3A_349 : vector<16xf32>
      %parallel_loop3A_351 = arith.subf %parallel_loop3A_302, %parallel_loop3A_310 : vector<16xf32>
      %parallel_loop3A_352 = math.absf %parallel_loop3A_351 : vector<16xf32>
      %parallel_loop3A_353 = arith.constant 0.000000e+00 : f32
      %parallel_loop3A_354 = vector.broadcast %parallel_loop3A_353 : f32 to vector<16xf32>
      %parallel_loop3A_355 = arith.subf %parallel_loop3A_354, %parallel_loop3A_352 : vector<16xf32>
      %parallel_loop3A_356 = math.exp %parallel_loop3A_355 : vector<16xf32>
      %parallel_loop3A_357 = arith.constant 2.000000e+00 : f32
      %parallel_loop3A_358 = vector.broadcast %parallel_loop3A_357 : f32 to vector<16xf32>
      %parallel_loop3A_359 = arith.addf %parallel_loop3A_358, %parallel_loop3A_356 : vector<16xf32>
      %parallel_loop3A_360 = arith.divf %parallel_loop3A_356, %parallel_loop3A_359 : vector<16xf32>
      %parallel_loop3A_361 = arith.mulf %parallel_loop3A_360, %parallel_loop3A_360 : vector<16xf32>
      %parallel_loop3A_362 = arith.constant 0.181818187 : f32
      %parallel_loop3A_363 = vector.broadcast %parallel_loop3A_362 : f32 to vector<16xf32>
      %parallel_loop3A_364 = arith.mulf %parallel_loop3A_361, %parallel_loop3A_363 : vector<16xf32>
      %parallel_loop3A_365 = arith.constant 0.222222224 : f32
      %parallel_loop3A_366 = vector.broadcast %parallel_loop3A_365 : f32 to vector<16xf32>
      %parallel_loop3A_367 = arith.addf %parallel_loop3A_366, %parallel_loop3A_364 : vector<16xf32>
      %parallel_loop3A_368 = arith.mulf %parallel_loop3A_361, %parallel_loop3A_367 : vector<16xf32>
      %parallel_loop3A_369 = arith.constant 0.285714298 : f32
      %parallel_loop3A_370 = vector.broadcast %parallel_loop3A_369 : f32 to vector<16xf32>
      %parallel_loop3A_371 = arith.addf %parallel_loop3A_370, %parallel_loop3A_368 : vector<16xf32>
      %parallel_loop3A_372 = arith.mulf %parallel_loop3A_361, %parallel_loop3A_371 : vector<16xf32>
      %parallel_loop3A_373 = arith.constant 4.000000e-01 : f32
      %parallel_loop3A_374 = vector.broadcast %parallel_loop3A_373 : f32 to vector<16xf32>
      %parallel_loop3A_375 = arith.addf %parallel_loop3A_374, %parallel_loop3A_372 : vector<16xf32>
      %parallel_loop3A_376 = arith.mulf %parallel_loop3A_361, %parallel_loop3A_375 : vector<16xf32>
      %parallel_loop3A_377 = arith.constant 0.666666686 : f32
      %parallel_loop3A_378 = vector.broadcast %parallel_loop3A_377 : f32 to vector<16xf32>
      %parallel_loop3A_379 = arith.addf %parallel_loop3A_378, %parallel_loop3A_376 : vector<16xf32>
      %parallel_loop3A_380 = arith.mulf %parallel_loop3A_361, %parallel_loop3A_379 : vector<16xf32>
      %parallel_loop3A_381 = arith.constant 2.000000e+00 : f32
      %parallel_loop3A_382 = vector.broadcast %parallel_loop3A_381 : f32 to vector<16xf32>
      %parallel_loop3A_383 = arith.addf %parallel_loop3A_382, %parallel_loop3A_380 : vector<16xf32>
      %parallel_loop3A_384 = arith.mulf %parallel_loop3A_360, %parallel_loop3A_383 : vector<16xf32>
      %parallel_loop3A_385 = arith.constant 0.000000e+00 : f32
      %parallel_loop3A_386 = vector.broadcast %parallel_loop3A_385 : f32 to vector<16xf32>
      %parallel_loop3A_387 = arith.maximumf %parallel_loop3A_351, %parallel_loop3A_386 : vector<16xf32>
      %parallel_loop3A_388 = arith.addf %parallel_loop3A_387, %parallel_loop3A_384 : vector<16xf32>
      %parallel_loop3A_389 = arith.mulf %parallel_loop3A_388, %parallel_loop3A_252 : vector<16xf32>
      %parallel_loop3A_390 = arith.addf %parallel_loop3A_172, %parallel_loop3A_389 : vector<16xf32>
      %parallel_loop3A_391 = arith.constant 8 : i32
      %parallel_loop3A_392 = arith.muli %parallel_loop3A_391, %parallel_loop3A_176 : i32
      %parallel_loop3A_393 = vector.broadcast %parallel_loop3A_392 : i32 to vector<16xi32>
      %parallel_loop3A_394 = arith.addi %mul3A_41, %parallel_loop3A_393 : vector<16xi32>
      %parallel_loop3A_395 = arith.constant 2 : i32
      %parallel_loop3A_396 = vector.broadcast %parallel_loop3A_395 : i32 to vector<16xi32>
      %parallel_loop3A_397 = arith.addi %parallel_loop3A_394, %parallel_loop3A_396 : vector<16xi32>
      %parallel_loop3A_398 = tpu.vector_load_idx %arg16[%parallel_loop3A_397] : memref<4096xf32, #tpu.memory_space<vmem>>[vector<16xi32>], vector<16xf32>,
      %parallel_loop3A_399 = arith.constant 8 : i32
      %parallel_loop3A_400 = arith.muli %parallel_loop3A_399, %parallel_loop3A_176 : i32
      %parallel_loop3A_401 = vector.broadcast %parallel_loop3A_400 : i32 to vector<16xi32>
      %parallel_loop3A_402 = arith.addi %mul3A_41, %parallel_loop3A_401 : vector<16xi32>
      %parallel_loop3A_403 = arith.constant 3 : i32
      %parallel_loop3A_404 = vector.broadcast %parallel_loop3A_403 : i32 to vector<16xi32>
      %parallel_loop3A_405 = arith.addi %parallel_loop3A_402, %parallel_loop3A_404 : vector<16xi32>
      %parallel_loop3A_406 = tpu.vector_load_idx %arg16[%parallel_loop3A_405] : memref<4096xf32, #tpu.memory_space<vmem>>[vector<16xi32>], vector<16xf32>,
      %parallel_loop3A_407 = arith.constant 8 : i32
      %parallel_loop3A_408 = arith.muli %parallel_loop3A_407, %parallel_loop3A_176 : i32
      %parallel_loop3A_409 = vector.broadcast %parallel_loop3A_408 : i32 to vector<16xi32>
      %parallel_loop3A_410 = arith.addi %mul3A_41, %parallel_loop3A_409 : vector<16xi32>
      %parallel_loop3A_411 = arith.constant 4 : i32
      %parallel_loop3A_412 = vector.broadcast %parallel_loop3A_411 : i32 to vector<16xi32>
      %parallel_loop3A_413 = arith.addi %parallel_loop3A_410, %parallel_loop3A_412 : vector<16xi32>
      %parallel_loop3A_414 = tpu.vector_load_idx %arg16[%parallel_loop3A_413] : memref<4096xf32, #tpu.memory_space<vmem>>[vector<16xi32>], vector<16xf32>,
      %parallel_loop3A_415 = arith.constant 8 : i32
      %parallel_loop3A_416 = arith.muli %parallel_loop3A_415, %parallel_loop3A_176 : i32
      %parallel_loop3A_417 = vector.broadcast %parallel_loop3A_416 : i32 to vector<16xi32>
      %parallel_loop3A_418 = arith.addi %mul3A_41, %parallel_loop3A_417 : vector<16xi32>
      %parallel_loop3A_419 = arith.constant 5 : i32
      %parallel_loop3A_420 = vector.broadcast %parallel_loop3A_419 : i32 to vector<16xi32>
      %parallel_loop3A_421 = arith.addi %parallel_loop3A_418, %parallel_loop3A_420 : vector<16xi32>
      %parallel_loop3A_422 = tpu.vector_load_idx %arg16[%parallel_loop3A_421] : memref<4096xf32, #tpu.memory_space<vmem>>[vector<16xi32>], vector<16xf32>,
      %parallel_loop3A_423 = arith.constant 8 : i32
      %parallel_loop3A_424 = arith.muli %parallel_loop3A_423, %parallel_loop3A_176 : i32
      %parallel_loop3A_425 = vector.broadcast %parallel_loop3A_424 : i32 to vector<16xi32>
      %parallel_loop3A_426 = arith.addi %mul3A_41, %parallel_loop3A_425 : vector<16xi32>
      %parallel_loop3A_427 = arith.constant 6 : i32
      %parallel_loop3A_428 = vector.broadcast %parallel_loop3A_427 : i32 to vector<16xi32>
      %parallel_loop3A_429 = arith.addi %parallel_loop3A_426, %parallel_loop3A_428 : vector<16xi32>
      %parallel_loop3A_430 = tpu.vector_load_idx %arg16[%parallel_loop3A_429] : memref<4096xf32, #tpu.memory_space<vmem>>[vector<16xi32>], vector<16xf32>,
      %parallel_loop3A_431 = arith.constant 8 : i32
      %parallel_loop3A_432 = arith.muli %parallel_loop3A_431, %parallel_loop3A_176 : i32
      %parallel_loop3A_433 = vector.broadcast %parallel_loop3A_432 : i32 to vector<16xi32>
      %parallel_loop3A_434 = arith.addi %mul3A_41, %parallel_loop3A_433 : vector<16xi32>
      %parallel_loop3A_435 = arith.constant 7 : i32
      %parallel_loop3A_436 = vector.broadcast %parallel_loop3A_435 : i32 to vector<16xi32>
      %parallel_loop3A_437 = arith.addi %parallel_loop3A_434, %parallel_loop3A_436 : vector<16xi32>
      %parallel_loop3A_438 = tpu.vector_load_idx %arg16[%parallel_loop3A_437] : memref<4096xf32, #tpu.memory_space<vmem>>[vector<16xi32>], vector<16xf32>,
      %parallel_loop3A_439 = arith.subf %parallel_loop3A_398, %parallel_loop3A_406 : vector<16xf32>
      %parallel_loop3A_440 = math.absf %parallel_loop3A_439 : vector<16xf32>
      %parallel_loop3A_441 = arith.constant 0.000000e+00 : f32
      %parallel_loop3A_442 = vector.broadcast %parallel_loop3A_441 : f32 to vector<16xf32>
      %parallel_loop3A_443 = arith.subf %parallel_loop3A_442, %parallel_loop3A_440 : vector<16xf32>
      %parallel_loop3A_444 = math.exp %parallel_loop3A_443 : vector<16xf32>
      %parallel_loop3A_445 = arith.constant 2.000000e+00 : f32
      %parallel_loop3A_446 = vector.broadcast %parallel_loop3A_445 : f32 to vector<16xf32>
      %parallel_loop3A_447 = arith.addf %parallel_loop3A_446, %parallel_loop3A_444 : vector<16xf32>
      %parallel_loop3A_448 = arith.divf %parallel_loop3A_444, %parallel_loop3A_447 : vector<16xf32>
      %parallel_loop3A_449 = arith.mulf %parallel_loop3A_448, %parallel_loop3A_448 : vector<16xf32>
      %parallel_loop3A_450 = arith.constant 0.181818187 : f32
      %parallel_loop3A_451 = vector.broadcast %parallel_loop3A_450 : f32 to vector<16xf32>
      %parallel_loop3A_452 = arith.mulf %parallel_loop3A_449, %parallel_loop3A_451 : vector<16xf32>
      %parallel_loop3A_453 = arith.constant 0.222222224 : f32
      %parallel_loop3A_454 = vector.broadcast %parallel_loop3A_453 : f32 to vector<16xf32>
      %parallel_loop3A_455 = arith.addf %parallel_loop3A_454, %parallel_loop3A_452 : vector<16xf32>
      %parallel_loop3A_456 = arith.mulf %parallel_loop3A_449, %parallel_loop3A_455 : vector<16xf32>
      %parallel_loop3A_457 = arith.constant 0.285714298 : f32
      %parallel_loop3A_458 = vector.broadcast %parallel_loop3A_457 : f32 to vector<16xf32>
      %parallel_loop3A_459 = arith.addf %parallel_loop3A_458, %parallel_loop3A_456 : vector<16xf32>
      %parallel_loop3A_460 = arith.mulf %parallel_loop3A_449, %parallel_loop3A_459 : vector<16xf32>
      %parallel_loop3A_461 = arith.constant 4.000000e-01 : f32
      %parallel_loop3A_462 = vector.broadcast %parallel_loop3A_461 : f32 to vector<16xf32>
      %parallel_loop3A_463 = arith.addf %parallel_loop3A_462, %parallel_loop3A_460 : vector<16xf32>
      %parallel_loop3A_464 = arith.mulf %parallel_loop3A_449, %parallel_loop3A_463 : vector<16xf32>
      %parallel_loop3A_465 = arith.constant 0.666666686 : f32
      %parallel_loop3A_466 = vector.broadcast %parallel_loop3A_465 : f32 to vector<16xf32>
      %parallel_loop3A_467 = arith.addf %parallel_loop3A_466, %parallel_loop3A_464 : vector<16xf32>
      %parallel_loop3A_468 = arith.mulf %parallel_loop3A_449, %parallel_loop3A_467 : vector<16xf32>
      %parallel_loop3A_469 = arith.constant 2.000000e+00 : f32
      %parallel_loop3A_470 = vector.broadcast %parallel_loop3A_469 : f32 to vector<16xf32>
      %parallel_loop3A_471 = arith.addf %parallel_loop3A_470, %parallel_loop3A_468 : vector<16xf32>
      %parallel_loop3A_472 = arith.mulf %parallel_loop3A_448, %parallel_loop3A_471 : vector<16xf32>
      %parallel_loop3A_473 = arith.constant 0.000000e+00 : f32
      %parallel_loop3A_474 = vector.broadcast %parallel_loop3A_473 : f32 to vector<16xf32>
      %parallel_loop3A_475 = arith.maximumf %parallel_loop3A_439, %parallel_loop3A_474 : vector<16xf32>
      %parallel_loop3A_476 = arith.addf %parallel_loop3A_475, %parallel_loop3A_472 : vector<16xf32>
      %parallel_loop3A_477 = arith.subf %parallel_loop3A_414, %parallel_loop3A_422 : vector<16xf32>
      %parallel_loop3A_478 = math.absf %parallel_loop3A_477 : vector<16xf32>
      %parallel_loop3A_479 = arith.constant 0.000000e+00 : f32
      %parallel_loop3A_480 = vector.broadcast %parallel_loop3A_479 : f32 to vector<16xf32>
      %parallel_loop3A_481 = arith.subf %parallel_loop3A_480, %parallel_loop3A_478 : vector<16xf32>
      %parallel_loop3A_482 = math.exp %parallel_loop3A_481 : vector<16xf32>
      %parallel_loop3A_483 = arith.constant 2.000000e+00 : f32
      %parallel_loop3A_484 = vector.broadcast %parallel_loop3A_483 : f32 to vector<16xf32>
      %parallel_loop3A_485 = arith.addf %parallel_loop3A_484, %parallel_loop3A_482 : vector<16xf32>
      %parallel_loop3A_486 = arith.divf %parallel_loop3A_482, %parallel_loop3A_485 : vector<16xf32>
      %parallel_loop3A_487 = arith.mulf %parallel_loop3A_486, %parallel_loop3A_486 : vector<16xf32>
      %parallel_loop3A_488 = arith.constant 0.181818187 : f32
      %parallel_loop3A_489 = vector.broadcast %parallel_loop3A_488 : f32 to vector<16xf32>
      %parallel_loop3A_490 = arith.mulf %parallel_loop3A_487, %parallel_loop3A_489 : vector<16xf32>
      %parallel_loop3A_491 = arith.constant 0.222222224 : f32
      %parallel_loop3A_492 = vector.broadcast %parallel_loop3A_491 : f32 to vector<16xf32>
      %parallel_loop3A_493 = arith.addf %parallel_loop3A_492, %parallel_loop3A_490 : vector<16xf32>
      %parallel_loop3A_494 = arith.mulf %parallel_loop3A_487, %parallel_loop3A_493 : vector<16xf32>
      %parallel_loop3A_495 = arith.constant 0.285714298 : f32
      %parallel_loop3A_496 = vector.broadcast %parallel_loop3A_495 : f32 to vector<16xf32>
      %parallel_loop3A_497 = arith.addf %parallel_loop3A_496, %parallel_loop3A_494 : vector<16xf32>
      %parallel_loop3A_498 = arith.mulf %parallel_loop3A_487, %parallel_loop3A_497 : vector<16xf32>
      %parallel_loop3A_499 = arith.constant 4.000000e-01 : f32
      %parallel_loop3A_500 = vector.broadcast %parallel_loop3A_499 : f32 to vector<16xf32>
      %parallel_loop3A_501 = arith.addf %parallel_loop3A_500, %parallel_loop3A_498 : vector<16xf32>
      %parallel_loop3A_502 = arith.mulf %parallel_loop3A_487, %parallel_loop3A_501 : vector<16xf32>
      %parallel_loop3A_503 = arith.constant 0.666666686 : f32
      %parallel_loop3A_504 = vector.broadcast %parallel_loop3A_503 : f32 to vector<16xf32>
      %parallel_loop3A_505 = arith.addf %parallel_loop3A_504, %parallel_loop3A_502 : vector<16xf32>
      %parallel_loop3A_506 = arith.mulf %parallel_loop3A_487, %parallel_loop3A_505 : vector<16xf32>
      %parallel_loop3A_507 = arith.constant 2.000000e+00 : f32
      %parallel_loop3A_508 = vector.broadcast %parallel_loop3A_507 : f32 to vector<16xf32>
      %parallel_loop3A_509 = arith.addf %parallel_loop3A_508, %parallel_loop3A_506 : vector<16xf32>
      %parallel_loop3A_510 = arith.mulf %parallel_loop3A_486, %parallel_loop3A_509 : vector<16xf32>
      %parallel_loop3A_511 = arith.constant 0.000000e+00 : f32
      %parallel_loop3A_512 = vector.broadcast %parallel_loop3A_511 : f32 to vector<16xf32>
      %parallel_loop3A_513 = arith.maximumf %parallel_loop3A_477, %parallel_loop3A_512 : vector<16xf32>
      %parallel_loop3A_514 = arith.addf %parallel_loop3A_513, %parallel_loop3A_510 : vector<16xf32>
      %parallel_loop3A_515 = arith.addf %parallel_loop3A_476, %parallel_loop3A_514 : vector<16xf32>
      %parallel_loop3A_516 = arith.subf %parallel_loop3A_430, %parallel_loop3A_438 : vector<16xf32>
      %parallel_loop3A_517 = math.absf %parallel_loop3A_516 : vector<16xf32>
      %parallel_loop3A_518 = arith.constant 0.000000e+00 : f32
      %parallel_loop3A_519 = vector.broadcast %parallel_loop3A_518 : f32 to vector<16xf32>
      %parallel_loop3A_520 = arith.subf %parallel_loop3A_519, %parallel_loop3A_517 : vector<16xf32>
      %parallel_loop3A_521 = math.exp %parallel_loop3A_520 : vector<16xf32>
      %parallel_loop3A_522 = arith.constant 2.000000e+00 : f32
      %parallel_loop3A_523 = vector.broadcast %parallel_loop3A_522 : f32 to vector<16xf32>
      %parallel_loop3A_524 = arith.addf %parallel_loop3A_523, %parallel_loop3A_521 : vector<16xf32>
      %parallel_loop3A_525 = arith.divf %parallel_loop3A_521, %parallel_loop3A_524 : vector<16xf32>
      %parallel_loop3A_526 = arith.mulf %parallel_loop3A_525, %parallel_loop3A_525 : vector<16xf32>
      %parallel_loop3A_527 = arith.constant 0.181818187 : f32
      %parallel_loop3A_528 = vector.broadcast %parallel_loop3A_527 : f32 to vector<16xf32>
      %parallel_loop3A_529 = arith.mulf %parallel_loop3A_526, %parallel_loop3A_528 : vector<16xf32>
      %parallel_loop3A_530 = arith.constant 0.222222224 : f32
      %parallel_loop3A_531 = vector.broadcast %parallel_loop3A_530 : f32 to vector<16xf32>
      %parallel_loop3A_532 = arith.addf %parallel_loop3A_531, %parallel_loop3A_529 : vector<16xf32>
      %parallel_loop3A_533 = arith.mulf %parallel_loop3A_526, %parallel_loop3A_532 : vector<16xf32>
      %parallel_loop3A_534 = arith.constant 0.285714298 : f32
      %parallel_loop3A_535 = vector.broadcast %parallel_loop3A_534 : f32 to vector<16xf32>
      %parallel_loop3A_536 = arith.addf %parallel_loop3A_535, %parallel_loop3A_533 : vector<16xf32>
      %parallel_loop3A_537 = arith.mulf %parallel_loop3A_526, %parallel_loop3A_536 : vector<16xf32>
      %parallel_loop3A_538 = arith.constant 4.000000e-01 : f32
      %parallel_loop3A_539 = vector.broadcast %parallel_loop3A_538 : f32 to vector<16xf32>
      %parallel_loop3A_540 = arith.addf %parallel_loop3A_539, %parallel_loop3A_537 : vector<16xf32>
      %parallel_loop3A_541 = arith.mulf %parallel_loop3A_526, %parallel_loop3A_540 : vector<16xf32>
      %parallel_loop3A_542 = arith.constant 0.666666686 : f32
      %parallel_loop3A_543 = vector.broadcast %parallel_loop3A_542 : f32 to vector<16xf32>
      %parallel_loop3A_544 = arith.addf %parallel_loop3A_543, %parallel_loop3A_541 : vector<16xf32>
      %parallel_loop3A_545 = arith.mulf %parallel_loop3A_526, %parallel_loop3A_544 : vector<16xf32>
      %parallel_loop3A_546 = arith.constant 2.000000e+00 : f32
      %parallel_loop3A_547 = vector.broadcast %parallel_loop3A_546 : f32 to vector<16xf32>
      %parallel_loop3A_548 = arith.addf %parallel_loop3A_547, %parallel_loop3A_545 : vector<16xf32>
      %parallel_loop3A_549 = arith.mulf %parallel_loop3A_525, %parallel_loop3A_548 : vector<16xf32>
      %parallel_loop3A_550 = arith.constant 0.000000e+00 : f32
      %parallel_loop3A_551 = vector.broadcast %parallel_loop3A_550 : f32 to vector<16xf32>
      %parallel_loop3A_552 = arith.maximumf %parallel_loop3A_516, %parallel_loop3A_551 : vector<16xf32>
      %parallel_loop3A_553 = arith.addf %parallel_loop3A_552, %parallel_loop3A_549 : vector<16xf32>
      %parallel_loop3A_554 = arith.addf %parallel_loop3A_515, %parallel_loop3A_553 : vector<16xf32>
      %parallel_loop3A_555 = arith.mulf %parallel_loop3A_554, %parallel_loop3A_244 : vector<16xf32>
      %parallel_loop3A_556 = arith.addf %parallel_loop3A_173, %parallel_loop3A_555 : vector<16xf32>
      %parallel_loop3A_557 = arith.constant 4 : i32
      %parallel_loop3A_558 = arith.muli %parallel_loop3A_557, %parallel_loop3A_176 : i32
      %parallel_loop3A_559 = vector.broadcast %parallel_loop3A_558 : i32 to vector<16xi32>
      %parallel_loop3A_560 = arith.addi %mul3A_38, %parallel_loop3A_559 : vector<16xi32>
      %parallel_loop3A_561 = tpu.vector_load_idx %arg18[%parallel_loop3A_560] : memref<2048xf32, #tpu.memory_space<vmem>>[vector<16xi32>], vector<16xf32>,
      %parallel_loop3A_562 = arith.constant 4 : i32
      %parallel_loop3A_563 = arith.muli %parallel_loop3A_562, %parallel_loop3A_176 : i32
      %parallel_loop3A_564 = vector.broadcast %parallel_loop3A_563 : i32 to vector<16xi32>
      %parallel_loop3A_565 = arith.addi %mul3A_38, %parallel_loop3A_564 : vector<16xi32>
      %parallel_loop3A_566 = arith.constant 1 : i32
      %parallel_loop3A_567 = vector.broadcast %parallel_loop3A_566 : i32 to vector<16xi32>
      %parallel_loop3A_568 = arith.addi %parallel_loop3A_565, %parallel_loop3A_567 : vector<16xi32>
      %parallel_loop3A_569 = tpu.vector_load_idx %arg18[%parallel_loop3A_568] : memref<2048xf32, #tpu.memory_space<vmem>>[vector<16xi32>], vector<16xf32>,
      %parallel_loop3A_570 = arith.constant 4 : i32
      %parallel_loop3A_571 = arith.muli %parallel_loop3A_570, %parallel_loop3A_176 : i32
      %parallel_loop3A_572 = vector.broadcast %parallel_loop3A_571 : i32 to vector<16xi32>
      %parallel_loop3A_573 = arith.addi %mul3A_38, %parallel_loop3A_572 : vector<16xi32>
      %parallel_loop3A_574 = arith.constant 2 : i32
      %parallel_loop3A_575 = vector.broadcast %parallel_loop3A_574 : i32 to vector<16xi32>
      %parallel_loop3A_576 = arith.addi %parallel_loop3A_573, %parallel_loop3A_575 : vector<16xi32>
      %parallel_loop3A_577 = tpu.vector_load_idx %arg18[%parallel_loop3A_576] : memref<2048xf32, #tpu.memory_space<vmem>>[vector<16xi32>], vector<16xf32>,
      %parallel_loop3A_578 = arith.constant 4 : i32
      %parallel_loop3A_579 = arith.muli %parallel_loop3A_578, %parallel_loop3A_176 : i32
      %parallel_loop3A_580 = vector.broadcast %parallel_loop3A_579 : i32 to vector<16xi32>
      %parallel_loop3A_581 = arith.addi %mul3A_38, %parallel_loop3A_580 : vector<16xi32>
      %parallel_loop3A_582 = arith.constant 3 : i32
      %parallel_loop3A_583 = vector.broadcast %parallel_loop3A_582 : i32 to vector<16xi32>
      %parallel_loop3A_584 = arith.addi %parallel_loop3A_581, %parallel_loop3A_583 : vector<16xi32>
      %parallel_loop3A_585 = tpu.vector_load_idx %arg18[%parallel_loop3A_584] : memref<2048xf32, #tpu.memory_space<vmem>>[vector<16xi32>], vector<16xf32>,
      %parallel_loop3A_586 = arith.minimumf %gather3A_56, %parallel_loop3A_577 : vector<16xf32>
      %parallel_loop3A_587 = arith.maximumf %gather3A, %parallel_loop3A_561 : vector<16xf32>
      %parallel_loop3A_588 = arith.subf %parallel_loop3A_586, %parallel_loop3A_587 : vector<16xf32>
      %parallel_loop3A_589 = arith.constant 0.000000e+00 : f32
      %parallel_loop3A_590 = vector.broadcast %parallel_loop3A_589 : f32 to vector<16xf32>
      %parallel_loop3A_591 = arith.maximumf %parallel_loop3A_588, %parallel_loop3A_590 : vector<16xf32>
      %parallel_loop3A_592 = arith.minimumf %gather3A_60, %parallel_loop3A_585 : vector<16xf32>
      %parallel_loop3A_593 = arith.maximumf %gather3A_52, %parallel_loop3A_569 : vector<16xf32>
      %parallel_loop3A_594 = arith.subf %parallel_loop3A_592, %parallel_loop3A_593 : vector<16xf32>
      %parallel_loop3A_595 = arith.constant 0.000000e+00 : f32
      %parallel_loop3A_596 = vector.broadcast %parallel_loop3A_595 : f32 to vector<16xf32>
      %parallel_loop3A_597 = arith.maximumf %parallel_loop3A_594, %parallel_loop3A_596 : vector<16xf32>
      %parallel_loop3A_598 = arith.mulf %parallel_loop3A_591, %parallel_loop3A_597 : vector<16xf32>
      %parallel_loop3A_599 = arith.subf %parallel_loop3A_577, %parallel_loop3A_561 : vector<16xf32>
      %parallel_loop3A_600 = arith.constant 0.000000e+00 : f32
      %parallel_loop3A_601 = vector.broadcast %parallel_loop3A_600 : f32 to vector<16xf32>
      %parallel_loop3A_602 = arith.maximumf %parallel_loop3A_599, %parallel_loop3A_601 : vector<16xf32>
      %parallel_loop3A_603 = arith.subf %parallel_loop3A_585, %parallel_loop3A_569 : vector<16xf32>
      %parallel_loop3A_604 = arith.constant 0.000000e+00 : f32
      %parallel_loop3A_605 = vector.broadcast %parallel_loop3A_604 : f32 to vector<16xf32>
      %parallel_loop3A_606 = arith.maximumf %parallel_loop3A_603, %parallel_loop3A_605 : vector<16xf32>
      %parallel_loop3A_607 = arith.mulf %parallel_loop3A_602, %parallel_loop3A_606 : vector<16xf32>
      %parallel_loop3A_608 = arith.addf %mul3A_68, %parallel_loop3A_607 : vector<16xf32>
      %parallel_loop3A_609 = arith.subf %parallel_loop3A_608, %parallel_loop3A_598 : vector<16xf32>
      %parallel_loop3A_610 = arith.constant 1.000000e+00 : f32
      %parallel_loop3A_611 = vector.broadcast %parallel_loop3A_610 : f32 to vector<16xf32>
      %parallel_loop3A_612 = arith.addf %parallel_loop3A_609, %parallel_loop3A_611 : vector<16xf32>
      %parallel_loop3A_613 = arith.constant 9.99999996E-13 : f32
      %parallel_loop3A_614 = vector.broadcast %parallel_loop3A_613 : f32 to vector<16xf32>
      %parallel_loop3A_615 = arith.maximumf %parallel_loop3A_612, %parallel_loop3A_614 : vector<16xf32>
      %parallel_loop3A_616 = arith.divf %parallel_loop3A_598, %parallel_loop3A_615 : vector<16xf32>
      %parallel_loop3A_617 = arith.constant 1.000000e+00 : f32
      %parallel_loop3A_618 = vector.broadcast %parallel_loop3A_617 : f32 to vector<16xf32>
      %parallel_loop3A_619 = arith.subf %parallel_loop3A_618, %parallel_loop3A_616 : vector<16xf32>
      %parallel_loop3A_620 = arith.mulf %parallel_loop3A_619, %parallel_loop3A_244 : vector<16xf32>
      %parallel_loop3A_621 = arith.addf %parallel_loop3A_174, %parallel_loop3A_620 : vector<16xf32>
      scf.yield %parallel_loop3A_253, %parallel_loop3A_254, %parallel_loop3A_297, %parallel_loop3A_350, %parallel_loop3A_390, %parallel_loop3A_556, %parallel_loop3A_621 : vector<16xf32>, vector<16xf32>, vector<16xf32>, vector<16xf32>, vector<16xf32>, vector<16xf32>, vector<16xf32>
    } {sc.loop_unroll_factor = 4 : i64, sc.parallel_access}
    %reduce_sum3A = arith.constant true
    %reduce_sum3A_73 = vector.broadcast %reduce_sum3A : i1 to vector<16xi1>
    %reduce_sum3A_74 = tpu.scan <sum>, %parallel_loop3A_45#0 masked %reduce_sum3A_73 : vector<16xf32>, vector<16xi1> -> vector<16xf32>
    %reduce_sum3A_75 = vector.extract %reduce_sum3A_74[15] : f32 from vector<16xf32>
    %reduce_sum3A_76 = arith.constant true
    %reduce_sum3A_77 = vector.broadcast %reduce_sum3A_76 : i1 to vector<16xi1>
    %reduce_sum3A_78 = tpu.scan <sum>, %parallel_loop3A_45#1 masked %reduce_sum3A_77 : vector<16xf32>, vector<16xi1> -> vector<16xf32>
    %reduce_sum3A_79 = vector.extract %reduce_sum3A_78[15] : f32 from vector<16xf32>
    %reduce_sum3A_80 = arith.constant true
    %reduce_sum3A_81 = vector.broadcast %reduce_sum3A_80 : i1 to vector<16xi1>
    %reduce_sum3A_82 = tpu.scan <sum>, %parallel_loop3A_45#2 masked %reduce_sum3A_81 : vector<16xf32>, vector<16xi1> -> vector<16xf32>
    %reduce_sum3A_83 = vector.extract %reduce_sum3A_82[15] : f32 from vector<16xf32>
    %reduce_sum3A_84 = arith.constant true
    %reduce_sum3A_85 = vector.broadcast %reduce_sum3A_84 : i1 to vector<16xi1>
    %reduce_sum3A_86 = tpu.scan <sum>, %parallel_loop3A_72#0 masked %reduce_sum3A_85 : vector<16xf32>, vector<16xi1> -> vector<16xf32>
    %reduce_sum3A_87 = vector.extract %reduce_sum3A_86[15] : f32 from vector<16xf32>
    %reduce_sum3A_88 = arith.constant true
    %reduce_sum3A_89 = vector.broadcast %reduce_sum3A_88 : i1 to vector<16xi1>
    %reduce_sum3A_90 = tpu.scan <sum>, %parallel_loop3A_72#1 masked %reduce_sum3A_89 : vector<16xf32>, vector<16xi1> -> vector<16xf32>
    %reduce_sum3A_91 = vector.extract %reduce_sum3A_90[15] : f32 from vector<16xf32>
    %reduce_sum3A_92 = arith.constant true
    %reduce_sum3A_93 = vector.broadcast %reduce_sum3A_92 : i1 to vector<16xi1>
    %reduce_sum3A_94 = tpu.scan <sum>, %parallel_loop3A_72#2 masked %reduce_sum3A_93 : vector<16xf32>, vector<16xi1> -> vector<16xf32>
    %reduce_sum3A_95 = vector.extract %reduce_sum3A_94[15] : f32 from vector<16xf32>
    %reduce_sum3A_96 = arith.constant true
    %reduce_sum3A_97 = vector.broadcast %reduce_sum3A_96 : i1 to vector<16xi1>
    %reduce_sum3A_98 = tpu.scan <sum>, %parallel_loop3A_72#3 masked %reduce_sum3A_97 : vector<16xf32>, vector<16xi1> -> vector<16xf32>
    %reduce_sum3A_99 = vector.extract %reduce_sum3A_98[15] : f32 from vector<16xf32>
    %reduce_sum3A_100 = arith.constant true
    %reduce_sum3A_101 = vector.broadcast %reduce_sum3A_100 : i1 to vector<16xi1>
    %reduce_sum3A_102 = tpu.scan <sum>, %parallel_loop3A_72#4 masked %reduce_sum3A_101 : vector<16xf32>, vector<16xi1> -> vector<16xf32>
    %reduce_sum3A_103 = vector.extract %reduce_sum3A_102[15] : f32 from vector<16xf32>
    %reduce_sum3A_104 = arith.constant true
    %reduce_sum3A_105 = vector.broadcast %reduce_sum3A_104 : i1 to vector<16xi1>
    %reduce_sum3A_106 = tpu.scan <sum>, %parallel_loop3A_72#5 masked %reduce_sum3A_105 : vector<16xf32>, vector<16xi1> -> vector<16xf32>
    %reduce_sum3A_107 = vector.extract %reduce_sum3A_106[15] : f32 from vector<16xf32>
    %reduce_sum3A_108 = arith.constant true
    %reduce_sum3A_109 = vector.broadcast %reduce_sum3A_108 : i1 to vector<16xi1>
    %reduce_sum3A_110 = tpu.scan <sum>, %parallel_loop3A_72#6 masked %reduce_sum3A_109 : vector<16xf32>, vector<16xi1> -> vector<16xf32>
    %reduce_sum3A_111 = vector.extract %reduce_sum3A_110[15] : f32 from vector<16xf32>
    %eq3A = arith.constant 0 : i32
    %eq3A_112 = vector.broadcast %eq3A : i32 to vector<16xi32>
    %eq3A_113 = arith.cmpi eq, %iota3A, %eq3A_112 : vector<16xi32>
    %broadcast_in_dim3A_114 = vector.broadcast %reduce_sum3A_75 : f32 to vector<16xf32>
    %select_n3A_115 = arith.select %eq3A_113, %broadcast_in_dim3A_114, %broadcast_in_dim3A_42 : vector<16xi1>, vector<16xf32>
    %eq3A_116 = arith.constant 1 : i32
    %eq3A_117 = vector.broadcast %eq3A_116 : i32 to vector<16xi32>
    %eq3A_118 = arith.cmpi eq, %iota3A, %eq3A_117 : vector<16xi32>
    %broadcast_in_dim3A_119 = vector.broadcast %reduce_sum3A_79 : f32 to vector<16xf32>
    %select_n3A_120 = arith.select %eq3A_118, %broadcast_in_dim3A_119, %select_n3A_115 : vector<16xi1>, vector<16xf32>
    %eq3A_121 = arith.constant 2 : i32
    %eq3A_122 = vector.broadcast %eq3A_121 : i32 to vector<16xi32>
    %eq3A_123 = arith.cmpi eq, %iota3A, %eq3A_122 : vector<16xi32>
    %broadcast_in_dim3A_124 = vector.broadcast %reduce_sum3A_83 : f32 to vector<16xf32>
    %select_n3A_125 = arith.select %eq3A_123, %broadcast_in_dim3A_124, %select_n3A_120 : vector<16xi1>, vector<16xf32>
    %eq3A_126 = arith.constant 3 : i32
    %eq3A_127 = vector.broadcast %eq3A_126 : i32 to vector<16xi32>
    %eq3A_128 = arith.cmpi eq, %iota3A, %eq3A_127 : vector<16xi32>
    %broadcast_in_dim3A_129 = vector.broadcast %reduce_sum3A_87 : f32 to vector<16xf32>
    %select_n3A_130 = arith.select %eq3A_128, %broadcast_in_dim3A_129, %select_n3A_125 : vector<16xi1>, vector<16xf32>
    %eq3A_131 = arith.constant 4 : i32
    %eq3A_132 = vector.broadcast %eq3A_131 : i32 to vector<16xi32>
    %eq3A_133 = arith.cmpi eq, %iota3A, %eq3A_132 : vector<16xi32>
    %broadcast_in_dim3A_134 = vector.broadcast %reduce_sum3A_91 : f32 to vector<16xf32>
    %select_n3A_135 = arith.select %eq3A_133, %broadcast_in_dim3A_134, %select_n3A_130 : vector<16xi1>, vector<16xf32>
    %eq3A_136 = arith.constant 5 : i32
    %eq3A_137 = vector.broadcast %eq3A_136 : i32 to vector<16xi32>
    %eq3A_138 = arith.cmpi eq, %iota3A, %eq3A_137 : vector<16xi32>
    %broadcast_in_dim3A_139 = vector.broadcast %reduce_sum3A_95 : f32 to vector<16xf32>
    %select_n3A_140 = arith.select %eq3A_138, %broadcast_in_dim3A_139, %select_n3A_135 : vector<16xi1>, vector<16xf32>
    %eq3A_141 = arith.constant 6 : i32
    %eq3A_142 = vector.broadcast %eq3A_141 : i32 to vector<16xi32>
    %eq3A_143 = arith.cmpi eq, %iota3A, %eq3A_142 : vector<16xi32>
    %broadcast_in_dim3A_144 = vector.broadcast %reduce_sum3A_99 : f32 to vector<16xf32>
    %select_n3A_145 = arith.select %eq3A_143, %broadcast_in_dim3A_144, %select_n3A_140 : vector<16xi1>, vector<16xf32>
    %eq3A_146 = arith.constant 7 : i32
    %eq3A_147 = vector.broadcast %eq3A_146 : i32 to vector<16xi32>
    %eq3A_148 = arith.cmpi eq, %iota3A, %eq3A_147 : vector<16xi32>
    %broadcast_in_dim3A_149 = vector.broadcast %reduce_sum3A_103 : f32 to vector<16xf32>
    %select_n3A_150 = arith.select %eq3A_148, %broadcast_in_dim3A_149, %select_n3A_145 : vector<16xi1>, vector<16xf32>
    %eq3A_151 = arith.constant 8 : i32
    %eq3A_152 = vector.broadcast %eq3A_151 : i32 to vector<16xi32>
    %eq3A_153 = arith.cmpi eq, %iota3A, %eq3A_152 : vector<16xi32>
    %broadcast_in_dim3A_154 = vector.broadcast %reduce_sum3A_107 : f32 to vector<16xf32>
    %select_n3A_155 = arith.select %eq3A_153, %broadcast_in_dim3A_154, %select_n3A_150 : vector<16xi1>, vector<16xf32>
    %eq3A_156 = arith.constant 9 : i32
    %eq3A_157 = vector.broadcast %eq3A_156 : i32 to vector<16xi32>
    %eq3A_158 = arith.cmpi eq, %iota3A, %eq3A_157 : vector<16xi32>
    %broadcast_in_dim3A_159 = vector.broadcast %reduce_sum3A_111 : f32 to vector<16xf32>
    %select_n3A_160 = arith.select %eq3A_158, %broadcast_in_dim3A_159, %select_n3A_155 : vector<16xi1>, vector<16xf32>
    %swap3A = arith.constant 0 : index
    %swap3A_161 = tpu.vector_load %arg21[%swap3A] {strides = array<i32>} : memref<16xf32, #tpu.memory_space<vmem>>, vector<16xf32>,
    tpu.vector_store %arg21[%swap3A], %select_n3A_160 {strides = array<i32>} : memref<16xf32, #tpu.memory_space<vmem>>, vector<16xf32>,
    %mul3A_162 = arith.constant 16 : i32
    %mul3A_163 = arith.muli %arg1, %mul3A_162 : i32
    "tpu.region"() ({
      %run_scoped3A = tpu.sem_alloc : memref<!tpu.dma_semaphore, #tpu.memory_space<semaphore_mem>>
      %dma_start3A = tpu.memref_slice %arg24[%mul3A_163] : memref<256xf32, #tpu.memory_space<vmem_shared>> -> memref<16xf32, #tpu.memory_space<vmem_shared>>
      %dma_start3A_167 = tpu.memref_slice %arg24[%mul3A_163] : memref<256xf32, #tpu.memory_space<vmem_shared>> -> memref<16xf32, #tpu.memory_space<vmem_shared>>
      tpu.enqueue_dma source(%arg21 : memref<16xf32, #tpu.memory_space<vmem>>) target(%dma_start3A_167 : memref<16xf32, #tpu.memory_space<vmem_shared>>) target_semaphore(%run_scoped3A : memref<!tpu.dma_semaphore, #tpu.memory_space<semaphore_mem>>)
      %dma_wait3A = tpu.memref_slice %arg24[%mul3A_163] : memref<256xf32, #tpu.memory_space<vmem_shared>> -> memref<16xf32, #tpu.memory_space<vmem_shared>>
      %dma_wait3A_168 = tpu.memref_slice %arg24[%mul3A_163] : memref<256xf32, #tpu.memory_space<vmem_shared>> -> memref<16xf32, #tpu.memory_space<vmem_shared>>
      tpu.wait_dma2 semaphore(%run_scoped3A : memref<!tpu.dma_semaphore, #tpu.memory_space<semaphore_mem>>) src(%arg21 : memref<16xf32, #tpu.memory_space<vmem>>) dst(%dma_wait3A_168 : memref<16xf32, #tpu.memory_space<vmem_shared>>)
      tpu.yield
    }) : () -> ()
    %barrier3A = arith.constant 0 : index
    tpu.barrier barrier_id(%barrier3A)
    %eq3A_164 = arith.constant 0 : i32
    %eq3A_165 = arith.cmpi eq, %arg1, %eq3A_164 : i32
    %convert_element_type3A = arith.extui %eq3A_165 : i1 to i32
    %cond3A = arith.constant 0 : i32
    %cond3A_166 = arith.cmpi ne, %convert_element_type3A, %cond3A : i32
    scf.if %cond3A_166 {
      "tpu.region"() ({
        %run_scoped3A = tpu.sem_alloc : memref<!tpu.dma_semaphore, #tpu.memory_space<semaphore_mem>>
        tpu.enqueue_dma source(%arg24 : memref<256xf32, #tpu.memory_space<vmem_shared>>) target(%arg23 : memref<256xf32, #tpu.memory_space<vmem>>) target_semaphore(%run_scoped3A : memref<!tpu.dma_semaphore, #tpu.memory_space<semaphore_mem>>)
        tpu.wait_dma2 semaphore(%run_scoped3A : memref<!tpu.dma_semaphore, #tpu.memory_space<semaphore_mem>>) src(%arg24 : memref<256xf32, #tpu.memory_space<vmem_shared>>) dst(%arg23 : memref<256xf32, #tpu.memory_space<vmem>>)
        tpu.yield
      }) : () -> ()
      %lt3A = arith.constant 8 : i32
      %lt3A_167 = vector.broadcast %lt3A : i32 to vector<16xi32>
      %lt3A_168 = arith.cmpi slt, %iota3A, %lt3A_167 : vector<16xi32>
      %mul3A_169 = arith.constant 2 : i32
      %mul3A_170 = vector.broadcast %mul3A_169 : i32 to vector<16xi32>
      %mul3A_171 = arith.muli %iota3A, %mul3A_170 : vector<16xi32>
      %jit3A_172 = arith.constant 0 : i32
      %broadcast_in_dim3A_173 = vector.broadcast %jit3A_172 : i32 to vector<16xi32>
      %select_n3A_174 = arith.select %lt3A_168, %mul3A_171, %broadcast_in_dim3A_173 : vector<16xi1>, vector<16xi32>
      %mul3A_175 = arith.constant 2 : i32
      %mul3A_176 = vector.broadcast %mul3A_175 : i32 to vector<16xi32>
      %mul3A_177 = arith.muli %iota3A, %mul3A_176 : vector<16xi32>
      %add3A_178 = arith.constant 1 : i32
      %add3A_179 = vector.broadcast %add3A_178 : i32 to vector<16xi32>
      %add3A_180 = arith.addi %mul3A_177, %add3A_179 : vector<16xi32>
      %jit3A_181 = arith.constant 0 : i32
      %broadcast_in_dim3A_182 = vector.broadcast %jit3A_181 : i32 to vector<16xi32>
      %select_n3A_183 = arith.select %lt3A_168, %add3A_180, %broadcast_in_dim3A_182 : vector<16xi1>, vector<16xi32>
      %mul3A_184 = arith.constant 16 : i32
      %mul3A_185 = vector.broadcast %mul3A_184 : i32 to vector<16xi32>
      %mul3A_186 = arith.muli %select_n3A_174, %mul3A_185 : vector<16xi32>
      %add3A_187 = arith.constant 3 : i32
      %add3A_188 = vector.broadcast %add3A_187 : i32 to vector<16xi32>
      %add3A_189 = arith.addi %mul3A_186, %add3A_188 : vector<16xi32>
      %gather3A_190 = tpu.vector_load_idx %arg23[%add3A_189] : memref<256xf32, #tpu.memory_space<vmem>>[vector<16xi32>], vector<16xf32>,
      %mul3A_191 = arith.constant 16 : i32
      %mul3A_192 = vector.broadcast %mul3A_191 : i32 to vector<16xi32>
      %mul3A_193 = arith.muli %select_n3A_183, %mul3A_192 : vector<16xi32>
      %add3A_194 = arith.constant 3 : i32
      %add3A_195 = vector.broadcast %add3A_194 : i32 to vector<16xi32>
      %add3A_196 = arith.addi %mul3A_193, %add3A_195 : vector<16xi32>
      %gather3A_197 = tpu.vector_load_idx %arg23[%add3A_196] : memref<256xf32, #tpu.memory_space<vmem>>[vector<16xi32>], vector<16xf32>,
      %add3A_198 = arith.addf %gather3A_190, %gather3A_197 : vector<16xf32>
      %mul3A_199 = arith.constant 16 : i32
      %mul3A_200 = vector.broadcast %mul3A_199 : i32 to vector<16xi32>
      %mul3A_201 = arith.muli %select_n3A_174, %mul3A_200 : vector<16xi32>
      %add3A_202 = arith.constant 4 : i32
      %add3A_203 = vector.broadcast %add3A_202 : i32 to vector<16xi32>
      %add3A_204 = arith.addi %mul3A_201, %add3A_203 : vector<16xi32>
      %gather3A_205 = tpu.vector_load_idx %arg23[%add3A_204] : memref<256xf32, #tpu.memory_space<vmem>>[vector<16xi32>], vector<16xf32>,
      %mul3A_206 = arith.constant 16 : i32
      %mul3A_207 = vector.broadcast %mul3A_206 : i32 to vector<16xi32>
      %mul3A_208 = arith.muli %select_n3A_183, %mul3A_207 : vector<16xi32>
      %add3A_209 = arith.constant 4 : i32
      %add3A_210 = vector.broadcast %add3A_209 : i32 to vector<16xi32>
      %add3A_211 = arith.addi %mul3A_208, %add3A_210 : vector<16xi32>
      %gather3A_212 = tpu.vector_load_idx %arg23[%add3A_211] : memref<256xf32, #tpu.memory_space<vmem>>[vector<16xi32>], vector<16xf32>,
      %add3A_213 = arith.addf %gather3A_205, %gather3A_212 : vector<16xf32>
      %max3A_214 = arith.constant 1.000000e+00 : f32
      %max3A_215 = vector.broadcast %max3A_214 : f32 to vector<16xf32>
      %max3A_216 = arith.maximumf %add3A_198, %max3A_215 : vector<16xf32>
      %div3A_217 = arith.constant 1.000000e+00 : f32
      %div3A_218 = vector.broadcast %div3A_217 : f32 to vector<16xf32>
      %div3A_219 = arith.divf %div3A_218, %max3A_216 : vector<16xf32>
      %mul3A_220 = arith.constant 16 : i32
      %mul3A_221 = vector.broadcast %mul3A_220 : i32 to vector<16xi32>
      %mul3A_222 = arith.muli %select_n3A_174, %mul3A_221 : vector<16xi32>
      %add3A_223 = arith.constant 5 : i32
      %add3A_224 = vector.broadcast %add3A_223 : i32 to vector<16xi32>
      %add3A_225 = arith.addi %mul3A_222, %add3A_224 : vector<16xi32>
      %gather3A_226 = tpu.vector_load_idx %arg23[%add3A_225] : memref<256xf32, #tpu.memory_space<vmem>>[vector<16xi32>], vector<16xf32>,
      %mul3A_227 = arith.constant 16 : i32
      %mul3A_228 = vector.broadcast %mul3A_227 : i32 to vector<16xi32>
      %mul3A_229 = arith.muli %select_n3A_183, %mul3A_228 : vector<16xi32>
      %add3A_230 = arith.constant 5 : i32
      %add3A_231 = vector.broadcast %add3A_230 : i32 to vector<16xi32>
      %add3A_232 = arith.addi %mul3A_229, %add3A_231 : vector<16xi32>
      %gather3A_233 = tpu.vector_load_idx %arg23[%add3A_232] : memref<256xf32, #tpu.memory_space<vmem>>[vector<16xi32>], vector<16xf32>,
      %add3A_234 = arith.addf %gather3A_226, %gather3A_233 : vector<16xf32>
      %mul3A_235 = arith.mulf %add3A_234, %div3A_219 : vector<16xf32>
      %mul3A_236 = arith.constant 16 : i32
      %mul3A_237 = vector.broadcast %mul3A_236 : i32 to vector<16xi32>
      %mul3A_238 = arith.muli %select_n3A_174, %mul3A_237 : vector<16xi32>
      %add3A_239 = arith.constant 6 : i32
      %add3A_240 = vector.broadcast %add3A_239 : i32 to vector<16xi32>
      %add3A_241 = arith.addi %mul3A_238, %add3A_240 : vector<16xi32>
      %gather3A_242 = tpu.vector_load_idx %arg23[%add3A_241] : memref<256xf32, #tpu.memory_space<vmem>>[vector<16xi32>], vector<16xf32>,
      %mul3A_243 = arith.constant 16 : i32
      %mul3A_244 = vector.broadcast %mul3A_243 : i32 to vector<16xi32>
      %mul3A_245 = arith.muli %select_n3A_183, %mul3A_244 : vector<16xi32>
      %add3A_246 = arith.constant 6 : i32
      %add3A_247 = vector.broadcast %add3A_246 : i32 to vector<16xi32>
      %add3A_248 = arith.addi %mul3A_245, %add3A_247 : vector<16xi32>
      %gather3A_249 = tpu.vector_load_idx %arg23[%add3A_248] : memref<256xf32, #tpu.memory_space<vmem>>[vector<16xi32>], vector<16xf32>,
      %add3A_250 = arith.addf %gather3A_242, %gather3A_249 : vector<16xf32>
      %mul3A_251 = arith.mulf %add3A_250, %div3A_219 : vector<16xf32>
      %gt3A = arith.constant 0.000000e+00 : f32
      %gt3A_252 = vector.broadcast %gt3A : f32 to vector<16xf32>
      %gt3A_253 = arith.cmpf ogt, %add3A_213, %gt3A_252 : vector<16xf32>
      %mul3A_254 = arith.constant 16 : i32
      %mul3A_255 = vector.broadcast %mul3A_254 : i32 to vector<16xi32>
      %mul3A_256 = arith.muli %select_n3A_174, %mul3A_255 : vector<16xi32>
      %add3A_257 = arith.constant 7 : i32
      %add3A_258 = vector.broadcast %add3A_257 : i32 to vector<16xi32>
      %add3A_259 = arith.addi %mul3A_256, %add3A_258 : vector<16xi32>
      %gather3A_260 = tpu.vector_load_idx %arg23[%add3A_259] : memref<256xf32, #tpu.memory_space<vmem>>[vector<16xi32>], vector<16xf32>,
      %mul3A_261 = arith.constant 16 : i32
      %mul3A_262 = vector.broadcast %mul3A_261 : i32 to vector<16xi32>
      %mul3A_263 = arith.muli %select_n3A_183, %mul3A_262 : vector<16xi32>
      %add3A_264 = arith.constant 7 : i32
      %add3A_265 = vector.broadcast %add3A_264 : i32 to vector<16xi32>
      %add3A_266 = arith.addi %mul3A_263, %add3A_265 : vector<16xi32>
      %gather3A_267 = tpu.vector_load_idx %arg23[%add3A_266] : memref<256xf32, #tpu.memory_space<vmem>>[vector<16xi32>], vector<16xf32>,
      %add3A_268 = arith.addf %gather3A_260, %gather3A_267 : vector<16xf32>
      %max3A_269 = arith.constant 1.000000e+00 : f32
      %max3A_270 = vector.broadcast %max3A_269 : f32 to vector<16xf32>
      %max3A_271 = arith.maximumf %add3A_213, %max3A_270 : vector<16xf32>
      %div3A_272 = arith.divf %add3A_268, %max3A_271 : vector<16xf32>
      %jit3A_273 = arith.constant 0.000000e+00 : f32
      %broadcast_in_dim3A_274 = vector.broadcast %jit3A_273 : f32 to vector<16xf32>
      %select_n3A_275 = arith.select %gt3A_253, %div3A_272, %broadcast_in_dim3A_274 : vector<16xi1>, vector<16xf32>
      %mul3A_276 = arith.constant 16 : i32
      %mul3A_277 = vector.broadcast %mul3A_276 : i32 to vector<16xi32>
      %mul3A_278 = arith.muli %select_n3A_174, %mul3A_277 : vector<16xi32>
      %add3A_279 = arith.constant 8 : i32
      %add3A_280 = vector.broadcast %add3A_279 : i32 to vector<16xi32>
      %add3A_281 = arith.addi %mul3A_278, %add3A_280 : vector<16xi32>
      %gather3A_282 = tpu.vector_load_idx %arg23[%add3A_281] : memref<256xf32, #tpu.memory_space<vmem>>[vector<16xi32>], vector<16xf32>,
      %mul3A_283 = arith.constant 16 : i32
      %mul3A_284 = vector.broadcast %mul3A_283 : i32 to vector<16xi32>
      %mul3A_285 = arith.muli %select_n3A_183, %mul3A_284 : vector<16xi32>
      %add3A_286 = arith.constant 8 : i32
      %add3A_287 = vector.broadcast %add3A_286 : i32 to vector<16xi32>
      %add3A_288 = arith.addi %mul3A_285, %add3A_287 : vector<16xi32>
      %gather3A_289 = tpu.vector_load_idx %arg23[%add3A_288] : memref<256xf32, #tpu.memory_space<vmem>>[vector<16xi32>], vector<16xf32>,
      %add3A_290 = arith.addf %gather3A_282, %gather3A_289 : vector<16xf32>
      %mul3A_291 = arith.constant 3.000000e+00 : f32
      %mul3A_292 = vector.broadcast %mul3A_291 : f32 to vector<16xf32>
      %mul3A_293 = arith.mulf %add3A_198, %mul3A_292 : vector<16xf32>
      %max3A_294 = arith.constant 1.000000e+00 : f32
      %max3A_295 = vector.broadcast %max3A_294 : f32 to vector<16xf32>
      %max3A_296 = arith.maximumf %mul3A_293, %max3A_295 : vector<16xf32>
      %div3A_297 = arith.divf %add3A_290, %max3A_296 : vector<16xf32>
      %mul3A_298 = arith.constant 16 : i32
      %mul3A_299 = vector.broadcast %mul3A_298 : i32 to vector<16xi32>
      %mul3A_300 = arith.muli %select_n3A_174, %mul3A_299 : vector<16xi32>
      %add3A_301 = arith.constant 9 : i32
      %add3A_302 = vector.broadcast %add3A_301 : i32 to vector<16xi32>
      %add3A_303 = arith.addi %mul3A_300, %add3A_302 : vector<16xi32>
      %gather3A_304 = tpu.vector_load_idx %arg23[%add3A_303] : memref<256xf32, #tpu.memory_space<vmem>>[vector<16xi32>], vector<16xf32>,
      %mul3A_305 = arith.constant 16 : i32
      %mul3A_306 = vector.broadcast %mul3A_305 : i32 to vector<16xi32>
      %mul3A_307 = arith.muli %select_n3A_183, %mul3A_306 : vector<16xi32>
      %add3A_308 = arith.constant 9 : i32
      %add3A_309 = vector.broadcast %add3A_308 : i32 to vector<16xi32>
      %add3A_310 = arith.addi %mul3A_307, %add3A_309 : vector<16xi32>
      %gather3A_311 = tpu.vector_load_idx %arg23[%add3A_310] : memref<256xf32, #tpu.memory_space<vmem>>[vector<16xi32>], vector<16xf32>,
      %add3A_312 = arith.addf %gather3A_304, %gather3A_311 : vector<16xf32>
      %mul3A_313 = arith.mulf %add3A_312, %div3A_219 : vector<16xf32>
      %gt3A_314 = arith.constant 0.000000e+00 : f32
      %gt3A_315 = vector.broadcast %gt3A_314 : f32 to vector<16xf32>
      %gt3A_316 = arith.cmpf ogt, %add3A_198, %gt3A_315 : vector<16xf32>
      %and3A_317 = arith.andi %gt3A_316, %lt3A_168 : vector<16xi1>
      %add3A_318 = arith.addf %mul3A_251, %select_n3A_275 : vector<16xf32>
      %add3A_319 = arith.addf %add3A_318, %div3A_297 : vector<16xf32>
      %add3A_320 = arith.addf %add3A_319, %mul3A_313 : vector<16xf32>
      %add3A_321 = arith.addf %add3A_320, %mul3A_235 : vector<16xf32>
      %jit3A_322 = arith.constant 0.000000e+00 : f32
      %broadcast_in_dim3A_323 = vector.broadcast %jit3A_322 : f32 to vector<16xf32>
      %select_n3A_324 = arith.select %and3A_317, %add3A_321, %broadcast_in_dim3A_323 : vector<16xi1>, vector<16xf32>
      %reduce_sum3A_325 = arith.constant true
      %reduce_sum3A_326 = vector.broadcast %reduce_sum3A_325 : i1 to vector<16xi1>
      %reduce_sum3A_327 = tpu.scan <sum>, %select_n3A_324 masked %reduce_sum3A_326 : vector<16xf32>, vector<16xi1> -> vector<16xf32>
      %reduce_sum3A_328 = vector.extract %reduce_sum3A_327[15] : f32 from vector<16xf32>
      %jit3A_329 = arith.constant 0.000000e+00 : f32
      %broadcast_in_dim3A_330 = vector.broadcast %jit3A_329 : f32 to vector<16xf32>
      %select_n3A_331 = arith.select %lt3A_168, %add3A_198, %broadcast_in_dim3A_330 : vector<16xi1>, vector<16xf32>
      %reduce_sum3A_332 = arith.constant true
      %reduce_sum3A_333 = vector.broadcast %reduce_sum3A_332 : i1 to vector<16xi1>
      %reduce_sum3A_334 = tpu.scan <sum>, %select_n3A_331 masked %reduce_sum3A_333 : vector<16xf32>, vector<16xi1> -> vector<16xf32>
      %reduce_sum3A_335 = vector.extract %reduce_sum3A_334[15] : f32 from vector<16xf32>
      %mul3A_336 = arith.constant 16 : i32
      %mul3A_337 = vector.broadcast %mul3A_336 : i32 to vector<16xi32>
      %mul3A_338 = arith.muli %iota3A, %mul3A_337 : vector<16xi32>
      %add3A_339 = arith.constant 0 : i32
      %add3A_340 = vector.broadcast %add3A_339 : i32 to vector<16xi32>
      %add3A_341 = arith.addi %mul3A_338, %add3A_340 : vector<16xi32>
      %gather3A_342 = tpu.vector_load_idx %arg23[%add3A_341] : memref<256xf32, #tpu.memory_space<vmem>>[vector<16xi32>], vector<16xf32>,
      %reduce_sum3A_343 = arith.constant true
      %reduce_sum3A_344 = vector.broadcast %reduce_sum3A_343 : i1 to vector<16xi1>
      %reduce_sum3A_345 = tpu.scan <sum>, %gather3A_342 masked %reduce_sum3A_344 : vector<16xf32>, vector<16xi1> -> vector<16xf32>
      %reduce_sum3A_346 = vector.extract %reduce_sum3A_345[15] : f32 from vector<16xf32>
      %mul3A_347 = arith.constant 16 : i32
      %mul3A_348 = vector.broadcast %mul3A_347 : i32 to vector<16xi32>
      %mul3A_349 = arith.muli %iota3A, %mul3A_348 : vector<16xi32>
      %add3A_350 = arith.constant 1 : i32
      %add3A_351 = vector.broadcast %add3A_350 : i32 to vector<16xi32>
      %add3A_352 = arith.addi %mul3A_349, %add3A_351 : vector<16xi32>
      %gather3A_353 = tpu.vector_load_idx %arg23[%add3A_352] : memref<256xf32, #tpu.memory_space<vmem>>[vector<16xi32>], vector<16xf32>,
      %reduce_sum3A_354 = arith.constant true
      %reduce_sum3A_355 = vector.broadcast %reduce_sum3A_354 : i1 to vector<16xi1>
      %reduce_sum3A_356 = tpu.scan <sum>, %gather3A_353 masked %reduce_sum3A_355 : vector<16xf32>, vector<16xi1> -> vector<16xf32>
      %reduce_sum3A_357 = vector.extract %reduce_sum3A_356[15] : f32 from vector<16xf32>
      %mul3A_358 = arith.constant 16 : i32
      %mul3A_359 = vector.broadcast %mul3A_358 : i32 to vector<16xi32>
      %mul3A_360 = arith.muli %iota3A, %mul3A_359 : vector<16xi32>
      %add3A_361 = arith.constant 2 : i32
      %add3A_362 = vector.broadcast %add3A_361 : i32 to vector<16xi32>
      %add3A_363 = arith.addi %mul3A_360, %add3A_362 : vector<16xi32>
      %gather3A_364 = tpu.vector_load_idx %arg23[%add3A_363] : memref<256xf32, #tpu.memory_space<vmem>>[vector<16xi32>], vector<16xf32>,
      %reduce_sum3A_365 = arith.constant true
      %reduce_sum3A_366 = vector.broadcast %reduce_sum3A_365 : i1 to vector<16xi1>
      %reduce_sum3A_367 = tpu.scan <sum>, %gather3A_364 masked %reduce_sum3A_366 : vector<16xf32>, vector<16xi1> -> vector<16xf32>
      %reduce_sum3A_368 = vector.extract %reduce_sum3A_367[15] : f32 from vector<16xf32>
      %eq3A_369 = arith.constant 0 : i32
      %eq3A_370 = vector.broadcast %eq3A_369 : i32 to vector<16xi32>
      %eq3A_371 = arith.cmpi eq, %iota3A, %eq3A_370 : vector<16xi32>
      %broadcast_in_dim3A_372 = vector.broadcast %reduce_sum3A_346 : f32 to vector<16xf32>
      %select_n3A_373 = arith.select %eq3A_371, %broadcast_in_dim3A_372, %broadcast_in_dim3A_42 : vector<16xi1>, vector<16xf32>
      %eq3A_374 = arith.constant 1 : i32
      %eq3A_375 = vector.broadcast %eq3A_374 : i32 to vector<16xi32>
      %eq3A_376 = arith.cmpi eq, %iota3A, %eq3A_375 : vector<16xi32>
      %broadcast_in_dim3A_377 = vector.broadcast %reduce_sum3A_357 : f32 to vector<16xf32>
      %select_n3A_378 = arith.select %eq3A_376, %broadcast_in_dim3A_377, %select_n3A_373 : vector<16xi1>, vector<16xf32>
      %eq3A_379 = arith.constant 2 : i32
      %eq3A_380 = vector.broadcast %eq3A_379 : i32 to vector<16xi32>
      %eq3A_381 = arith.cmpi eq, %iota3A, %eq3A_380 : vector<16xi32>
      %broadcast_in_dim3A_382 = vector.broadcast %reduce_sum3A_368 : f32 to vector<16xf32>
      %select_n3A_383 = arith.select %eq3A_381, %broadcast_in_dim3A_382, %select_n3A_378 : vector<16xi1>, vector<16xf32>
      %eq3A_384 = arith.constant 3 : i32
      %eq3A_385 = vector.broadcast %eq3A_384 : i32 to vector<16xi32>
      %eq3A_386 = arith.cmpi eq, %iota3A, %eq3A_385 : vector<16xi32>
      %broadcast_in_dim3A_387 = vector.broadcast %reduce_sum3A_328 : f32 to vector<16xf32>
      %select_n3A_388 = arith.select %eq3A_386, %broadcast_in_dim3A_387, %select_n3A_383 : vector<16xi1>, vector<16xf32>
      %eq3A_389 = arith.constant 4 : i32
      %eq3A_390 = vector.broadcast %eq3A_389 : i32 to vector<16xi32>
      %eq3A_391 = arith.cmpi eq, %iota3A, %eq3A_390 : vector<16xi32>
      %broadcast_in_dim3A_392 = vector.broadcast %reduce_sum3A_335 : f32 to vector<16xf32>
      %select_n3A_393 = arith.select %eq3A_391, %broadcast_in_dim3A_392, %select_n3A_388 : vector<16xi1>, vector<16xf32>
      %swap3A_394 = arith.constant 0 : index
      %swap3A_395 = tpu.vector_load %arg22[%swap3A_394] {strides = array<i32>} : memref<16xf32, #tpu.memory_space<vmem>>, vector<16xf32>,
      tpu.vector_store %arg22[%swap3A_394], %select_n3A_393 {strides = array<i32>} : memref<16xf32, #tpu.memory_space<vmem>>, vector<16xf32>,
      "tpu.region"() ({
        %run_scoped3A = tpu.sem_alloc : memref<!tpu.dma_semaphore, #tpu.memory_space<semaphore_mem>>
        %dma_start3A = arith.constant 0 : i32
        %dma_start3A_396 = tpu.memref_slice %arg11[%arg0, %dma_start3A] : memref<2x16xf32, #tpu.memory_space<hbm>> -> memref<1x16xf32, #tpu.memory_space<hbm>>
        %dma_start3A_397 = tpu.memref_squeeze %dma_start3A_396 : memref<1x16xf32, #tpu.memory_space<hbm>> -> memref<16xf32, #tpu.memory_space<hbm>>
        %dma_start3A_398 = arith.constant 0 : i32
        %dma_start3A_399 = tpu.memref_slice %arg11[%arg0, %dma_start3A_398] : memref<2x16xf32, #tpu.memory_space<hbm>> -> memref<1x16xf32, #tpu.memory_space<hbm>>
        %dma_start3A_400 = tpu.memref_squeeze %dma_start3A_399 : memref<1x16xf32, #tpu.memory_space<hbm>> -> memref<16xf32, #tpu.memory_space<hbm>>
        tpu.enqueue_dma source(%arg22 : memref<16xf32, #tpu.memory_space<vmem>>) target(%dma_start3A_400 : memref<16xf32, #tpu.memory_space<hbm>>) target_semaphore(%run_scoped3A : memref<!tpu.dma_semaphore, #tpu.memory_space<semaphore_mem>>)
        %dma_wait3A = arith.constant 0 : i32
        %dma_wait3A_401 = tpu.memref_slice %arg11[%arg0, %dma_wait3A] : memref<2x16xf32, #tpu.memory_space<hbm>> -> memref<1x16xf32, #tpu.memory_space<hbm>>
        %dma_wait3A_402 = tpu.memref_squeeze %dma_wait3A_401 : memref<1x16xf32, #tpu.memory_space<hbm>> -> memref<16xf32, #tpu.memory_space<hbm>>
        %dma_wait3A_403 = arith.constant 0 : i32
        %dma_wait3A_404 = tpu.memref_slice %arg11[%arg0, %dma_wait3A_403] : memref<2x16xf32, #tpu.memory_space<hbm>> -> memref<1x16xf32, #tpu.memory_space<hbm>>
        %dma_wait3A_405 = tpu.memref_squeeze %dma_wait3A_404 : memref<1x16xf32, #tpu.memory_space<hbm>> -> memref<16xf32, #tpu.memory_space<hbm>>
        tpu.wait_dma2 semaphore(%run_scoped3A : memref<!tpu.dma_semaphore, #tpu.memory_space<semaphore_mem>>) src(%arg22 : memref<16xf32, #tpu.memory_space<vmem>>) dst(%dma_wait3A_405 : memref<16xf32, #tpu.memory_space<hbm>>)
        tpu.yield
      }) : () -> ()
    } else {
    }
    return
  }
}

</mosaic_0001>

<sc_bundles>
// kernel: kernel.3.cloned.1.call-start
scs
__scs_entry_jumppad:
0x0: {  	(pc) =	sbr.rel $0x88, $3  }
0x1: {  	(tag) =	ssettag $0x0;
	lr =	simm.s32 $0x1  }
0x2: {  	[smem:$0x3F98] =	sst lr;
	_ =	strace $0xD0000000  }
0x3: {  	_ = 	snop  }
0x4: {  	_ = 	snop  }
0x5: {  	_ = 	snop  }
0x6: {  	_ = 	snop  }
0x7: {  	_ = 	snop  }
__scs_overlays_trampoline_lowered:
0x8: {  	[smem:$0x3FA7] =	sst s0  }
0x9: {  	[smem:$0x3FA8] =	sst s1  }
0xa: {  	[smem:$0x3FA9] =	sst s2  }
0xb: {  	[smem:$0x3FAA] =	sst s3  }
0xc: {  	[smem:$0x3FAB] =	sst s4  }
0xd: {  	[smem:$0x3FAC] =	sst s5  }
0xe: {  	[smem:$0x3FAD] =	sst s6  }
0xf: {  	[smem:$0x3FAE] =	sst s7  }
0x10: {  	[smem:$0x3FAF] =	sst s8  }
0x11: {  	[smem:$0x3FB0] =	sst s9;
	s0 =	simm.s32 @!p0 $0x0  }
0x12: {  	s1 =	sld [smem:$0x3F96];
	s0 =	simm.s32 @p0 $0x1  }
0x13: {  	[smem:$0x3FB1] =	sst s0;
	s0 =	simm.s32 @!p1 $0x0  }
0x14: {  	s2 =	sld [smem:$0x3F95];
	s0 =	simm.s32 @p1 $0x1  }
0x15: {  	[smem:$0x3FB2] =	sst s0;
	s0 =	simm.s32 @!p2 $0x0  }
0x16: {  	s3 =	sld [smem:$0x3FDB];
	s0 =	simm.s32 @p2 $0x1  }
0x17: {  	s4 =	simm.s32 $0x1BF5;
	[smem:$0x3FB4] =	sst s0  }
0x18: {  	s0 =	sld [smem:$0x3F97];
	_ =	swait.ge [sflag:s4], $0x0  }
0x19: {  	s7 =	sld [smem:$0x3F98]  }
0x1a: {  	s8 =	sadd.s32 $0xFFFFE003, lr  }
0x1b: {  	s9 =	sadd.s32 $0xFFFFFEF7, lr;
	s5 =	simm.s32 $0xFFFFFFFF;
	p2 =	slt.u32 s8, $0xFFFFF086  }
0x1c: {  	p1 =	slt.u32 s9, $0xF7A;
	s5 =	simm.s32 @!p2 $0x0  }
0x1d: {  	s5 =	simm.s32 @p1 $0x1;
	p0 =	seq.s32 s7, s2  }
0x1e: {  	s7 =	smul.u32 @!p0 $0xF7A, s2;
	p2 =	seq.s32 @!p0 s5, $0x0  }
0x1f: {  	s9 =	smul.u32 $0xF7A, s1;
	s8 =	simm.s32 @!p0 $0x1BF5;
	p2 =	por !p2, p0  }
0x20: {  	[sflag:s8] =	ssyncset.s32 @!p0 $0xFFFFF086;
	s6 =	sadd.s32 @!p0 s3, s7;
	s7 =	simm.s32 @!p0 $0x108  }
0x21: {  	s3 =	sadd.s32 s3, s9;
	s6 =	sadd.s32 @!p0 $0x88, s6;
	s7 =	simm.s32 @p2 $0x1082  }
0x22: {  	[simem:s7], [sflag:s8] =	dma.local @!p0 [hbm:s6], $0xF7A  }
0x23: {  	s9 =	sor.u32 $0xD0000000, s2;
	s6 =	simm.s32 $0x108;
	_ =	swait.ge @!p0 [sflag:s8], $0x0  }
0x24: {  	s3 =	sadd.s32 $0x88, s3;
	s6 =	simm.s32 @!p1 $0x1082;
	[sflag:s4] =	ssyncset.s32 $0xFFFFF086  }
0x25: {  	[simem:s6], [sflag:s4] =	dma.local [hbm:s3], $0xF7A  }
0x26: {  	[smem:$0x3F98] =	sst s1;
	(tag) =	ssettag s2;
	_ =	strace s9  }
0x27: {  	s1 =	sld [smem:$0x3FA8]  }
0x28: {  	s2 =	sld [smem:$0x3FA9]  }
0x29: {  	s4 =	sld [smem:$0x3FAB]  }
0x2a: {  	p0 =	seq.s32 s5, $0x0;
	s5 =	sld [smem:$0x3FAC]  }
0x2b: {  	s6 =	sld [smem:$0x3FAD]  }
0x2c: {  	s7 =	sld [smem:$0x3FAE]  }
0x2d: {  	s3 =	simm.s32 $0x108;
	s8 =	sld [smem:$0x3FAF]  }
0x2e: {  	s3 =	simm.s32 @!p0 $0x1082;
	s9 =	sld [smem:$0x3FB0]  }
0x2f: {  	lr =	sadd.s32 s0, s3;
	s0 =	sld [smem:$0x3FA7]  }
0x30: {  	s3 =	sld [smem:$0x3FAA]  }
0x31: {  	[smem:$0x3FB3] =	sst s10  }
0x32: {  	s10 =	sld [smem:$0x3FB1];
	_ =	sdelay $0x3  }
0x33: {  	p0 =	seq.s32 s10, $0x1;
	s10 =	sld [smem:$0x3FB3];
	_ =	sdelay $0x3  }
0x34: {  	[smem:$0x3FB3] =	sst s10  }
0x35: {  	s10 =	sld [smem:$0x3FB2];
	_ =	sdelay $0x3  }
0x36: {  	p1 =	seq.s32 s10, $0x1;
	s10 =	sld [smem:$0x3FB3];
	_ =	sdelay $0x3  }
0x37: {  	[smem:$0x3FB3] =	sst s10  }
0x38: {  	s10 =	sld [smem:$0x3FB4]  }
0x39: {  	_ = 	snop;
	(pc) =	sbr.ind lr, $3  }
0x3a: {  	_ = 	snop  }
0x3b: {  	_ = 	snop  }
0x3c: {  	p2 =	seq.s32 s10, $0x1;
	s10 =	sld [smem:$0x3FB3]  }
0x3d: {  	_ =	shalt  }
0x3e: {  	_ =	shalt  }
0x3f: {  	_ =	shalt  }
0x40: {  	_ =	shalt  }
0x41: {  	_ =	shalt  }
0x42: {  	_ =	shalt  }
0x43: {  	_ =	shalt  }
0x44: {  	_ =	shalt  }
0x45: {  	_ =	shalt  }
0x46: {  	_ =	shalt  }
0x47: {  	_ =	shalt  }
0x48: {  	_ =	shalt  }
0x49: {  	_ =	shalt  }
0x4a: {  	_ =	shalt  }
0x4b: {  	_ =	shalt  }
0x4c: {  	_ =	shalt  }
0x4d: {  	_ =	shalt  }
0x4e: {  	_ =	shalt  }
0x4f: {  	_ =	shalt  }
0x50: {  	_ =	shalt  }
0x51: {  	_ =	shalt  }
0x52: {  	_ =	shalt  }
0x53: {  	_ =	shalt  }
0x54: {  	_ =	shalt  }
0x55: {  	_ =	shalt  }
0x56: {  	_ =	shalt  }
0x57: {  	_ =	shalt  }
0x58: {  	_ =	shalt  }
0x59: {  	_ =	shalt  }
0x5a: {  	_ =	shalt  }
0x5b: {  	_ =	shalt  }
0x5c: {  	_ =	shalt  }
0x5d: {  	_ =	shalt  }
0x5e: {  	_ =	shalt  }
0x5f: {  	_ =	shalt  }
0x60: {  	_ =	shalt  }
0x61: {  	_ =	shalt  }
0x62: {  	_ =	shalt  }
0x63: {  	_ =	shalt  }
0x64: {  	_ =	shalt  }
0x65: {  	_ =	shalt  }
0x66: {  	_ =	shalt  }
0x67: {  	_ =	shalt  }
0x68: {  	_ =	shalt  }
0x69: {  	_ =	shalt  }
0x6a: {  	_ =	shalt  }
0x6b: {  	_ =	shalt  }
0x6c: {  	_ =	shalt  }
0x6d: {  	_ =	shalt  }
0x6e: {  	_ =	shalt  }
0x6f: {  	_ =	shalt  }
0x70: {  	_ =	shalt  }
0x71: {  	_ =	shalt  }
0x72: {  	_ =	shalt  }
0x73: {  	_ =	shalt  }
0x74: {  	_ =	shalt  }
0x75: {  	_ =	shalt  }
0x76: {  	_ =	shalt  }
0x77: {  	_ =	shalt  }
0x78: {  	_ =	shalt  }
0x79: {  	_ =	shalt  }
0x7a: {  	_ =	shalt  }
0x7b: {  	_ =	shalt  }
0x7c: {  	_ =	shalt  }
0x7d: {  	_ =	shalt  }
0x7e: {  	_ =	shalt  }
0x7f: {  	_ =	shalt  }
0x80: {  	_ =	shalt  }
0x81: {  	_ =	shalt  }
0x82: {  	_ =	shalt  }
0x83: {  	_ =	shalt  }
0x84: {  	_ =	shalt  }
0x85: {  	_ =	shalt  }
0x86: {  	_ =	shalt  }
0x87: {  	_ =	shalt  }
.Lfunc_end0:
.L_simem_size_0:
called_computation_lowered:
.L_overlay_start_0:
0x88: {  	s2 =	sld [smem:$0x3FD9]  }
0x89: {  	s3 =	sld [smem:$0x3FFE];
	_ =	sdelay $0x1  }
0x8a: {  	s1 =	srdreg.scid  }
0x8b: {  	s0 =	sand.u32 $0x1, s1  }
0x8c: {  	s14 =	sshll.u32 s0, $0xA;
	s2 =	sadd.s32 s3, s2  }
0x8d: {  	s2 =	sadd.s32 s2, s14  }
0x8e: {  	[smem:$0x3FBF] =	sst s2  }
0x8f: {  	_ = 	snop  }
0x90: {  	s2 =	sld [smem:$0x3FD0];
	_ =	sdelay $0x1  }
0x91: {  	s15 =	sld [smem:$0x3FC6]  }
0x92: {  	s5 =	simm.s32 $0xA;
	s6 =	simm.s32 $0x10;
	s4 =	sld [smem:$0x3FC1]  }
0x93: {  	[smem:s6], [sflag:s5] =	dma.local [hbm:s2], $0x1  }
0x94: {  	_ =	swait.eq [sflag:s5], $0x1  }
0x95: {  	[sflag:s5] =	ssyncset.done $0x0  }
0x96: {  	[sflag:s5] =	ssyncadd.s32 $0xFFFFFFFF  }
0x97: {  	s16 =	sld [smem:$0x14];
	(tm) =	ssettm $0x1  }
0x98: {  	s17 =	sld [smem:$0x3FFB];
	_ =	sdelay $0x3  }
0x99: {  	_ =	strace s17  }
0x9a: {  	s5 =	sld [smem:$0x3FFC];
	_ =	sdelay $0x3  }
0x9b: {  	_ =	strace s5  }
0x9c: {  	s5 =	sld [smem:$0x3FFD];
	_ =	sdelay $0x3  }
0x9d: {  	_ =	strace s5  }
0x9e: {  	_ =	strace $0x8FFFFFFF  }
0x9f: {  	s18 =	sld [smem:$0x3FDB];
	_ =	sdelay $0x1  }
0xa0: {  	s19 =	simm.s32 $_scs_section_size  }
0xa1: {  	s7 =	simm.s32 $_size__tile_overlayer_lowered;
	s8 =	simm.s32 $_tile_overlayer_lowered  }
0xa2: {  	s22 =	simm.s32 $0x1BFF;
	s21 =	sshll.u32 s8, $0x1;
	s5 =	sadd.s32 s19, s18  }
0xa3: {  	s9 =	simm.s32 $0x0;
	s20 =	sshll.u32 s7, $0x1;
	s7 =	sadd.s32 s21, s5  }
0xa4: {  	[timem:s9], [sflag:s22] =	dma.local [hbm:s7], s20  }
0xa5: {  	_ =	swait.ge [sflag:s22], s20  }
0xa6: {  	s6 =	ssub.s32 $0x0, s20;
	[sflag:s22] =	ssyncset.done $0x0  }
0xa7: {  	[sflag:s22] =	ssyncadd.s32 s6;
	_ =	sdelay $0x1  }
0xa8: {  	s23 =	simm.s32 $0x1B8B  }
0xa9: {  	_ =	swait.ge [sflag:s23], $0x1  }
0xaa: {  	[sflag:s23] =	ssyncset.done $0x0  }
0xab: {  	s25 =	simm.s32 $0x1B8E;
	s24 =	sld [smem:$0x3FFE];
	[sflag:s23] =	ssyncadd.s32 $0xFFFFFFFF  }
0xac: {  	s26 =	simm.s32 $execute0_lowered;
	[smem:$0x3FD2] =	sst s25  }
0xad: {  	s7 =	sshll.u32 s26, $0x1;
	_ =	strace $0x80000046;
	[dreg:$0x1] =	wrdreg $0xFFFFFFFF  }
0xae: {  	s28 =	simm.s32 $_size_execute0_lowered;
	s5 =	sadd.s32 s5, s7;
	[dreg:$0x0] =	wrdreg $0x0  }
0xaf: {  	s7 =	sshll.u32 s28, $0x1;
	[dreg:$0x2] =	wrdreg s5  }
0xb0: {  	[dreg:$0x3] =	wrdreg s7  }
0xb1: {  	[dreg:$0x4] =	wrdreg $0xC0  }
0xb2: {  	_ =	task [dreg:s9], $0x5FFFF  }
0xb3: {  	[dreg:$0x1] =	wrdreg $0xFFFFFFFF  }
0xb4: {  	[dreg:$0x0] =	wrdreg $0x60  }
0xb5: {  	[dreg:$0x2] =	wrdreg s24  }
0xb6: {  	[dreg:$0x3] =	wrdreg s15  }
0xb7: {  	[dreg:$0x4] =	wrdreg s16  }
0xb8: {  	[dreg:$0x5] =	wrdreg s4  }
0xb9: {  	[dreg:$0x6] =	wrdreg $0x184800  }
0xba: {  	[dreg:$0x7] =	wrdreg $0x9  }
0xbb: {  	_ =	task.clear_ibuf [dreg:s9], $0x8FFFF;
	_ =	strace $0x90000046  }
0xbc: {  	s29 =	simm.s32 $0x9;
	_ =	strace $0x80000048  }
0xbd: {  	_ =	swait.ge [sflag:s29], $0x1  }
0xbe: {  	[sflag:s29] =	ssyncadd.s32 $0xFFFFFFFF  }
0xbf: {  	_ =	strace $0x90000048  }
0xc0: {  	_ =	sfence  }
0xc1: {  	s30 =	sld [smem:$0x0];
	_ =	sdelay $0x2  }
0xc2: {  	s31 =	sshll.u32 s1, $0xD;
	s1 =	sshrl.u32 s1, $0x2  }
0xc3: {  	s3 =	sand.u32 $0x4000, s31;
	s1 =	sadd.s32 s1, s30  }
0xc4: {  	s0 =	sor.u32 s3, s0;
	s1 =	sshll.u32 s1, $0x11  }
0xc5: {  	s0 =	sor.u32 s1, s0  }
0xc6: {  	s0 =	sadd.s32 $0x8F2B, s0  }
0xc7: {  	[sflag:s0] =	ssyncadd.remote.s32 $0x1  }
0xc8: {  	_ =	sfence.sel $0xFFFF  }
0xc9: {  	[dreg:$0x0] =	wrdreg $0xFFFFFFFF;
	(pc) =	sbr.abs _section_cstart, $3  }
0xca: {  	[dreg:$0x1] =	wrdreg $0xFFFFFFFF  }
0xcb: {  	_ =	task.clear_ibuf [dreg:s9], $0x2FFFF;
	_ =	strace $0x9FFFFFFF  }
0xcc: {  	(tm) =	ssettm $0x7FFFFFFF  }
0xcd: {  	_ =	shalt  }
tec
execute0_lowered:
.L_overlay_start_1:
0x0: {  	(tag) =	ssettag $0x1  }
0x1: {  	v0 =	vlaneseq.u32  }
0x2: {  	v13 =	vimm.s32 $0x63432383;
	v14 =	vimm.s32 $0xE3C3A303;
	vm9 =	vcmask $0x1304  }
0x3: {  	vm2 =	vcmask $0x2314;
	v15 =	vimm.s32 $0x73533313;
	vm1 =	vcmask $0xF00  }
0x4: {  	v17 =	vimm.s32 $0xF3D3B393;
	v18 =	vimm.s32 $0x64442484;
	vm0 =	vcmask $0x1F10  }
0x5: {  	s0 =	srdreg.scid;
	v19 =	vimm.s32 $0x74543414;
	v4 =	vimm.s32 $0xE4C4A404;
	v5 =	vimm.s32 $0xF4D4B494  }
0x6: {  	v25 =	vimm.s32 $0x65452585;
	v26 =	vimm.s32 $0xE5C5A505;
	v27 =	vimm.s32 $0x75553515;
	s4 =	sand.u32 $0x1, s0  }
0x7: {  	s24 =	stileid.u32;
	v28 =	vimm.s32 $0x66462686;
	v6 =	vimm.s32 $0xF5D5B595;
	v31 =	vimm.s32 $0x76563616;
	s5 =	sshll.u32 s4, $0x4  }
0x8: {  	v32 =	vimm.s32 $0xF6D6B696;
	v33 =	vimm.s32 $0x67472787;
	v36 =	vimm.s32 $0x68482888;
	s25 =	sand.u32 $0x1, s24;
	s9 =	sor.u32 s24, s5  }
0x9: {  	v37 =	vimm.s32 $0xE8C8A808;
	v38 =	vimm.s32 $0x78583818;
	v42 =	vimm.s32 $0x69492989;
	p1 =	seq.s32 s25, $0x1;
	p0 =	seq.s32 s9, $0x0  }
0xa: {  	v44 =	vimm.s32 $0xE9C9A909;
	v2 =	vmul.u32 $0x2, v0;
	v51 =	vmul.u32 $0x4, v0;
	p0 =	por !p0, !p1  }
0xb: {  	s0 =	simm.s32 $0x1;
	v0 =	vunpack.c.0.s8.s32 v13;
	v16 =	vunpack.c.0.s8.s32 v15;
	v20 =	vunpack.c.0.s8.s32 v4;
	p0 =	por !p0, !p0  }
0xc: {  	v21 =	vunpack.c.0.s8.s32 v5;
	v4 =	vunpack.c.0.s8.s32 v27;
	v5 =	vunpack.c.0.s8.s32 v28;
	s1 =	sshrl.u32 s9, $0x1;
	s0 =	simm.s32 @!p0 $0x0  }
0xd: {  	v6 =	vunpack.c.0.s8.s32 v6;
	v9 =	vor.u32 $0x1, v2;
	v10 =	vor.u32 $0x21, v2;
	s0 =	ssub.s32 s1, s0  }
0xe: {  	v11 =	vor.u32 $0x41, v2;
	v12 =	vor.u32 $0x61, v2;
	v0 =	vnsel vm9, $0x3, v0;
	s0 =	sshll.u32 s0, $0x2  }
0xf: {  	[tilespmem:$0x1FE90] =	vst v2;
	v2 =	vunpack.c.0.s8.s32 v18;
	v29 =	vnsel vm1, $0x5, v4;
	v1 =	vmov s0  }
0x10: {  	v30 =	vnsel vm9, $0x6, v5;
	v5 =	vunpack.c.0.s8.s32 v31;
	[tilespmem:$0x1FE60] =	vst v9;
	v3 =	vor.u32 $0x1, v1  }
0x11: {  	v7 =	vor.u32 $0x2, v1;
	[tilespmem:$0x1FE40] =	vst v1;
	v8 =	vor.u32 $0x3, v1;
	v1 =	vunpack.c.0.s8.s32 v14  }
0x12: {  	[tilespmem:$0x1FE70] =	vst v10;
	v9 =	vimm.s32 $0xE7C7A707;
	v22 =	vnsel vm9, $0x4, v2;
	v2 =	vunpack.c.0.s8.s32 v25  }
0x13: {  	v10 =	vimm.s32 $0xF7D7B797;
	v5 =	vnsel vm1, $0x6, v5;
	[tilespmem:$0x1FE20] =	vst v3;
	v0 =	vsel vm2, v1, v0  }
0x14: {  	v9 =	vunpack.c.0.s8.s32 v9;
	v2 =	vnsel vm9, $0x5, v2;
	[tilespmem:$0x1FE30] =	vst v7;
	v0 =	vand.u32 $0xFF, v0  }
0x15: {  	s6 =	rddreg [dreg:$0x0];
	v3 =	vunpack.c.0.s8.s32 v19;
	v7 =	vimm.s32 $0xE6C6A606;
	[tilespmem:$0x1FEB0] =	vst v0;
	v0 =	vunpack.c.0.s8.s32 v17  }
0x16: {  	s26 =	rddreg [dreg:$0x1];
	[tilespmem:$0x1FE50] =	vst v8;
	v8 =	vimm.s32 $0x77573717;
	v1 =	vnsel vm1, $0x3, v16;
	v7 =	vunpack.c.0.s8.s32 v7  }
0x17: {  	s7 =	rddreg [dreg:$0x3];
	[tilespmem:$0x1FE80] =	vst v11;
	v23 =	vnsel vm1, $0x4, v3;
	v3 =	vunpack.c.0.s8.s32 v26;
	v0 =	vsel vm0, v0, v1  }
0x18: {  	s2 =	rddreg [dreg:$0x4];
	s3 =	simm.s32 $0x0;
	[tilespmem:$0x1FEA0] =	vst v12;
	v24 =	vsel vm0, v21, v23;
	v4 =	vsel vm2, v7, v30;
	v0 =	vand.u32 $0xFF, v0  }
0x19: {  	[smem:$0x7FF] =	sst s3;
	v7 =	vunpack.c.0.s8.s32 v33;
	v2 =	vsel vm2, v3, v2;
	v1 =	vand.u32 $0xFF, v24;
	[tilespmem:$0x1FEC0] =	vst v0  }
0x1a: {  	s0 =	rddreg [dreg:$0x2];
	v3 =	vsel vm0, v6, v29;
	v6 =	vunpack.c.0.s8.s32 v32;
	v45 =	vand.u32 $0xFF, v2;
	_ =	strace $0x80000047;
	[tilespmem:$0x1FEE0] =	vst v1  }
0x1b: {  	v10 =	vunpack.c.0.s8.s32 v10;
	v8 =	vunpack.c.0.s8.s32 v8;
	v47 =	vand.u32 $0xFF, v3;
	[tilespmem:$0x1FEF0] =	vst v45  }
0x1c: {  	v4 =	vand.u32 $0xFF, v4;
	v34 =	vnsel vm9, $0x7, v7;
	v5 =	vsel vm0, v6, v5;
	[tilespmem:$0x1FF00] =	vst v47  }
0x1d: {  	v35 =	vnsel vm1, $0x7, v8;
	v6 =	vsel vm2, v9, v34;
	v59 =	vand.u32 $0xFF, v5;
	[tilespmem:$0x1FF10] =	vst v4  }
0x1e: {  	v52 =	vimm.s32 $0x79593919;
	v7 =	vsel vm0, v10, v35;
	v60 =	vand.u32 $0xFF, v6;
	[tilespmem:$0x1FF20] =	vst v59  }
0x1f: {  	v58 =	vimm.s32 $0xF9D9B999;
	s16 =	simm.s32 $0x4000;
	v61 =	vand.u32 $0xFF, v7;
	[tilespmem:$0x1FF30] =	vst v60  }
0x20: {  	s17 =	simm.s32 $0xC000;
	s18 =	simm.s32 $0x14000;
	s19 =	simm.s32 $0x16000;
	v49 =	vor.u32 $0x41, v51;
	[tilespmem:$0x1FF40] =	vst v61  }
0x21: {  	s20 =	simm.s32 $0x17000;
	s21 =	simm.s32 $0x17200;
	s22 =	simm.s32 $0x17A00;
	v50 =	vor.u32 $0x42, v51;
	[tilespmem:$0x1FF90] =	vst v49  }
0x22: {  	s23 =	simm.s32 $0x18200;
	s28 =	simm.s32 $0x0;
	v43 =	vunpack.c.0.s8.s32 v42;
	v46 =	vunpack.c.0.s8.s32 v44;
	s31 =	sshll.u32 s24, $0x4;
	v57 =	vunpack.c.0.s8.s32 v52;
	[tilespmem:$0x1FFA0] =	vst v50  }
0x23: {  	s29 =	ssub.s32 $0x2, s4;
	s25 =	simm.s32 $0x18380;
	v53 =	vor.u32 $0x1, v51;
	v54 =	vor.u32 $0x2, v51;
	v55 =	vor.u32 $0x3, v51;
	s14 =	sadd.s32 s5, s6;
	[tilespmem:$0x1FFB0] =	vst v51  }
0x24: {  	s13 =	sshrl.u32 s29, $0x1;
	s8 =	sshll.u32 s9, $0xB;
	s10 =	sshll.u32 s9, $0x9;
	v11 =	vimm.s32 $0xF8D8B898;
	v8 =	vunpack.c.0.s8.s32 v36;
	v10 =	vunpack.c.0.s8.s32 v38;
	[tilespmem:$0x1FFC0] =	vst v53  }
0x25: {  	v56 =	vor.u32 $0x43, v51;
	v48 =	vnsel vm9, $0x9, v43;
	s11 =	sshll.u32 s9, $0x8;
	s12 =	sshll.u32 s9, $0xC;
	s15 =	ssub.s32 s29, s13;
	v40 =	vunpack.c.0.s8.s32 v11;
	[tilespmem:$0x1FFD0] =	vst v54  }
0x26: {  	s30 =	sshll.u32 s9, $0xA;
	s9 =	sshll.u32 s9, $0x6;
	s13 =	sadd.s32 s31, s2;
	v39 =	vnsel vm9, $0x8, v8;
	v0 =	vsel vm2, v20, v22;
	v41 =	vnsel vm1, $0x8, v10;
	[tilespmem:$0x1FFE0] =	vst v55  }
0x27: {  	s14 =	sadd.s32 $0x5200, s14;
	s8 =	sadd.s32 s8, s6;
	s10 =	sadd.s32 s10, s6;
	v9 =	vunpack.c.0.s8.s32 v37;
	v0 =	vand.u32 $0xFF, v0;
	v8 =	vsel vm0, v40, v41;
	[tilespmem:$0x1FFF0] =	vst v56  }
.Ltmp0:
0x28: {  	s11 =	sadd.s32 s11, s6;
	s12 =	sadd.s32 s12, s6;
	v3 =	vunpack.c.0.s8.s32 v58;
	v1 =	vsel vm2, v46, v48;
	[tilespmem:$0x1FED0] =	vst v0;
	v62 =	vand.u32 $0xFF, v8;
	(pc) =	sbr.rel .LBB2_1-.Ltmp0, $4  }
0x29: {  	s7 =	sadd.s32 s7, s30;
	s9 =	sadd.s32 s26, s9;
	s4 =	sadd.s32 $0x441200, s8;
	v2 =	vnsel vm1, $0x9, v57;
	v0 =	vsel vm2, v9, v39;
	v1 =	vand.u32 $0xFF, v1;
	[tilespmem:$0x1FF60] =	vst v62  }
0x2a: {  	s15 =	smax.u32 s15, $0x1;
	s5 =	sadd.s32 $0x401200, s12;
	s6 =	sadd.s32 $0x421200, s12;
	v63 =	vsel vm0, v3, v2;
	v0 =	vand.u32 $0xFF, v0;
	[tilespmem:$0x1FF70] =	vst v1  }
0x2b: {  	s8 =	sadd.s32 $0x101200, s10;
	s10 =	sadd.s32 $0x1200, s11;
	s11 =	sadd.s32 $0x3200, s11;
	[tilespmem:$0x1FF50] =	vst v0;
	v0 =	vand.u32 $0xFF, v63  }
0x2c: {  	s12 =	simm.s32 $0x1;
	p0 =	sne.s32 s24, $0x0;
	s24 =	simm.s32 $0x18280;
	[tilespmem:$0x1FF80] =	vst v0  }
.LBB2_7:
0x2d: {  	s28 =	sadd.s32 $0x1, s28  }
0x2e: {  	p1 =	sne.s32 s28, s15  }
.Ltmp1:
0x2f: {  	_ = 	snop;
	(pc) =	sbr.rel @!p1 .LBB2_8-.Ltmp1, $1  }
0x30: {  	_ =	sdelay $0x3  }
.LBB2_1:
0x31: {  	[tilespmem:s3], [sflag:$0x1] =	stream.linear.gather [hbm4b:s4+s3], $0x4000, $0x38;
	[tilespmem:$0x18490] =	vst v63  }
0x32: {  	_ =	swait.ge [sflag:s12], $0x4000  }
0x33: {  	[sflag:s12] =	ssyncset.done $0x0  }
0x34: {  	[sflag:s12] =	ssyncadd.s32 $0xFFFFC000  }
0x35: {  	[tilespmem:s16], [sflag:$0x1] =	stream.linear.gather [hbm4b:s5+s3], $0x8000, $0x38;
	[tilespmem:$0x18490] =	vst v63  }
0x36: {  	_ =	swait.ge [sflag:s12], $0x8000  }
0x37: {  	[sflag:s12] =	ssyncset.done $0x0  }
0x38: {  	[sflag:s12] =	ssyncadd.s32 $0xFFFF8000  }
0x39: {  	[tilespmem:s17], [sflag:$0x1] =	stream.linear.gather [hbm4b:s6+s3], $0x8000, $0x38;
	[tilespmem:$0x18490] =	vst v63  }
0x3a: {  	_ =	swait.ge [sflag:s12], $0x8000  }
0x3b: {  	[sflag:s12] =	ssyncset.done $0x0  }
0x3c: {  	[sflag:s12] =	ssyncadd.s32 $0xFFFF8000  }
0x3d: {  	[tilespmem:s18], [sflag:$0x1] =	stream.linear.gather [hbm4b:s7+s3], $0x2000, $0x38;
	[tilespmem:$0x18490] =	vst v63  }
0x3e: {  	_ =	swait.ge [sflag:s12], $0x2000  }
0x3f: {  	[sflag:s12] =	ssyncset.done $0x0  }
0x40: {  	[sflag:s12] =	ssyncadd.s32 $0xFFFFE000  }
0x41: {  	[tilespmem:s19], [sflag:$0x1] =	stream.linear.gather [hbm4b:s8+s3], $0x1000, $0x38;
	[tilespmem:$0x18490] =	vst v63  }
0x42: {  	_ =	swait.ge [sflag:s12], $0x1000  }
0x43: {  	[sflag:s12] =	ssyncset.done $0x0  }
0x44: {  	[sflag:s12] =	ssyncadd.s32 $0xFFFFF000  }
0x45: {  	[tilespmem:s20], [sflag:$0x1] =	stream.linear.gather [hbm4b:s9+s3], $0x200, $0x38;
	[tilespmem:$0x18490] =	vst v63  }
0x46: {  	_ =	swait.ge [sflag:s12], $0x200  }
0x47: {  	[sflag:s12] =	ssyncset.done $0x0  }
0x48: {  	[sflag:s12] =	ssyncadd.s32 $0xFFFFFE00  }
0x49: {  	[tilespmem:s21], [sflag:$0x1] =	stream.linear.gather [hbm4b:s10+s3], $0x800, $0x38;
	[tilespmem:$0x18490] =	vst v63  }
0x4a: {  	_ =	swait.ge [sflag:s12], $0x800  }
0x4b: {  	[sflag:s12] =	ssyncset.done $0x0  }
0x4c: {  	[sflag:s12] =	ssyncadd.s32 $0xFFFFF800  }
0x4d: {  	[tilespmem:s22], [sflag:$0x1] =	stream.linear.gather [hbm4b:s11+s3], $0x800, $0x38;
	[tilespmem:$0x18490] =	vst v63  }
0x4e: {  	_ =	swait.ge [sflag:s12], $0x800  }
0x4f: {  	s1 =	simm.s32 $0x1C0;
	[sflag:s12] =	ssyncset.done $0x0  }
0x50: {  	v0 =	vor.u32 s1, v51;
	[sflag:s12] =	ssyncadd.s32 $0xFFFFF800  }
0x51: {  	v1 =	vor.u32 s1, v49;
	[tilespmem:s23], [sflag:$0x1] =	stream.linear.gather [hbm4b:s0+s3], $0x80, $0x38;
	[tilespmem:$0x18490] =	vst v63  }
0x52: {  	v2 =	vor.u32 s1, v50;
	_ =	swait.ge [sflag:s12], $0x80  }
0x53: {  	v3 =	vor.u32 s1, v56;
	[sflag:s12] =	ssyncset.done $0x0  }
0x54: {  	[sflag:s12] =	ssyncadd.s32 $0xFFFFFF80  }
0x55: {  	v4 =	vld.idx.msk [tilespmem:v0+s16+$0x0], $0xffff  }
0x56: {  	v5 =	vld.idx.msk [tilespmem:v1+s16+$0x0], $0xffff  }
0x57: {  	s2 =	simm.s32 $0x180;
	v6 =	vld.idx.msk [tilespmem:v2+s16+$0x0], $0xffff  }
0x58: {  	v8 =	vor.u32 s2, v51;
	v7 =	vld.idx.msk [tilespmem:v3+s16+$0x0], $0xffff  }
0x59: {  	v9 =	vor.u32 s2, v53;
	v0 =	vld.idx.msk [tilespmem:v0+s17+$0x0], $0xffff  }
0x5a: {  	v10 =	vor.u32 s2, v54;
	v1 =	vld.idx.msk [tilespmem:v1+s17+$0x0], $0xffff  }
0x5b: {  	v11 =	vor.u32 s2, v55;
	v2 =	vld.idx.msk [tilespmem:v2+s17+$0x0], $0xffff  }
0x5c: {  	v3 =	vld.idx.msk [tilespmem:v3+s17+$0x0], $0xffff  }
0x5d: {  	v12 =	vld.idx.msk [tilespmem:v8+s16+$0x0], $0xffff  }
0x5e: {  	v13 =	vld.idx.msk [tilespmem:v9+s16+$0x0], $0xffff  }
0x5f: {  	s26 =	simm.s32 $0x140;
	v14 =	vld.idx.msk [tilespmem:v10+s16+$0x0], $0xffff  }
0x60: {  	v15 =	vor.u32 s26, v51;
	v16 =	vld.idx.msk [tilespmem:v11+s16+$0x0], $0xffff  }
0x61: {  	v17 =	vor.u32 s26, v49;
	v8 =	vld.idx.msk [tilespmem:v8+s17+$0x0], $0xffff  }
0x62: {  	v18 =	vor.u32 s26, v50;
	v9 =	vld.idx.msk [tilespmem:v9+s17+$0x0], $0xffff  }
0x63: {  	v19 =	vor.u32 s26, v56;
	v10 =	vld.idx.msk [tilespmem:v10+s17+$0x0], $0xffff  }
0x64: {  	v11 =	vld.idx.msk [tilespmem:v11+s17+$0x0], $0xffff  }
0x65: {  	v20 =	vld.idx.msk [tilespmem:v15+s16+$0x0], $0xffff  }
0x66: {  	v21 =	vld.idx.msk [tilespmem:v17+s16+$0x0], $0xffff  }
0x67: {  	s31 =	simm.s32 $0x100;
	v22 =	vld.idx.msk [tilespmem:v18+s16+$0x0], $0xffff  }
0x68: {  	v23 =	vor.u32 s31, v51;
	v24 =	vld.idx.msk [tilespmem:v19+s16+$0x0], $0xffff  }
0x69: {  	v25 =	vor.u32 s31, v53;
	v15 =	vld.idx.msk [tilespmem:v15+s17+$0x0], $0xffff  }
0x6a: {  	v26 =	vor.u32 s31, v54;
	v17 =	vld.idx.msk [tilespmem:v17+s17+$0x0], $0xffff  }
0x6b: {  	v27 =	vor.u32 s31, v55;
	v18 =	vld.idx.msk [tilespmem:v18+s17+$0x0], $0xffff  }
0x6c: {  	v19 =	vld.idx.msk [tilespmem:v19+s17+$0x0], $0xffff  }
0x6d: {  	v28 =	vld.idx.msk [tilespmem:v23+s16+$0x0], $0xffff  }
0x6e: {  	v29 =	vld.idx.msk [tilespmem:v25+s16+$0x0], $0xffff  }
0x6f: {  	s2 =	simm.s32 $0xC0;
	v30 =	vld.idx.msk [tilespmem:v26+s16+$0x0], $0xffff  }
0x70: {  	v31 =	vor.u32 s2, v51;
	v32 =	vld.idx.msk [tilespmem:v27+s16+$0x0], $0xffff  }
0x71: {  	v33 =	vor.u32 s2, v49;
	v23 =	vld.idx.msk [tilespmem:v23+s17+$0x0], $0xffff  }
0x72: {  	v34 =	vor.u32 s2, v50;
	v25 =	vld.idx.msk [tilespmem:v25+s17+$0x0], $0xffff  }
0x73: {  	v35 =	vor.u32 s2, v56;
	v26 =	vld.idx.msk [tilespmem:v26+s17+$0x0], $0xffff  }
0x74: {  	v27 =	vld.idx.msk [tilespmem:v27+s17+$0x0], $0xffff  }
0x75: {  	v36 =	vld.idx.msk [tilespmem:v31+s16+$0x0], $0xffff  }
0x76: {  	v37 =	vld.idx.msk [tilespmem:v33+s16+$0x0], $0xffff  }
0x77: {  	s26 =	simm.s32 $0x80;
	v38 =	vld.idx.msk [tilespmem:v34+s16+$0x0], $0xffff  }
0x78: {  	v39 =	vor.u32 s26, v51;
	v40 =	vld.idx.msk [tilespmem:v35+s16+$0x0], $0xffff  }
0x79: {  	v41 =	vor.u32 s26, v53;
	v31 =	vld.idx.msk [tilespmem:v31+s17+$0x0], $0xffff  }
0x7a: {  	v42 =	vor.u32 s26, v54;
	v33 =	vld.idx.msk [tilespmem:v33+s17+$0x0], $0xffff  }
0x7b: {  	v43 =	vor.u32 s26, v55;
	v34 =	vld.idx.msk [tilespmem:v34+s17+$0x0], $0xffff  }
0x7c: {  	v35 =	vld.idx.msk [tilespmem:v35+s17+$0x0], $0xffff  }
0x7d: {  	v44 =	vld.idx.msk [tilespmem:v39+s16+$0x0], $0xffff  }
0x7e: {  	v45 =	vld.idx.msk [tilespmem:v41+s16+$0x0], $0xffff  }
0x7f: {  	s31 =	simm.s32 $0x40;
	v46 =	vld.idx.msk [tilespmem:v42+s16+$0x0], $0xffff  }
0x80: {  	v47 =	vor.u32 s31, v51;
	v48 =	vld.idx.msk [tilespmem:v43+s16+$0x0], $0xffff  }
0x81: {  	v49 =	vor.u32 s31, v49;
	v39 =	vld.idx.msk [tilespmem:v39+s17+$0x0], $0xffff;
	v61 =	vmin.f32 v4, v0;
	v0 =	vadd.f32 v2, v0  }
0x82: {  	s29 =	simm.s32 $0x0;
	v50 =	vor.u32 s31, v50;
	v41 =	vld.idx.msk [tilespmem:v41+s17+$0x0], $0xffff  }
0x83: {  	v52 =	vor.u32 s29, v53;
	v51 =	vor.u32 s29, v51;
	v53 =	vor.u32 s31, v56;
	v42 =	vld.idx.msk [tilespmem:v42+s17+$0x0], $0xffff;
	[tilespmem:$0x1FD00] =	vst v0  }
0x84: {  	v54 =	vor.u32 s29, v54;
	v57 =	vmin.f32 v6, v2;
	v58 =	vmin.f32 v5, v1;
	v2 =	vld.idx.msk [tilespmem:v43+s17+$0x0], $0xffff  }
0x85: {  	v62 =	vmin.f32 v7, v3;
	v1 =	vadd.f32 v3, v1;
	v3 =	vadd.f32 v6, v4;
	v4 =	vld.idx.msk [tilespmem:v47+s16+$0x0], $0xffff  }
0x86: {  	v5 =	vadd.f32 v7, v5;
	v56 =	vmin.f32 v12, v8;
	v59 =	vmin.f32 v14, v10;
	v6 =	vld.idx.msk [tilespmem:v49+s16+$0x0], $0xffff  }
0x87: {  	v8 =	vadd.f32 v10, v8;
	v10 =	vmin.f32 v16, v11;
	v7 =	vadd.f32 v57, v61;
	v57 =	vld.idx.msk [tilespmem:v50+s16+$0x0], $0xffff  }
0x88: {  	v12 =	vadd.f32 v14, v12;
	v14 =	vmin.f32 v20, v15;
	v15 =	vadd.f32 v18, v15;
	v60 =	vld.idx.msk [tilespmem:v53+s16+$0x0], $0xffff  }
0x89: {  	v43 =	vadd.f32 v62, v58;
	v58 =	vmin.f32 v13, v9;
	v9 =	vadd.f32 v11, v9;
	v11 =	vld.idx.msk [tilespmem:v47+s17+$0x0], $0xffff  }
0x8a: {  	v61 =	vmin.f32 v24, v19;
	v0 =	vadd.f32 v22, v20;
	v13 =	vadd.f32 v16, v13;
	v16 =	vld.idx.msk [tilespmem:v49+s17+$0x0], $0xffff  }
0x8b: {  	v20 =	vadd.f32 v35, v33;
	v35 =	vmin.f32 v40, v35;
	v47 =	vmin.f32 v22, v18;
	v50 =	vld.idx.msk [tilespmem:v50+s17+$0x0], $0xffff  }
0x8c: {  	v55 =	vor.u32 s29, v55;
	v49 =	vmin.f32 v21, v17;
	v17 =	vadd.f32 v19, v17;
	v19 =	vld.idx.msk [tilespmem:v53+s17+$0x0], $0xffff;
	[tilespmem:$0x1FD10] =	vst v0  }
0x8d: {  	v18 =	vmin.f32 v28, v23;
	v21 =	vadd.f32 v24, v21;
	v22 =	vmin.f32 v30, v26;
	v24 =	vld.idx.msk [tilespmem:v51+s16+$0x0], $0xffff  }
0x8e: {  	v53 =	vmin.f32 v29, v25;
	v23 =	vadd.f32 v26, v23;
	v26 =	vmin.f32 v32, v27;
	v62 =	vld.idx.msk [tilespmem:v52+s16+$0x0], $0xffff  }
0x8f: {  	v25 =	vadd.f32 v27, v25;
	v27 =	vadd.f32 v30, v28;
	v28 =	vmin.f32 v36, v31;
	v30 =	vld.idx.msk [tilespmem:v54+s16+$0x0], $0xffff  }
0x90: {  	v29 =	vadd.f32 v32, v29;
	v32 =	vmin.f32 v38, v34;
	v31 =	vadd.f32 v34, v31;
	v34 =	vld.idx.msk [tilespmem:v51+s17+$0x0], $0xffff  }
0x91: {  	v36 =	vadd.f32 v38, v36;
	v38 =	vmin.f32 v44, v39;
	v39 =	vadd.f32 v42, v39;
	v52 =	vld.idx.msk [tilespmem:v52+s17+$0x0], $0xffff  }
0x92: {  	v51 =	vmin.f32 v37, v33;
	v37 =	vadd.f32 v40, v37;
	v40 =	vld.idx.msk [tilespmem:v54+s17+$0x0], $0xffff;
	v54 =	vmin.f32 v46, v42  }
0x93: {  	v42 =	vadd.f32 v46, v44;
	v44 =	vld.idx.msk [tilespmem:v55+s17+$0x0], $0xffff;
	v46 =	vmin.f32 v45, v41;
	v45 =	vadd.f32 v48, v45  }
0x94: {  	v55 =	vld.idx.msk [tilespmem:v55+s16+$0x0], $0xffff;
	v41 =	vadd.f32 v2, v41;
	v2 =	vmin.f32 v48, v2;
	v48 =	vmin.f32 v4, v11  }
0x95: {  	v11 =	vadd.f32 v50, v11;
	v50 =	vmin.f32 v57, v50;
	v0 =	vadd.f32 v57, v4  }
0x96: {  	v57 =	vmin.f32 v6, v16;
	v63 =	vadd.f32 v19, v16;
	v16 =	vmin.f32 v60, v19  }
0x97: {  	v6 =	vadd.f32 v60, v6;
	v19 =	vmin.f32 v24, v34;
	v34 =	vadd.f32 v40, v34  }
0x98: {  	v4 =	vld [tilespmem:$0x1FD00];
	v60 =	vadd.f32 v30, v24;
	v24 =	vmin.f32 v30, v40;
	v30 =	vadd.f32 v59, v56  }
0x99: {  	v40 =	vadd.f32 v44, v52;
	v52 =	vmin.f32 v62, v52;
	v56 =	vadd.f32 v55, v62;
	v62 =	vld [tilespmem:$0x1FE90]  }
0x9a: {  	[tilespmem:$0x1FD20] =	vst v0;
	v0 =	vld [tilespmem:$0x1FEA0]  }
0x9b: {  	s2 =	simm.s32 $0x70;
	v10 =	vadd.f32 v10, v58;
	v58 =	vadd.f32 v22, v18;
	v22 =	vld [tilespmem:$0x1FE80]  }
0x9c: {  	v14 =	vadd.f32 v47, v14;
	v47 =	vld [tilespmem:s2+$0x14000]  }
0x9d: {  	s29 =	simm.s32 $0xE0;
	v28 =	vadd.f32 v32, v28;
	v59 =	vld [tilespmem:s2+$0x13FF0]  }
0x9e: {  	v32 =	vadd.f32 v26, v53;
	v44 =	vmin.f32 v55, v44;
	v33 =	vld [tilespmem:s2+$0x13FE0];
	v55 =	vor.u32 s29, v62  }
0x9f: {  	s30 =	simm.s32 $0xC0;
	v53 =	vld [tilespmem:s2+$0x13FD0];
	v4 =	vmul.f32 v1, v4;
	v1 =	vadd.f32 v54, v38;
	v18 =	vor.u32 s29, v0  }
0xa0: {  	v49 =	vadd.f32 v61, v49;
	v38 =	vadd.f32 v2, v46;
	v2 =	vld [tilespmem:$0x1FE60];
	v61 =	vor.u32 s30, v62  }
0xa1: {  	v5 =	vmul.f32 v5, v3;
	v3 =	vmul.f32 v43, v7;
	[tilespmem:$0x1FD30] =	vst v1;
	v1 =	vld [tilespmem:$0x1FE70]  }
0xa2: {  	v8 =	vmul.f32 v9, v8;
	v9 =	vmul.f32 v13, v12;
	v26 =	vor.u32 s30, v22;
	v54 =	vld [tilespmem:s2+$0x13FC0]  }
0xa3: {  	s31 =	simm.s32 $0xA0;
	v15 =	vmul.f32 v17, v15;
	v25 =	vmul.f32 v25, v23;
	v35 =	vadd.f32 v35, v51;
	v43 =	vld.idx.msk [tilespmem:v55+s3+$0x0], $0xffff  }
0xa4: {  	v23 =	vmul.f32 v37, v36;
	v8 =	vadd.f32 v8, v9;
	v51 =	vor.u32 s31, v62;
	s30 =	simm.s32 $0x80;
	v13 =	vld.idx.msk [tilespmem:v18+s3+$0x0], $0xffff  }
0xa5: {  	s26 =	simm.s32 $0x60;
	v46 =	vadd.f32 v50, v48;
	v12 =	vor.u32 s30, v62;
	vm0 =	veq.s32 v33, $0x0;
	v48 =	vld.idx.msk [tilespmem:v61+s3+$0x0], $0xffff  }
0xa6: {  	vm1 =	veq.s32 v59, $0x0;
	v18 =	vld [tilespmem:$0x1FD10];
	v55 =	vadd.f32 v16, v57;
	v57 =	vor.u32 s26, v62  }
0xa7: {  	vm13 =	veq.s32 v47, $0x0;
	v61 =	vld.idx.msk [tilespmem:v26+s3+$0x0], $0xffff;
	v26 =	vmul.f32 v29, v27;
	v29 =	vor.u32 s26, v0  }
0xa8: {  	v36 =	vld [tilespmem:s2+$0x13FB0];
	vm4 =	veq.s32 v47, $0x1;
	vm5 =	veq.s32 v53, $0x0;
	v17 =	vor.u32 s30, v2;
	s30 =	simm.s32 $0x40  }
0xa9: {  	vm6 =	veq.s32 v59, $0x1;
	v51 =	vld.idx.msk [tilespmem:v51+s3+$0x0], $0xffff;
	v16 =	vadd.f32 v24, v19;
	v24 =	vor.u32 s30, v62  }
0xaa: {  	vm11 =	veq.s32 v53, $0x1;
	vm12 =	veq.s32 v33, $0x1;
	v53 =	vimm.f32 $7.500000000e-01;
	v12 =	vld.idx.msk [tilespmem:v12+s3+$0x0], $0xffff  }
0xab: {  	v50 =	vmul.f32 v21, v18;
	v21 =	vmul.f32 v20, v31;
	v31 =	vor.u32 s30, v22;
	s30 =	simm.s32 $0x20;
	v9 =	vld.idx.msk [tilespmem:v57+s3+$0x0], $0xffff  }
0xac: {  	v7 =	vor.u32 s31, v1;
	v19 =	vmul.f32 v63, v11;
	v29 =	vld.idx.msk [tilespmem:v29+s3+$0x0], $0xffff;
	v0 =	vor.u32 s30, v62  }
0xad: {  	vm2 =	veq.s32 v36, $0x0;
	v11 =	vld.idx.msk [tilespmem:v17+s3+$0x0], $0xffff;
	v17 =	vadd.f32 v15, v50;
	v15 =	vor.u32 s30, v1  }
0xae: {  	v20 =	vmul.f32 v45, v42;
	v42 =	vadd.f32 v4, v5;
	v5 =	vmul.f32 v10, v30;
	v10 =	vld.idx.msk [tilespmem:v24+s3+$0x0], $0xffff  }
0xaf: {  	v27 =	vadd.f32 v25, v26;
	v26 =	vmul.f32 v56, v60;
	v22 =	vadd.f32 v44, v52;
	v1 =	vld [tilespmem:$0x1FD20]  }
0xb0: {  	v18 =	vmul.f32 v41, v39;
	v30 =	vsub.f32 v13, v43;
	v13 =	vsub.f32 v43, v13;
	s30 =	simm.s32 $0x0;
	v31 =	vld.idx.msk [tilespmem:v31+s3+$0x0], $0xffff  }
0xb1: {  	v4 =	vmul.f32 v49, v14;
	v52 =	vor.u32 s30, v62;
	v60 =	vsub.f32 v9, v29;
	v56 =	vld.idx.msk [tilespmem:v0+s3+$0x0], $0xffff  }
0xb2: {  	v14 =	vld.idx.msk [tilespmem:v15+s3+$0x0], $0xffff;
	v15 =	vmul.f32 v32, v58;
	v58 =	vsub.f32 v29, v9;
	v29 =	vor.u32 s30, v2  }
0xb3: {  	v7 =	vld.idx.msk [tilespmem:v7+s3+$0x0], $0xffff;
	v24 =	vmul.f32 v40, v34;
	v34 =	vsub.f32 v61, v48;
	v57 =	vsub.f32 v11, v12  }
0xb4: {  	v11 =	vsub.f32 v12, v11;
	v12 =	vld [tilespmem:s2+$0x13FA0];
	v25 =	vmul.f32 v6, v1;
	v1 =	vimm.f32 $1.000000000e+00  }
0xb5: {  	v37 =	vsub.f32 v48, v61;
	v6 =	vmul.f32 v35, v28;
	v28 =	vld [tilespmem:s2+$0x13F90];
	v2 =	vsel vm0, $0x0, v1  }
0xb6: {  	v61 =	vsub.f32 v31, v10;
	v31 =	vsub.f32 v10, v31;
	v10 =	vsel vm4, v30, v13;
	v13 =	vld.idx.msk [tilespmem:v52+s3+$0x0], $0xffff  }
0xb7: {  	v62 =	vsub.f32 v14, v56;
	v41 =	vsub.f32 v56, v14;
	v14 =	vld.idx.msk [tilespmem:v29+s3+$0x0], $0xffff;
	[tilespmem:$0x1FD40] =	vst v2;
	v2 =	vsel vm1, $0x0, v1  }
0xb8: {  	vm3 =	veq.s32 v54, $0x0;
	vm8 =	veq.s32 v54, $0x1;
	[tilespmem:$0x1FD50] =	vst v2;
	v2 =	vsel vm4, $0x3E800000, v53  }
0xb9: {  	vm15 =	veq.s32 v36, $0x1;
	v63 =	vsub.f32 v7, v51;
	v0 =	vld [tilespmem:$0x1FD30];
	[tilespmem:$0x1FD60] =	vst v2;
	v2 =	vsel vm3, $0x0, v1  }
0xba: {  	v7 =	vsub.f32 v51, v7;
	v9 =	vsel vm6, v34, v37;
	[tilespmem:$0x1FD70] =	vst v2;
	v2 =	vsel vm5, $0x0, v1  }
0xbb: {  	vm7 =	veq.s32 v12, $0x0;
	vm10 =	veq.s32 v12, $0x1;
	[tilespmem:$0x1FD80] =	vst v2;
	v2 =	vsel vm6, $0x3E800000, v53  }
0xbc: {  	v12 =	vsel vm12, v63, v7;
	v34 =	vand.u32 $0x7FFFFFFF, v9;
	[tilespmem:$0x1FD90] =	vst v2;
	v2 =	vsel vm2, $0x0, v1  }
0xbd: {  	v33 =	vand.u32 $0x7FFFFFFF, v12;
	v30 =	vsub.f32 v42, v3;
	v1 =	vsel vm7, $0x0, v1;
	[tilespmem:$0x1FDA0] =	vst v2  }
0xbe: {  	v0 =	vmul.f32 v38, v0;
	vm14 =	veq.s32 v28, $0x0;
	v2 =	vsel vm11, $0x3E800000, v53;
	[tilespmem:$0x1FDD0] =	vst v1  }
0xbf: {  	vm9 =	veq.s32 v28, $0x1;
	v29 =	vsub.f32 v8, v5;
	[tilespmem:$0x1FDB0] =	vst v2;
	v2 =	vsel vm12, $0x3E800000, v53  }
0xc0: {  	v8 =	vsel vm15, v61, v31;
	v31 =	vand.u32 $0x7FFFFFFF, v10;
	[tilespmem:$0x1FDC0] =	vst v2;
	v2 =	vsel vm8, $0x3E800000, v53  }
0xc1: {  	v32 =	vsub.f32 $0.0e+00, v31;
	v7 =	vsub.f32 v14, v13;
	[tilespmem:$0x1FDE0] =	vst v2;
	v2 =	vimm.f32 $0.0e+00  }
0xc2: {  	v63 =	vsub.f32 v13, v14;
	v13 =	vsel vm8, v58, v60;
	[tilespmem:$0x1FDF0] =	vst v2;
	v2 =	vimm.f32 $0.0e+00  }
0xc3: {  	v14 =	vsel vm11, v57, v11;
	v11 =	vsel vm10, v62, v41;
	[tilespmem:$0x1FE00] =	vst v2;
	v2 =	vimm.f32 $0.0e+00  }
0xc4: {  	s30 =	simm.s32 $0x3C0;
	v1 =	vmul.f32 v55, v46;
	v31 =	vand.u32 $0x7FFFFFFF, v14;
	v7 =	vsel vm9, v7, v63;
	[tilespmem:$0x1FE10] =	vst v2  }
.LBB2_2:
0xc5: {  	v36 =	vand.u32 $0x7FFFFFFF, v8  }
0xc6: {  	v37 =	vand.u32 $0x7FFFFFFF, v13;
	v34 =	vsub.f32 $0.0e+00, v34;
	v39 =	vand.u32 $0x7FFFFFFF, v11  }
0xc7: {  	v33 =	vsub.f32 $0.0e+00, v33;
	v41 =	vand.u32 $0x7FFFFFFF, v7;
	v31 =	vsub.f32 $0.0e+00, v31  }
0xc8: {  	v30 =	vadd.f32 $1.000000010e-07, v30;
	v21 =	vadd.f32 v21, v23;
	v32 =	vmul.f32 $1.442695020e+00, v32  }
0xc9: {  	v2 =	vadd.f32 $1.000000010e-07, v29;
	v16 =	vmul.f32 v22, v16;
	v34 =	vmul.f32 $1.442695020e+00, v34  }
0xca: {  	v37 =	vsub.f32 $0.0e+00, v37;
	v33 =	vmul.f32 $1.442695020e+00, v33;
	(erf) = vpow2.f32 v32  }
0xcb: {  	v54 =	vsub.f32 $0.0e+00, v36;
	v31 =	vmul.f32 $1.442695020e+00, v31;
	(erf) = vpow2.f32 v34  }
0xcc: {  	v55 =	vsub.f32 $0.0e+00, v39;
	v56 =	vmul.f32 $1.442695020e+00, v37;
	(erf) = vpow2.f32 v33  }
0xcd: {  	v57 =	vsub.f32 $0.0e+00, v41;
	v32 =	vmul.f32 $1.442695020e+00, v54;
	(erf) = vpow2.f32 v31  }
0xce: {  	v18 =	vadd.f32 v18, v20;
	v31 =	vmul.f32 $1.442695020e+00, v55;
	(erf) = vpow2.f32 v56  }
0xcf: {  	v27 =	vsub.f32 v27, v15;
	v33 =	vmul.f32 $1.442695020e+00, v57;
	(erf) = vpow2.f32 v32  }
0xd0: {  	v19 =	vadd.f32 v19, v25;
	v60 =	vadd.f32 $1.000000000e+00, v5;
	(erf) = vpow2.f32 v31  }
0xd1: {  	v29 =	vadd.f32 $1.000000000e+00, v30;
	v27 =	vadd.f32 $1.000000010e-07, v27;
	(erf) = vpow2.f32 v33  }
0xd2: {  	v5 =	vsel vm10, $0x3E800000, v53;
	v14 =	vmax.f32 v14, $0.0e+00;
	v20 =	vadd.f32 $1.000000000e+00, v2  }
0xd3: {  	v24 =	vadd.f32 v24, v26;
	v22 =	vadd.f32 $1.000000000e+00, v27;
	v23 =	vpop (erf);
	(erf) = vrcp.f32 v29  }
0xd4: {  	v17 =	vsub.f32 v17, v4;
	v25 =	vadd.f32 $2.000000000e+00, v23;
	v26 =	vpop (erf);
	(erf) = vrcp.f32 v20  }
0xd5: {  	v21 =	vsub.f32 v21, v6;
	v20 =	vadd.f32 $2.000000000e+00, v26;
	(erf) = vrcp.f32 v22;
	v27 =	vpop (erf)  }
0xd6: {  	v18 =	vsub.f32 v18, v0;
	v22 =	vadd.f32 $2.000000000e+00, v27;
	v29 =	vpop (erf);
	(erf) = vrcp.f32 v25  }
0xd7: {  	v19 =	vsub.f32 v19, v1;
	v25 =	vadd.f32 $2.000000000e+00, v29;
	v30 =	vpop (erf);
	(erf) = vrcp.f32 v20  }
0xd8: {  	v17 =	vadd.f32 $1.000000010e-07, v17;
	v20 =	vadd.f32 $2.000000000e+00, v30;
	v31 =	vpop (erf);
	(erf) = vrcp.f32 v22  }
0xd9: {  	v21 =	vadd.f32 $1.000000010e-07, v21;
	v2 =	vadd.f32 $2.000000000e+00, v31;
	v58 =	vpop (erf);
	(erf) = vrcp.f32 v25  }
0xda: {  	v18 =	vadd.f32 $1.000000010e-07, v18;
	v25 =	vadd.f32 $2.000000000e+00, v58;
	v33 =	vpop (erf);
	(erf) = vrcp.f32 v20  }
0xdb: {  	v19 =	vadd.f32 $1.000000010e-07, v19;
	v28 =	vadd.f32 $2.000000000e+00, v33;
	(erf) = vrcp.f32 v2  }
0xdc: {  	v17 =	vadd.f32 $1.000000000e+00, v17;
	v22 =	vsub.f32 v24, v16;
	(erf) = vrcp.f32 v25;
	v24 =	vpop (erf)  }
0xdd: {  	v50 =	vmax.f32 v8, $0.0e+00;
	v2 =	vadd.f32 $1.000000000e+00, v21;
	(erf) = vrcp.f32 v28;
	v20 =	vpop (erf)  }
0xde: {  	v18 =	vadd.f32 $1.000000000e+00, v18;
	v19 =	vadd.f32 $1.000000000e+00, v19;
	v25 =	vpop (erf);
	(erf) = vrcp.f32 v17  }
0xdf: {  	v22 =	vadd.f32 $1.000000010e-07, v22;
	v28 =	vadd.f32 $1.000000000e+00, v3;
	(erf) = vrcp.f32 v2  }
0xe0: {  	v15 =	vadd.f32 $1.000000000e+00, v15;
	v20 =	vmul.f32 v20, v60;
	v21 =	vpop (erf);
	(erf) = vrcp.f32 v18  }
0xe1: {  	v2 =	vadd.f32 $1.000000000e+00, v22;
	v59 =	vpop (erf);
	v18 =	vmul.f32 v24, v28;
	(erf) = vrcp.f32 v19  }
0xe2: {  	v7 =	vmax.f32 v7, $0.0e+00;
	v61 =	vpop (erf);
	v19 =	vmul.f32 v25, v15;
	v24 =	vmul.f32 v59, v26  }
0xe3: {  	v54 =	vmax.f32 v11, $0.0e+00;
	v26 =	vmul.f32 v21, v23;
	(erf) = vrcp.f32 v2;
	v22 =	vpop (erf)  }
0xe4: {  	v3 =	vsel vm15, $0x3E800000, v53;
	v27 =	vmul.f32 v61, v27;
	v22 =	vmul.f32 v22, v29  }
0xe5: {  	v15 =	vsel vm9, $0x3E800000, v53;
	v62 =	vpop (erf);
	v36 =	vmul.f32 v24, v24;
	v63 =	vmul.f32 v26, v26  }
0xe6: {  	v61 =	vmax.f32 v12, $0.0e+00;
	v21 =	vpop (erf);
	v23 =	vmul.f32 v62, v30;
	v60 =	vmul.f32 v27, v27  }
0xe7: {  	v30 =	vmax.f32 v9, $0.0e+00;
	v25 =	vmul.f32 v21, v31;
	v39 =	vmul.f32 v22, v22  }
0xe8: {  	v62 =	vmax.f32 v13, $0.0e+00;
	v29 =	vpop (erf);
	v8 =	vmul.f32 $1.818181870e-01, v36;
	v51 =	vmul.f32 $1.818181870e-01, v63  }
0xe9: {  	v21 =	vadd.f32 $1.000000000e+00, v6;
	v6 =	vpop (erf);
	v29 =	vmul.f32 v29, v58;
	v45 =	vmul.f32 v23, v23  }
0xea: {  	v31 =	vmax.f32 v10, $0.0e+00;
	v55 =	vmul.f32 $1.818181870e-01, v60;
	v34 =	vmul.f32 v6, v33  }
0xeb: {  	v44 =	vmul.f32 v25, v25;
	v11 =	vmul.f32 $1.818181870e-01, v39;
	v8 =	vadd.f32 $2.222222240e-01, v8  }
0xec: {  	v51 =	vadd.f32 $2.222222240e-01, v51;
	v49 =	vmul.f32 v29, v29;
	v57 =	vmul.f32 $1.818181870e-01, v45  }
0xed: {  	v55 =	vadd.f32 $2.222222240e-01, v55;
	v46 =	vmul.f32 v34, v34;
	v56 =	vmul.f32 $1.818181870e-01, v44  }
0xee: {  	v11 =	vadd.f32 $2.222222240e-01, v11;
	v51 =	vmul.f32 v51, v63;
	v8 =	vmul.f32 v8, v36  }
0xef: {  	v58 =	vmul.f32 $1.818181870e-01, v49;
	v57 =	vadd.f32 $2.222222240e-01, v57;
	v55 =	vmul.f32 v55, v60  }
0xf0: {  	v59 =	vmul.f32 $1.818181870e-01, v46;
	v56 =	vadd.f32 $2.222222240e-01, v56;
	v8 =	vadd.f32 $2.857142980e-01, v8  }
0xf1: {  	v11 =	vmul.f32 v11, v39;
	v51 =	vadd.f32 $2.857142980e-01, v51;
	v58 =	vadd.f32 $2.222222240e-01, v58  }
0xf2: {  	v57 =	vmul.f32 v57, v45;
	v55 =	vadd.f32 $2.857142980e-01, v55;
	v59 =	vadd.f32 $2.222222240e-01, v59  }
0xf3: {  	v56 =	vmul.f32 v56, v44;
	v11 =	vadd.f32 $2.857142980e-01, v11;
	v8 =	vmul.f32 v8, v36  }
0xf4: {  	v51 =	vmul.f32 v51, v63;
	v58 =	vmul.f32 v58, v49;
	v57 =	vadd.f32 $2.857142980e-01, v57  }
0xf5: {  	v55 =	vmul.f32 v55, v60;
	v59 =	vmul.f32 v59, v46;
	v56 =	vadd.f32 $2.857142980e-01, v56  }
0xf6: {  	v11 =	vmul.f32 v11, v39;
	v51 =	vadd.f32 $4.000000060e-01, v51;
	v8 =	vadd.f32 $4.000000060e-01, v8  }
0xf7: {  	v58 =	vadd.f32 $2.857142980e-01, v58;
	v57 =	vmul.f32 v57, v45;
	v59 =	vadd.f32 $2.857142980e-01, v59  }
0xf8: {  	v55 =	vadd.f32 $4.000000060e-01, v55;
	v56 =	vmul.f32 v56, v44;
	v8 =	vmul.f32 v8, v36  }
0xf9: {  	v11 =	vadd.f32 $4.000000060e-01, v11;
	v51 =	vmul.f32 v51, v63;
	v59 =	vmul.f32 v59, v46  }
0xfa: {  	v58 =	vmul.f32 v58, v49;
	v57 =	vadd.f32 $4.000000060e-01, v57;
	v56 =	vadd.f32 $4.000000060e-01, v56  }
0xfb: {  	v55 =	vmul.f32 v55, v60;
	v8 =	vadd.f32 $6.666666860e-01, v8;
	v59 =	vadd.f32 $4.000000060e-01, v59  }
0xfc: {  	v11 =	vmul.f32 v11, v39;
	v51 =	vadd.f32 $6.666666860e-01, v51;
	v58 =	vadd.f32 $4.000000060e-01, v58  }
0xfd: {  	v57 =	vmul.f32 v57, v45;
	v55 =	vadd.f32 $6.666666860e-01, v55;
	v59 =	vmul.f32 v59, v46  }
0xfe: {  	v56 =	vmul.f32 v56, v44;
	v11 =	vadd.f32 $6.666666860e-01, v11;
	v37 =	vmul.f32 v51, v63  }
0xff: {  	v8 =	vmul.f32 v8, v36;
	v58 =	vmul.f32 v58, v49;
	v59 =	vadd.f32 $6.666666860e-01, v59  }
0x100: {  	v57 =	vadd.f32 $6.666666860e-01, v57;
	v41 =	vmul.f32 v55, v60;
	v63 =	vadd.f32 $6.666666860e-01, v56  }
0x101: {  	v11 =	vmul.f32 v11, v39;
	v52 =	vadd.f32 $6.666666860e-01, v58;
	v48 =	vmul.f32 v59, v46  }
0x102: {  	v8 =	vadd.f32 $2.000000000e+00, v8;
	v37 =	vadd.f32 $2.000000000e+00, v37;
	v53 =	vmul.f32 v57, v45  }
0x103: {  	v41 =	vadd.f32 $2.000000000e+00, v41;
	v55 =	vmul.f32 v52, v49;
	v36 =	vadd.f32 $2.000000000e+00, v48  }
0x104: {  	v44 =	vmul.f32 v63, v44;
	v56 =	vadd.f32 $2.000000000e+00, v11;
	v26 =	vmul.f32 v37, v26  }
0x105: {  	v8 =	vmul.f32 v8, v24;
	v57 =	vadd.f32 $2.000000000e+00, v55;
	v11 =	vmul.f32 v36, v34  }
0x106: {  	v39 =	vadd.f32 $2.000000000e+00, v53;
	v27 =	vmul.f32 v41, v27;
	v58 =	vadd.f32 $2.000000000e+00, v44  }
0x107: {  	v8 =	vadd.f32 v8, v30;
	v29 =	vmul.f32 v57, v29;
	v24 =	vadd.f32 v11, v7  }
0x108: {  	v25 =	vmul.f32 v58, v25;
	v7 =	vadd.f32 v26, v31;
	v11 =	vadd.f32 v27, v61  }
0x109: {  	v6 =	vpop (erf);
	v22 =	vmul.f32 v56, v22;
	v27 =	vadd.f32 v29, v54;
	v26 =	vsub.f32 $0.0e+00, v24  }
0x10a: {  	v9 =	vpop (erf);
	v23 =	vmul.f32 v39, v23;
	v25 =	vadd.f32 v25, v50;
	v29 =	vsub.f32 $0.0e+00, v7  }
0x10b: {  	v10 =	vpop (erf);
	v14 =	vadd.f32 v22, v14;
	v30 =	vsub.f32 $0.0e+00, v27;
	v26 =	vmul.f32 $1.442695020e+00, v26  }
0x10c: {  	v12 =	vpop (erf);
	v23 =	vadd.f32 v23, v62;
	v22 =	vsub.f32 $0.0e+00, v25;
	v29 =	vmul.f32 $1.442695020e+00, v29  }
0x10d: {  	v13 =	vpop (erf);
	v31 =	vsub.f32 $0.0e+00, v8;
	v30 =	vmul.f32 $1.442695020e+00, v30;
	(erf) = vpow2.f32 v26  }
0x10e: {  	v22 =	vmul.f32 $1.442695020e+00, v22;
	v26 =	vsub.f32 $0.0e+00, v23;
	(erf) = vpow2.f32 v29  }
0x10f: {  	v31 =	vmul.f32 $1.442695020e+00, v31;
	(erf) = vpow2.f32 v30  }
0x110: {  	v26 =	vmul.f32 $1.442695020e+00, v26;
	(erf) = vpow2.f32 v22  }
0x111: {  	(erf) = vpow2.f32 v31  }
0x112: {  	(erf) = vpow2.f32 v26;
	_ =	sdelay $0x2  }
0x113: {  	v4 =	vadd.f32 $1.000000000e+00, v4;
	v0 =	vadd.f32 $1.000000000e+00, v0  }
0x114: {  	v1 =	vadd.f32 $1.000000000e+00, v1;
	v2 =	vadd.f32 $1.000000000e+00, v16;
	v16 =	vpop (erf)  }
0x115: {  	v4 =	vmul.f32 v6, v4;
	v0 =	vmul.f32 v10, v0;
	v16 =	vsub.f32 $1.000000000e+00, v16;
	v6 =	vpop (erf)  }
0x116: {  	v10 =	vsub.f32 $1.000000000e+00, v18;
	v1 =	vmul.f32 v12, v1;
	v12 =	vsub.f32 $1.000000000e+00, v19;
	v19 =	vpop (erf)  }
0x117: {  	v18 =	vsub.f32 $1.000000000e+00, v20;
	v13 =	vmul.f32 v13, v2;
	v2 =	vld [tilespmem:$0x1FDE0];
	v15 =	vmul.f32 v16, v15;
	v20 =	vpop (erf)  }
0x118: {  	v9 =	vmul.f32 v9, v21;
	v21 =	vpop (erf)  }
0x119: {  	v15 =	vmul.f32 v15, v16;
	v16 =	vpop (erf)  }
0x11a: {  	v16 =	vsub.f32 $1.000000000e+00, v16;
	_ =	sdelay $0x1  }
0x11b: {  	v15 =	vmul.f32 v15, v24;
	v24 =	vmul.f32 v16, v2;
	v2 =	vld [tilespmem:$0x1FDF0];
	_ =	sdelay $0x2  }
0x11c: {  	v29 =	vsub.f32 $0.0e+00, v11  }
0x11d: {  	v30 =	vsub.f32 $0.0e+00, v14  }
0x11e: {  	v22 =	vmul.f32 $1.442695020e+00, v29;
	v15 =	vadd.f32 v15, v2;
	v2 =	vld [tilespmem:$0x1FE00]  }
0x11f: {  	v35 =	vimm.f32 $1.000000000e+00;
	v13 =	vsub.f32 $1.000000000e+00, v13;
	v29 =	vmul.f32 $1.442695020e+00, v30  }
0x120: {  	v17 =	vsel vm14, $0x0, v35;
	(erf) = vpow2.f32 v22  }
0x121: {  	v13 =	vmul.f32 v13, v17;
	(erf) = vpow2.f32 v29;
	_ =	sdelay $0x1  }
0x122: {  	v13 =	vadd.f32 v13, v2;
	v2 =	vld [tilespmem:$0x1FE10];
	_ =	sdelay $0x2  }
0x123: {  	v19 =	vsub.f32 $1.000000000e+00, v19;
	_ =	sdelay $0x1  }
0x124: {  	v5 =	vmul.f32 v19, v5;
	v17 =	vadd.f32 v17, v2;
	v2 =	vld [tilespmem:$0x1FDB0]  }
0x125: {  	v20 =	vsub.f32 $1.000000000e+00, v20;
	v22 =	vpop (erf)  }
0x126: {  	v5 =	vmul.f32 v5, v19;
	v19 =	vsub.f32 $1.000000000e+00, v21;
	v21 =	vpop (erf)  }
0x127: {  	v3 =	vmul.f32 v20, v3;
	v21 =	vsub.f32 $1.000000000e+00, v21;
	_ =	sdelay $0x1  }
0x128: {  	v3 =	vmul.f32 v3, v20;
	v20 =	vmul.f32 v21, v2;
	v2 =	vld [tilespmem:$0x1FDC0]  }
0x129: {  	v30 =	vld [tilespmem:$0x1FDD0];
	_ =	sdelay $0x1  }
0x12a: {  	v29 =	vld [tilespmem:$0x1FDA0];
	v22 =	vsub.f32 $1.000000000e+00, v22;
	v5 =	vmul.f32 v5, v27  }
0x12b: {  	v1 =	vsub.f32 $1.000000000e+00, v1  }
0x12c: {  	v5 =	vadd.f32 v5, v15;
	v15 =	vmul.f32 v24, v16;
	v16 =	vmul.f32 v22, v2;
	v2 =	vld [tilespmem:$0x1FD90]  }
0x12d: {  	v0 =	vsub.f32 $1.000000000e+00, v0;
	v1 =	vmul.f32 v1, v30;
	_ =	sdelay $0x1  }
0x12e: {  	v0 =	vmul.f32 v0, v29;
	v1 =	vadd.f32 v1, v13;
	v13 =	vadd.f32 v30, v17  }
0x12f: {  	v3 =	vmul.f32 v3, v25  }
0x130: {  	v0 =	vadd.f32 v0, v1;
	v1 =	vadd.f32 v29, v13;
	v13 =	vmul.f32 v19, v2;
	v2 =	vld [tilespmem:$0x1FD60]  }
0x131: {  	v28 =	vld [tilespmem:$0x1FD70];
	v3 =	vadd.f32 v3, v5;
	v5 =	vmul.f32 v15, v23;
	v15 =	vmul.f32 v20, v21  }
0x132: {  	v6 =	vsub.f32 $1.000000000e+00, v6  }
0x133: {  	v26 =	vld [tilespmem:$0x1FD80];
	v3 =	vadd.f32 v5, v3;
	v5 =	vmul.f32 v15, v14;
	v14 =	vmul.f32 v16, v22  }
0x134: {  	v9 =	vsub.f32 $1.000000000e+00, v9  }
0x135: {  	v3 =	vadd.f32 v5, v3;
	v5 =	vmul.f32 v14, v11;
	v11 =	vld [tilespmem:$0x1FD40];
	v2 =	vmul.f32 v6, v2  }
0x136: {  	v9 =	vmul.f32 v9, v28  }
0x137: {  	v2 =	vmul.f32 v2, v6;
	v6 =	vld [tilespmem:$0x1FD50]  }
0x138: {  	v4 =	vsub.f32 $1.000000000e+00, v4;
	v12 =	vmul.f32 v12, v26;
	v0 =	vadd.f32 v9, v0  }
0x139: {  	v9 =	vmul.f32 v13, v19  }
0x13a: {  	v0 =	vadd.f32 v12, v0;
	v1 =	vadd.f32 v28, v1;
	v4 =	vmul.f32 v4, v11  }
0x13b: {  	v3 =	vadd.f32 v5, v3;
	v5 =	vmul.f32 v9, v8  }
0x13c: {  	v1 =	vadd.f32 v26, v1;
	v0 =	vadd.f32 v4, v0;
	v4 =	vmul.f32 v18, v6  }
0x13d: {  	s1 =	sshra.s32 s30, $0x2;
	v3 =	vadd.f32 v5, v3;
	v5 =	vsel vm13, $0x0, v35  }
0x13e: {  	v40 =	vld [tilespmem:s1+$0x14000];
	v1 =	vadd.f32 v11, v1;
	v0 =	vadd.f32 v4, v0;
	v4 =	vmul.f32 v10, v5  }
0x13f: {  	v12 =	vld [tilespmem:$0x1FFA0]  }
0x140: {  	v42 =	vld [tilespmem:s1+$0x13FD0];
	v1 =	vadd.f32 v6, v1;
	v0 =	vadd.f32 v4, v0  }
0x141: {  	v43 =	vld [tilespmem:s1+$0x13FB0]  }
0x142: {  	v13 =	vld [tilespmem:$0x1FFB0];
	[tilespmem:$0x1FE00] =	vst v0;
	v0 =	vadd.f32 v5, v1  }
0x143: {  	v18 =	vld [tilespmem:$0x1FFF0]  }
0x144: {  	v52 =	vld [tilespmem:s1+$0x13FA0];
	[tilespmem:$0x1FE10] =	vst v0;
	v0 =	vor.u32 s30, v12  }
0x145: {  	v53 =	vld [tilespmem:s1+$0x13F90]  }
0x146: {  	v50 =	vld [tilespmem:$0x1FFE0]  }
0x147: {  	v16 =	vld [tilespmem:$0x1FFC0];
	v6 =	vor.u32 s30, v13  }
0x148: {  	v10 =	vld [tilespmem:$0x1FF90];
	v1 =	vor.u32 s30, v18  }
0x149: {  	s31 =	sadd.s32 $0xFFFFFFC0, s30;
	v28 =	vld.idx.msk [tilespmem:v0+s16+$0x0], $0xffff  }
0x14a: {  	v47 =	vld.idx.msk [tilespmem:v0+s17+$0x0], $0xffff;
	v0 =	vor.u32 s31, v13  }
0x14b: {  	v17 =	vld [tilespmem:$0x1FFD0];
	v2 =	vmul.f32 v2, v7  }
0x14c: {  	v4 =	vor.u32 s31, v50;
	v23 =	vld.idx.msk [tilespmem:v6+s16+$0x0], $0xffff  }
0x14d: {  	v2 =	vadd.f32 v2, v3;
	v3 =	vor.u32 s30, v10;
	v24 =	vld.idx.msk [tilespmem:v1+s16+$0x0], $0xffff  }
0x14e: {  	v45 =	vld.idx.msk [tilespmem:v1+s17+$0x0], $0xffff  }
0x14f: {  	[tilespmem:$0x1FDF0] =	vst v2;
	v1 =	vor.u32 s31, v16;
	v2 =	vld.idx.msk [tilespmem:v0+s16+$0x0], $0xffff  }
0x150: {  	s26 =	sadd.s32 $0xFFFFFF80, s30;
	v41 =	vld.idx.msk [tilespmem:v6+s17+$0x0], $0xffff  }
0x151: {  	v5 =	vor.u32 s26, v13;
	v27 =	vld.idx.msk [tilespmem:v4+s16+$0x0], $0xffff  }
0x152: {  	v6 =	vor.u32 s26, v10;
	v19 =	vld.idx.msk [tilespmem:v3+s16+$0x0], $0xffff  }
0x153: {  	v38 =	vld.idx.msk [tilespmem:v3+s17+$0x0], $0xffff  }
0x154: {  	v3 =	vor.u32 s31, v17;
	[tilespmem:$0x1FBA0] =	vst v2;
	v2 =	vld.idx.msk [tilespmem:v1+s16+$0x0], $0xffff  }
0x155: {  	v33 =	vld.idx.msk [tilespmem:v4+s17+$0x0], $0xffff  }
0x156: {  	v36 =	vld.idx.msk [tilespmem:v5+s17+$0x0], $0xffff  }
0x157: {  	v22 =	vld.idx.msk [tilespmem:v6+s16+$0x0], $0xffff  }
0x158: {  	v30 =	vld.idx.msk [tilespmem:v0+s17+$0x0], $0xffff;
	v0 =	vor.u32 s26, v12  }
0x159: {  	[tilespmem:$0x1FBC0] =	vst v2;
	v2 =	vld.idx.msk [tilespmem:v3+s16+$0x0], $0xffff  }
0x15a: {  	v39 =	vld.idx.msk [tilespmem:v6+s17+$0x0], $0xffff  }
0x15b: {  	v31 =	vld.idx.msk [tilespmem:v1+s17+$0x0], $0xffff;
	v1 =	vor.u32 s26, v18  }
0x15c: {  	s31 =	sadd.s32 $0xFFFFFF40, s30;
	v37 =	vld.idx.msk [tilespmem:v3+s17+$0x0], $0xffff  }
0x15d: {  	v21 =	vld.idx.msk [tilespmem:v0+s16+$0x0], $0xffff;
	v3 =	vor.u32 s31, v13  }
0x15e: {  	[tilespmem:$0x1FBB0] =	vst v2;
	v2 =	vld.idx.msk [tilespmem:v5+s16+$0x0], $0xffff;
	v5 =	vor.u32 s31, v17  }
0x15f: {  	v46 =	vld.idx.msk [tilespmem:v0+s17+$0x0], $0xffff  }
0x160: {  	v26 =	vld.idx.msk [tilespmem:v1+s16+$0x0], $0xffff  }
0x161: {  	v56 =	vld.idx.msk [tilespmem:v1+s17+$0x0], $0xffff  }
0x162: {  	v29 =	vld.idx.msk [tilespmem:v3+s16+$0x0], $0xffff  }
0x163: {  	v34 =	vld.idx.msk [tilespmem:v5+s16+$0x0], $0xffff  }
0x164: {  	s2 =	sadd.s32 $0xFFFFFF00, s30;
	v6 =	vor.u32 s31, v50;
	v58 =	vld.idx.msk [tilespmem:v5+s17+$0x0], $0xffff  }
0x165: {  	v4 =	vor.u32 s31, v16;
	v0 =	vor.u32 s2, v13;
	v5 =	vld [tilespmem:$0x1FE90]  }
0x166: {  	v1 =	vor.u32 s2, v10;
	v62 =	vld.idx.msk [tilespmem:v3+s17+$0x0], $0xffff;
	v3 =	vor.u32 s2, v18;
	[tilespmem:$0x1FBD0] =	vst v2;
	v2 =	vor.u32 s2, v12;
	s2 =	sadd.s32 $0xFFFFFE80, s30  }
0x167: {  	v14 =	vor.u32 s2, v10;
	v10 =	vld [tilespmem:$0x1FE80]  }
0x168: {  	v44 =	vld [tilespmem:s1+$0x13FF0]  }
0x169: {  	s29 =	sadd.s32 $0x100, s29;
	v32 =	vld.idx.msk [tilespmem:v6+s16+$0x0], $0xffff;
	v11 =	vor.u32 s2, v13  }
0x16a: {  	v54 =	vld.idx.msk [tilespmem:v6+s17+$0x0], $0xffff;
	v15 =	vor.u32 s2, v12;
	v18 =	vor.u32 s2, v18;
	s2 =	sadd.s32 $0xFFFFFFE0, s29;
	v6 =	vor.u32 s29, v5  }
0x16b: {  	v25 =	vld.idx.msk [tilespmem:v4+s16+$0x0], $0xffff;
	[tilespmem:$0x1FBE0] =	vst v6;
	v6 =	vor.u32 s2, v5  }
0x16c: {  	v63 =	vld.idx.msk [tilespmem:v4+s17+$0x0], $0xffff;
	s26 =	sadd.s32 $0xFFFFFEC0, s30;
	[tilespmem:$0x1FC00] =	vst v6;
	v6 =	vor.u32 s2, v10  }
0x16d: {  	v7 =	vor.u32 s26, v13;
	[tilespmem:$0x1FC10] =	vst v6;
	v6 =	vld [tilespmem:$0x1FEA0]  }
0x16e: {  	v4 =	vor.u32 s26, v16;
	v8 =	vor.u32 s26, v17;
	v9 =	vor.u32 s26, v50;
	s26 =	sadd.s32 $0xFFFFFE40, s30;
	v49 =	vld.idx.msk [tilespmem:v0+s16+$0x0], $0xffff  }
0x16f: {  	v51 =	vor.u32 s26, v16;
	v16 =	vld.idx.msk [tilespmem:v0+s17+$0x0], $0xffff  }
0x170: {  	v0 =	vld [tilespmem:$0x1FE60]  }
0x171: {  	v48 =	vld [tilespmem:s1+$0x13FC0]  }
0x172: {  	v35 =	vld [tilespmem:s1+$0x13FE0];
	s1 =	sadd.s32 $0xFFFFFF80, s29;
	v12 =	vor.u32 s29, v6  }
0x173: {  	v59 =	vor.u32 s26, v13;
	s31 =	sadd.s32 $0xFFFFFFA0, s29;
	v13 =	vld [tilespmem:$0x1FE70];
	v6 =	vor.u32 s1, v6;
	[tilespmem:$0x1FBF0] =	vst v12  }
0x174: {  	v12 =	vor.u32 s31, v5;
	[tilespmem:$0x1FC90] =	vst v6  }
0x175: {  	v57 =	vor.u32 s26, v17;
	v61 =	vor.u32 s26, v50;
	s26 =	sadd.s32 $0xFFFFFFC0, s29;
	v6 =	vor.u32 s31, v0;
	[tilespmem:$0x1FC60] =	vst v12  }
0x176: {  	s31 =	sadd.s32 $0xFFFFFF20, s29;
	v12 =	vor.u32 s26, v5;
	[tilespmem:$0x1FC70] =	vst v6  }
0x177: {  	v0 =	vor.u32 s31, v0;
	[tilespmem:$0x1FC30] =	vst v12  }
0x178: {  	v12 =	vor.u32 s26, v13;
	[tilespmem:$0x1FCF0] =	vst v0  }
0x179: {  	s26 =	sadd.s32 $0xFFFFFF40, s29;
	[tilespmem:$0x1FC50] =	vst v12;
	v12 =	vor.u32 s1, v5  }
0x17a: {  	v6 =	vor.u32 s26, v5;
	[tilespmem:$0x1FC80] =	vst v12  }
0x17b: {  	v50 =	vld.idx.msk [tilespmem:v1+s16+$0x0], $0xffff;
	v0 =	vor.u32 s26, v13;
	[tilespmem:$0x1FCC0] =	vst v6  }
0x17c: {  	s2 =	sadd.s32 $0xFFFFFF60, s29;
	v12 =	vld.idx.msk [tilespmem:v1+s17+$0x0], $0xffff;
	v1 =	vor.u32 s31, v5;
	[tilespmem:$0x1FCD0] =	vst v0  }
0x17d: {  	vm7 =	veq.s32 v48, $0x0;
	v60 =	vld.idx.msk [tilespmem:v2+s16+$0x0], $0xffff;
	v6 =	vor.u32 s2, v5;
	[tilespmem:$0x1FCE0] =	vst v1;
	v1 =	vadd.f32 v47, v41  }
0x17e: {  	vm5 =	veq.s32 v35, $0x0;
	v5 =	vld.idx.msk [tilespmem:v2+s17+$0x0], $0xffff;
	v2 =	vmin.f32 v23, v41;
	v23 =	vadd.f32 v28, v23;
	[tilespmem:$0x1FCA0] =	vst v6  }
0x17f: {  	v55 =	vld.idx.msk [tilespmem:v3+s16+$0x0], $0xffff;
	v41 =	vadd.f32 v24, v19;
	[tilespmem:$0x1FC20] =	vst v1;
	v1 =	vmin.f32 v24, v45;
	v24 =	vimm.f32 $1.000000000e+00  }
0x180: {  	v6 =	vor.u32 s2, v10;
	v10 =	vld.idx.msk [tilespmem:v3+s17+$0x0], $0xffff;
	v3 =	vmin.f32 v19, v38;
	[tilespmem:$0x1FC40] =	vst v23;
	v19 =	vsel vm5, $0x0, v24  }
0x181: {  	vm6 =	veq.s32 v44, $0x0;
	v17 =	vld.idx.msk [tilespmem:v7+s16+$0x0], $0xffff;
	v23 =	vsel vm7, $0x0, v24;
	[tilespmem:$0x1FD40] =	vst v19  }
0x182: {  	vm4 =	veq.s32 v43, $0x0;
	vm8 =	veq.s32 v42, $0x0;
	v7 =	vld.idx.msk [tilespmem:v7+s17+$0x0], $0xffff;
	v19 =	vsel vm6, $0x0, v24;
	[tilespmem:$0x1FD70] =	vst v23  }
0x183: {  	vm11 =	veq.s32 v44, $0x1;
	v20 =	vimm.f32 $7.500000000e-01;
	v44 =	vld.idx.msk [tilespmem:v14+s16+$0x0], $0xffff;
	v23 =	vsel vm8, $0x0, v24;
	[tilespmem:$0x1FD50] =	vst v19  }
0x184: {  	vm1 =	veq.s32 v40, $0x1;
	vm0 =	veq.s32 v42, $0x1;
	v13 =	vld.idx.msk [tilespmem:v4+s16+$0x0], $0xffff;
	[tilespmem:$0x1FD80] =	vst v23;
	v23 =	vsel vm11, $0x3E800000, v20  }
0x185: {  	vm3 =	veq.s32 v52, $0x0;
	vm12 =	veq.s32 v48, $0x1;
	v4 =	vld.idx.msk [tilespmem:v4+s17+$0x0], $0xffff;
	[tilespmem:$0x1FD90] =	vst v23;
	v23 =	vsel vm4, $0x0, v24  }
0x186: {  	vm2 =	veq.s32 v35, $0x1;
	v0 =	vmin.f32 v28, v47;
	v28 =	vld.idx.msk [tilespmem:v15+s16+$0x0], $0xffff;
	[tilespmem:$0x1FDA0] =	vst v23;
	v23 =	vsel vm0, $0x3E800000, v20  }
0x187: {  	v15 =	vld.idx.msk [tilespmem:v15+s17+$0x0], $0xffff;
	v19 =	vsel vm1, $0x3E800000, v20;
	v24 =	vimm.f32 $1.000000000e+00;
	[tilespmem:$0x1FDB0] =	vst v23;
	v23 =	vsel vm2, $0x3E800000, v20  }
0x188: {  	v20 =	vsel vm12, $0x3E800000, v20;
	[tilespmem:$0x1FDC0] =	vst v23;
	v23 =	vsel vm3, $0x0, v24;
	v24 =	vadd.f32 v0, v2;
	v0 =	vld [tilespmem:$0x1FBA0]  }
0x189: {  	vm15 =	veq.s32 v43, $0x1;
	vm14 =	veq.s32 v53, $0x0;
	[tilespmem:$0x1FDE0] =	vst v20;
	v20 =	vld [tilespmem:$0x1FBB0]  }
0x18a: {  	vm9 =	veq.s32 v53, $0x1;
	vm10 =	veq.s32 v52, $0x1;
	v52 =	vmin.f32 v22, v39;
	v47 =	vld.idx.msk [tilespmem:v9+s16+$0x0], $0xffff  }
0x18b: {  	v35 =	vmin.f32 v25, v63;
	v43 =	vmin.f32 v32, v54;
	v54 =	vadd.f32 v54, v63;
	v9 =	vld.idx.msk [tilespmem:v9+s17+$0x0], $0xffff  }
0x18c: {  	v48 =	vmin.f32 v21, v46;
	v53 =	vmin.f32 v26, v56;
	[tilespmem:$0x1FDD0] =	vst v23;
	v23 =	vadd.f32 v1, v3;
	v1 =	vld [tilespmem:$0x1FBC0]  }
0x18d: {  	[tilespmem:$0x1FCB0] =	vst v6;
	v6 =	vld.idx.msk [tilespmem:v8+s16+$0x0], $0xffff;
	v45 =	vadd.f32 v45, v38;
	v38 =	vmin.f32 v0, v30  }
0x18e: {  	v42 =	vmin.f32 v20, v37;
	v30 =	vadd.f32 v37, v30;
	v37 =	vadd.f32 v20, v0;
	v0 =	vld [tilespmem:$0x1FBD0]  }
0x18f: {  	v39 =	vadd.f32 v56, v39;
	v56 =	vmin.f32 v29, v62;
	v29 =	vadd.f32 v34, v29;
	v8 =	vld.idx.msk [tilespmem:v8+s17+$0x0], $0xffff  }
0x190: {  	vm13 =	veq.s32 v40, $0x0;
	v63 =	vmin.f32 v60, v5;
	v5 =	vadd.f32 v5, v16;
	[tilespmem:$0x1FD60] =	vst v19;
	v19 =	vld.idx.msk [tilespmem:v11+s16+$0x0], $0xffff  }
0x191: {  	v3 =	vld.idx.msk [tilespmem:v11+s17+$0x0], $0xffff;
	v11 =	vmin.f32 v1, v31;
	v31 =	vadd.f32 v33, v31;
	v33 =	vmin.f32 v27, v33  }
0x192: {  	v20 =	vadd.f32 v27, v1;
	v27 =	vmin.f32 v34, v58;
	v58 =	vadd.f32 v58, v62;
	v62 =	vld.idx.msk [tilespmem:v57+s16+$0x0], $0xffff  }
0x193: {  	v34 =	vld.idx.msk [tilespmem:v59+s17+$0x0], $0xffff;
	v1 =	vmin.f32 v13, v4;
	v4 =	vadd.f32 v9, v4;
	v40 =	vmin.f32 v0, v36  }
0x194: {  	v36 =	vadd.f32 v46, v36;
	v46 =	vld.idx.msk [tilespmem:v59+s16+$0x0], $0xffff;
	v21 =	vadd.f32 v21, v0;
	v59 =	vmin.f32 v49, v16  }
0x195: {  	v16 =	vld.idx.msk [tilespmem:v57+s17+$0x0], $0xffff;
	v49 =	vadd.f32 v60, v49;
	v57 =	vmin.f32 v17, v7;
	v60 =	vmin.f32 v6, v8  }
0x196: {  	v14 =	vld.idx.msk [tilespmem:v14+s17+$0x0], $0xffff;
	v0 =	vmin.f32 v47, v9;
	v7 =	vadd.f32 v8, v7;
	v8 =	vmin.f32 v19, v3  }
0x197: {  	v9 =	vadd.f32 v47, v13;
	v13 =	vmin.f32 v28, v15;
	v15 =	vadd.f32 v15, v3;
	v3 =	vld [tilespmem:$0x1FBE0]  }
0x198: {  	v2 =	vld.idx.msk [tilespmem:v18+s16+$0x0], $0xffff  }
0x199: {  	v18 =	vld.idx.msk [tilespmem:v18+s17+$0x0], $0xffff;
	_ =	sdelay $0x3  }
0x19a: {  	v6 =	vadd.f32 v6, v17;
	v17 =	vmin.f32 v44, v14  }
0x19b: {  	v47 =	vmin.f32 v2, v18;
	v14 =	vadd.f32 v18, v14;
	v18 =	vmin.f32 v46, v34  }
0x19c: {  	v34 =	vadd.f32 v16, v34;
	v16 =	vmin.f32 v62, v16;
	v46 =	vadd.f32 v62, v46;
	v62 =	vld.idx.msk [tilespmem:v3+s3+$0x0], $0xffff  }
0x19d: {  	v3 =	vld [tilespmem:$0x1FBF0]  }
0x19e: {  	v25 =	vadd.f32 v32, v25;
	v32 =	vld.idx.msk [tilespmem:v51+s17+$0x0], $0xffff  }
0x19f: {  	v22 =	vadd.f32 v26, v22;
	v26 =	vld.idx.msk [tilespmem:v51+s16+$0x0], $0xffff;
	v51 =	vmin.f32 v50, v12  }
0x1a0: {  	v50 =	vadd.f32 v55, v50;
	v12 =	vadd.f32 v10, v12;
	v10 =	vmin.f32 v55, v10;
	v55 =	vld.idx.msk [tilespmem:v61+s17+$0x0], $0xffff;
	_ =	sdelay $0x3  }
0x1a1: {  	v28 =	vadd.f32 v28, v19;
	v2 =	vadd.f32 v2, v44  }
0x1a2: {  	v44 =	vadd.f32 v55, v32;
	v19 =	vmin.f32 v26, v32;
	v32 =	vadd.f32 v42, v38;
	v38 =	vld.idx.msk [tilespmem:v3+s3+$0x0], $0xffff  }
0x1a3: {  	v3 =	vld [tilespmem:$0x1FC00];
	_ =	sdelay $0x7  }
0x1a4: {  	v40 =	vadd.f32 v48, v40;
	v48 =	vld.idx.msk [tilespmem:v3+s3+$0x0], $0xffff  }
0x1a5: {  	v3 =	vld [tilespmem:$0x1FC10];
	_ =	sdelay $0x7  }
0x1a6: {  	v52 =	vadd.f32 v53, v52;
	v53 =	vld.idx.msk [tilespmem:v3+s3+$0x0], $0xffff  }
0x1a7: {  	v3 =	vld [tilespmem:$0x1FC20];
	_ =	sdelay $0x3  }
0x1a8: {  	v61 =	vld.idx.msk [tilespmem:v61+s16+$0x0], $0xffff  }
0x1a9: {  	v11 =	vadd.f32 v33, v11;
	v33 =	vadd.f32 v27, v56;
	v27 =	vmul.f32 v45, v3;
	v3 =	vld [tilespmem:$0x1FC30];
	_ =	sdelay $0x4  }
0x1aa: {  	v42 =	vmin.f32 v61, v55  }
0x1ab: {  	v55 =	vadd.f32 v60, v57;
	v60 =	vmul.f32 v22, v21;
	v21 =	vmul.f32 v12, v5;
	v5 =	vld [tilespmem:$0x1FCA0]  }
0x1ac: {  	v16 =	vadd.f32 v16, v18;
	v18 =	vld [tilespmem:$0x1FC90]  }
0x1ad: {  	v35 =	vadd.f32 v43, v35;
	v43 =	vld.idx.msk [tilespmem:v3+s3+$0x0], $0xffff  }
0x1ae: {  	v3 =	vld [tilespmem:$0x1FC40];
	_ =	sdelay $0x2  }
0x1af: {  	v0 =	vadd.f32 v0, v1;
	v1 =	vld [tilespmem:$0x1FC60]  }
0x1b0: {  	v8 =	vadd.f32 v13, v8;
	v13 =	vld [tilespmem:$0x1FC70]  }
0x1b1: {  	v41 =	vmul.f32 v41, v3;
	v3 =	vld [tilespmem:$0x1FC50]  }
0x1b2: {  	v12 =	vld.idx.msk [tilespmem:v5+s3+$0x0], $0xffff  }
0x1b3: {  	v5 =	vld [tilespmem:$0x1FCC0]  }
0x1b4: {  	v45 =	vadd.f32 v63, v59;
	v63 =	vld.idx.msk [tilespmem:v18+s3+$0x0], $0xffff  }
0x1b5: {  	v18 =	vmul.f32 v4, v7;
	v4 =	vld [tilespmem:$0x1FCB0];
	_ =	sdelay $0x1  }
0x1b6: {  	v1 =	vld.idx.msk [tilespmem:v1+s3+$0x0], $0xffff  }
0x1b7: {  	v13 =	vld.idx.msk [tilespmem:v13+s3+$0x0], $0xffff  }
0x1b8: {  	v59 =	vld.idx.msk [tilespmem:v3+s3+$0x0], $0xffff;
	v3 =	vmul.f32 v23, v24  }
0x1b9: {  	v24 =	vmul.f32 v31, v30;
	v30 =	vmul.f32 v20, v37;
	v37 =	vadd.f32 v47, v17;
	v17 =	vld [tilespmem:$0x1FC80]  }
0x1ba: {  	v20 =	vmul.f32 v9, v6;
	v9 =	vld.idx.msk [tilespmem:v5+s3+$0x0], $0xffff  }
0x1bb: {  	v6 =	vadd.f32 v27, v41;
	v5 =	vmul.f32 v11, v32;
	v11 =	vld [tilespmem:$0x1FCD0]  }
0x1bc: {  	v7 =	vld.idx.msk [tilespmem:v4+s3+$0x0], $0xffff;
	v4 =	vadd.f32 v24, v30  }
0x1bd: {  	v25 =	vmul.f32 v25, v29;
	v26 =	vadd.f32 v61, v26;
	v30 =	vsub.f32 v6, v3;
	v6 =	vld [tilespmem:$0x1FCE0]  }
0x1be: {  	v22 =	vadd.f32 v42, v19;
	v19 =	vmul.f32 v14, v15;
	v29 =	vsub.f32 v4, v5;
	v4 =	vld [tilespmem:$0x1FCF0]  }
0x1bf: {  	v15 =	vmul.f32 v35, v33;
	v0 =	vmul.f32 v0, v55  }
0x1c0: {  	v10 =	vadd.f32 v10, v51;
	v26 =	vmul.f32 v26, v46;
	v31 =	vmul.f32 v39, v36  }
0x1c1: {  	v23 =	vmul.f32 v50, v49;
	v49 =	vsub.f32 v53, v48;
	v50 =	vsub.f32 v48, v53;
	v61 =	vld.idx.msk [tilespmem:v17+s3+$0x0], $0xffff  }
0x1c2: {  	v53 =	vimm.f32 $7.500000000e-01;
	v56 =	vsub.f32 v59, v43;
	v17 =	vmul.f32 v54, v58  }
0x1c3: {  	v24 =	vmul.f32 v44, v34;
	v57 =	vsub.f32 v43, v59;
	v59 =	vsub.f32 v1, v13;
	v11 =	vld.idx.msk [tilespmem:v11+s3+$0x0], $0xffff  }
0x1c4: {  	v58 =	vsub.f32 v13, v1;
	v1 =	vmul.f32 v37, v8;
	v27 =	vadd.f32 v17, v25  }
0x1c5: {  	v17 =	vadd.f32 v31, v60;
	v25 =	vmul.f32 v2, v28;
	v2 =	vsub.f32 v38, v62;
	v14 =	vld.idx.msk [tilespmem:v6+s3+$0x0], $0xffff  }
0x1c6: {  	v28 =	vsub.f32 v62, v38;
	v6 =	vmul.f32 v10, v45;
	v31 =	vld.idx.msk [tilespmem:v4+s3+$0x0], $0xffff;
	v13 =	vsub.f32 v63, v61  }
0x1c7: {  	v4 =	vmul.f32 v52, v40;
	v60 =	vsub.f32 v61, v63;
	v61 =	vsub.f32 v7, v12  }
0x1c8: {  	p1 =	sne.s32 s30, $0x7FC0;
	v10 =	vsel vm1, v2, v28;
	v7 =	vsub.f32 v12, v7;
	v62 =	vsub.f32 v11, v9  }
.Ltmp2:
0x1c9: {  	v11 =	vsub.f32 v9, v11;
	v12 =	vsel vm2, v56, v57;
	v2 =	vand.u32 $0x7FFFFFFF, v10;
	(pc) =	sbr.rel @p1 .LBB2_2-.Ltmp2, $4  }
0x1ca: {  	v9 =	vsel vm11, v49, v50;
	v32 =	vsub.f32 $0.0e+00, v2;
	v33 =	vand.u32 $0x7FFFFFFF, v12  }
0x1cb: {  	v34 =	vand.u32 $0x7FFFFFFF, v9;
	v63 =	vsub.f32 v31, v14;
	v31 =	vsub.f32 v14, v31  }
0x1cc: {  	v8 =	vsel vm15, v61, v7;
	v13 =	vsel vm12, v13, v60;
	v14 =	vsel vm0, v58, v59  }
0x1cd: {  	s30 =	sadd.s32 $0x200, s30;
	v11 =	vsel vm10, v62, v11;
	v7 =	vsel vm9, v63, v31;
	v31 =	vand.u32 $0x7FFFFFFF, v14  }
0x1ce: {  	v2 =	vand.u32 $0x7FFFFFFF, v8;
	v34 =	vsub.f32 $0.0e+00, v34  }
0x1cf: {  	v28 =	vand.u32 $0x7FFFFFFF, v13;
	v33 =	vsub.f32 $0.0e+00, v33;
	v32 =	vmul.f32 $1.442695020e+00, v32  }
0x1d0: {  	v35 =	vand.u32 $0x7FFFFFFF, v11;
	v31 =	vsub.f32 $0.0e+00, v31;
	v34 =	vmul.f32 $1.442695020e+00, v34  }
0x1d1: {  	v28 =	vsub.f32 $0.0e+00, v28;
	v33 =	vmul.f32 $1.442695020e+00, v33;
	(erf) = vpow2.f32 v32  }
0x1d2: {  	v2 =	vsub.f32 $0.0e+00, v2;
	v31 =	vmul.f32 $1.442695020e+00, v31;
	(erf) = vpow2.f32 v34  }
0x1d3: {  	v63 =	vsub.f32 $0.0e+00, v35;
	v28 =	vmul.f32 $1.442695020e+00, v28;
	(erf) = vpow2.f32 v33  }
0x1d4: {  	v36 =	vand.u32 $0x7FFFFFFF, v7;
	v2 =	vmul.f32 $1.442695020e+00, v2;
	(erf) = vpow2.f32 v31  }
0x1d5: {  	v36 =	vsub.f32 $0.0e+00, v36;
	v37 =	vmul.f32 $1.442695020e+00, v63;
	(erf) = vpow2.f32 v28  }
0x1d6: {  	v27 =	vsub.f32 v27, v15;
	(erf) = vpow2.f32 v2  }
0x1d7: {  	v30 =	vadd.f32 $1.000000010e-07, v30;
	v38 =	vmul.f32 $1.442695020e+00, v36;
	(erf) = vpow2.f32 v37  }
0x1d8: {  	v2 =	vadd.f32 $1.000000010e-07, v29  }
0x1d9: {  	v27 =	vadd.f32 $1.000000010e-07, v27;
	v39 =	vadd.f32 $1.000000000e+00, v30;
	(erf) = vpow2.f32 v38  }
0x1da: {  	v2 =	vadd.f32 $1.000000000e+00, v2;
	v41 =	vpop (erf)  }
0x1db: {  	v21 =	vadd.f32 v21, v23;
	v40 =	vadd.f32 $1.000000000e+00, v27;
	(erf) = vrcp.f32 v39;
	v42 =	vpop (erf)  }
0x1dc: {  	v18 =	vadd.f32 v18, v20;
	v20 =	vadd.f32 $2.000000000e+00, v41;
	(erf) = vrcp.f32 v2;
	v43 =	vpop (erf)  }
0x1dd: {  	v2 =	vadd.f32 v19, v25;
	(erf) = vrcp.f32 v40;
	v19 =	vadd.f32 $2.000000000e+00, v42;
	v45 =	vpop (erf)  }
0x1de: {  	v17 =	vsub.f32 v17, v4;
	(erf) = vrcp.f32 v20;
	v44 =	vadd.f32 $2.000000000e+00, v43;
	v46 =	vpop (erf)  }
0x1df: {  	v18 =	vsub.f32 v18, v0;
	v20 =	vadd.f32 $2.000000000e+00, v45;
	(erf) = vrcp.f32 v19;
	v48 =	vpop (erf)  }
0x1e0: {  	v19 =	vsub.f32 v21, v6;
	v47 =	vadd.f32 $2.000000000e+00, v46;
	(erf) = vrcp.f32 v44;
	v50 =	vpop (erf)  }
0x1e1: {  	v49 =	vadd.f32 $2.000000000e+00, v48;
	(erf) = vrcp.f32 v20;
	v20 =	vadd.f32 $2.000000000e+00, v50  }
0x1e2: {  	v17 =	vadd.f32 $1.000000010e-07, v17;
	v2 =	vsub.f32 v2, v1;
	v51 =	vpop (erf);
	(erf) = vrcp.f32 v47  }
0x1e3: {  	v19 =	vadd.f32 $1.000000010e-07, v19;
	v52 =	vadd.f32 $2.000000000e+00, v51;
	(erf) = vrcp.f32 v49  }
0x1e4: {  	v18 =	vadd.f32 $1.000000010e-07, v18;
	v17 =	vadd.f32 $1.000000000e+00, v17;
	(erf) = vrcp.f32 v20  }
0x1e5: {  	v2 =	vadd.f32 $1.000000010e-07, v2;
	v19 =	vadd.f32 $1.000000000e+00, v19;
	(erf) = vrcp.f32 v52;
	v20 =	vpop (erf)  }
0x1e6: {  	v18 =	vadd.f32 $1.000000000e+00, v18;
	(erf) = vrcp.f32 v17;
	v54 =	vpop (erf)  }
0x1e7: {  	v3 =	vadd.f32 $1.000000000e+00, v3;
	v2 =	vadd.f32 $1.000000000e+00, v2;
	(erf) = vrcp.f32 v19;
	v55 =	vpop (erf)  }
0x1e8: {  	v17 =	vpop (erf);
	(erf) = vrcp.f32 v18  }
0x1e9: {  	(erf) = vrcp.f32 v2;
	v2 =	vmul.f32 v20, v3  }
0x1ea: {  	v15 =	vadd.f32 $1.000000000e+00, v15  }
0x1eb: {  	v19 =	vpop (erf)  }
0x1ec: {  	v5 =	vadd.f32 $1.000000000e+00, v5;
	v3 =	vmul.f32 v55, v15;
	v18 =	vpop (erf)  }
0x1ed: {  	[tilespmem:$0x1F9F0] =	vst v2;
	v2 =	vpop (erf)  }
0x1ee: {  	[tilespmem:$0x1F9C0] =	vst v3;
	v3 =	vmul.f32 v54, v5;
	v20 =	vpop (erf)  }
0x1ef: {  	v56 =	vpop (erf)  }
0x1f0: {  	[tilespmem:$0x1F9E0] =	vst v3;
	v3 =	vmul.f32 v2, v45;
	v2 =	vpop (erf)  }
0x1f1: {  	v57 =	vpop (erf)  }
0x1f2: {  	v23 =	vmul.f32 v17, v41;
	v17 =	vadd.f32 $1.000000000e+00, v6;
	v6 =	vmul.f32 v57, v51;
	_ =	sdelay $0x1  }
0x1f3: {  	v40 =	vmul.f32 v6, v6;
	_ =	sdelay $0x1  }
0x1f4: {  	v18 =	vmul.f32 v18, v43;
	v37 =	vmul.f32 $1.818181870e-01, v40;
	_ =	sdelay $0x1  }
0x1f5: {  	v61 =	vmul.f32 v18, v18;
	v37 =	vadd.f32 $2.222222240e-01, v37;
	_ =	sdelay $0x1  }
0x1f6: {  	v45 =	vmul.f32 $1.818181870e-01, v61;
	v37 =	vmul.f32 v37, v40;
	_ =	sdelay $0x1  }
0x1f7: {  	v33 =	vadd.f32 $2.222222240e-01, v45;
	v37 =	vadd.f32 $2.857142980e-01, v37  }
0x1f8: {  	v16 =	vmul.f32 v22, v16;
	v24 =	vadd.f32 v24, v26  }
0x1f9: {  	v33 =	vmul.f32 v33, v61;
	v37 =	vmul.f32 v37, v40  }
0x1fa: {  	v24 =	vsub.f32 v24, v16  }
0x1fb: {  	v33 =	vadd.f32 $2.857142980e-01, v33;
	v37 =	vadd.f32 $4.000000060e-01, v37  }
0x1fc: {  	v24 =	vadd.f32 $1.000000010e-07, v24  }
0x1fd: {  	v33 =	vmul.f32 v33, v61;
	v37 =	vmul.f32 v37, v40  }
0x1fe: {  	v24 =	vadd.f32 $1.000000000e+00, v24  }
0x1ff: {  	v10 =	vmax.f32 v10, $0.0e+00;
	v33 =	vadd.f32 $4.000000060e-01, v33;
	v37 =	vadd.f32 $6.666666860e-01, v37  }
0x200: {  	v9 =	vmax.f32 v9, $0.0e+00;
	(erf) = vrcp.f32 v24;
	v19 =	vmul.f32 v19, v42  }
0x201: {  	v12 =	vmax.f32 v12, $0.0e+00;
	v33 =	vmul.f32 v33, v61;
	v28 =	vmul.f32 v37, v40  }
0x202: {  	v15 =	vadd.f32 $1.000000000e+00, v4;
	v59 =	vmul.f32 v23, v23;
	v4 =	vmul.f32 v56, v48  }
0x203: {  	v58 =	vmul.f32 v19, v19;
	v33 =	vadd.f32 $6.666666860e-01, v33;
	v28 =	vadd.f32 $2.000000000e+00, v28  }
0x204: {  	v14 =	vmax.f32 v14, $0.0e+00;
	v43 =	vmul.f32 $1.818181870e-01, v59;
	v62 =	vmul.f32 v4, v4  }
0x205: {  	v13 =	vmax.f32 v13, $0.0e+00;
	v25 =	vmul.f32 v33, v61;
	v6 =	vmul.f32 v28, v6  }
0x206: {  	v7 =	vmax.f32 v7, $0.0e+00;
	v20 =	vmul.f32 v20, v46;
	v2 =	vmul.f32 v2, v50  }
0x207: {  	v46 =	vmul.f32 $1.818181870e-01, v62;
	v25 =	vadd.f32 $2.000000000e+00, v25;
	v7 =	vadd.f32 v6, v7  }
0x208: {  	v8 =	vmax.f32 v8, $0.0e+00;
	v60 =	vmul.f32 v3, v3;
	v41 =	vmul.f32 v2, v2  }
0x209: {  	v34 =	vadd.f32 $2.222222240e-01, v46;
	v18 =	vmul.f32 v25, v18;
	v6 =	vsub.f32 $0.0e+00, v7  }
0x20a: {  	v31 =	vadd.f32 $2.222222240e-01, v43;
	v63 =	vmul.f32 v20, v20;
	v48 =	vmul.f32 $1.818181870e-01, v41  }
0x20b: {  	v34 =	vmul.f32 v34, v62;
	v54 =	vadd.f32 v18, v12;
	v18 =	vmul.f32 $1.442695020e+00, v6;
	v6 =	vld [tilespmem:$0x1FE20]  }
0x20c: {  	v42 =	vmul.f32 $1.818181870e-01, v58;
	v31 =	vmul.f32 v31, v59;
	v36 =	vadd.f32 $2.222222240e-01, v48  }
0x20d: {  	v44 =	vmul.f32 $1.818181870e-01, v60;
	v47 =	vmul.f32 $1.818181870e-01, v63;
	v34 =	vadd.f32 $2.857142980e-01, v34  }
0x20e: {  	v30 =	vadd.f32 $2.222222240e-01, v42;
	v31 =	vadd.f32 $2.857142980e-01, v31;
	v36 =	vmul.f32 v36, v41  }
0x20f: {  	v32 =	vadd.f32 $2.222222240e-01, v44;
	v35 =	vadd.f32 $2.222222240e-01, v47;
	v34 =	vmul.f32 v34, v62  }
0x210: {  	v30 =	vmul.f32 v30, v58;
	v31 =	vmul.f32 v31, v59;
	v36 =	vadd.f32 $2.857142980e-01, v36  }
0x211: {  	v32 =	vmul.f32 v32, v60;
	v35 =	vmul.f32 v35, v63;
	v34 =	vadd.f32 $4.000000060e-01, v34  }
0x212: {  	v30 =	vadd.f32 $2.857142980e-01, v30;
	v31 =	vadd.f32 $4.000000060e-01, v31;
	v36 =	vmul.f32 v36, v41  }
0x213: {  	v32 =	vadd.f32 $2.857142980e-01, v32;
	v35 =	vadd.f32 $2.857142980e-01, v35;
	v34 =	vmul.f32 v34, v62;
	v61 =	vld.idx.msk [tilespmem:v6+s23+$0x0], $0xffff  }
0x214: {  	v30 =	vmul.f32 v30, v58;
	v31 =	vmul.f32 v31, v59;
	v36 =	vadd.f32 $4.000000060e-01, v36;
	v6 =	vld [tilespmem:$0x1FE30]  }
0x215: {  	v32 =	vmul.f32 v32, v60;
	v35 =	vmul.f32 v35, v63;
	v50 =	vadd.f32 $6.666666860e-01, v34  }
0x216: {  	v30 =	vadd.f32 $4.000000060e-01, v30;
	v31 =	vadd.f32 $6.666666860e-01, v31;
	v36 =	vmul.f32 v36, v41  }
0x217: {  	v32 =	vadd.f32 $4.000000060e-01, v32;
	v35 =	vadd.f32 $4.000000060e-01, v35;
	v26 =	vmul.f32 v50, v62  }
0x218: {  	v38 =	vld [tilespmem:$0x1FFB0];
	v30 =	vmul.f32 v30, v58;
	v22 =	vmul.f32 v31, v59;
	v49 =	vadd.f32 $6.666666860e-01, v36  }
0x219: {  	v55 =	vld [tilespmem:$0x1FFC0];
	v32 =	vmul.f32 v32, v60;
	v35 =	vmul.f32 v35, v63;
	v26 =	vadd.f32 $2.000000000e+00, v26  }
0x21a: {  	v30 =	vadd.f32 $6.666666860e-01, v30;
	v22 =	vadd.f32 $2.000000000e+00, v22;
	v29 =	vmul.f32 v49, v41;
	v12 =	vld [tilespmem:$0x1FE40]  }
0x21b: {  	v57 =	vld [tilespmem:$0x1FFD0];
	v32 =	vadd.f32 $6.666666860e-01, v32;
	v35 =	vadd.f32 $6.666666860e-01, v35;
	v4 =	vmul.f32 v26, v4  }
0x21c: {  	v21 =	vmul.f32 v30, v58;
	v22 =	vmul.f32 v22, v23;
	v51 =	vadd.f32 $2.000000000e+00, v29;
	v62 =	vld.idx.msk [tilespmem:v6+s23+$0x0], $0xffff  }
0x21d: {  	v24 =	vmul.f32 v32, v60;
	v27 =	vmul.f32 v35, v63;
	v6 =	vadd.f32 v4, v8;
	v8 =	vld [tilespmem:$0x1FE50]  }
0x21e: {  	v21 =	vadd.f32 $2.000000000e+00, v21;
	v52 =	vadd.f32 v22, v10;
	v2 =	vmul.f32 v51, v2  }
0x21f: {  	v11 =	vmax.f32 v11, $0.0e+00;
	v39 =	vld [tilespmem:$0x1FFE0];
	v24 =	vadd.f32 $2.000000000e+00, v24;
	v27 =	vadd.f32 $2.000000000e+00, v27  }
0x220: {  	s1 =	simm.s32 $0x0;
	v19 =	vmul.f32 v21, v19;
	v2 =	vadd.f32 v2, v11;
	v11 =	vsub.f32 $0.0e+00, v52  }
0x221: {  	v23 =	vld [tilespmem:$0x1FFA0];
	v10 =	vor.u32 s1, v38;
	v35 =	vor.u32 s1, v57;
	v3 =	vmul.f32 v24, v3  }
0x222: {  	v20 =	vmul.f32 v27, v20;
	v58 =	vld.idx.msk [tilespmem:v12+s23+$0x0], $0xffff;
	v12 =	vor.u32 s1, v55;
	v11 =	vmul.f32 $1.442695020e+00, v11  }
0x223: {  	v50 =	vld [tilespmem:$0x1FF90];
	[tilespmem:$0x1F940] =	vst v52;
	v56 =	vsub.f32 $0.0e+00, v2;
	(erf) = vpow2.f32 v18;
	v18 =	vadd.f32 v19, v9  }
0x224: {  	v37 =	vor.u32 s1, v39;
	v40 =	vld [tilespmem:$0x1FFF0];
	[tilespmem:$0x1F910] =	vst v54;
	v19 =	vadd.f32 v20, v13;
	(erf) = vpow2.f32 v11  }
0x225: {  	v47 =	vadd.f32 v3, v14;
	[tilespmem:$0x1F930] =	vst v18;
	v4 =	vmul.f32 $1.442695020e+00, v56;
	v63 =	vld.idx.msk [tilespmem:v8+s23+$0x0], $0xffff  }
0x226: {  	v8 =	vld.idx.msk [tilespmem:v10+s21+$0x0], $0xffff;
	[tilespmem:$0x1F8F0] =	vst v19  }
0x227: {  	v0 =	vadd.f32 $1.000000000e+00, v0;
	v14 =	vpop (erf);
	(erf) = vpow2.f32 v4;
	v4 =	vld.idx.msk [tilespmem:v12+s21+$0x0], $0xffff;
	[tilespmem:$0x1F900] =	vst v47  }
0x228: {  	s26 =	simm.s32 $0xC0;
	v16 =	vadd.f32 $1.000000000e+00, v16;
	v48 =	vpop (erf);
	v9 =	vsub.f32 $0.0e+00, v6;
	v13 =	vld.idx.msk [tilespmem:v35+s21+$0x0], $0xffff  }
0x229: {  	v59 =	vpop (erf);
	v20 =	vor.u32 s26, v38;
	v3 =	vsub.f32 $0.0e+00, v18;
	v18 =	vsub.f32 $0.0e+00, v19;
	v19 =	vld.idx.msk [tilespmem:v37+s21+$0x0], $0xffff  }
0x22a: {  	s2 =	simm.s32 $0x80;
	v1 =	vadd.f32 $1.000000000e+00, v1;
	v51 =	vor.u32 s26, v50;
	v46 =	vpop (erf);
	v9 =	vmul.f32 $1.442695020e+00, v9;
	v10 =	vld.idx.msk [tilespmem:v10+s22+$0x0], $0xffff  }
0x22b: {  	v41 =	vor.u32 s2, v38;
	v45 =	vor.u32 s26, v23;
	v60 =	vpop (erf);
	v3 =	vmul.f32 $1.442695020e+00, v3;
	v12 =	vld.idx.msk [tilespmem:v12+s22+$0x0], $0xffff  }
0x22c: {  	v44 =	vsub.f32 $0.0e+00, v47;
	v18 =	vmul.f32 $1.442695020e+00, v18;
	v42 =	vpop (erf);
	(erf) = vpow2.f32 v9;
	v9 =	vld.idx.msk [tilespmem:v35+s22+$0x0], $0xffff  }
0x22d: {  	v17 =	vmul.f32 v48, v17;
	v52 =	vpop (erf);
	(erf) = vpow2.f32 v3;
	v47 =	vor.u32 s26, v40;
	v3 =	vld.idx.msk [tilespmem:v37+s22+$0x0], $0xffff  }
0x22e: {  	v0 =	vmul.f32 v59, v0;
	(erf) = vpow2.f32 v18;
	v18 =	vsub.f32 $1.000000000e+00, v42;
	v43 =	vld.idx.msk [tilespmem:v20+s21+$0x0], $0xffff;
	[tilespmem:$0x1F920] =	vst v52  }
0x22f: {  	v34 =	vor.u32 s2, v55;
	v49 =	vsub.f32 $0.0e+00, v54;
	v11 =	vsel vm9, $0x3E800000, v53;
	v55 =	vld.idx.msk [tilespmem:v51+s21+$0x0], $0xffff;
	[tilespmem:$0x1F9B0] =	vst v17  }
0x230: {  	v54 =	vor.u32 s2, v57;
	v1 =	vmul.f32 v46, v1;
	v57 =	vld.idx.msk [tilespmem:v45+s21+$0x0], $0xffff;
	[tilespmem:$0x1F990] =	vst v0;
	v0 =	vmul.f32 v18, v11  }
0x231: {  	v16 =	vmul.f32 v60, v16;
	v17 =	vpop (erf)  }
0x232: {  	v56 =	vor.u32 s2, v39;
	v11 =	vsub.f32 $1.000000000e+00, v17;
	v17 =	vld.idx.msk [tilespmem:v47+s21+$0x0], $0xffff;
	[tilespmem:$0x1F970] =	vst v1;
	v0 =	vmul.f32 v0, v18  }
0x233: {  	v24 =	vmul.f32 $1.442695020e+00, v49;
	v14 =	vmul.f32 v14, v15;
	v1 =	vld.idx.msk [tilespmem:v41+s21+$0x0], $0xffff  }
0x234: {  	v5 =	vsel vm10, $0x3E800000, v53;
	v29 =	vmul.f32 $1.442695020e+00, v44;
	v59 =	vld.idx.msk [tilespmem:v34+s21+$0x0], $0xffff;
	[tilespmem:$0x1F950] =	vst v16;
	v0 =	vmul.f32 v0, v7  }
0x235: {  	(erf) = vpow2.f32 v24;
	v5 =	vmul.f32 v11, v5;
	v18 =	vmax.f32 v61, v4;
	[tilespmem:$0x1F9D0] =	vst v14  }
0x236: {  	s2 =	simm.s32 $0x40;
	(erf) = vpow2.f32 v29;
	v24 =	vsub.f32 v13, v8;
	v25 =	vsub.f32 v19, v4;
	v14 =	vld.idx.msk [tilespmem:v54+s21+$0x0], $0xffff;
	[tilespmem:$0x1F960] =	vst v0  }
0x237: {  	v27 =	vsub.f32 v9, v10;
	v30 =	vsub.f32 v3, v12;
	v7 =	vor.u32 s2, v38;
	v15 =	vld.idx.msk [tilespmem:v56+s21+$0x0], $0xffff  }
0x238: {  	v0 =	vmul.f32 v5, v11;
	v5 =	vmin.f32 v62, v13;
	v11 =	vmax.f32 v58, v8;
	v20 =	vld.idx.msk [tilespmem:v20+s22+$0x0], $0xffff  }
0x239: {  	v29 =	vld.idx.msk [tilespmem:v51+s22+$0x0], $0xffff;
	v49 =	vsub.f32 v5, v11;
	v11 =	vmin.f32 v62, v9;
	v9 =	vmax.f32 v58, v10  }
0x23a: {  	v13 =	vld.idx.msk [tilespmem:v45+s22+$0x0], $0xffff;
	v10 =	vmin.f32 v63, v3;
	v3 =	vmax.f32 v61, v12;
	v4 =	vsub.f32 v11, v9  }
0x23b: {  	v60 =	vld.idx.msk [tilespmem:v47+s22+$0x0], $0xffff;
	v3 =	vsub.f32 v10, v3  }
0x23c: {  	v16 =	vor.u32 s2, v50;
	v32 =	vld.idx.msk [tilespmem:v41+s22+$0x0], $0xffff;
	[tilespmem:$0x1F870] =	vst v4  }
0x23d: {  	v8 =	vmin.f32 v63, v19;
	v12 =	vor.u32 s2, v23;
	v0 =	vmul.f32 v0, v2;
	v38 =	vld.idx.msk [tilespmem:v34+s22+$0x0], $0xffff;
	[tilespmem:$0x1F880] =	vst v3  }
0x23e: {  	v19 =	vmin.f32 v62, v14;
	v36 =	vsub.f32 v14, v1;
	v1 =	vmax.f32 v58, v1;
	v33 =	vld.idx.msk [tilespmem:v54+s22+$0x0], $0xffff  }
0x23f: {  	v45 =	vsub.f32 v8, v18;
	v51 =	vor.u32 s2, v40;
	v14 =	vld.idx.msk [tilespmem:v7+s21+$0x0], $0xffff;
	[tilespmem:$0x1F980] =	vst v0;
	v0 =	vsub.f32 v19, v1  }
0x240: {  	v8 =	vsub.f32 v17, v55;
	v10 =	vmax.f32 v58, v43;
	v3 =	vmin.f32 v62, v57  }
0x241: {  	v50 =	vsub.f32 v3, v10;
	v3 =	vmin.f32 v63, v17;
	v2 =	vld.idx.msk [tilespmem:v56+s22+$0x0], $0xffff;
	[tilespmem:$0x1F890] =	vst v0;
	v0 =	vlaneseq.u32  }
0x242: {  	v19 =	vmin.f32 v63, v15;
	v22 =	vsub.f32 v15, v59;
	v0 =	vmul.u32 $0x8, v0;
	v17 =	vld.idx.msk [tilespmem:v12+s21+$0x0], $0xffff  }
0x243: {  	s29 =	simm.s32 $0x180;
	v15 =	vmax.f32 v61, v59;
	v18 =	vsub.f32 v13, v20;
	v35 =	vld.idx.msk [tilespmem:v7+s22+$0x0], $0xffff;
	v7 =	vmax.f32 v61, v55  }
0x244: {  	s1 =	simm.s32 $0x100;
	v19 =	vsub.f32 v19, v15;
	v28 =	vld.idx.msk [tilespmem:v16+s21+$0x0], $0xffff;
	v23 =	vsub.f32 v3, v7;
	v52 =	vor.u32 s29, v0  }
0x245: {  	s31 =	simm.s32 $0x80;
	s30 =	simm.s32 $0x0;
	v15 =	vld.idx.msk [tilespmem:v16+s22+$0x0], $0xffff;
	v7 =	vmin.f32 v62, v13;
	v13 =	vmax.f32 v58, v20;
	v16 =	vor.u32 s1, v0  }
0x246: {  	v39 =	vld.idx.msk [tilespmem:v12+s22+$0x0], $0xffff;
	v12 =	vor.u32 s31, v0;
	v20 =	vor.u32 s30, v0;
	v1 =	vor.u32 $0x1, v0  }
0x247: {  	v40 =	vld.idx.msk [tilespmem:v51+s21+$0x0], $0xffff;
	v54 =	vmin.f32 v62, v17;
	v11 =	vsub.f32 v17, v14;
	v14 =	vmax.f32 v58, v14  }
0x248: {  	v41 =	vld.idx.msk [tilespmem:v51+s22+$0x0], $0xffff;
	v26 =	vsub.f32 v7, v13;
	v13 =	vor.u32 s29, v1;
	v4 =	vsub.f32 v54, v14  }
0x249: {  	v3 =	vor.u32 $0x6, v0;
	v17 =	vor.u32 s1, v1;
	v37 =	vld.idx.msk [tilespmem:v52+s19+$0x0], $0xffff  }
0x24a: {  	v59 =	vor.u32 $0x7, v0;
	v42 =	vld.idx.msk [tilespmem:v16+s19+$0x0], $0xffff;
	v16 =	vor.u32 s29, v3;
	[tilespmem:$0x1F8C0] =	vst v4  }
0x24b: {  	v34 =	vsub.f32 v57, v43;
	v43 =	vld.idx.msk [tilespmem:v12+s19+$0x0], $0xffff;
	v12 =	vor.u32 s29, v59  }
0x24c: {  	v46 =	vor.u32 s31, v1;
	v44 =	vld.idx.msk [tilespmem:v20+s19+$0x0], $0xffff  }
0x24d: {  	v47 =	vld.idx.msk [tilespmem:v13+s19+$0x0], $0xffff;
	v13 =	vor.u32 s1, v3  }
0x24e: {  	v55 =	vmin.f32 v63, v60;
	v7 =	vor.u32 $0x2, v0;
	v57 =	vor.u32 s1, v59;
	v48 =	vld.idx.msk [tilespmem:v17+s19+$0x0], $0xffff  }
0x24f: {  	v56 =	vpop (erf);
	v20 =	vsub.f32 v60, v29;
	v29 =	vmax.f32 v61, v29;
	v60 =	vor.u32 $0x3, v0;
	v51 =	vld.idx.msk [tilespmem:v16+s19+$0x0], $0xffff  }
0x250: {  	v21 =	vsub.f32 v55, v29;
	v29 =	vsub.f32 $1.000000000e+00, v56;
	v17 =	vmin.f32 v63, v40;
	v52 =	vld.idx.msk [tilespmem:v12+s19+$0x0], $0xffff  }
0x251: {  	v40 =	vsub.f32 v40, v28;
	v56 =	vsel vm15, $0x3E800000, v53;
	v12 =	vmax.f32 v61, v28;
	v28 =	vld.idx.msk [tilespmem:v46+s19+$0x0], $0xffff  }
0x252: {  	v53 =	vor.u32 s29, v60;
	v16 =	vor.u32 s29, v7;
	v46 =	vld.idx.msk [tilespmem:v13+s19+$0x0], $0xffff;
	[tilespmem:$0x1F7D0] =	vst v0;
	v13 =	vmin.f32 v62, v33  }
0x253: {  	v17 =	vsub.f32 v17, v12;
	v12 =	vmul.f32 v29, v56;
	v56 =	vld.idx.msk [tilespmem:v57+s19+$0x0], $0xffff;
	v57 =	vmax.f32 v58, v32  }
0x254: {  	v9 =	vor.u32 $0x4, v0;
	v14 =	vor.u32 $0x5, v0;
	v0 =	vsub.f32 v13, v57  }
0x255: {  	v29 =	vmul.f32 v12, v29  }
0x256: {  	[tilespmem:$0x1F8D0] =	vst v0  }
0x257: {  	v57 =	vld.idx.msk [tilespmem:v16+s19+$0x0], $0xffff;
	v0 =	vmul.f32 v29, v6  }
0x258: {  	v53 =	vld.idx.msk [tilespmem:v53+s19+$0x0], $0xffff;
	[tilespmem:$0x1F7E0] =	vst v1  }
0x259: {  	s26 =	simm.s32 $0x0;
	[tilespmem:$0x1F9A0] =	vst v0  }
0x25a: {  	v31 =	vor.u32 s30, v1;
	v1 =	vld [tilespmem:s26+$0x17030];
	_ =	sdelay $0x2  }
0x25b: {  	v54 =	vor.u32 s29, v9;
	v55 =	vsub.f32 v33, v32  }
0x25c: {  	v32 =	vsub.f32 v39, v35;
	v13 =	vmin.f32 v62, v39;
	v16 =	vmax.f32 v58, v35  }
0x25d: {  	v35 =	vsub.f32 v2, v38;
	v2 =	vmin.f32 v63, v2;
	v6 =	vmax.f32 v61, v38;
	[tilespmem:$0x1FA40] =	vst v1  }
0x25e: {  	v33 =	vor.u32 s29, v14;
	v13 =	vsub.f32 v13, v16;
	v16 =	vsub.f32 v2, v6;
	v6 =	vld [tilespmem:s26+$0x17020];
	_ =	sdelay $0x3  }
0x25f: {  	v29 =	vsub.f32 v41, v15;
	v39 =	vld.idx.msk [tilespmem:v54+s19+$0x0], $0xffff  }
0x260: {  	v41 =	vmin.f32 v63, v41;
	v15 =	vmax.f32 v61, v15;
	v54 =	vld.idx.msk [tilespmem:v33+s19+$0x0], $0xffff;
	[tilespmem:$0x1FA30] =	vst v6  }
0x261: {  	v15 =	vsub.f32 v41, v15;
	v41 =	vld.idx.msk [tilespmem:v31+s19+$0x0], $0xffff;
	[tilespmem:$0x1F7F0] =	vst v58  }
0x262: {  	[tilespmem:$0x1F800] =	vst v62  }
0x263: {  	[tilespmem:$0x1F810] =	vst v61  }
0x264: {  	[tilespmem:$0x1F820] =	vst v63  }
0x265: {  	v2 =	vld [tilespmem:s26+$0x17010]  }
0x266: {  	v10 =	vsub.f32 v37, v47  }
0x267: {  	v31 =	vsub.f32 v47, v37  }
0x268: {  	[tilespmem:$0x1FA80] =	vst v10  }
0x269: {  	[tilespmem:$0x1FA70] =	vst v31  }
0x26a: {  	v38 =	vor.u32 s31, v3;
	[tilespmem:$0x1FA60] =	vst v2  }
0x26b: {  	v33 =	vsub.f32 v62, v58;
	v58 =	vsub.f32 v63, v61;
	v63 =	vand.u32 $0x7FFFFFFF, v1;
	v1 =	vld [tilespmem:s26+$0x17000]  }
0x26c: {  	v0 =	vor.u32 s31, v59;
	_ =	sdelay $0x1  }
0x26d: {  	v4 =	vor.u32 s1, v14;
	v12 =	vsub.f32 v48, v42;
	v61 =	vor.u32 s1, v7  }
0x26e: {  	v33 =	vmax.f32 v33, $0.0e+00;
	v62 =	vor.u32 s1, v60;
	v47 =	vor.u32 s1, v9  }
0x26f: {  	v37 =	vsub.f32 $0.0e+00, v63;
	v63 =	vsub.f32 v42, v48;
	v58 =	vmax.f32 v58, $0.0e+00;
	v38 =	vld.idx.msk [tilespmem:v38+s19+$0x0], $0xffff;
	[tilespmem:$0x1FA50] =	vst v1  }
0x270: {  	v5 =	vld.idx.msk [tilespmem:v0+s19+$0x0], $0xffff;
	v0 =	vand.u32 $0x7FFFFFFF, v6;
	[tilespmem:$0x1FA90] =	vst v12;
	v6 =	vmul.f32 v58, v33;
	v33 =	vsub.f32 v51, v52  }
0x271: {  	v37 =	vmul.f32 $1.442695020e+00, v37;
	[tilespmem:$0x1FAA0] =	vst v63  }
0x272: {  	v42 =	vld.idx.msk [tilespmem:v61+s19+$0x0], $0xffff;
	[tilespmem:$0x1FAC0] =	vst v33  }
0x273: {  	(erf) = vpow2.f32 v37;
	v37 =	vld.idx.msk [tilespmem:v62+s19+$0x0], $0xffff  }
0x274: {  	v56 =	vsub.f32 v46, v56;
	v61 =	vsub.f32 v43, v28;
	v47 =	vld.idx.msk [tilespmem:v47+s19+$0x0], $0xffff;
	[tilespmem:$0x1F830] =	vst v3  }
0x275: {  	v51 =	vor.u32 s30, v3;
	v0 =	vsub.f32 $0.0e+00, v0;
	v62 =	vand.u32 $0x7FFFFFFF, v2;
	v3 =	vld.idx.msk [tilespmem:v4+s19+$0x0], $0xffff;
	[tilespmem:$0x1F840] =	vst v59  }
0x276: {  	v48 =	vsub.f32 $0.0e+00, v62;
	v62 =	vsub.f32 v28, v43;
	[tilespmem:$0x1FAD0] =	vst v61  }
0x277: {  	v52 =	vor.u32 s30, v59;
	[tilespmem:$0x1FAE0] =	vst v56;
	v59 =	vsub.f32 v57, v53  }
0x278: {  	v0 =	vmul.f32 $1.442695020e+00, v0;
	v53 =	vsub.f32 v39, v54;
	[tilespmem:$0x1FAB0] =	vst v62  }
0x279: {  	v43 =	vsub.f32 v41, v44;
	[tilespmem:$0x1FAF0] =	vst v59;
	v48 =	vmul.f32 $1.442695020e+00, v48  }
0x27a: {  	(erf) = vpow2.f32 v0;
	v39 =	vsub.f32 v38, v5;
	[tilespmem:$0x1FB00] =	vst v53  }
0x27b: {  	v58 =	vand.u32 $0x7FFFFFFF, v1;
	[tilespmem:$0x1FB10] =	vst v43;
	(erf) = vpow2.f32 v48;
	v48 =	vsub.f32 v44, v41  }
0x27c: {  	v0 =	vsub.f32 $0.0e+00, v58;
	[tilespmem:$0x1FB30] =	vst v39;
	v42 =	vsub.f32 v42, v37  }
0x27d: {  	v38 =	vsub.f32 v47, v3;
	[tilespmem:$0x1FB20] =	vst v48  }
0x27e: {  	v0 =	vmul.f32 $1.442695020e+00, v0;
	v2 =	vld.idx.msk [tilespmem:v51+s19+$0x0], $0xffff;
	[tilespmem:$0x1FB40] =	vst v42  }
0x27f: {  	[tilespmem:$0x1FB60] =	vst v38  }
0x280: {  	(erf) = vpow2.f32 v0;
	v0 =	vld.idx.msk [tilespmem:v52+s19+$0x0], $0xffff;
	_ =	sdelay $0x2  }
0x281: {  	v8 =	vmax.f32 v8, $0.0e+00;
	v1 =	vmax.f32 v24, $0.0e+00;
	v52 =	vor.u32 s31, v7  }
0x282: {  	v57 =	vor.u32 s31, v60;
	v58 =	vmax.f32 v36, $0.0e+00;
	v5 =	vmax.f32 v22, $0.0e+00  }
0x283: {  	v54 =	vmax.f32 v30, $0.0e+00;
	v44 =	vmul.f32 v5, v58;
	v28 =	vsub.f32 v2, v0  }
0x284: {  	v5 =	vmax.f32 v45, $0.0e+00;
	v51 =	vmax.f32 v25, $0.0e+00;
	v2 =	vmax.f32 v49, $0.0e+00  }
0x285: {  	v41 =	vmul.f32 v51, v1;
	v1 =	vmax.f32 v34, $0.0e+00;
	v30 =	vmul.f32 v5, v2;
	v5 =	vld [tilespmem:$0x1F880];
	[tilespmem:$0x1FB50] =	vst v28  }
0x286: {  	v3 =	vmax.f32 v20, $0.0e+00;
	v46 =	vmul.f32 v8, v1;
	v1 =	vmax.f32 v18, $0.0e+00;
	v0 =	vld.idx.msk [tilespmem:v52+s19+$0x0], $0xffff;
	[tilespmem:$0x1F850] =	vst v7  }
0x287: {  	v3 =	vmul.f32 v3, v1;
	v1 =	vmax.f32 v11, $0.0e+00;
	v2 =	vmax.f32 v40, $0.0e+00;
	v34 =	vld.idx.msk [tilespmem:v57+s19+$0x0], $0xffff  }
0x288: {  	v57 =	vmul.f32 v2, v1;
	v1 =	vld [tilespmem:$0x1F870]  }
0x289: {  	v8 =	vor.u32 s30, v7;
	_ =	sdelay $0x1  }
0x28a: {  	v20 =	vmax.f32 v35, $0.0e+00;
	v7 =	vmax.f32 v55, $0.0e+00  }
0x28b: {  	v18 =	vor.u32 s30, v60;
	v58 =	vmul.f32 v20, v7  }
0x28c: {  	[tilespmem:$0x1F860] =	vst v60;
	v20 =	vmax.f32 v29, $0.0e+00;
	v7 =	vmax.f32 v5, $0.0e+00;
	v1 =	vmax.f32 v1, $0.0e+00  }
0x28d: {  	v2 =	vld.idx.msk [tilespmem:v8+s19+$0x0], $0xffff;
	v8 =	vmax.f32 v32, $0.0e+00;
	v5 =	vsub.f32 v0, v34;
	v32 =	vmul.f32 v7, v1  }
0x28e: {  	v1 =	vmul.f32 v20, v8;
	v7 =	vmax.f32 v50, $0.0e+00;
	v8 =	vmax.f32 v23, $0.0e+00  }
0x28f: {  	v11 =	vand.u32 $0x7FFFFFFF, v31;
	[tilespmem:$0x1FB70] =	vst v5;
	v31 =	vmul.f32 v8, v7;
	v8 =	vld [tilespmem:$0x1F890]  }
0x290: {  	v0 =	vld.idx.msk [tilespmem:v18+s19+$0x0], $0xffff;
	_ =	sdelay $0x1  }
0x291: {  	v19 =	vmax.f32 v19, $0.0e+00  }
0x292: {  	v11 =	vsub.f32 $0.0e+00, v11;
	v20 =	vand.u32 $0x7FFFFFFF, v10;
	v18 =	vor.u32 s31, v9  }
0x293: {  	v4 =	vmax.f32 v27, $0.0e+00;
	v7 =	vsub.f32 $0.0e+00, v20;
	v20 =	vor.u32 s31, v14  }
0x294: {  	v11 =	vmul.f32 $1.442695020e+00, v11;
	v10 =	vmax.f32 v8, $0.0e+00;
	v8 =	vsub.f32 v2, v0  }
0x295: {  	v4 =	vmul.f32 v54, v4;
	v35 =	vor.u32 s30, v14;
	v0 =	vmul.f32 $1.442695020e+00, v7  }
0x296: {  	(erf) = vpow2.f32 v11;
	v2 =	vmax.f32 v26, $0.0e+00;
	v7 =	vmax.f32 v21, $0.0e+00;
	[tilespmem:$0x1FB80] =	vst v8  }
0x297: {  	v27 =	vmul.f32 v7, v2;
	v2 =	vand.u32 $0x7FFFFFFF, v12;
	(erf) = vpow2.f32 v0;
	v0 =	vld.idx.msk [tilespmem:v18+s19+$0x0], $0xffff  }
0x298: {  	v29 =	vmul.f32 v19, v10;
	v2 =	vsub.f32 $0.0e+00, v2;
	v7 =	vld.idx.msk [tilespmem:v20+s19+$0x0], $0xffff;
	v18 =	vand.u32 $0x7FFFFFFF, v63  }
0x299: {  	v19 =	vand.u32 $0x7FFFFFFF, v33;
	v20 =	vor.u32 s30, v9;
	v18 =	vsub.f32 $0.0e+00, v18  }
0x29a: {  	v40 =	vand.u32 $0x7FFFFFFF, v62;
	v19 =	vsub.f32 $0.0e+00, v19;
	v2 =	vmul.f32 $1.442695020e+00, v2  }
0x29b: {  	v45 =	vand.u32 $0x7FFFFFFF, v61;
	v22 =	vsub.f32 $0.0e+00, v40;
	v18 =	vmul.f32 $1.442695020e+00, v18  }
0x29c: {  	[tilespmem:$0x1F8A0] =	vst v9;
	v19 =	vmul.f32 $1.442695020e+00, v19;
	(erf) = vpow2.f32 v2;
	v2 =	vsub.f32 $0.0e+00, v45  }
0x29d: {  	[tilespmem:$0x1F8B0] =	vst v14;
	v63 =	vsub.f32 v0, v7;
	(erf) = vpow2.f32 v18;
	v0 =	vmul.f32 $1.442695020e+00, v22  }
0x29e: {  	v37 =	vpop (erf);
	v7 =	vld.idx.msk [tilespmem:v20+s19+$0x0], $0xffff;
	v2 =	vmul.f32 $1.442695020e+00, v2;
	v18 =	vand.u32 $0x7FFFFFFF, v56;
	(erf) = vpow2.f32 v19  }
0x29f: {  	v47 =	vpop (erf);
	v18 =	vsub.f32 $0.0e+00, v18;
	v19 =	vand.u32 $0x7FFFFFFF, v59;
	(erf) = vpow2.f32 v0;
	v0 =	vld.idx.msk [tilespmem:v35+s19+$0x0], $0xffff  }
0x2a0: {  	v51 =	vpop (erf);
	(erf) = vpow2.f32 v2;
	v2 =	vsub.f32 $0.0e+00, v19;
	v19 =	vand.u32 $0x7FFFFFFF, v53  }
0x2a1: {  	v20 =	vand.u32 $0x7FFFFFFF, v43;
	v18 =	vmul.f32 $1.442695020e+00, v18;
	v19 =	vsub.f32 $0.0e+00, v19  }
0x2a2: {  	v54 =	vand.u32 $0x7FFFFFFF, v48;
	v20 =	vsub.f32 $0.0e+00, v20;
	v2 =	vmul.f32 $1.442695020e+00, v2  }
0x2a3: {  	v21 =	vsub.f32 $0.0e+00, v54;
	v59 =	vpop (erf);
	(erf) = vpow2.f32 v18;
	v19 =	vmul.f32 $1.442695020e+00, v19  }
0x2a4: {  	v26 =	vpop (erf);
	v62 =	vsub.f32 v7, v0;
	(erf) = vpow2.f32 v2;
	v0 =	vmul.f32 $1.442695020e+00, v20  }
0x2a5: {  	v34 =	vpop (erf);
	v2 =	vmul.f32 $1.442695020e+00, v21;
	v7 =	vand.u32 $0x7FFFFFFF, v39;
	(erf) = vpow2.f32 v19  }
0x2a6: {  	v25 =	vpop (erf);
	(erf) = vpow2.f32 v0;
	v0 =	vsub.f32 $0.0e+00, v7;
	v7 =	vand.u32 $0x7FFFFFFF, v42  }
0x2a7: {  	v54 =	vpop (erf);
	(erf) = vpow2.f32 v2;
	v2 =	vld [tilespmem:$0x1F8C0];
	v7 =	vsub.f32 $0.0e+00, v7  }
0x2a8: {  	v0 =	vmul.f32 $1.442695020e+00, v0  }
0x2a9: {  	v17 =	vmax.f32 v17, $0.0e+00;
	v7 =	vmul.f32 $1.442695020e+00, v7  }
0x2aa: {  	v55 =	vand.u32 $0x7FFFFFFF, v28;
	v14 =	vand.u32 $0x7FFFFFFF, v38;
	v24 =	vpop (erf);
	(erf) = vpow2.f32 v0  }
0x2ab: {  	v20 =	vsub.f32 $0.0e+00, v14;
	v19 =	vpop (erf);
	(erf) = vpow2.f32 v7;
	v7 =	vand.u32 $0x7FFFFFFF, v5  }
0x2ac: {  	v0 =	vsub.f32 $0.0e+00, v55;
	v2 =	vmax.f32 v2, $0.0e+00;
	v7 =	vsub.f32 $0.0e+00, v7  }
0x2ad: {  	v61 =	vmul.f32 v17, v2;
	v2 =	vmul.f32 $1.442695020e+00, v20  }
0x2ae: {  	v0 =	vmul.f32 $1.442695020e+00, v0;
	v20 =	vand.u32 $0x7FFFFFFF, v63;
	v7 =	vmul.f32 $1.442695020e+00, v7  }
0x2af: {  	v36 =	vpop (erf);
	(erf) = vpow2.f32 v2;
	v2 =	vsub.f32 $0.0e+00, v20;
	v20 =	vand.u32 $0x7FFFFFFF, v8  }
0x2b0: {  	v39 =	vpop (erf);
	(erf) = vpow2.f32 v0;
	v0 =	vsub.f32 $0.0e+00, v20;
	v20 =	vand.u32 $0x7FFFFFFF, v62  }
0x2b1: {  	v2 =	vmul.f32 $1.442695020e+00, v2  }
0x2b2: {  	v56 =	vadd.f32 v41, v6;
	v41 =	vpop (erf);
	(erf) = vpow2.f32 v7;
	v0 =	vmul.f32 $1.442695020e+00, v0  }
0x2b3: {  	v16 =	vmax.f32 v16, $0.0e+00;
	v7 =	vsub.f32 $0.0e+00, v20;
	v20 =	vpop (erf);
	(erf) = vpow2.f32 v2  }
0x2b4: {  	v2 =	vadd.f32 v4, v6;
	v4 =	vsub.f32 v56, v30;
	v55 =	vpop (erf);
	(erf) = vpow2.f32 v0;
	v0 =	vld [tilespmem:$0x1F8D0]  }
0x2b5: {  	v3 =	vadd.f32 v3, v6;
	v40 =	vadd.f32 v58, v6;
	v7 =	vmul.f32 $1.442695020e+00, v7  }
0x2b6: {  	v15 =	vmax.f32 v15, $0.0e+00;
	v2 =	vsub.f32 v2, v32;
	v4 =	vadd.f32 $1.000000000e+00, v4  }
0x2b7: {  	v38 =	vadd.f32 v57, v6;
	v18 =	vpop (erf);
	(erf) = vpow2.f32 v7;
	v7 =	vmax.f32 v13, $0.0e+00  }
0x2b8: {  	v10 =	vmul.f32 v15, v7;
	v2 =	vadd.f32 $1.000000010e-07, v2;
	v4 =	vmax.f32 v4, $9.999999960e-13  }
0x2b9: {  	v17 =	vpop (erf);
	v15 =	vadd.f32 v46, v6;
	(erf) = vrcp.f32 v4;
	v0 =	vmax.f32 v0, $0.0e+00  }
0x2ba: {  	v2 =	vmax.f32 v2, $9.999999960e-13;
	v14 =	vmul.f32 v16, v0;
	v16 =	vadd.f32 $2.000000000e+00, v26;
	v0 =	vld [tilespmem:$0x1FDE0]  }
0x2bb: {  	v60 =	vadd.f32 $2.000000000e+00, v34;
	v46 =	vpop (erf);
	(erf) = vrcp.f32 v2;
	v2 =	vadd.f32 v44, v6  }
0x2bc: {  	v28 =	vadd.f32 $2.000000000e+00, v25;
	v56 =	vpop (erf);
	(erf) = vrcp.f32 v16;
	v16 =	vsub.f32 v15, v31  }
0x2bd: {  	v4 =	vsub.f32 $1.000000000e+00, v47;
	v2 =	vsub.f32 v2, v29  }
0x2be: {  	v33 =	vadd.f32 $2.000000000e+00, v54;
	v21 =	vpop (erf);
	(erf) = vrcp.f32 v60;
	v35 =	vadd.f32 $1.000000000e+00, v16  }
0x2bf: {  	v15 =	vpop (erf);
	(erf) = vrcp.f32 v28;
	v2 =	vadd.f32 $1.000000000e+00, v2;
	v50 =	vmul.f32 v4, v0;
	v0 =	vld [tilespmem:$0x1F8F0]  }
0x2c0: {  	v22 =	vsub.f32 v38, v61;
	v16 =	vpop (erf);
	(erf) = vrcp.f32 v33;
	v23 =	vmax.f32 v35, $9.999999960e-13  }
0x2c1: {  	v3 =	vsub.f32 v3, v27;
	v2 =	vmax.f32 v2, $9.999999960e-13;
	v44 =	vpop (erf);
	(erf) = vrcp.f32 v23  }
0x2c2: {  	v12 =	vpop (erf);
	(erf) = vrcp.f32 v2;
	v2 =	vadd.f32 $1.000000000e+00, v22;
	v22 =	vmul.f32 v50, v4  }
0x2c3: {  	v49 =	vadd.f32 $1.000000010e-07, v3;
	v48 =	vsub.f32 v40, v14  }
0x2c4: {  	v1 =	vadd.f32 v1, v6;
	v35 =	vmul.f32 v22, v0;
	v0 =	vld [tilespmem:$0x1FDB0]  }
0x2c5: {  	v28 =	vmax.f32 v49, $9.999999960e-13;
	v23 =	vadd.f32 $1.000000010e-07, v48  }
0x2c6: {  	v1 =	vsub.f32 v1, v10;
	v40 =	vpop (erf);
	(erf) = vrcp.f32 v28;
	v2 =	vmax.f32 v2, $9.999999960e-13  }
0x2c7: {  	v11 =	vpop (erf);
	(erf) = vrcp.f32 v2;
	v2 =	vmax.f32 v23, $9.999999960e-13;
	v23 =	vsub.f32 $1.000000000e+00, v59  }
0x2c8: {  	v52 =	vadd.f32 $1.000000010e-07, v1  }
0x2c9: {  	v33 =	vmul.f32 v23, v0;
	v0 =	vld [tilespmem:$0x1FDC0]  }
0x2ca: {  	v53 =	vadd.f32 $2.000000000e+00, v24;
	v13 =	vpop (erf);
	(erf) = vrcp.f32 v2;
	v2 =	vmax.f32 v52, $9.999999960e-13  }
0x2cb: {  	v57 =	vadd.f32 $2.000000000e+00, v19;
	v60 =	vpop (erf);
	(erf) = vrcp.f32 v2  }
0x2cc: {  	v58 =	vadd.f32 $2.000000000e+00, v36;
	v22 =	vsub.f32 $1.000000000e+00, v51;
	v9 =	vpop (erf);
	(erf) = vrcp.f32 v53  }
0x2cd: {  	v28 =	vpop (erf);
	(erf) = vrcp.f32 v57  }
0x2ce: {  	v42 =	vpop (erf);
	(erf) = vrcp.f32 v58;
	v58 =	vmul.f32 v22, v0;
	v0 =	vld [tilespmem:$0x1F900];
	_ =	sdelay $0x2  }
0x2cf: {  	v23 =	vmul.f32 v33, v23;
	_ =	sdelay $0x1  }
0x2d0: {  	v47 =	vpop (erf);
	v52 =	vmul.f32 v23, v0;
	v0 =	vld [tilespmem:$0x1F910]  }
0x2d1: {  	v49 =	vpop (erf);
	v22 =	vmul.f32 v58, v22  }
0x2d2: {  	v38 =	vpop (erf)  }
0x2d3: {  	v43 =	vpop (erf)  }
0x2d4: {  	v48 =	vpop (erf)  }
0x2d5: {  	v58 =	vmul.f32 v22, v0;
	v22 =	vpop (erf)  }
0x2d6: {  	v59 =	vadd.f32 $2.000000000e+00, v39;
	v0 =	vpop (erf)  }
0x2d7: {  	v57 =	vadd.f32 $2.000000000e+00, v41;
	[tilespmem:$0x1FB90] =	vst v0;
	v0 =	vld [tilespmem:$0x1F920]  }
0x2d8: {  	(erf) = vrcp.f32 v59;
	v59 =	vadd.f32 $2.000000000e+00, v20  }
0x2d9: {  	v33 =	vadd.f32 $2.000000000e+00, v55;
	(erf) = vrcp.f32 v57  }
0x2da: {  	v45 =	vadd.f32 $2.000000000e+00, v18;
	(erf) = vrcp.f32 v59  }
0x2db: {  	(erf) = vrcp.f32 v33  }
0x2dc: {  	(erf) = vrcp.f32 v45;
	v45 =	vsub.f32 $1.000000000e+00, v0;
	v0 =	vld [tilespmem:$0x1FD90];
	_ =	sdelay $0x2  }
0x2dd: {  	v23 =	vsub.f32 $1.000000000e+00, v37;
	_ =	sdelay $0x1  }
0x2de: {  	v53 =	vadd.f32 $2.000000000e+00, v17;
	v37 =	vmul.f32 v23, v0;
	v0 =	vld [tilespmem:$0x1FD60]  }
0x2df: {  	v57 =	vadd.f32 $2.000000000e+00, v46  }
0x2e0: {  	v59 =	vadd.f32 $2.000000000e+00, v56;
	(erf) = vrcp.f32 v53  }
0x2e1: {  	v50 =	vadd.f32 $2.000000000e+00, v21;
	(erf) = vrcp.f32 v57  }
0x2e2: {  	v33 =	vadd.f32 $2.000000000e+00, v15;
	v51 =	vpop (erf);
	(erf) = vrcp.f32 v59  }
0x2e3: {  	v1 =	vld [tilespmem:$0x1F930];
	v53 =	vpop (erf);
	(erf) = vrcp.f32 v50;
	v50 =	vmul.f32 v45, v0;
	v0 =	vadd.f32 $2.000000000e+00, v16  }
0x2e4: {  	v8 =	vpop (erf);
	(erf) = vrcp.f32 v33;
	v33 =	vadd.f32 $2.000000000e+00, v44  }
0x2e5: {  	v23 =	vmul.f32 v37, v23;
	v37 =	vpop (erf);
	(erf) = vrcp.f32 v0;
	v0 =	vadd.f32 $2.000000000e+00, v12  }
0x2e6: {  	v7 =	vpop (erf);
	(erf) = vrcp.f32 v33  }
0x2e7: {  	v5 =	vpop (erf);
	(erf) = vrcp.f32 v0;
	v0 =	vld [tilespmem:$0x1F950]  }
0x2e8: {  	v50 =	vmul.f32 v50, v45;
	v45 =	vmul.f32 v23, v1;
	v23 =	vadd.f32 $2.000000000e+00, v40;
	v1 =	vld [tilespmem:$0x1F940]  }
0x2e9: {  	v33 =	vadd.f32 $2.000000000e+00, v11  }
0x2ea: {  	[tilespmem:$0x1F8E0] =	vst v6;
	v6 =	vpop (erf);
	(erf) = vrcp.f32 v23  }
0x2eb: {  	v4 =	vpop (erf);
	(erf) = vrcp.f32 v33  }
0x2ec: {  	v33 =	vimm.f32 $1.000000000e+00;
	v59 =	vsub.f32 $1.000000000e+00, v0;
	v0 =	vadd.f32 $2.000000000e+00, v13  }
0x2ed: {  	v2 =	vld [tilespmem:$0x1FDF0];
	v57 =	vmul.f32 v50, v1;
	v50 =	vsel vm14, $0x0, v33  }
0x2ee: {  	v3 =	vpop (erf);
	v1 =	vadd.f32 $2.000000000e+00, v60;
	(erf) = vrcp.f32 v0;
	v0 =	vmul.f32 v59, v50;
	v59 =	vld [tilespmem:$0x1F960];
	_ =	sdelay $0x1  }
0x2ef: {  	v23 =	vpop (erf);
	(erf) = vrcp.f32 v1;
	v1 =	vld [tilespmem:$0x1FE00];
	_ =	sdelay $0x2  }
0x2f0: {  	v2 =	vadd.f32 v59, v2;
	v59 =	vmul.f32 v9, v30;
	v9 =	vld [tilespmem:$0x1F970]  }
0x2f1: {  	v42 =	vmul.f32 v42, v26;
	v26 =	vmul.f32 v53, v10;
	v10 =	vld [tilespmem:$0x1F990]  }
0x2f2: {  	v0 =	vadd.f32 v0, v1;
	v1 =	vmul.f32 v47, v34;
	v47 =	vmul.f32 v38, v54;
	v38 =	vld [tilespmem:$0x1FDD0];
	_ =	sdelay $0x1  }
0x2f3: {  	v51 =	vmul.f32 v51, v14;
	v14 =	vld [tilespmem:$0x1FDA0]  }
0x2f4: {  	v30 =	vld [tilespmem:$0x1F980];
	v9 =	vsub.f32 $1.000000000e+00, v9;
	_ =	sdelay $0x1  }
0x2f5: {  	v10 =	vsub.f32 $1.000000000e+00, v10;
	v9 =	vmul.f32 v9, v38  }
0x2f6: {  	v32 =	vmul.f32 v28, v32;
	v28 =	vld [tilespmem:$0x1FE10]  }
0x2f7: {  	v0 =	vadd.f32 v9, v0;
	v9 =	vmul.f32 v10, v14;
	v10 =	vld [tilespmem:$0x1F9A0]  }
0x2f8: {  	v2 =	vadd.f32 v30, v2;
	_ =	sdelay $0x2  }
0x2f9: {  	v34 =	vadd.f32 v50, v28  }
0x2fa: {  	v28 =	vmul.f32 v8, v24;
	v24 =	vmul.f32 v5, v39;
	v10 =	vadd.f32 v10, v2;
	v2 =	vpop (erf)  }
0x2fb: {  	v8 =	vadd.f32 v38, v34;
	v38 =	vmul.f32 v7, v36;
	v36 =	vmul.f32 v4, v20;
	v4 =	vpop (erf)  }
0x2fc: {  	v30 =	vmul.f32 v22, v27;
	v27 =	vmul.f32 v3, v55;
	v5 =	vpop (erf)  }
0x2fd: {  	v3 =	vld [tilespmem:$0x1F9B0];
	v20 =	vmul.f32 v6, v41;
	v6 =	vmul.f32 v4, v46;
	v4 =	vpop (erf)  }
0x2fe: {  	v37 =	vmul.f32 v37, v19;
	v19 =	vmul.f32 v4, v21;
	v4 =	vld [tilespmem:$0x1F9C0]  }
0x2ff: {  	v0 =	vadd.f32 v9, v0;
	v9 =	vadd.f32 v35, v10;
	v10 =	vld [tilespmem:$0x1FD70]  }
0x300: {  	v54 =	vmul.f32 v43, v31;
	v43 =	vld [tilespmem:$0x1FD80];
	_ =	sdelay $0x1  }
0x301: {  	vm0 =	vge.f32 v32, $5.000000070e-02;
	v3 =	vsub.f32 $1.000000000e+00, v3  }
0x302: {  	vm12 =	vge.f32 v51, $5.000000070e-02;
	v50 =	vmul.f32 v49, v25;
	v4 =	vsub.f32 $1.000000000e+00, v4  }
0x303: {  	vm11 =	vge.f32 v26, $5.000000070e-02;
	v7 =	vmul.f32 v2, v17;
	v3 =	vmul.f32 v3, v10  }
0x304: {  	v8 =	vadd.f32 v14, v8;
	v25 =	vmul.f32 v5, v56;
	v5 =	vpop (erf);
	v4 =	vmul.f32 v4, v43  }
0x305: {  	v34 =	vmul.f32 v5, v15;
	v5 =	vpop (erf);
	v0 =	vadd.f32 v3, v0;
	v3 =	vmul.f32 v1, v1  }
0x306: {  	vm2 =	vlt.f32 v26, $1.999999960e-02;
	v22 =	vmul.f32 v5, v16;
	v16 =	vmul.f32 v42, v42  }
0x307: {  	v21 =	vmul.f32 v47, v47;
	v5 =	vpop (erf);
	v15 =	vadd.f32 v10, v8;
	v8 =	vmul.f32 $1.818181870e-01, v3  }
0x308: {  	v17 =	vadd.f32 v52, v9;
	v9 =	vmul.f32 $1.818181870e-01, v16;
	v0 =	vadd.f32 v4, v0;
	v4 =	vpop (erf)  }
0x309: {  	v14 =	vmul.f32 v4, v12;
	v4 =	vadd.f32 $2.222222240e-01, v8;
	v8 =	vmul.f32 $1.818181870e-01, v21  }
0x30a: {  	v46 =	vmul.f32 v50, v50;
	v39 =	vmul.f32 v5, v44;
	v5 =	vadd.f32 $2.222222240e-01, v9  }
0x30b: {  	v18 =	vmul.f32 v23, v18;
	vm14 =	vlt.f32 v51, $1.999999960e-02;
	v49 =	vmul.f32 v48, v29  }
0x30c: {  	v31 =	vmul.f32 v27, v27;
	vm1 =	vge.f32 v30, $5.000000070e-02;
	v9 =	vpop (erf);
	v12 =	vmul.f32 $1.818181870e-01, v46  }
0x30d: {  	v10 =	vmul.f32 v9, v40;
	v48 =	vadd.f32 $2.222222240e-01, v8;
	v4 =	vmul.f32 v4, v3;
	v8 =	vpop (erf)  }
0x30e: {  	v8 =	vmul.f32 v8, v11;
	v11 =	vadd.f32 $2.222222240e-01, v12;
	v12 =	vmul.f32 v5, v16;
	v5 =	vpop (erf)  }
0x30f: {  	v4 =	vadd.f32 $2.857142980e-01, v4;
	v9 =	vmul.f32 v5, v13;
	v13 =	vmul.f32 v48, v21  }
0x310: {  	v52 =	vmul.f32 v28, v28;
	v11 =	vmul.f32 v11, v46;
	v12 =	vadd.f32 $2.857142980e-01, v12  }
0x311: {  	v53 =	vmul.f32 v38, v38;
	v4 =	vmul.f32 v4, v3;
	v13 =	vadd.f32 $2.857142980e-01, v13  }
0x312: {  	v55 =	vmul.f32 $1.818181870e-01, v52;
	v12 =	vmul.f32 v12, v16;
	v11 =	vadd.f32 $2.857142980e-01, v11  }
0x313: {  	v56 =	vmul.f32 $1.818181870e-01, v53;
	v4 =	vadd.f32 $4.000000060e-01, v4;
	v13 =	vmul.f32 v13, v21  }
0x314: {  	v35 =	vadd.f32 $2.222222240e-01, v55;
	v12 =	vadd.f32 $4.000000060e-01, v12;
	v11 =	vmul.f32 v11, v46  }
0x315: {  	v55 =	vmul.f32 $1.818181870e-01, v31;
	v4 =	vmul.f32 v4, v3;
	v13 =	vadd.f32 $4.000000060e-01, v13  }
0x316: {  	v40 =	vadd.f32 $2.222222240e-01, v56;
	v12 =	vmul.f32 v12, v16;
	v11 =	vadd.f32 $4.000000060e-01, v11  }
0x317: {  	v35 =	vmul.f32 v35, v52;
	v4 =	vadd.f32 $6.666666860e-01, v4;
	v13 =	vmul.f32 v13, v21  }
0x318: {  	v40 =	vmul.f32 v40, v53;
	v12 =	vadd.f32 $6.666666860e-01, v12;
	v11 =	vmul.f32 v11, v46  }
0x319: {  	v35 =	vadd.f32 $2.857142980e-01, v35;
	v3 =	vmul.f32 v4, v3;
	v13 =	vadd.f32 $6.666666860e-01, v13  }
0x31a: {  	v4 =	vmul.f32 v12, v16;
	v12 =	vadd.f32 $2.857142980e-01, v40;
	v11 =	vadd.f32 $6.666666860e-01, v11  }
0x31b: {  	v3 =	vadd.f32 $2.000000000e+00, v3;
	v16 =	vmul.f32 v35, v52;
	v13 =	vmul.f32 v13, v21  }
0x31c: {  	v15 =	vadd.f32 v43, v15;
	v12 =	vmul.f32 v12, v53;
	v11 =	vmul.f32 v11, v46  }
0x31d: {  	v2 =	vld [tilespmem:$0x1F9D0];
	v5 =	vpop (erf);
	v43 =	vadd.f32 $4.000000060e-01, v16;
	v16 =	vmul.f32 v3, v1;
	v1 =	vadd.f32 $2.000000000e+00, v13  }
0x31e: {  	v17 =	vadd.f32 v58, v17;
	v5 =	vmul.f32 v5, v60;
	v60 =	vmul.f32 v37, v37  }
0x31f: {  	v12 =	vadd.f32 $4.000000060e-01, v12;
	v11 =	vadd.f32 $2.000000000e+00, v11;
	v1 =	vmul.f32 v1, v47;
	v47 =	vld [tilespmem:$0x1FD40]  }
0x320: {  	v44 =	vmul.f32 $1.818181870e-01, v60;
	v4 =	vadd.f32 $2.000000000e+00, v4;
	v13 =	vmul.f32 v43, v52  }
0x321: {  	v17 =	vadd.f32 v45, v17;
	v12 =	vmul.f32 v12, v53;
	v43 =	vmul.f32 v11, v50;
	v11 =	vld [tilespmem:$0x1F9E0]  }
0x322: {  	v46 =	vsub.f32 $1.000000000e+00, v2;
	v3 =	vmul.f32 v4, v42;
	v4 =	vadd.f32 $2.222222240e-01, v44  }
0x323: {  	v17 =	vadd.f32 v57, v17;
	v48 =	vld [tilespmem:$0x1FD50];
	v42 =	vmul.f32 v18, v18;
	v12 =	vadd.f32 $6.666666860e-01, v12  }
0x324: {  	v4 =	vmul.f32 v4, v60;
	v13 =	vadd.f32 $6.666666860e-01, v13;
	v23 =	vmul.f32 v46, v47  }
0x325: {  	v44 =	vadd.f32 $2.222222240e-01, v55;
	v41 =	vmul.f32 v12, v53;
	v12 =	vmul.f32 v24, v24  }
0x326: {  	v35 =	vmul.f32 v13, v52;
	v4 =	vadd.f32 $2.857142980e-01, v4;
	v11 =	vsub.f32 $1.000000000e+00, v11  }
0x327: {  	v0 =	vadd.f32 v23, v0;
	v23 =	vmul.f32 v36, v36;
	v52 =	vmul.f32 $1.818181870e-01, v12  }
0x328: {  	v13 =	vadd.f32 v47, v15;
	v15 =	vmul.f32 v20, v20;
	v11 =	vmul.f32 v11, v48  }
0x329: {  	v56 =	vmul.f32 $1.818181870e-01, v42;
	v29 =	vadd.f32 $2.222222240e-01, v52;
	v53 =	vmul.f32 $1.818181870e-01, v23  }
0x32a: {  	v4 =	vmul.f32 v4, v60;
	v11 =	vadd.f32 v11, v0;
	v0 =	vmul.f32 $1.818181870e-01, v15  }
0x32b: {  	v45 =	vadd.f32 $2.222222240e-01, v56;
	v40 =	vadd.f32 $2.222222240e-01, v53;
	v29 =	vmul.f32 v29, v12  }
0x32c: {  	v44 =	vmul.f32 v44, v31;
	v4 =	vadd.f32 $4.000000060e-01, v4;
	v0 =	vadd.f32 $2.222222240e-01, v0  }
0x32d: {  	v35 =	vadd.f32 $2.000000000e+00, v35;
	v40 =	vmul.f32 v40, v23;
	v29 =	vadd.f32 $2.857142980e-01, v29  }
0x32e: {  	v13 =	vadd.f32 v48, v13;
	v4 =	vmul.f32 v4, v60;
	v0 =	vmul.f32 v0, v15  }
0x32f: {  	v28 =	vmul.f32 v35, v28;
	v40 =	vadd.f32 $2.857142980e-01, v40;
	v29 =	vmul.f32 v29, v12  }
0x330: {  	v58 =	vadd.f32 $2.857142980e-01, v0;
	v0 =	vadd.f32 $6.666666860e-01, v4;
	v4 =	vmul.f32 v45, v42  }
0x331: {  	v41 =	vadd.f32 $2.000000000e+00, v41;
	v45 =	vmul.f32 v7, v7;
	v40 =	vmul.f32 v40, v23  }
0x332: {  	v29 =	vadd.f32 $4.000000060e-01, v29;
	v2 =	vmul.f32 v0, v60;
	v60 =	vadd.f32 $2.857142980e-01, v44  }
0x333: {  	v50 =	vmul.f32 v58, v15;
	v4 =	vadd.f32 $2.857142980e-01, v4;
	v52 =	vmul.f32 $1.818181870e-01, v45  }
0x334: {  	v40 =	vadd.f32 $4.000000060e-01, v40;
	v29 =	vmul.f32 v29, v12;
	v21 =	vmul.f32 v60, v31  }
0x335: {  	v44 =	vadd.f32 $4.000000060e-01, v50;
	v4 =	vmul.f32 v4, v42;
	v55 =	vadd.f32 $2.222222240e-01, v52  }
0x336: {  	v60 =	vsel vm13, $0x0, v33;
	v33 =	vmul.f32 v25, v25;
	vm13 =	vlt.f32 v32, $1.999999960e-02  }
0x337: {  	v40 =	vmul.f32 v40, v23;
	v13 =	vadd.f32 v60, v13;
	v21 =	vadd.f32 $4.000000060e-01, v21  }
0x338: {  	v58 =	vld [tilespmem:$0x1F9F0];
	v44 =	vmul.f32 v44, v15;
	v53 =	vadd.f32 $4.000000060e-01, v4;
	v4 =	vadd.f32 $6.666666860e-01, v29  }
0x339: {  	v29 =	vmul.f32 v55, v45;
	v50 =	vmul.f32 $1.818181870e-01, v33;
	v40 =	vadd.f32 $6.666666860e-01, v40  }
0x33a: {  	[tilespmem:$0x1FA20] =	vst v13;
	v13 =	vmul.f32 v34, v34;
	v21 =	vmul.f32 v21, v31;
	v44 =	vadd.f32 $6.666666860e-01, v44  }
0x33b: {  	v4 =	vmul.f32 v4, v12;
	v12 =	vmul.f32 v53, v42;
	v29 =	vadd.f32 $2.857142980e-01, v29  }
0x33c: {  	v55 =	vmul.f32 $1.818181870e-01, v13;
	v15 =	vmul.f32 v44, v15;
	v56 =	vadd.f32 $6.666666860e-01, v21  }
0x33d: {  	v21 =	vmul.f32 v40, v23;
	v23 =	vsub.f32 $1.000000000e+00, v58;
	v12 =	vadd.f32 $6.666666860e-01, v12  }
0x33e: {  	[tilespmem:$0x1FA00] =	vst v17;
	v17 =	vmul.f32 v29, v45;
	v29 =	vadd.f32 $2.222222240e-01, v50;
	v4 =	vadd.f32 $2.000000000e+00, v4  }
0x33f: {  	v47 =	vadd.f32 $2.222222240e-01, v55;
	v40 =	vmul.f32 v56, v31;
	v44 =	vmul.f32 v12, v42  }
0x340: {  	v12 =	vmul.f32 v23, v60;
	v17 =	vadd.f32 $4.000000060e-01, v17;
	v31 =	vmul.f32 v22, v22  }
0x341: {  	v29 =	vmul.f32 v29, v33;
	v15 =	vadd.f32 $2.000000000e+00, v15;
	v4 =	vmul.f32 v4, v24  }
0x342: {  	v47 =	vmul.f32 v47, v13;
	v11 =	vadd.f32 v12, v11;
	v12 =	vmul.f32 v19, v19  }
0x343: {  	v0 =	vld [tilespmem:$0x1FA30];
	v21 =	vadd.f32 $2.000000000e+00, v21;
	v17 =	vmul.f32 v17, v45;
	v56 =	vmul.f32 $1.818181870e-01, v31  }
0x344: {  	v29 =	vadd.f32 $2.857142980e-01, v29;
	v15 =	vmul.f32 v15, v20;
	v47 =	vadd.f32 $2.857142980e-01, v47  }
0x345: {  	[tilespmem:$0x1FA10] =	vst v11;
	v11 =	vmul.f32 v6, v6;
	v53 =	vmul.f32 $1.818181870e-01, v12;
	v17 =	vadd.f32 $6.666666860e-01, v17  }
0x346: {  	v48 =	vadd.f32 $2.222222240e-01, v56;
	v29 =	vmul.f32 v29, v33;
	v47 =	vmul.f32 v47, v13  }
0x347: {  	v52 =	vmul.f32 $1.818181870e-01, v11;
	v46 =	vadd.f32 $2.222222240e-01, v53;
	v17 =	vmul.f32 v17, v45  }
0x348: {  	v57 =	vmul.f32 v48, v31;
	v29 =	vadd.f32 $4.000000060e-01, v29;
	v53 =	vmax.f32 v0, $0.0e+00  }
0x349: {  	v48 =	vmul.f32 v39, v39;
	v47 =	vadd.f32 $4.000000060e-01, v47;
	v16 =	vadd.f32 v16, v53  }
0x34a: {  	v42 =	vadd.f32 $2.222222240e-01, v52;
	v46 =	vmul.f32 v46, v12;
	v45 =	vadd.f32 $2.857142980e-01, v57  }
0x34b: {  	v58 =	vmul.f32 $1.818181870e-01, v48;
	v29 =	vmul.f32 v29, v33;
	v17 =	vadd.f32 $2.000000000e+00, v17  }
0x34c: {  	v42 =	vmul.f32 v42, v11;
	v46 =	vadd.f32 $2.857142980e-01, v46;
	v45 =	vmul.f32 v45, v31  }
0x34d: {  	v47 =	vmul.f32 v47, v13;
	v50 =	vadd.f32 $2.222222240e-01, v58;
	v29 =	vadd.f32 $6.666666860e-01, v29  }
0x34e: {  	v58 =	vld [tilespmem:$0x1FA50];
	v42 =	vadd.f32 $2.857142980e-01, v42;
	v46 =	vmul.f32 v46, v12;
	v45 =	vadd.f32 $4.000000060e-01, v45  }
0x34f: {  	v50 =	vmul.f32 v50, v48;
	v23 =	vmul.f32 v29, v33;
	v33 =	vadd.f32 $6.666666860e-01, v47  }
0x350: {  	v47 =	vmul.f32 v9, v9;
	v42 =	vmul.f32 v42, v11;
	v46 =	vadd.f32 $4.000000060e-01, v46  }
0x351: {  	v45 =	vmul.f32 v45, v31;
	v52 =	vadd.f32 $2.857142980e-01, v50;
	v13 =	vmul.f32 v33, v13  }
0x352: {  	v50 =	vmul.f32 v5, v5;
	v23 =	vadd.f32 $2.000000000e+00, v23;
	v42 =	vadd.f32 $4.000000060e-01, v42  }
0x353: {  	v56 =	vmax.f32 v58, $0.0e+00;
	v46 =	vmul.f32 v46, v12;
	v45 =	vadd.f32 $6.666666860e-01, v45  }
0x354: {  	v1 =	vadd.f32 v1, v56;
	v56 =	vmul.f32 $1.818181870e-01, v47;
	v42 =	vmul.f32 v42, v11  }
0x355: {  	v60 =	vadd.f32 $6.666666860e-01, v46;
	v29 =	vmul.f32 v45, v31;
	v45 =	vmul.f32 v14, v14  }
0x356: {  	v31 =	vmul.f32 v52, v48;
	v46 =	vmul.f32 v10, v10;
	v56 =	vadd.f32 $2.222222240e-01, v56  }
0x357: {  	v42 =	vadd.f32 $6.666666860e-01, v42;
	v12 =	vmul.f32 v60, v12;
	v52 =	vmul.f32 $1.818181870e-01, v45  }
0x358: {  	v60 =	vld [tilespmem:$0x1FA40];
	v57 =	vmul.f32 $1.818181870e-01, v46;
	v31 =	vadd.f32 $4.000000060e-01, v31;
	v56 =	vmul.f32 v56, v47  }
0x359: {  	v11 =	vmul.f32 v42, v11;
	v42 =	vmul.f32 v8, v8;
	v52 =	vadd.f32 $2.222222240e-01, v52  }
0x35a: {  	v53 =	vadd.f32 $2.222222240e-01, v57;
	v31 =	vmul.f32 v31, v48;
	v56 =	vadd.f32 $2.857142980e-01, v56  }
0x35b: {  	v12 =	vadd.f32 $2.000000000e+00, v12;
	v33 =	vmul.f32 $1.818181870e-01, v42;
	v52 =	vmul.f32 v52, v45  }
0x35c: {  	v53 =	vmul.f32 v53, v46;
	v31 =	vadd.f32 $6.666666860e-01, v31;
	v56 =	vmul.f32 v56, v47  }
0x35d: {  	v11 =	vadd.f32 $2.000000000e+00, v11;
	v12 =	vmul.f32 v12, v19;
	v55 =	vmax.f32 v60, $0.0e+00  }
0x35e: {  	v60 =	vmul.f32 v30, v60;
	v3 =	vadd.f32 v3, v55;
	v55 =	vadd.f32 $2.222222240e-01, v33  }
0x35f: {  	v33 =	vmul.f32 $1.818181870e-01, v50;
	v52 =	vadd.f32 $2.857142980e-01, v52;
	v53 =	vadd.f32 $2.857142980e-01, v53  }
0x360: {  	v31 =	vmul.f32 v31, v48;
	v56 =	vadd.f32 $4.000000060e-01, v56;
	v6 =	vmul.f32 v11, v6  }
0x361: {  	v11 =	vadd.f32 $2.000000000e+00, v13;
	v13 =	vmul.f32 v23, v25;
	v55 =	vmul.f32 v55, v42  }
0x362: {  	v57 =	vadd.f32 $2.222222240e-01, v33;
	v52 =	vmul.f32 v52, v45;
	v53 =	vmul.f32 v53, v46  }
0x363: {  	v56 =	vmul.f32 v56, v47;
	v3 =	vsub.f32 v3, v60;
	v60 =	vmul.f32 v51, v0  }
0x364: {  	v0 =	vadd.f32 $2.000000000e+00, v2;
	v2 =	vmul.f32 v17, v7;
	v11 =	vmul.f32 v11, v34;
	v7 =	vld [tilespmem:$0x1FA70]  }
0x365: {  	v57 =	vmul.f32 v57, v50;
	v55 =	vadd.f32 $2.857142980e-01, v55;
	v52 =	vadd.f32 $4.000000060e-01, v52  }
0x366: {  	v34 =	vld [tilespmem:$0x1FB10];
	v53 =	vadd.f32 $4.000000060e-01, v53;
	v16 =	vsub.f32 v16, v60;
	v0 =	vmul.f32 v0, v37  }
0x367: {  	v60 =	vadd.f32 $2.000000000e+00, v40;
	v37 =	vmul.f32 v32, v58;
	v40 =	vadd.f32 $2.000000000e+00, v29  }
0x368: {  	v33 =	vadd.f32 $2.857142980e-01, v57;
	v55 =	vmul.f32 v55, v42;
	v52 =	vmul.f32 v52, v45  }
0x369: {  	v53 =	vmul.f32 v53, v46;
	v20 =	vmul.f32 v60, v27;
	v17 =	vmax.f32 v7, $0.0e+00;
	v7 =	vld [tilespmem:$0x1FA80]  }
0x36a: {  	v1 =	vsub.f32 v1, v37;
	v48 =	vmul.f32 v33, v50;
	v55 =	vadd.f32 $4.000000060e-01, v55;
	v33 =	vld [tilespmem:$0x1FA60]  }
0x36b: {  	v35 =	vmax.f32 v34, $0.0e+00;
	v52 =	vadd.f32 $6.666666860e-01, v52;
	v53 =	vadd.f32 $6.666666860e-01, v53  }
0x36c: {  	v17 =	vadd.f32 v28, v17;
	v48 =	vadd.f32 $4.000000060e-01, v48;
	v55 =	vmul.f32 v55, v42  }
0x36d: {  	v13 =	vadd.f32 v13, v35;
	v45 =	vmul.f32 v52, v45;
	v46 =	vmul.f32 v53, v46;
	v52 =	vld [tilespmem:$0x1FAD0]  }
0x36e: {  	v48 =	vmul.f32 v48, v50;
	v55 =	vadd.f32 $6.666666860e-01, v55;
	v19 =	vmax.f32 v7, $0.0e+00  }
0x36f: {  	v60 =	vadd.f32 $2.000000000e+00, v46;
	v57 =	vmax.f32 v33, $0.0e+00;
	v0 =	vadd.f32 v0, v19  }
0x370: {  	v21 =	vmul.f32 v21, v36;
	v7 =	vld [tilespmem:$0x1FA90];
	v43 =	vadd.f32 v43, v57;
	v57 =	vadd.f32 $6.666666860e-01, v56  }
0x371: {  	v29 =	vld [tilespmem:$0x1FB00];
	v42 =	vmul.f32 v55, v42;
	v48 =	vadd.f32 $6.666666860e-01, v48;
	v56 =	vmul.f32 v41, v38  }
0x372: {  	v37 =	vld [tilespmem:$0x1FB20];
	v10 =	vmul.f32 v60, v10;
	v53 =	vmax.f32 v52, $0.0e+00;
	v47 =	vmul.f32 v57, v47  }
0x373: {  	v55 =	vld [tilespmem:$0x1FAE0];
	v48 =	vmul.f32 v48, v50;
	v57 =	vmul.f32 v26, v33;
	v33 =	vadd.f32 $2.000000000e+00, v44  }
0x374: {  	v46 =	vld [tilespmem:$0x1FB60];
	v44 =	vadd.f32 $2.000000000e+00, v45;
	v20 =	vadd.f32 v20, v53;
	v53 =	vmax.f32 v63, $0.0e+00  }
0x375: {  	v45 =	vld [tilespmem:$0x1FAC0];
	v19 =	vmax.f32 v7, $0.0e+00;
	v36 =	vsub.f32 v43, v57;
	v18 =	vmul.f32 v33, v18  }
0x376: {  	v7 =	vld [tilespmem:$0x1FAA0];
	v19 =	vadd.f32 v56, v19;
	v43 =	vadd.f32 $2.000000000e+00, v31;
	v14 =	vmul.f32 v44, v14  }
0x377: {  	v57 =	vld [tilespmem:$0x1FAF0];
	v31 =	vmax.f32 v29, $0.0e+00;
	v33 =	vadd.f32 $2.000000000e+00, v42;
	v48 =	vadd.f32 $2.000000000e+00, v48  }
0x378: {  	v42 =	vld [tilespmem:$0x1FB40];
	v56 =	vmax.f32 v55, $0.0e+00;
	v6 =	vadd.f32 v6, v31;
	v24 =	vmul.f32 v43, v39  }
0x379: {  	v44 =	vld [tilespmem:$0x1FB50];
	v18 =	vadd.f32 v18, v56;
	v39 =	vadd.f32 $2.000000000e+00, v47;
	v8 =	vmul.f32 v33, v8  }
0x37a: {  	v47 =	vmax.f32 v46, $0.0e+00;
	v5 =	vmul.f32 v48, v5;
	v50 =	vmax.f32 v45, $0.0e+00  }
0x37b: {  	v55 =	vld [tilespmem:$0x1FB80];
	v38 =	vmax.f32 v7, $0.0e+00;
	v15 =	vadd.f32 v15, v50;
	v23 =	vadd.f32 v24, v47  }
0x37c: {  	v9 =	vmul.f32 v39, v9;
	v8 =	vadd.f32 v8, v53;
	v4 =	vadd.f32 v4, v38  }
0x37d: {  	v7 =	vld [tilespmem:$0x1FAB0];
	v58 =	vmax.f32 v57, $0.0e+00;
	v38 =	vmax.f32 v37, $0.0e+00;
	v43 =	vmax.f32 v42, $0.0e+00  }
0x37e: {  	v50 =	vld [tilespmem:$0x1FB70];
	v45 =	vmax.f32 v44, $0.0e+00;
	v57 =	vmax.f32 v62, $0.0e+00;
	v62 =	vimm.f32 $0.0e+00  }
0x37f: {  	v2 =	vadd.f32 v2, v58;
	v12 =	vadd.f32 v12, v38;
	v58 =	vimm.f32 $0.0e+00  }
0x380: {  	v14 =	vadd.f32 v14, v45;
	v56 =	vmax.f32 v55, $0.0e+00;
	v60 =	vsel vm0, $0x3F800000, v58  }
0x381: {  	v5 =	vadd.f32 v5, v57;
	v9 =	vadd.f32 v9, v56;
	v1 =	vmul.f32 v1, v60  }
0x382: {  	v2 =	vadd.f32 v6, v2;
	v41 =	vmax.f32 v7, $0.0e+00;
	v7 =	vmul.f32 v40, v22  }
0x383: {  	v52 =	vmax.f32 v50, $0.0e+00;
	v5 =	vadd.f32 v5, v9;
	v21 =	vadd.f32 v21, v41  }
0x384: {  	v6 =	vsel vm11, $0x3F800000, v58;
	v40 =	vld [tilespmem:$0x1FB30];
	v10 =	vadd.f32 v10, v52;
	v1 =	vadd.f32 v1, v62  }
0x385: {  	v63 =	vmul.f32 v36, v6;
	v7 =	vadd.f32 v7, v43;
	v5 =	vadd.f32 v14, v5  }
0x386: {  	v9 =	vsel vm12, $0x3F800000, v58;
	v8 =	vadd.f32 v8, v10;
	v10 =	vadd.f32 v15, v2  }
0x387: {  	v1 =	vadd.f32 v63, v1;
	v2 =	vmul.f32 v16, v9;
	v15 =	vld [tilespmem:$0x1FB90];
	v16 =	vsel vm1, $0x3F800000, v58  }
0x388: {  	v14 =	vsub.f32 $1.000000000e+00, v59;
	v7 =	vadd.f32 v23, v7;
	v3 =	vmul.f32 v3, v16  }
0x389: {  	v5 =	vmul.f32 v5, v60;
	v41 =	vmax.f32 v40, $0.0e+00;
	v1 =	vadd.f32 v2, v1  }
0x38a: {  	v2 =	vsel vm13, $0x3F800000, v58;
	v11 =	vadd.f32 v11, v41;
	v7 =	vadd.f32 v18, v7  }
0x38b: {  	v12 =	vmul.f32 v12, v2;
	v2 =	vadd.f32 v2, v62;
	v18 =	vsel vm2, $0x3F800000, v58  }
0x38c: {  	v5 =	vadd.f32 v5, v62;
	v15 =	vmul.f32 v15, v61;
	v8 =	vadd.f32 v11, v8  }
0x38d: {  	v2 =	vadd.f32 v18, v2;
	v11 =	vmul.f32 v20, v18;
	v18 =	vadd.f32 v3, v1  }
0x38e: {  	v1 =	vmul.f32 v14, v60;
	v3 =	vmul.f32 v13, v60;
	v14 =	vadd.f32 v60, v62  }
0x38f: {  	v12 =	vadd.f32 v12, v62;
	v7 =	vmul.f32 v7, v9;
	v13 =	vsub.f32 $1.000000000e+00, v15  }
0x390: {  	v15 =	vmul.f32 v21, v6;
	v3 =	vadd.f32 v3, v62;
	v1 =	vadd.f32 v1, v62  }
0x391: {  	v14 =	vadd.f32 v6, v14;
	v13 =	vmul.f32 v13, v6;
	v6 =	vmul.f32 v8, v6  }
0x392: {  	v3 =	vadd.f32 v15, v3;
	v8 =	vadd.f32 v11, v12;
	v11 =	vsel vm14, $0x3F800000, v58  }
0x393: {  	v12 =	vadd.f32 v11, v2;
	v4 =	vmul.f32 v4, v11;
	v2 =	vsub.f32 $1.000000000e+00, v49  }
0x394: {  	v5 =	vadd.f32 v6, v5;
	v1 =	vadd.f32 v13, v1;
	v6 =	vmul.f32 v19, v9  }
0x395: {  	v13 =	vadd.f32 v9, v14;
	v11 =	vmul.f32 v2, v9;
	v9 =	vsub.f32 $1.000000000e+00, v54  }
0x396: {  	vm15 =	vlt.f32 v30, $1.999999960e-02;
	v4 =	vadd.f32 v4, v8;
	v2 =	vadd.f32 v6, v3  }
0x397: {  	v3 =	vsel vm15, $0x3F800000, v58;
	v5 =	vadd.f32 v7, v5;
	v7 =	vmul.f32 v10, v16  }
0x398: {  	v12 =	vadd.f32 v3, v12;
	v6 =	vmul.f32 v0, v3;
	v3 =	vadd.f32 v11, v1  }
0x399: {  	s31 =	simm.s32 $0x100;
	s30 =	simm.s32 $0x0;
	v8 =	vmul.f32 v9, v16;
	v1 =	vmul.f32 v17, v16;
	v17 =	vadd.f32 v16, v13  }
.LBB2_4:
0x39a: {  	v13 =	vld [tilespmem:$0x1FFB0]  }
0x39b: {  	v14 =	vld [tilespmem:$0x1FFC0];
	v0 =	vadd.f32 v1, v2  }
0x39c: {  	[tilespmem:$0x1F710] =	vst v17;
	s1 =	sshra.s32 s31, $0x2;
	v17 =	vld [tilespmem:$0x1FFE0]  }
0x39d: {  	v16 =	vld [tilespmem:s1+$0x17030];
	[tilespmem:$0x1F770] =	vst v0;
	v0 =	vadd.f32 v6, v4  }
0x39e: {  	v54 =	vld [tilespmem:s1+$0x17010]  }
0x39f: {  	v10 =	vld [tilespmem:s1+$0x17000];
	v9 =	vor.u32 s31, v13;
	[tilespmem:$0x1F780] =	vst v0;
	v0 =	vadd.f32 v7, v5  }
0x3a0: {  	v7 =	vld [tilespmem:$0x1FFD0]  }
0x3a1: {  	v6 =	vld [tilespmem:$0x1FFA0];
	[tilespmem:$0x1F790] =	vst v0;
	v0 =	vadd.f32 v8, v3  }
0x3a2: {  	v1 =	vor.u32 s31, v14;
	v8 =	vld [tilespmem:s1+$0x17020]  }
0x3a3: {  	[tilespmem:$0x1F7A0] =	vst v0;
	v0 =	vld [tilespmem:$0x1FF90]  }
0x3a4: {  	v3 =	vor.u32 s31, v17;
	v62 =	vld.idx.msk [tilespmem:v9+s21+$0x0], $0xffff  }
0x3a5: {  	v2 =	vor.u32 s31, v7;
	v60 =	vld.idx.msk [tilespmem:v9+s22+$0x0], $0xffff  }
0x3a6: {  	v9 =	vld [tilespmem:$0x1FFF0]  }
0x3a7: {  	v41 =	vld.idx.msk [tilespmem:v1+s21+$0x0], $0xffff  }
0x3a8: {  	s26 =	sadd.s32 $0xC0, s31;
	v40 =	vld.idx.msk [tilespmem:v1+s22+$0x0], $0xffff  }
0x3a9: {  	v1 =	vor.u32 s26, v6;
	v26 =	vld.idx.msk [tilespmem:v3+s21+$0x0], $0xffff  }
0x3aa: {  	[tilespmem:$0x1F740] =	vst v18;
	v18 =	vld.idx.msk [tilespmem:v2+s21+$0x0], $0xffff  }
0x3ab: {  	[tilespmem:$0x1F720] =	vst v12;
	v11 =	vor.u32 s26, v13;
	v12 =	vor.u32 s26, v0;
	v25 =	vld.idx.msk [tilespmem:v2+s22+$0x0], $0xffff;
	v2 =	vor.u32 s26, v9;
	s26 =	sadd.s32 $0x40, s31  }
0x3ac: {  	s2 =	sadd.s32 $0x80, s31;
	v28 =	vor.u32 s26, v0;
	v0 =	vld [tilespmem:$0x1F7D0]  }
0x3ad: {  	v14 =	vor.u32 s2, v14;
	v30 =	vld.idx.msk [tilespmem:v3+s22+$0x0], $0xffff  }
0x3ae: {  	v32 =	vld.idx.msk [tilespmem:v1+s21+$0x0], $0xffff  }
0x3af: {  	v3 =	vor.u32 s2, v13;
	v33 =	vld.idx.msk [tilespmem:v1+s22+$0x0], $0xffff  }
0x3b0: {  	s29 =	sadd.s32 $0x200, s29;
	v17 =	vor.u32 s2, v17;
	v15 =	vor.u32 s2, v7;
	v22 =	vor.u32 s26, v13;
	v24 =	vld.idx.msk [tilespmem:v12+s21+$0x0], $0xffff  }
0x3b1: {  	s1 =	sadd.s32 $0xFFFFFE80, s29;
	s2 =	sadd.s32 $0xFFFFFF00, s29;
	v31 =	vor.u32 s26, v6;
	v27 =	vld.idx.msk [tilespmem:v12+s22+$0x0], $0xffff;
	v12 =	vor.u32 s26, v9;
	s26 =	sadd.s32 $0xFFFFFF80, s29;
	v1 =	vor.u32 s29, v0  }
0x3b2: {  	v39 =	vor.u32 s1, v0;
	v44 =	vor.u32 s2, v0;
	v45 =	vor.u32 s26, v0;
	v0 =	vld.idx.msk [tilespmem:v14+s22+$0x0], $0xffff;
	_ =	sdelay $0x1  }
0x3b3: {  	v63 =	vld.idx.msk [tilespmem:v3+s21+$0x0], $0xffff  }
0x3b4: {  	v21 =	vld.idx.msk [tilespmem:v3+s22+$0x0], $0xffff  }
0x3b5: {  	v34 =	vld.idx.msk [tilespmem:v2+s21+$0x0], $0xffff  }
0x3b6: {  	[tilespmem:$0x1F100] =	vst v0;
	v0 =	vld [tilespmem:$0x1F7E0]  }
0x3b7: {  	v35 =	vld.idx.msk [tilespmem:v2+s22+$0x0], $0xffff  }
0x3b8: {  	v2 =	vld [tilespmem:$0x1F830]  }
0x3b9: {  	v3 =	vld [tilespmem:$0x1F840]  }
0x3ba: {  	v4 =	vld [tilespmem:$0x1F850]  }
0x3bb: {  	v5 =	vld [tilespmem:$0x1F860];
	v46 =	vor.u32 s26, v0  }
0x3bc: {  	v6 =	vld [tilespmem:$0x1F8A0];
	v47 =	vor.u32 s29, v0;
	v48 =	vor.u32 s2, v0;
	v0 =	vor.u32 s1, v0  }
0x3bd: {  	[tilespmem:$0x1F0C0] =	vst v0;
	v0 =	vor.u32 s2, v2  }
0x3be: {  	[tilespmem:$0x1F0D0] =	vst v0;
	v0 =	vor.u32 s2, v3  }
0x3bf: {  	v7 =	vld [tilespmem:$0x1F8B0];
	[tilespmem:$0x1F0E0] =	vst v0;
	v0 =	vor.u32 s26, v4  }
0x3c0: {  	[tilespmem:$0x1F0F0] =	vst v0;
	v0 =	vor.u32 s26, v5  }
0x3c1: {  	[tilespmem:$0x1F110] =	vst v0;
	v0 =	vor.u32 s26, v6  }
0x3c2: {  	[tilespmem:$0x1F120] =	vst v0;
	v0 =	vor.u32 s1, v2  }
0x3c3: {  	[tilespmem:$0x1F140] =	vst v0;
	v0 =	vor.u32 s1, v3  }
0x3c4: {  	[tilespmem:$0x1F150] =	vst v0;
	v0 =	vor.u32 s26, v7  }
0x3c5: {  	[tilespmem:$0x1F130] =	vst v0;
	v0 =	vor.u32 s2, v4  }
0x3c6: {  	[tilespmem:$0x1F160] =	vst v0;
	v0 =	vor.u32 s2, v5  }
0x3c7: {  	v56 =	vld.idx.msk [tilespmem:v1+s19+$0x0], $0xffff;
	[tilespmem:$0x1F170] =	vst v0;
	v0 =	vor.u32 s2, v6  }
0x3c8: {  	v1 =	vld.idx.msk [tilespmem:v39+s19+$0x0], $0xffff;
	[tilespmem:$0x1F180] =	vst v0;
	v0 =	vor.u32 s1, v4  }
0x3c9: {  	v29 =	vld.idx.msk [tilespmem:v17+s21+$0x0], $0xffff;
	[tilespmem:$0x1F1A0] =	vst v0;
	v0 =	vor.u32 s1, v5  }
0x3ca: {  	v36 =	vld.idx.msk [tilespmem:v17+s22+$0x0], $0xffff;
	[tilespmem:$0x1F1B0] =	vst v0;
	v0 =	vor.u32 s2, v7  }
0x3cb: {  	v59 =	vld.idx.msk [tilespmem:v44+s19+$0x0], $0xffff;
	v44 =	vand.u32 $0x7FFFFFFF, v8;
	[tilespmem:$0x1F190] =	vst v0;
	v0 =	vor.u32 s1, v6  }
0x3cc: {  	v38 =	vld.idx.msk [tilespmem:v22+s21+$0x0], $0xffff;
	v44 =	vsub.f32 $0.0e+00, v44;
	[tilespmem:$0x1F1E0] =	vst v0;
	v0 =	vand.u32 $0x7FFFFFFF, v16  }
0x3cd: {  	v17 =	vld.idx.msk [tilespmem:v22+s22+$0x0], $0xffff;
	[tilespmem:$0x1F220] =	vst v1;
	v1 =	vsub.f32 $0.0e+00, v0;
	v0 =	vand.u32 $0x7FFFFFFF, v10  }
0x3ce: {  	v22 =	vld.idx.msk [tilespmem:v45+s19+$0x0], $0xffff;
	v45 =	vsub.f32 $0.0e+00, v0;
	v0 =	vmul.f32 $1.442695020e+00, v44  }
0x3cf: {  	[tilespmem:$0x1F310] =	vst v8;
	v8 =	vsub.f32 v18, v62  }
0x3d0: {  	[tilespmem:$0x1F1F0] =	vst v0;
	v0 =	vmul.f32 $1.442695020e+00, v1  }
0x3d1: {  	[tilespmem:$0x1F230] =	vst v8;
	v1 =	vld [tilespmem:$0x1F7F0]  }
0x3d2: {  	v50 =	vor.u32 s29, v2;
	v8 =	vsub.f32 v26, v41;
	[tilespmem:$0x1F1D0] =	vst v0;
	v0 =	vld [tilespmem:$0x1F800]  }
0x3d3: {  	v52 =	vor.u32 s26, v2  }
0x3d4: {  	[tilespmem:$0x1F240] =	vst v8;
	v8 =	vsub.f32 v25, v60  }
0x3d5: {  	v37 =	vld.idx.msk [tilespmem:v11+s21+$0x0], $0xffff;
	v55 =	vor.u32 s29, v5  }
0x3d6: {  	v58 =	vld.idx.msk [tilespmem:v14+s21+$0x0], $0xffff;
	v14 =	vor.u32 s29, v4;
	v51 =	vor.u32 s29, v3;
	[tilespmem:$0x1F250] =	vst v8;
	v8 =	vsub.f32 v30, v40  }
0x3d7: {  	v53 =	vor.u32 s26, v3;
	v3 =	vld.idx.msk [tilespmem:v50+s19+$0x0], $0xffff;
	v4 =	vmax.f32 v1, v62;
	v5 =	vmin.f32 v0, v18  }
0x3d8: {  	[tilespmem:$0x1F260] =	vst v8;
	v8 =	vld.idx.msk [tilespmem:v52+s19+$0x0], $0xffff;
	v4 =	vsub.f32 v5, v4;
	_ =	sdelay $0x1  }
0x3d9: {  	[tilespmem:$0x1F2B0] =	vst v4;
	v4 =	vld [tilespmem:$0x1F0D0];
	_ =	sdelay $0x1  }
0x3da: {  	[tilespmem:$0x1F1C0] =	vst v3;
	v3 =	vld [tilespmem:$0x1F810]  }
0x3db: {  	v19 =	vld.idx.msk [tilespmem:v11+s22+$0x0], $0xffff;
	[tilespmem:$0x1F210] =	vst v8;
	v8 =	vsub.f32 v32, v37;
	_ =	sdelay $0x1  }
0x3dc: {  	[tilespmem:$0x1F270] =	vst v8;
	v8 =	vsub.f32 v34, v24  }
0x3dd: {  	v23 =	vld.idx.msk [tilespmem:v15+s21+$0x0], $0xffff  }
0x3de: {  	v57 =	vor.u32 s29, v6;
	[tilespmem:$0x1F280] =	vst v8;
	v6 =	vmax.f32 v3, v41  }
0x3df: {  	v41 =	vmax.f32 v1, v19;
	v19 =	vsub.f32 v33, v19;
	v8 =	vmin.f32 v0, v33;
	v33 =	vld.idx.msk [tilespmem:v4+s19+$0x0], $0xffff  }
0x3e0: {  	v4 =	vld [tilespmem:$0x1F0E0];
	_ =	sdelay $0x1  }
0x3e1: {  	[tilespmem:$0x1F300] =	vst v16;
	v42 =	vld.idx.msk [tilespmem:v31+s21+$0x0], $0xffff;
	v2 =	vor.u32 s1, v7;
	v16 =	vsub.f32 v23, v63  }
0x3e2: {  	[tilespmem:$0x1F200] =	vst v2;
	v2 =	vld [tilespmem:$0x1F820]  }
0x3e3: {  	v9 =	vor.u32 s29, v7;
	[tilespmem:$0x1F290] =	vst v16;
	v16 =	vsub.f32 v29, v58  }
0x3e4: {  	[tilespmem:$0x1F0B0] =	vst v9  }
0x3e5: {  	[tilespmem:$0x1F2A0] =	vst v16;
	v16 =	vld [tilespmem:$0x1F0B0];
	_ =	sdelay $0x1  }
0x3e6: {  	v7 =	vmin.f32 v2, v26;
	v26 =	vmax.f32 v1, v60;
	v60 =	vld.idx.msk [tilespmem:v4+s19+$0x0], $0xffff;
	v4 =	vsub.f32 v42, v38;
	_ =	sdelay $0x1  }
0x3e7: {  	[tilespmem:$0x1F2D0] =	vst v4;
	v4 =	vld [tilespmem:$0x1F0F0];
	_ =	sdelay $0x3  }
0x3e8: {  	v13 =	vmin.f32 v0, v32;
	v32 =	vmin.f32 v0, v23;
	v23 =	vld.idx.msk [tilespmem:v16+s19+$0x0], $0xffff  }
0x3e9: {  	v16 =	vld [tilespmem:$0x1F0C0];
	_ =	sdelay $0x2  }
0x3ea: {  	v62 =	vld.idx.msk [tilespmem:v4+s19+$0x0], $0xffff  }
0x3eb: {  	v4 =	vld [tilespmem:$0x1F100]  }
0x3ec: {  	[tilespmem:$0x1F320] =	vst v54;
	v54 =	vand.u32 $0x7FFFFFFF, v54  }
0x3ed: {  	v39 =	vsub.f32 $0.0e+00, v54;
	v54 =	vld.idx.msk [tilespmem:v14+s19+$0x0], $0xffff  }
0x3ee: {  	v14 =	vmax.f32 v3, v24;
	v24 =	vld.idx.msk [tilespmem:v57+s19+$0x0], $0xffff  }
0x3ef: {  	[tilespmem:$0x1F330] =	vst v10;
	v10 =	vmax.f32 v3, v58;
	v57 =	vld.idx.msk [tilespmem:v16+s19+$0x0], $0xffff;
	v16 =	vsub.f32 v35, v27  }
0x3f0: {  	v58 =	vmax.f32 v3, v27;
	v27 =	vsub.f32 v7, v6;
	v7 =	vsub.f32 v36, v4  }
0x3f1: {  	v49 =	vld.idx.msk [tilespmem:v15+s22+$0x0], $0xffff  }
0x3f2: {  	[tilespmem:$0x1F2E0] =	vst v7;
	v7 =	vld [tilespmem:$0x1F110]  }
0x3f3: {  	v11 =	vmax.f32 v3, v40;
	v44 =	vmin.f32 v2, v30;
	v18 =	vld.idx.msk [tilespmem:v51+s19+$0x0], $0xffff  }
0x3f4: {  	v51 =	vsub.f32 v44, v11;
	v11 =	vld [tilespmem:$0x1F120]  }
0x3f5: {  	v61 =	vld.idx.msk [tilespmem:v31+s22+$0x0], $0xffff;
	_ =	sdelay $0x2  }
0x3f6: {  	v9 =	vmin.f32 v0, v25  }
0x3f7: {  	v30 =	vmax.f32 v1, v38;
	v26 =	vsub.f32 v9, v26  }
0x3f8: {  	v9 =	vmin.f32 v0, v49;
	v38 =	vsub.f32 v49, v21;
	v49 =	vld.idx.msk [tilespmem:v7+s19+$0x0], $0xffff;
	v7 =	vsub.f32 v61, v17;
	_ =	sdelay $0x1  }
0x3f9: {  	[tilespmem:$0x1F2F0] =	vst v7;
	v7 =	vmax.f32 v1, v21;
	v21 =	vld.idx.msk [tilespmem:v11+s19+$0x0], $0xffff  }
0x3fa: {  	v11 =	vld [tilespmem:$0x1F130];
	_ =	sdelay $0x6  }
0x3fb: {  	v40 =	vmax.f32 v3, v4;
	v4 =	vld [tilespmem:$0x1F150]  }
0x3fc: {  	[tilespmem:$0x1F2C0] =	vst v16;
	v16 =	vld.idx.msk [tilespmem:v11+s19+$0x0], $0xffff  }
0x3fd: {  	v11 =	vld [tilespmem:$0x1F140];
	_ =	sdelay $0x5  }
0x3fe: {  	v52 =	vld.idx.msk [tilespmem:v53+s19+$0x0], $0xffff  }
0x3ff: {  	v53 =	vmax.f32 v1, v37;
	v25 =	vld.idx.msk [tilespmem:v4+s19+$0x0], $0xffff  }
0x400: {  	v53 =	vsub.f32 v13, v53;
	v13 =	vld.idx.msk [tilespmem:v11+s19+$0x0], $0xffff  }
0x401: {  	v5 =	vmin.f32 v0, v42;
	v11 =	vmin.f32 v0, v61;
	v0 =	vld [tilespmem:$0x1F160]  }
0x402: {  	v15 =	vmin.f32 v2, v34;
	v34 =	vmax.f32 v1, v63;
	v4 =	vmax.f32 v1, v17;
	v1 =	vld [tilespmem:$0x1F170]  }
0x403: {  	v20 =	vld.idx.msk [tilespmem:v28+s21+$0x0], $0xffff  }
0x404: {  	v28 =	vld.idx.msk [tilespmem:v28+s22+$0x0], $0xffff  }
0x405: {  	v31 =	vld.idx.msk [tilespmem:v12+s22+$0x0], $0xffff;
	_ =	sdelay $0x2  }
0x406: {  	v43 =	vld.idx.msk [tilespmem:v12+s21+$0x0], $0xffff;
	v12 =	vmin.f32 v2, v29  }
0x407: {  	v61 =	vsub.f32 v12, v10;
	v10 =	vld.idx.msk [tilespmem:v0+s19+$0x0], $0xffff  }
0x408: {  	v42 =	vsub.f32 v31, v28;
	v0 =	vmin.f32 v2, v31;
	v31 =	vld.idx.msk [tilespmem:v1+s19+$0x0], $0xffff  }
0x409: {  	v1 =	vld [tilespmem:$0x1F180];
	_ =	sdelay $0x7  }
0x40a: {  	v37 =	vmin.f32 v2, v35;
	v35 =	vld.idx.msk [tilespmem:v1+s19+$0x0], $0xffff  }
0x40b: {  	v1 =	vld [tilespmem:$0x1F1B0];
	_ =	sdelay $0x6  }
0x40c: {  	v6 =	vmax.f32 v3, v20;
	v20 =	vsub.f32 v43, v20  }
0x40d: {  	v63 =	vmin.f32 v2, v43;
	v43 =	vsub.f32 v32, v34;
	v34 =	vsub.f32 v15, v14;
	v15 =	vld.idx.msk [tilespmem:v1+s19+$0x0], $0xffff  }
0x40e: {  	v1 =	vld [tilespmem:$0x1F1C0];
	_ =	sdelay $0x4  }
0x40f: {  	v32 =	vsub.f32 v1, v18;
	v1 =	vld [tilespmem:$0x1F1D0];
	_ =	sdelay $0x4  }
0x410: {  	(erf) = vpow2.f32 v1;
	v1 =	vld [tilespmem:$0x1F1E0];
	_ =	sdelay $0x7  }
0x411: {  	v18 =	vld.idx.msk [tilespmem:v1+s19+$0x0], $0xffff  }
0x412: {  	v1 =	vld [tilespmem:$0x1F1F0];
	_ =	sdelay $0x4  }
0x413: {  	(erf) = vpow2.f32 v1;
	v1 =	vld [tilespmem:$0x1F200];
	_ =	sdelay $0x1  }
0x414: {  	v44 =	vsub.f32 v11, v4;
	v4 =	vmax.f32 v3, v28;
	v3 =	vld [tilespmem:$0x1F260]  }
0x415: {  	v4 =	vsub.f32 v0, v4;
	v0 =	vld [tilespmem:$0x1F190];
	_ =	sdelay $0x2  }
0x416: {  	v47 =	vld.idx.msk [tilespmem:v47+s19+$0x0], $0xffff  }
0x417: {  	v8 =	vsub.f32 v8, v41;
	v41 =	vsub.f32 v21, v16;
	v21 =	vmax.f32 v3, $0.0e+00;
	v3 =	vld [tilespmem:$0x1F280]  }
0x418: {  	v17 =	vld.idx.msk [tilespmem:v1+s19+$0x0], $0xffff  }
0x419: {  	v46 =	vld.idx.msk [tilespmem:v46+s19+$0x0], $0xffff  }
0x41a: {  	v48 =	vld.idx.msk [tilespmem:v48+s19+$0x0], $0xffff  }
0x41b: {  	v28 =	vmul.f32 $1.442695020e+00, v39;
	v39 =	vld.idx.msk [tilespmem:v0+s19+$0x0], $0xffff  }
0x41c: {  	v0 =	vld [tilespmem:$0x1F1A0]  }
0x41d: {  	v9 =	vsub.f32 v9, v7;
	v7 =	vsub.f32 v18, v17;
	v18 =	vmax.f32 v3, $0.0e+00;
	v3 =	vld [tilespmem:$0x1F290]  }
0x41e: {  	v1 =	vld [tilespmem:$0x1F210]  }
0x41f: {  	v29 =	vsub.f32 v22, v46;
	v45 =	vmul.f32 $1.442695020e+00, v45  }
0x420: {  	v55 =	vld.idx.msk [tilespmem:v55+s19+$0x0], $0xffff;
	v50 =	vsub.f32 v5, v30;
	v5 =	vsub.f32 v37, v58;
	v36 =	vmin.f32 v2, v36  }
0x421: {  	v19 =	vmax.f32 v19, $0.0e+00;
	v37 =	vsub.f32 v47, v56;
	v2 =	vsub.f32 v36, v40  }
0x422: {  	v36 =	vsub.f32 v56, v47;
	v56 =	vsub.f32 v24, v23;
	v24 =	vmax.f32 v3, $0.0e+00;
	v3 =	vld [tilespmem:$0x1F2A0]  }
0x423: {  	v30 =	vsub.f32 v59, v48;
	v26 =	vmax.f32 v26, $0.0e+00;
	v52 =	vsub.f32 v1, v52;
	v1 =	vld [tilespmem:$0x1F220]  }
0x424: {  	v8 =	vmax.f32 v8, $0.0e+00;
	v14 =	vsub.f32 v48, v59;
	v58 =	vsub.f32 v63, v6;
	v0 =	vld.idx.msk [tilespmem:v0+s19+$0x0], $0xffff  }
0x425: {  	v6 =	vsub.f32 v46, v22;
	v63 =	vsub.f32 v54, v55;
	v20 =	vmax.f32 v20, $0.0e+00  }
0x426: {  	v38 =	vmax.f32 v38, $0.0e+00;
	v59 =	vsub.f32 v33, v60;
	v60 =	vmax.f32 v51, $0.0e+00  }
0x427: {  	(erf) = vpow2.f32 v28;
	v28 =	vsub.f32 v13, v25;
	v25 =	vmax.f32 v3, $0.0e+00;
	v3 =	vld [tilespmem:$0x1F2B0]  }
0x428: {  	v51 =	vand.u32 $0x7FFFFFFF, v63;
	v54 =	vsub.f32 v57, v1;
	v55 =	vsub.f32 v1, v57;
	v1 =	vld [tilespmem:$0x1F230]  }
0x429: {  	v33 =	vand.u32 $0x7FFFFFFF, v36;
	v11 =	vsub.f32 v10, v31;
	v10 =	vsub.f32 v0, v15;
	v0 =	vld [tilespmem:$0x1F270]  }
0x42a: {  	v40 =	vmul.f32 v60, v26;
	v26 =	vand.u32 $0x7FFFFFFF, v6;
	v33 =	vsub.f32 $0.0e+00, v33  }
0x42b: {  	[tilespmem:$0x1F350] =	vst v6;
	v6 =	vld [tilespmem:$0x1F8E0];
	v2 =	vmax.f32 v2, $0.0e+00;
	v4 =	vmax.f32 v4, $0.0e+00;
	v31 =	vmax.f32 v27, $0.0e+00  }
0x42c: {  	v33 =	vmul.f32 $1.442695020e+00, v33;
	v12 =	vsub.f32 v35, v39;
	v23 =	vmax.f32 v3, $0.0e+00;
	v3 =	vld [tilespmem:$0x1F2C0]  }
0x42d: {  	[tilespmem:$0x1F3A0] =	vst v63;
	v39 =	vand.u32 $0x7FFFFFFF, v30;
	v63 =	vand.u32 $0x7FFFFFFF, v10;
	v46 =	vmax.f32 v1, $0.0e+00;
	v1 =	vld [tilespmem:$0x1F240]  }
0x42e: {  	v63 =	vsub.f32 $0.0e+00, v63;
	v0 =	vmax.f32 v0, $0.0e+00;
	v13 =	vmax.f32 v42, $0.0e+00  }
0x42f: {  	v42 =	vmax.f32 v34, $0.0e+00;
	v34 =	vmax.f32 v43, $0.0e+00;
	v0 =	vmul.f32 v18, v0  }
0x430: {  	v43 =	vmax.f32 v61, $0.0e+00;
	v61 =	vand.u32 $0x7FFFFFFF, v11;
	(erf) = vpow2.f32 v45  }
0x431: {  	v60 =	vand.u32 $0x7FFFFFFF, v28;
	v0 =	vadd.f32 v0, v6;
	v27 =	vmax.f32 v3, $0.0e+00;
	v3 =	vld [tilespmem:$0x1F2D0]  }
0x432: {  	v57 =	vsub.f32 v62, v49;
	v45 =	vmul.f32 v25, v24;
	v47 =	vmax.f32 v1, $0.0e+00;
	v1 =	vld [tilespmem:$0x1F250]  }
0x433: {  	[tilespmem:$0x1F360] =	vst v29;
	v24 =	vmax.f32 v5, $0.0e+00;
	v5 =	vmax.f32 v50, $0.0e+00;
	v25 =	vmax.f32 v58, $0.0e+00  }
0x434: {  	[tilespmem:$0x1F3F0] =	vst v57;
	v50 =	vand.u32 $0x7FFFFFFF, v52;
	v58 =	vand.u32 $0x7FFFFFFF, v57;
	v57 =	vmul.f32 v24, v8  }
0x435: {  	[tilespmem:$0x1F340] =	vst v37;
	v58 =	vsub.f32 $0.0e+00, v58;
	v22 =	vmul.f32 v47, v46;
	v46 =	vmul.f32 v31, v23  }
0x436: {  	[tilespmem:$0x1F3E0] =	vst v59;
	v23 =	vand.u32 $0x7FFFFFFF, v37;
	v37 =	vand.u32 $0x7FFFFFFF, v29;
	v35 =	vmax.f32 v3, $0.0e+00;
	v3 =	vld [tilespmem:$0x1F2E0]  }
0x437: {  	[tilespmem:$0x1F400] =	vst v41;
	v29 =	vmul.f32 v43, v34;
	v43 =	vsub.f32 $0.0e+00, v37;
	v1 =	vmax.f32 v1, $0.0e+00  }
0x438: {  	[tilespmem:$0x1F3C0] =	vst v54;
	v1 =	vmul.f32 v21, v1;
	v21 =	vmax.f32 v53, $0.0e+00;
	v27 =	vmul.f32 v27, v19  }
0x439: {  	[tilespmem:$0x1F3D0] =	vst v55;
	v53 =	vand.u32 $0x7FFFFFFF, v54;
	v54 =	vand.u32 $0x7FFFFFFF, v55;
	v55 =	vand.u32 $0x7FFFFFFF, v56  }
0x43a: {  	[tilespmem:$0x1F3B0] =	vst v56;
	v56 =	vand.u32 $0x7FFFFFFF, v59;
	v59 =	vand.u32 $0x7FFFFFFF, v41;
	v41 =	vsub.f32 $0.0e+00, v23  }
0x43b: {  	v23 =	vmul.f32 v25, v5;
	v5 =	vsub.f32 $0.0e+00, v26;
	v16 =	vmax.f32 v3, $0.0e+00;
	v3 =	vld [tilespmem:$0x1F2F0]  }
0x43c: {  	[tilespmem:$0x1F390] =	vst v30;
	v30 =	vmul.f32 v42, v21;
	v42 =	vadd.f32 v22, v6;
	v53 =	vsub.f32 $0.0e+00, v53  }
0x43d: {  	v25 =	vmul.f32 $1.442695020e+00, v43;
	v21 =	vadd.f32 v45, v6;
	v1 =	vadd.f32 v1, v6  }
0x43e: {  	v5 =	vmul.f32 $1.442695020e+00, v5;
	v0 =	vsub.f32 v0, v30;
	v31 =	vmul.f32 v20, v35  }
0x43f: {  	v35 =	vand.u32 $0x7FFFFFFF, v14;
	v16 =	vmul.f32 v16, v38;
	v38 =	vand.u32 $0x7FFFFFFF, v32  }
0x440: {  	v15 =	vpop (erf);
	v62 =	vmax.f32 v3, $0.0e+00;
	v3 =	vmax.f32 v9, $0.0e+00;
	v9 =	vmax.f32 v44, $0.0e+00  }
0x441: {  	v49 =	vpop (erf);
	v44 =	vsub.f32 $0.0e+00, v35;
	v24 =	vmul.f32 v4, v9;
	v9 =	vmul.f32 $1.442695020e+00, v41  }
0x442: {  	v48 =	vpop (erf);
	v13 =	vmul.f32 v13, v62;
	v62 =	vand.u32 $0x7FFFFFFF, v12;
	v22 =	vmul.f32 v2, v3  }
0x443: {  	v47 =	vpop (erf);
	v2 =	vsub.f32 $0.0e+00, v38;
	v3 =	vsub.f32 $0.0e+00, v39;
	(erf) = vpow2.f32 v9  }
0x444: {  	v4 =	vsub.f32 $0.0e+00, v50;
	v26 =	vmul.f32 $1.442695020e+00, v44;
	(erf) = vpow2.f32 v33  }
0x445: {  	v50 =	vsub.f32 $0.0e+00, v51;
	v2 =	vmul.f32 $1.442695020e+00, v2;
	(erf) = vpow2.f32 v5  }
0x446: {  	v51 =	vsub.f32 $0.0e+00, v55;
	v3 =	vmul.f32 $1.442695020e+00, v3;
	(erf) = vpow2.f32 v25  }
0x447: {  	v55 =	vsub.f32 $0.0e+00, v54;
	v4 =	vmul.f32 $1.442695020e+00, v4;
	(erf) = vpow2.f32 v2  }
0x448: {  	v5 =	vsub.f32 $0.0e+00, v59;
	v59 =	vsub.f32 $0.0e+00, v60;
	(erf) = vpow2.f32 v26  }
0x449: {  	v60 =	vmul.f32 $1.442695020e+00, v50;
	v2 =	vsub.f32 $0.0e+00, v61;
	(erf) = vpow2.f32 v3  }
0x44a: {  	v61 =	vsub.f32 $0.0e+00, v62;
	v62 =	vmul.f32 $1.442695020e+00, v51;
	(erf) = vpow2.f32 v4  }
0x44b: {  	v9 =	vsub.f32 $0.0e+00, v56;
	v3 =	vmul.f32 $1.442695020e+00, v53;
	(erf) = vpow2.f32 v60  }
0x44c: {  	v1 =	vsub.f32 v1, v40;
	v4 =	vmul.f32 $1.442695020e+00, v55;
	v44 =	vpop (erf);
	(erf) = vpow2.f32 v62  }
0x44d: {  	[tilespmem:$0x1F370] =	vst v32;
	v20 =	vand.u32 $0x7FFFFFFF, v7;
	v9 =	vmul.f32 $1.442695020e+00, v9;
	(erf) = vpow2.f32 v3;
	v32 =	vpop (erf)  }
0x44e: {  	[tilespmem:$0x1F410] =	vst v28;
	v0 =	vadd.f32 $1.000000000e+00, v0;
	v33 =	vmul.f32 $1.442695020e+00, v58;
	(erf) = vpow2.f32 v4;
	v28 =	vpop (erf)  }
0x44f: {  	v3 =	vmul.f32 $1.442695020e+00, v5;
	v5 =	vadd.f32 v27, v6;
	(erf) = vpow2.f32 v9;
	v27 =	vpop (erf)  }
0x450: {  	v20 =	vsub.f32 $0.0e+00, v20;
	v4 =	vmul.f32 $1.442695020e+00, v59;
	(erf) = vpow2.f32 v33;
	v39 =	vpop (erf)  }
0x451: {  	v26 =	vsub.f32 v42, v46;
	v2 =	vmul.f32 $1.442695020e+00, v2;
	v34 =	vpop (erf);
	(erf) = vpow2.f32 v3  }
0x452: {  	v9 =	vadd.f32 v16, v6;
	v16 =	vmul.f32 $1.442695020e+00, v61;
	(erf) = vpow2.f32 v4;
	v42 =	vpop (erf)  }
0x453: {  	v1 =	vadd.f32 $1.000000010e-07, v1;
	v3 =	vmul.f32 $1.442695020e+00, v63;
	(erf) = vpow2.f32 v2;
	v45 =	vpop (erf)  }
0x454: {  	v4 =	vmul.f32 $1.442695020e+00, v20;
	v2 =	vadd.f32 $1.000000000e+00, v26;
	(erf) = vpow2.f32 v16;
	v51 =	vpop (erf)  }
0x455: {  	v31 =	vadd.f32 v31, v6;
	v0 =	vmax.f32 v0, $9.999999960e-13;
	(erf) = vpow2.f32 v3;
	v53 =	vpop (erf)  }
0x456: {  	v1 =	vmax.f32 v1, $9.999999960e-13;
	v2 =	vmax.f32 v2, $9.999999960e-13;
	v54 =	vpop (erf);
	(erf) = vpow2.f32 v4  }
0x457: {  	v13 =	vadd.f32 v13, v6;
	v4 =	vadd.f32 $2.000000000e+00, v15;
	v55 =	vpop (erf);
	(erf) = vrcp.f32 v2  }
0x458: {  	v3 =	vsub.f32 v5, v57;
	v5 =	vadd.f32 $2.000000000e+00, v49;
	(erf) = vrcp.f32 v1;
	v56 =	vpop (erf)  }
0x459: {  	v20 =	vadd.f32 $2.000000000e+00, v48;
	v16 =	vsub.f32 v21, v29;
	v62 =	vpop (erf);
	(erf) = vrcp.f32 v4  }
0x45a: {  	v2 =	vsub.f32 v31, v23;
	v4 =	vadd.f32 $2.000000000e+00, v47;
	(erf) = vrcp.f32 v5;
	v63 =	vpop (erf)  }
0x45b: {  	v5 =	vsub.f32 v13, v24;
	v13 =	vadd.f32 $1.000000000e+00, v16;
	v26 =	vpop (erf);
	(erf) = vrcp.f32 v20  }
0x45c: {  	v9 =	vsub.f32 v9, v22;
	v16 =	vadd.f32 $1.000000010e-07, v3;
	(erf) = vrcp.f32 v4;
	v25 =	vpop (erf)  }
0x45d: {  	v2 =	vadd.f32 $1.000000000e+00, v2;
	v4 =	vmax.f32 v13, $9.999999960e-13;
	v18 =	vpop (erf);
	(erf) = vrcp.f32 v0  }
0x45e: {  	v0 =	vadd.f32 $1.000000010e-07, v9;
	v9 =	vmax.f32 v16, $9.999999960e-13;
	v59 =	vpop (erf);
	(erf) = vrcp.f32 v4  }
0x45f: {  	v2 =	vmax.f32 v2, $9.999999960e-13;
	v4 =	vadd.f32 $1.000000010e-07, v5;
	v60 =	vpop (erf);
	(erf) = vrcp.f32 v9  }
0x460: {  	v0 =	vmax.f32 v0, $9.999999960e-13;
	v5 =	vpop (erf);
	(erf) = vrcp.f32 v2  }
0x461: {  	v1 =	vmax.f32 v4, $9.999999960e-13;
	v4 =	vadd.f32 $2.000000000e+00, v44;
	v9 =	vpop (erf);
	(erf) = vrcp.f32 v0  }
0x462: {  	v0 =	vadd.f32 $2.000000000e+00, v32;
	(erf) = vrcp.f32 v1;
	v2 =	vpop (erf)  }
0x463: {  	v13 =	vadd.f32 $2.000000000e+00, v28;
	v16 =	vpop (erf);
	(erf) = vrcp.f32 v4  }
0x464: {  	v1 =	vadd.f32 $2.000000000e+00, v27;
	v20 =	vpop (erf);
	(erf) = vrcp.f32 v0  }
0x465: {  	v0 =	vadd.f32 $2.000000000e+00, v39;
	v33 =	vpop (erf);
	(erf) = vrcp.f32 v13  }
0x466: {  	v3 =	vadd.f32 $2.000000000e+00, v34;
	(erf) = vrcp.f32 v1;
	v4 =	vpop (erf);
	v1 =	vld [tilespmem:$0x1F300]  }
0x467: {  	v31 =	vadd.f32 $2.000000000e+00, v42;
	v43 =	vpop (erf);
	(erf) = vrcp.f32 v0  }
0x468: {  	v21 =	vmov v15;
	v0 =	vadd.f32 $2.000000000e+00, v45;
	(erf) = vrcp.f32 v3;
	v13 =	vpop (erf)  }
0x469: {  	v41 =	vadd.f32 $2.000000000e+00, v51;
	v49 =	vmul.f32 v16, v49;
	(erf) = vrcp.f32 v31;
	v50 =	vpop (erf)  }
0x46a: {  	v16 =	vmul.f32 v2, v21;
	v2 =	vld [tilespmem:$0x1F370];
	v31 =	vadd.f32 $2.000000000e+00, v53;
	v58 =	vpop (erf);
	(erf) = vrcp.f32 v0  }
0x46b: {  	v0 =	vadd.f32 $2.000000000e+00, v54;
	v61 =	vpop (erf);
	(erf) = vrcp.f32 v41;
	v3 =	vmax.f32 v1, $0.0e+00  }
0x46c: {  	v41 =	vadd.f32 $2.000000000e+00, v55;
	v17 =	vpop (erf);
	(erf) = vrcp.f32 v31;
	[tilespmem:$0x1F480] =	vst v3;
	v3 =	vld [tilespmem:$0x1F310]  }
0x46d: {  	[tilespmem:$0x1F380] =	vst v14;
	v31 =	vadd.f32 $2.000000000e+00, v56;
	(erf) = vrcp.f32 v0;
	v15 =	vpop (erf)  }
0x46e: {  	[tilespmem:$0x1F420] =	vst v11;
	v0 =	vadd.f32 $2.000000000e+00, v62;
	(erf) = vrcp.f32 v41;
	v14 =	vpop (erf)  }
0x46f: {  	[tilespmem:$0x1F430] =	vst v12;
	v2 =	vmax.f32 v2, $0.0e+00;
	v41 =	vadd.f32 $2.000000000e+00, v63;
	(erf) = vrcp.f32 v31;
	v11 =	vpop (erf)  }
0x470: {  	[tilespmem:$0x1F5B0] =	vst v2;
	v2 =	vld [tilespmem:$0x1F380];
	(erf) = vrcp.f32 v0;
	v12 =	vpop (erf)  }
0x471: {  	[tilespmem:$0x1F440] =	vst v10;
	v38 =	vld [tilespmem:$0x1F320];
	v10 =	vpop (erf);
	(erf) = vrcp.f32 v41;
	v41 =	vmax.f32 v3, $0.0e+00  }
0x472: {  	[tilespmem:$0x1F470] =	vst v41;
	v41 =	vld [tilespmem:$0x1F330];
	_ =	sdelay $0x2  }
0x473: {  	v2 =	vmax.f32 v2, $0.0e+00  }
0x474: {  	v19 =	vmax.f32 v38, $0.0e+00;
	[tilespmem:$0x1F590] =	vst v2;
	v2 =	vld [tilespmem:$0x1F390]  }
0x475: {  	[tilespmem:$0x1F4A0] =	vst v19;
	v19 =	vmax.f32 v41, $0.0e+00  }
0x476: {  	v31 =	vadd.f32 $2.000000000e+00, v26;
	[tilespmem:$0x1F490] =	vst v19;
	v19 =	vld [tilespmem:$0x1F340]  }
0x477: {  	v0 =	vadd.f32 $2.000000000e+00, v25  }
0x478: {  	v37 =	vadd.f32 $2.000000000e+00, v18;
	(erf) = vrcp.f32 v31  }
0x479: {  	[tilespmem:$0x1F450] =	vst v7;
	v35 =	vadd.f32 $2.000000000e+00, v59;
	v8 =	vpop (erf);
	(erf) = vrcp.f32 v0;
	v2 =	vmax.f32 v2, $0.0e+00  }
0x47a: {  	v7 =	vpop (erf);
	(erf) = vrcp.f32 v37;
	[tilespmem:$0x1F5D0] =	vst v2;
	v2 =	vmul.f32 v4, v30;
	v4 =	vmax.f32 v52, $0.0e+00  }
0x47b: {  	v6 =	vpop (erf);
	(erf) = vrcp.f32 v35;
	v35 =	vld [tilespmem:$0x1F350];
	[tilespmem:$0x1F5E0] =	vst v4;
	v37 =	vmax.f32 v19, $0.0e+00  }
0x47c: {  	v5 =	vmul.f32 v5, v46;
	v47 =	vmul.f32 v33, v47;
	v4 =	vld [tilespmem:$0x1F3A0];
	[tilespmem:$0x1F540] =	vst v37;
	v37 =	vmax.f32 v36, $0.0e+00  }
0x47d: {  	v33 =	vmul.f32 v49, v49;
	v21 =	vmul.f32 v43, v29;
	v0 =	vadd.f32 $2.000000000e+00, v60  }
0x47e: {  	v22 =	vmul.f32 v58, v22;
	v24 =	vmul.f32 v61, v24;
	v19 =	vpop (erf)  }
0x47f: {  	[tilespmem:$0x1F550] =	vst v37;
	v37 =	vpop (erf);
	(erf) = vrcp.f32 v0;
	v0 =	vmul.f32 v9, v40;
	v9 =	vld [tilespmem:$0x1F360]  }
0x480: {  	v3 =	vmul.f32 v22, v3;
	v52 =	vmul.f32 v16, v16;
	v31 =	vmax.f32 v35, $0.0e+00  }
0x481: {  	[tilespmem:$0x1F560] =	vst v31;
	v31 =	vmul.f32 v50, v23;
	v23 =	vmul.f32 v13, v57;
	v4 =	vmax.f32 v4, $0.0e+00  }
0x482: {  	v5 =	vsub.f32 $1.000000000e+00, v5;
	v30 =	vmul.f32 v47, v47;
	[tilespmem:$0x1F600] =	vst v4;
	v4 =	vmul.f32 v0, v41  }
0x483: {  	[tilespmem:$0x1F460] =	vst v16;
	v16 =	vmul.f32 $1.818181870e-01, v33;
	v2 =	vsub.f32 $1.000000000e+00, v2;
	vm1 =	vge.f32 v23, $5.000000070e-02  }
0x484: {  	v40 =	vmul.f32 $1.818181870e-01, v52;
	[tilespmem:$0x1F4E0] =	vst v4;
	v4 =	vmul.f32 v23, v1;
	v46 =	vmax.f32 v9, $0.0e+00  }
0x485: {  	vm0 =	vge.f32 v0, $5.000000070e-02;
	[tilespmem:$0x1F570] =	vst v46;
	v46 =	vmul.f32 v20, v48;
	v48 =	vimm.f32 $0.0e+00  }
0x486: {  	v41 =	vmul.f32 $1.818181870e-01, v30;
	[tilespmem:$0x1F4B0] =	vst v4;
	v4 =	vmul.f32 v24, v38;
	v38 =	vsel vm0, $0x3F800000, v48  }
0x487: {  	[tilespmem:$0x1F4C0] =	vst v3;
	v9 =	vpop (erf);
	v58 =	vsel vm1, $0x3F800000, v48;
	v29 =	vmul.f32 v46, v46;
	v3 =	vmul.f32 v5, v38  }
0x488: {  	v36 =	vpop (erf);
	[tilespmem:$0x1F4D0] =	vst v4;
	v5 =	vadd.f32 $2.222222240e-01, v16;
	v16 =	vadd.f32 $2.222222240e-01, v40;
	v2 =	vmul.f32 v2, v58;
	v4 =	vld [tilespmem:$0x1F3B0]  }
0x489: {  	v20 =	vpop (erf);
	v56 =	vmul.f32 v36, v56;
	v43 =	vmul.f32 $1.818181870e-01, v29;
	[tilespmem:$0x1F7B0] =	vst v3  }
0x48a: {  	v35 =	vpop (erf);
	v40 =	vadd.f32 $2.222222240e-01, v41;
	[tilespmem:$0x1F7C0] =	vst v2;
	v3 =	vmul.f32 v5, v33;
	v2 =	vmul.f32 v16, v52  }
0x48b: {  	v13 =	vpop (erf);
	v41 =	vadd.f32 $2.222222240e-01, v43;
	v43 =	vmul.f32 v17, v44;
	v44 =	vmul.f32 v12, v39  }
0x48c: {  	v50 =	vpop (erf);
	v39 =	vmul.f32 v8, v42;
	v42 =	vmul.f32 v7, v45  }
0x48d: {  	v5 =	vld [tilespmem:$0x1F3C0];
	v61 =	vpop (erf);
	v45 =	vmul.f32 v6, v51;
	v17 =	vmul.f32 v19, v53;
	v4 =	vmax.f32 v4, $0.0e+00  }
0x48e: {  	vm15 =	vge.f32 v22, $5.000000070e-02;
	v16 =	vld [tilespmem:$0x1F3D0];
	v57 =	vpop (erf);
	v12 =	vmul.f32 v37, v54;
	[tilespmem:$0x1F610] =	vst v4;
	v4 =	vmul.f32 v40, v30  }
0x48f: {  	vm2 =	vlt.f32 v22, $1.999999960e-02;
	v1 =	vpop (erf);
	v40 =	vmul.f32 v14, v28;
	v14 =	vmul.f32 v9, v55  }
0x490: {  	vm14 =	vlt.f32 v0, $1.999999960e-02;
	v9 =	vmul.f32 v50, v25;
	v0 =	vmul.f32 v1, v60  }
0x491: {  	vm3 =	vge.f32 v24, $5.000000070e-02;
	v50 =	vmul.f32 v43, v43;
	v51 =	vmul.f32 v44, v44  }
0x492: {  	v19 =	vmul.f32 v39, v39;
	v25 =	vmul.f32 v42, v42;
	v5 =	vmax.f32 v5, $0.0e+00  }
0x493: {  	v54 =	vmul.f32 v45, v45;
	v53 =	vmul.f32 v12, v12;
	v16 =	vmax.f32 v16, $0.0e+00;
	[tilespmem:$0x1F620] =	vst v5  }
0x494: {  	vm4 =	vlt.f32 v24, $1.999999960e-02;
	v8 =	vld [tilespmem:$0x1F400];
	v5 =	vmul.f32 v41, v29;
	[tilespmem:$0x1F630] =	vst v16;
	v16 =	vmul.f32 v15, v32  }
0x495: {  	v7 =	vld [tilespmem:$0x1F410];
	v2 =	vadd.f32 $2.857142980e-01, v2;
	[tilespmem:$0x1F520] =	vst v12;
	v41 =	vmul.f32 v11, v27;
	v11 =	vmul.f32 v35, v63  }
0x496: {  	v1 =	vsub.f32 $1.000000000e+00, v21;
	[tilespmem:$0x1F530] =	vst v14;
	v55 =	vmul.f32 v40, v40;
	v27 =	vmul.f32 v17, v17  }
0x497: {  	v6 =	vld [tilespmem:$0x1F420];
	[tilespmem:$0x1F680] =	vst v0;
	v22 =	vmul.f32 v14, v14;
	v14 =	vadd.f32 $2.857142980e-01, v3;
	v32 =	vmul.f32 v9, v9  }
0x498: {  	[tilespmem:$0x1F6D0] =	vst v1;
	v36 =	vmul.f32 v0, v0;
	v0 =	vsub.f32 $1.000000000e+00, v31;
	v1 =	vsel vm2, $0x3F800000, v48  }
0x499: {  	v31 =	vmul.f32 v2, v52;
	v2 =	vmul.f32 $1.818181870e-01, v19;
	v8 =	vmax.f32 v8, $0.0e+00;
	[tilespmem:$0x1F750] =	vst v1  }
0x49a: {  	v3 =	vmul.f32 $1.818181870e-01, v53;
	v7 =	vmax.f32 v7, $0.0e+00;
	v1 =	vmul.f32 $1.818181870e-01, v51;
	[tilespmem:$0x1F6A0] =	vst v8  }
0x49b: {  	vm9 =	vlt.f32 v23, $1.999999960e-02;
	[tilespmem:$0x1F690] =	vst v7;
	v8 =	vmul.f32 v13, v26;
	v7 =	vmul.f32 v57, v59  }
0x49c: {  	v6 =	vmax.f32 v6, $0.0e+00;
	[tilespmem:$0x1F4F0] =	vst v16;
	v26 =	vmul.f32 v16, v16;
	v24 =	vmul.f32 v11, v11  }
0x49d: {  	v5 =	vadd.f32 $2.857142980e-01, v5;
	[tilespmem:$0x1F700] =	vst v0;
	v57 =	vmul.f32 v14, v33;
	v0 =	vsel vm14, $0x3F800000, v48  }
0x49e: {  	v15 =	vld [tilespmem:$0x1F3E0];
	[tilespmem:$0x1F5A0] =	vst v11;
	v12 =	vmul.f32 $1.818181870e-01, v27;
	v11 =	vmul.f32 $1.818181870e-01, v22;
	v59 =	vadd.f32 $4.000000060e-01, v31  }
0x49f: {  	v3 =	vadd.f32 $2.222222240e-01, v3;
	[tilespmem:$0x1F730] =	vst v0;
	v0 =	vsel vm9, $0x3F800000, v48;
	v28 =	vmul.f32 v8, v8  }
0x4a0: {  	v16 =	vadd.f32 $2.222222240e-01, v1;
	[tilespmem:$0x1F650] =	vst v7;
	v35 =	vmul.f32 v7, v7;
	v5 =	vmul.f32 v5, v29  }
0x4a1: {  	[tilespmem:$0x1F760] =	vst v0;
	v0 =	vmul.f32 $1.818181870e-01, v55;
	v7 =	vmul.f32 $1.818181870e-01, v54;
	v31 =	vadd.f32 $4.000000060e-01, v57  }
0x4a2: {  	[tilespmem:$0x1F6B0] =	vst v6;
	v6 =	vld [tilespmem:$0x1F430];
	v12 =	vadd.f32 $2.222222240e-01, v12;
	v11 =	vadd.f32 $2.222222240e-01, v11;
	v59 =	vmul.f32 v59, v52  }
0x4a3: {  	[tilespmem:$0x1F510] =	vst v17;
	v3 =	vmul.f32 v3, v53;
	v15 =	vmax.f32 v15, $0.0e+00;
	v16 =	vmul.f32 v16, v51  }
0x4a4: {  	[tilespmem:$0x1F660] =	vst v15;
	v15 =	vmul.f32 v10, v34;
	v17 =	vadd.f32 $2.222222240e-01, v0;
	v0 =	vmul.f32 $1.818181870e-01, v32  }
0x4a5: {  	v7 =	vadd.f32 $2.222222240e-01, v7;
	v1 =	vmul.f32 $1.818181870e-01, v35;
	v31 =	vmul.f32 v31, v33  }
0x4a6: {  	v12 =	vmul.f32 v12, v27;
	v11 =	vmul.f32 v11, v22;
	v59 =	vadd.f32 $6.666666860e-01, v59  }
0x4a7: {  	v3 =	vadd.f32 $2.857142980e-01, v3;
	v6 =	vmax.f32 v6, $0.0e+00;
	v16 =	vadd.f32 $2.857142980e-01, v16  }
0x4a8: {  	[tilespmem:$0x1F500] =	vst v15;
	v23 =	vmul.f32 v15, v15;
	v15 =	vadd.f32 $2.222222240e-01, v2;
	v2 =	vmul.f32 $1.818181870e-01, v36  }
0x4a9: {  	v0 =	vadd.f32 $2.222222240e-01, v0;
	v17 =	vmul.f32 v17, v55;
	v1 =	vadd.f32 $2.222222240e-01, v1  }
0x4aa: {  	v10 =	vld [tilespmem:$0x1F3F0];
	v7 =	vmul.f32 v7, v54;
	v31 =	vadd.f32 $6.666666860e-01, v31;
	v52 =	vmul.f32 v59, v52  }
0x4ab: {  	v12 =	vadd.f32 $2.857142980e-01, v12;
	v3 =	vmul.f32 v3, v53;
	v16 =	vmul.f32 v16, v51  }
0x4ac: {  	[tilespmem:$0x1F5C0] =	vst v8;
	v11 =	vadd.f32 $2.857142980e-01, v11;
	v8 =	vmul.f32 $1.818181870e-01, v23;
	v15 =	vmul.f32 v15, v19  }
0x4ad: {  	v2 =	vadd.f32 $2.222222240e-01, v2;
	v17 =	vadd.f32 $2.857142980e-01, v17;
	v0 =	vmul.f32 v0, v32  }
0x4ae: {  	v7 =	vadd.f32 $2.857142980e-01, v7;
	v1 =	vmul.f32 v1, v35;
	v31 =	vmul.f32 v31, v33  }
0x4af: {  	v12 =	vmul.f32 v12, v27;
	v11 =	vmul.f32 v11, v22;
	v10 =	vmax.f32 v10, $0.0e+00  }
0x4b0: {  	v52 =	vadd.f32 $2.000000000e+00, v52;
	v3 =	vadd.f32 $4.000000060e-01, v3;
	[tilespmem:$0x1F670] =	vst v10;
	v10 =	vmul.f32 v20, v62  }
0x4b1: {  	[tilespmem:$0x1F6C0] =	vst v6;
	v6 =	vld [tilespmem:$0x1F440];
	v16 =	vadd.f32 $4.000000060e-01, v16;
	v62 =	vmul.f32 v41, v41;
	v20 =	vmul.f32 v56, v56  }
0x4b2: {  	v15 =	vadd.f32 $2.857142980e-01, v15;
	v2 =	vmul.f32 v2, v36;
	v0 =	vadd.f32 $2.857142980e-01, v0  }
0x4b3: {  	v17 =	vmul.f32 v17, v55;
	v1 =	vadd.f32 $2.857142980e-01, v1;
	v7 =	vmul.f32 v7, v54  }
0x4b4: {  	v59 =	vld [tilespmem:$0x1F460];
	v31 =	vadd.f32 $2.000000000e+00, v31;
	v12 =	vadd.f32 $4.000000060e-01, v12;
	v3 =	vmul.f32 v3, v53  }
0x4b5: {  	[tilespmem:$0x1F5F0] =	vst v9;
	v11 =	vadd.f32 $4.000000060e-01, v11;
	v16 =	vmul.f32 v16, v51;
	v21 =	vmul.f32 v10, v10  }
0x4b6: {  	v6 =	vmax.f32 v6, $0.0e+00;
	[tilespmem:$0x1F580] =	vst v10;
	v9 =	vmul.f32 $1.818181870e-01, v62;
	v10 =	vmul.f32 $1.818181870e-01, v25  }
0x4b7: {  	v15 =	vmul.f32 v15, v19;
	v2 =	vadd.f32 $2.857142980e-01, v2;
	v17 =	vadd.f32 $4.000000060e-01, v17  }
0x4b8: {  	v0 =	vmul.f32 v0, v32;
	v7 =	vadd.f32 $4.000000060e-01, v7;
	v1 =	vmul.f32 v1, v35  }
0x4b9: {  	v31 =	vmul.f32 v31, v49;
	v49 =	vmul.f32 v52, v59;
	v3 =	vadd.f32 $6.666666860e-01, v3  }
0x4ba: {  	v12 =	vmul.f32 v12, v27;
	v16 =	vadd.f32 $6.666666860e-01, v16;
	v14 =	vadd.f32 $2.222222240e-01, v9  }
0x4bb: {  	v11 =	vmul.f32 v11, v22;
	v9 =	vadd.f32 $2.222222240e-01, v8;
	v10 =	vadd.f32 $2.222222240e-01, v10  }
0x4bc: {  	v15 =	vadd.f32 $4.000000060e-01, v15;
	v2 =	vmul.f32 v2, v36;
	v0 =	vadd.f32 $4.000000060e-01, v0  }
0x4bd: {  	[tilespmem:$0x1F6E0] =	vst v6;
	v6 =	vld [tilespmem:$0x1F450];
	v17 =	vmul.f32 v17, v55;
	v1 =	vadd.f32 $4.000000060e-01, v1;
	v7 =	vmul.f32 v7, v54  }
0x4be: {  	v12 =	vadd.f32 $6.666666860e-01, v12;
	v3 =	vmul.f32 v3, v53;
	v16 =	vmul.f32 v16, v51  }
0x4bf: {  	v11 =	vadd.f32 $6.666666860e-01, v11;
	v14 =	vmul.f32 v14, v62;
	v9 =	vmul.f32 v9, v23  }
0x4c0: {  	v10 =	vmul.f32 v10, v25;
	v15 =	vmul.f32 v15, v19;
	v2 =	vadd.f32 $4.000000060e-01, v2  }
0x4c1: {  	v17 =	vadd.f32 $6.666666860e-01, v17;
	v0 =	vmul.f32 v0, v32;
	v7 =	vadd.f32 $6.666666860e-01, v7  }
0x4c2: {  	v1 =	vmul.f32 v1, v35;
	v12 =	vmul.f32 v12, v27;
	v6 =	vmax.f32 v6, $0.0e+00  }
0x4c3: {  	v3 =	vadd.f32 $2.000000000e+00, v3;
	v16 =	vadd.f32 $2.000000000e+00, v16;
	[tilespmem:$0x1F6F0] =	vst v6;
	v6 =	vmul.f32 v61, v18  }
0x4c4: {  	v18 =	vadd.f32 $2.857142980e-01, v4;
	v61 =	vmul.f32 $1.818181870e-01, v50;
	v14 =	vadd.f32 $2.857142980e-01, v14  }
0x4c5: {  	v4 =	vmul.f32 $1.818181870e-01, v26;
	v9 =	vadd.f32 $2.857142980e-01, v9;
	v10 =	vadd.f32 $2.857142980e-01, v10  }
0x4c6: {  	v15 =	vadd.f32 $6.666666860e-01, v15;
	v2 =	vmul.f32 v2, v36;
	v0 =	vadd.f32 $6.666666860e-01, v0  }
0x4c7: {  	v1 =	vadd.f32 $6.666666860e-01, v1;
	v17 =	vmul.f32 v17, v55;
	v7 =	vmul.f32 v7, v54  }
0x4c8: {  	v12 =	vadd.f32 $2.000000000e+00, v12;
	v16 =	vmul.f32 v16, v44;
	v34 =	vmul.f32 v6, v6  }
0x4c9: {  	v60 =	vmul.f32 v18, v30;
	v18 =	vadd.f32 $4.000000060e-01, v5;
	v5 =	vmul.f32 $1.818181870e-01, v20  }
0x4ca: {  	[tilespmem:$0x1F640] =	vst v6;
	v6 =	vmul.f32 $1.818181870e-01, v24;
	v13 =	vadd.f32 $2.222222240e-01, v4;
	v4 =	vmul.f32 $1.818181870e-01, v28  }
0x4cb: {  	v61 =	vadd.f32 $2.222222240e-01, v61;
	v14 =	vmul.f32 v14, v62;
	v9 =	vmul.f32 v9, v23  }
0x4cc: {  	v10 =	vmul.f32 v10, v25;
	v2 =	vadd.f32 $6.666666860e-01, v2;
	v15 =	vmul.f32 v15, v19  }
0x4cd: {  	v17 =	vadd.f32 $2.000000000e+00, v17;
	v0 =	vmul.f32 v0, v32;
	v7 =	vadd.f32 $2.000000000e+00, v7  }
0x4ce: {  	v1 =	vmul.f32 v1, v35;
	v57 =	vadd.f32 $4.000000060e-01, v60;
	v60 =	vmul.f32 $1.818181870e-01, v21  }
0x4cf: {  	v8 =	vmul.f32 $1.818181870e-01, v34;
	v5 =	vadd.f32 $2.222222240e-01, v5;
	v18 =	vmul.f32 v18, v29  }
0x4d0: {  	v6 =	vadd.f32 $2.222222240e-01, v6;
	v4 =	vadd.f32 $2.222222240e-01, v4;
	v61 =	vmul.f32 v61, v50  }
0x4d1: {  	v13 =	vmul.f32 v13, v26;
	v14 =	vadd.f32 $4.000000060e-01, v14;
	v9 =	vadd.f32 $4.000000060e-01, v9  }
0x4d2: {  	v10 =	vadd.f32 $4.000000060e-01, v10;
	v15 =	vadd.f32 $2.000000000e+00, v15;
	v2 =	vmul.f32 v2, v36  }
0x4d3: {  	v52 =	vld [tilespmem:$0x1F4A0];
	v17 =	vmul.f32 v17, v40;
	v0 =	vadd.f32 $2.000000000e+00, v0;
	v1 =	vadd.f32 $2.000000000e+00, v1  }
0x4d4: {  	v35 =	vld [tilespmem:$0x1F5B0];
	v7 =	vmul.f32 v7, v45;
	v60 =	vadd.f32 $2.222222240e-01, v60;
	v57 =	vmul.f32 v57, v30  }
0x4d5: {  	v59 =	vld [tilespmem:$0x1F4E0];
	v8 =	vadd.f32 $2.222222240e-01, v8;
	v18 =	vadd.f32 $6.666666860e-01, v18;
	v5 =	vmul.f32 v5, v20  }
0x4d6: {  	v53 =	vld [tilespmem:$0x1F6A0];
	v61 =	vadd.f32 $2.857142980e-01, v61;
	v6 =	vmul.f32 v6, v24;
	v4 =	vmul.f32 v4, v28  }
0x4d7: {  	v51 =	vld [tilespmem:$0x1F680];
	v13 =	vadd.f32 $2.857142980e-01, v13;
	v14 =	vmul.f32 v14, v62;
	v9 =	vmul.f32 v9, v23  }
0x4d8: {  	v27 =	vld [tilespmem:$0x1F530];
	v10 =	vmul.f32 v10, v25;
	v15 =	vmul.f32 v15, v39;
	v2 =	vadd.f32 $2.000000000e+00, v2  }
0x4d9: {  	v55 =	vld [tilespmem:$0x1F4C0];
	v16 =	vadd.f32 v16, v35;
	v57 =	vadd.f32 $6.666666860e-01, v57;
	v60 =	vmul.f32 v60, v21  }
0x4da: {  	v54 =	vld [tilespmem:$0x1F6B0];
	v8 =	vmul.f32 v8, v34;
	v5 =	vadd.f32 $2.857142980e-01, v5;
	v6 =	vadd.f32 $2.857142980e-01, v6  }
0x4db: {  	v44 =	vld [tilespmem:$0x1F620];
	v18 =	vmul.f32 v18, v29;
	v4 =	vadd.f32 $2.857142980e-01, v4;
	v14 =	vadd.f32 $6.666666860e-01, v14  }
0x4dc: {  	v19 =	vld [tilespmem:$0x1F4B0];
	v13 =	vmul.f32 v13, v26;
	v9 =	vadd.f32 $6.666666860e-01, v9;
	v10 =	vadd.f32 $6.666666860e-01, v10  }
0x4dd: {  	v32 =	vld [tilespmem:$0x1F580];
	v60 =	vadd.f32 $2.857142980e-01, v60;
	v30 =	vmul.f32 v57, v30;
	v57 =	vmul.f32 v61, v50  }
0x4de: {  	v36 =	vld [tilespmem:$0x1F5C0];
	v8 =	vadd.f32 $2.857142980e-01, v8;
	v5 =	vmul.f32 v5, v20;
	v6 =	vmul.f32 v6, v24  }
0x4df: {  	v40 =	vld [tilespmem:$0x1F5E0];
	v18 =	vadd.f32 $2.000000000e+00, v18;
	v4 =	vmul.f32 v4, v28;
	v14 =	vmul.f32 v14, v62  }
0x4e0: {  	v45 =	vld [tilespmem:$0x1F630];
	v13 =	vadd.f32 $4.000000060e-01, v13;
	v9 =	vmul.f32 v9, v23;
	v10 =	vmul.f32 v10, v25  }
0x4e1: {  	v39 =	vld [tilespmem:$0x1F5D0];
	v30 =	vadd.f32 $2.000000000e+00, v30;
	v33 =	vmul.f32 v60, v21;
	v29 =	vadd.f32 $4.000000060e-01, v57  }
0x4e2: {  	v61 =	vld [tilespmem:$0x1F480];
	v8 =	vmul.f32 v8, v34;
	v5 =	vadd.f32 $4.000000060e-01, v5;
	v6 =	vadd.f32 $4.000000060e-01, v6  }
0x4e3: {  	v62 =	vld [tilespmem:$0x1F500];
	v18 =	vmul.f32 v18, v46;
	v4 =	vadd.f32 $4.000000060e-01, v4;
	v14 =	vadd.f32 $2.000000000e+00, v14  }
0x4e4: {  	v13 =	vmul.f32 v13, v26;
	v60 =	vld [tilespmem:$0x1F470];
	v9 =	vadd.f32 $2.000000000e+00, v9;
	v10 =	vadd.f32 $2.000000000e+00, v10  }
0x4e5: {  	v57 =	vld [tilespmem:$0x1F4D0];
	v33 =	vadd.f32 $4.000000060e-01, v33;
	v30 =	vmul.f32 v30, v47;
	v29 =	vmul.f32 v29, v50  }
0x4e6: {  	v8 =	vadd.f32 $4.000000060e-01, v8;
	v18 =	vadd.f32 v18, v52;
	v14 =	vmul.f32 v14, v41;
	v41 =	vld [tilespmem:$0x1F5F0]  }
0x4e7: {  	v5 =	vmul.f32 v5, v20;
	v13 =	vadd.f32 $6.666666860e-01, v13;
	v10 =	vmul.f32 v10, v42;
	v42 =	vld [tilespmem:$0x1F600]  }
0x4e8: {  	v6 =	vmul.f32 v6, v24;
	v4 =	vmul.f32 v4, v28;
	v47 =	vld [tilespmem:$0x1F650];
	v46 =	vadd.f32 v49, v61  }
0x4e9: {  	v37 =	vsel vm3, $0x3F800000, v48;
	v49 =	vld [tilespmem:$0x1F490];
	v29 =	vadd.f32 $6.666666860e-01, v29;
	v5 =	vadd.f32 $6.666666860e-01, v5  }
0x4ea: {  	v52 =	vld [tilespmem:$0x1F690];
	v33 =	vmul.f32 v33, v21;
	v4 =	vadd.f32 $6.666666860e-01, v4;
	v6 =	vadd.f32 $6.666666860e-01, v6  }
0x4eb: {  	v61 =	vld [tilespmem:$0x1F4F0];
	v8 =	vmul.f32 v8, v34;
	v10 =	vadd.f32 v10, v40;
	v31 =	vadd.f32 v31, v60  }
0x4ec: {  	v13 =	vmul.f32 v13, v26;
	v19 =	vsub.f32 v46, v19;
	v18 =	vsub.f32 v18, v57;
	v57 =	vld [tilespmem:$0x1F6E0]  }
0x4ed: {  	v8 =	vadd.f32 $6.666666860e-01, v8;
	v29 =	vmul.f32 v29, v50;
	v6 =	vmul.f32 v6, v24;
	v24 =	vld [tilespmem:$0x1F510]  }
0x4ee: {  	v33 =	vadd.f32 $6.666666860e-01, v33;
	v5 =	vmul.f32 v5, v20;
	v50 =	vld [tilespmem:$0x1F670];
	v30 =	vadd.f32 v30, v49  }
0x4ef: {  	v13 =	vadd.f32 $2.000000000e+00, v13;
	v60 =	vadd.f32 $2.000000000e+00, v29;
	v8 =	vmul.f32 v8, v34;
	v34 =	vld [tilespmem:$0x1F5A0]  }
0x4f0: {  	v4 =	vmul.f32 v4, v28;
	v20 =	vmul.f32 v33, v21;
	v25 =	vsub.f32 v30, v59;
	v59 =	vld [tilespmem:$0x1F6F0]  }
0x4f1: {  	v23 =	vsub.f32 v31, v55;
	v7 =	vadd.f32 v7, v42;
	v21 =	vmul.f32 v60, v43;
	v43 =	vld [tilespmem:$0x1F610]  }
0x4f2: {  	v2 =	vmul.f32 v2, v51;
	v26 =	vld [tilespmem:$0x1F520];
	v5 =	vadd.f32 $2.000000000e+00, v5;
	v20 =	vadd.f32 $2.000000000e+00, v20  }
0x4f3: {  	v46 =	vld [tilespmem:$0x1F640];
	v1 =	vmul.f32 v1, v47;
	v6 =	vadd.f32 $2.000000000e+00, v6;
	v4 =	vadd.f32 $2.000000000e+00, v4  }
0x4f4: {  	v55 =	vld [tilespmem:$0x1F6C0];
	v8 =	vadd.f32 $2.000000000e+00, v8;
	v12 =	vmul.f32 v12, v24;
	v20 =	vmul.f32 v20, v32  }
0x4f5: {  	v33 =	vld [tilespmem:$0x1F590];
	v1 =	vadd.f32 v1, v57;
	v6 =	vmul.f32 v6, v34;
	v2 =	vadd.f32 v2, v59  }
0x4f6: {  	v0 =	vmul.f32 v0, v41;
	v49 =	vld [tilespmem:$0x1F660];
	v20 =	vadd.f32 v20, v50;
	v12 =	vadd.f32 v12, v43  }
0x4f7: {  	v9 =	vmul.f32 v9, v62;
	v6 =	vadd.f32 v6, v53;
	v2 =	vadd.f32 v2, v1;
	v1 =	vld [tilespmem:$0x1F710]  }
0x4f8: {  	v13 =	vmul.f32 v13, v61;
	v0 =	vadd.f32 v0, v54;
	v30 =	vld [tilespmem:$0x1F560];
	v4 =	vmul.f32 v4, v36  }
0x4f9: {  	v8 =	vmul.f32 v8, v46;
	v6 =	vadd.f32 v6, v20;
	v7 =	vadd.f32 v12, v7;
	v20 =	vld [tilespmem:$0x1F740]  }
0x4fa: {  	v61 =	vld [tilespmem:$0x1F730];
	v5 =	vmul.f32 v5, v56;
	v4 =	vadd.f32 v4, v52;
	v9 =	vadd.f32 v9, v33  }
0x4fb: {  	v63 =	vsel vm15, $0x3F800000, v48;
	v8 =	vadd.f32 v8, v55;
	v7 =	vadd.f32 v16, v7;
	v16 =	vld [tilespmem:$0x1F720]  }
0x4fc: {  	v62 =	vld [tilespmem:$0x1F750];
	v5 =	vadd.f32 v5, v49;
	v12 =	vmul.f32 v25, v38;
	v1 =	vadd.f32 v38, v1  }
0x4fd: {  	v48 =	vsel vm4, $0x3F800000, v48;
	v28 =	vld [tilespmem:$0x1F540];
	v17 =	vadd.f32 v17, v30;
	v0 =	vadd.f32 v8, v0  }
0x4fe: {  	v11 =	vmul.f32 v11, v22;
	v31 =	vld [tilespmem:$0x1F570];
	v12 =	vadd.f32 v12, v20;
	v20 =	vadd.f32 v37, v1  }
0x4ff: {  	v29 =	vld [tilespmem:$0x1F550];
	v3 =	vmul.f32 v3, v26;
	v0 =	vadd.f32 v5, v0;
	v2 =	vadd.f32 v4, v2  }
0x500: {  	v5 =	vld [tilespmem:$0x1F770];
	v4 =	vmul.f32 v9, v37;
	v16 =	vadd.f32 v61, v16;
	v9 =	vadd.f32 v63, v20  }
0x501: {  	v18 =	vmul.f32 v18, v37;
	v3 =	vadd.f32 v3, v44;
	v6 =	vadd.f32 v10, v6;
	v20 =	vld [tilespmem:$0x1F760]  }
0x502: {  	v10 =	vadd.f32 v48, v16;
	v16 =	vmul.f32 v17, v63;
	v17 =	vadd.f32 v58, v9;
	v9 =	vld [tilespmem:$0x1F790]  }
0x503: {  	v11 =	vadd.f32 $2.000000000e+00, v11;
	v56 =	vld [tilespmem:$0x1F6D0];
	v3 =	vmul.f32 v3, v38  }
0x504: {  	v60 =	vld [tilespmem:$0x1F700];
	v8 =	vmul.f32 v23, v63;
	v12 =	vadd.f32 v18, v12;
	v10 =	vadd.f32 v62, v10  }
0x505: {  	v11 =	vmul.f32 v11, v27;
	v2 =	vmul.f32 v2, v38;
	v3 =	vadd.f32 v3, v5;
	v5 =	vld [tilespmem:$0x1F780]  }
0x506: {  	v8 =	vadd.f32 v8, v12;
	v12 =	vadd.f32 v20, v10;
	v10 =	vld [tilespmem:$0x1F7B0]  }
0x507: {  	v11 =	vadd.f32 v11, v45;
	v2 =	vadd.f32 v2, v9;
	v9 =	vld [tilespmem:$0x1F7A0]  }
0x508: {  	v15 =	vadd.f32 v15, v39;
	v19 =	vmul.f32 v19, v58  }
0x509: {  	v21 =	vadd.f32 v21, v28;
	v14 =	vadd.f32 v14, v31;
	v11 =	vmul.f32 v11, v61  }
0x50a: {  	s30 =	sadd.s32 $0x4, s30;
	v13 =	vadd.f32 v13, v29;
	v22 =	vmul.f32 v56, v63;
	v24 =	vmul.f32 v60, v37  }
0x50b: {  	p1 =	slt.u32 s30, $0x1C;
	v18 =	vadd.f32 v19, v8;
	v5 =	vadd.f32 v11, v5;
	v8 =	vmul.f32 v15, v48  }
.Ltmp3:
0x50c: {  	v0 =	vmul.f32 v0, v37;
	v7 =	vmul.f32 v7, v58;
	v9 =	vadd.f32 v10, v9;
	(pc) =	sbr.rel @p1 .LBB2_4-.Ltmp3, $4  }
0x50d: {  	v3 =	vadd.f32 v4, v3;
	v4 =	vadd.f32 v8, v5;
	v5 =	vmul.f32 v14, v62  }
0x50e: {  	v0 =	vadd.f32 v0, v2;
	v8 =	vadd.f32 v24, v9;
	v9 =	vmul.f32 v6, v63  }
0x50f: {  	v1 =	vmul.f32 v21, v58;
	v4 =	vadd.f32 v5, v4;
	v2 =	vadd.f32 v16, v3  }
0x510: {  	s31 =	sadd.s32 $0x100, s31;
	v6 =	vmul.f32 v13, v20;
	v5 =	vadd.f32 v9, v0;
	v3 =	vadd.f32 v22, v8;
	v8 =	vld [tilespmem:$0x1F7C0]  }
0x511: {  	v0 =	vld [tilespmem:$0x1FA00]  }
0x512: {  	v34 =	vld [tilespmem:$0x1FA10]  }
0x513: {  	v35 =	vld [tilespmem:$0x1FA20];
	_ =	sdelay $0x2  }
0x514: {  	(xrf2) =	vadd.scan.msk.f32 $0xffff, v0  }
0x515: {  	(xrf2) =	vadd.scan.msk.f32 $0xffff, v34  }
0x516: {  	(xrf2) =	vadd.scan.msk.f32 $0xffff, v35  }
0x517: {  	(xrf2) =	vadd.scan.msk.f32 $0xffff, v17  }
0x518: {  	v36 =	vadd.f32 v1, v2;
	(xrf2) =	vadd.scan.msk.f32 $0xffff, v12  }
0x519: {  	v37 =	vadd.f32 v6, v4;
	(xrf2) =	vadd.scan.msk.f32 $0xffff, v18  }
0x51a: {  	v38 =	vadd.f32 v7, v5;
	(xrf2) =	vadd.scan.msk.f32 $0xffff, v36  }
0x51b: {  	v39 =	vadd.f32 v8, v3;
	(xrf2) =	vadd.scan.msk.f32 $0xffff, v37  }
0x51c: {  	(xrf2) =	vadd.scan.msk.f32 $0xffff, v38  }
0x51d: {  	(xrf2) =	vadd.scan.msk.f32 $0xffff, v39  }
0x51e: {  	v40, _, _ =	vpop (xrf2)  }
0x51f: {  	v41, _, _ =	vpop (xrf2);
	v0 =	vbroadcast v40, $0xF  }
0x520: {  	vm0 =	vmmov $0x1;
	v42, _, _ =	vpop (xrf2);
	v1 =	vbroadcast v41, $0xF  }
0x521: {  	vm1 =	vcmask $0x328;
	v43, _, _ =	vpop (xrf2);
	v0 =	vnsel vm0, $0x0, v0;
	v2 =	vbroadcast v42, $0xF  }
0x522: {  	v44, _, _ =	vpop (xrf2);
	v0 =	vsel vm1, v0, v1;
	v45 =	vbroadcast v43, $0xF;
	vm1 =	vcmask $0x728  }
0x523: {  	v46, _, _ =	vpop (xrf2);
	v0 =	vsel vm1, v0, v2;
	v47 =	vbroadcast v44, $0xF;
	vm1 =	vcmask $0xB28  }
0x524: {  	v48, _, _ =	vpop (xrf2);
	v0 =	vsel vm1, v0, v45;
	v52 =	vbroadcast v46, $0xF;
	vm1 =	vcmask $0xF28  }
0x525: {  	v57, _, _ =	vpop (xrf2);
	v0 =	vsel vm1, v0, v47;
	v58 =	vbroadcast v48, $0xF;
	vm1 =	vcmask $0x1328  }
0x526: {  	v59, _, _ =	vpop (xrf2);
	v0 =	vsel vm1, v0, v52;
	v60 =	vbroadcast v57, $0xF;
	vm1 =	vcmask $0x1728  }
0x527: {  	v56 =	vld [tilespmem:$0x1FFF0];
	v61, _, _ =	vpop (xrf2);
	v0 =	vsel vm1, v0, v58;
	v62 =	vbroadcast v59, $0xF;
	vm1 =	vcmask $0x1B28  }
0x528: {  	v50 =	vld [tilespmem:$0x1FFA0];
	v0 =	vsel vm1, v0, v60;
	v63 =	vbroadcast v61, $0xF;
	vm1 =	vcmask $0x1F28  }
0x529: {  	v49 =	vld [tilespmem:$0x1FF90];
	v0 =	vsel vm1, v0, v62;
	vm1 =	vcmask $0x2328  }
0x52a: {  	v55 =	vld [tilespmem:$0x1FFE0];
	v0 =	vsel vm1, v0, v63  }
0x52b: {  	v54 =	vld [tilespmem:$0x1FFD0];
	[tilespmem:$0x18280] =	vst v0  }
0x52c: {  	v53 =	vld [tilespmem:$0x1FFC0];
	[spmem:s13] =	stream.linear.scatter [tilespmem:s24], [sflag:$0x1], $0x10, $0x38  }
.Ltmp4:
0x52d: {  	v51 =	vld [tilespmem:$0x1FFB0];
	_ =	swait.ge [sflag:s12], $0x10;
	(pc) =	sbr.rel @p0 .LBB2_7-.Ltmp4, $3  }
0x52e: {  	[sflag:s12] =	ssyncset.done $0x0  }
0x52f: {  	[sflag:s12] =	ssyncadd.s32 $0xFFFFFFF0  }
0x530: {  	[bflag:$0x0] =	sbarrier.arrive $0xFFFF;
	_ =	sdelay $0x1  }
0x531: {  	s1 =	rddreg [dreg:$0x4]  }
0x532: {  	[tilespmem:s25], [sflag:$0x1] =	stream.linear.gather [spmem:s1], $0x100, $0x38;
	[tilespmem:$0x18490] =	vst v63  }
0x533: {  	_ =	swait.ge [sflag:s12], $0x100  }
0x534: {  	v0 =	vld [tilespmem:$0x1FEB0]  }
0x535: {  	v1 =	vld [tilespmem:$0x1FEC0]  }
0x536: {  	v2 =	vld [tilespmem:$0x1FED0]  }
0x537: {  	v3 =	vld [tilespmem:$0x1FEE0];
	_ =	sdelay $0x1  }
0x538: {  	v4 =	vld [tilespmem:$0x1FF10]  }
0x539: {  	[sflag:s12] =	ssyncset.done $0x0;
	v44 =	vld [tilespmem:$0x1FF20]  }
0x53a: {  	v5 =	vld [tilespmem:$0x1FF30];
	[sflag:s12] =	ssyncadd.s32 $0xFFFFFF00  }
0x53b: {  	v0 =	vld.idx.msk [tilespmem:v0+s25+$0x0], $0xffff  }
0x53c: {  	v1 =	vld.idx.msk [tilespmem:v1+s25+$0x0], $0xffff  }
0x53d: {  	v2 =	vld.idx.msk [tilespmem:v2+s25+$0x0], $0xffff  }
0x53e: {  	v3 =	vld.idx.msk [tilespmem:v3+s25+$0x0], $0xffff  }
0x53f: {  	v45 =	vld [tilespmem:$0x1FF40]  }
0x540: {  	v6 =	vld [tilespmem:$0x1FF50]  }
0x541: {  	v7 =	vld [tilespmem:$0x1FF60]  }
0x542: {  	v8 =	vld [tilespmem:$0x1FEF0];
	v0 =	vadd.f32 v1, v0  }
0x543: {  	v9 =	vld [tilespmem:$0x1FF70];
	v40 =	vadd.f32 v3, v2  }
0x544: {  	v46 =	vld [tilespmem:$0x1FF80];
	v41 =	vmax.f32 v0, $1.000000000e+00  }
0x545: {  	v47 =	vld [tilespmem:$0x1FF00];
	v42 =	vmax.f32 v40, $1.000000000e+00;
	v43 =	vmul.f32 $3.000000000e+00, v0;
	(erf) = vrcp.f32 v41  }
0x546: {  	v4 =	vld.idx.msk [tilespmem:v4+s25+$0x0], $0xffff;
	(erf) = vrcp.f32 v42  }
0x547: {  	v5 =	vld.idx.msk [tilespmem:v5+s25+$0x0], $0xffff;
	v3 =	vmax.f32 v43, $1.000000000e+00  }
0x548: {  	v6 =	vld.idx.msk [tilespmem:v6+s25+$0x0], $0xffff;
	(erf) = vrcp.f32 v3  }
0x549: {  	v3 =	vld.idx.msk [tilespmem:v45+s25+$0x0], $0xffff  }
0x54a: {  	v2 =	vld.idx.msk [tilespmem:v44+s25+$0x0], $0xffff  }
0x54b: {  	v7 =	vld.idx.msk [tilespmem:v7+s25+$0x0], $0xffff  }
0x54c: {  	v8 =	vld.idx.msk [tilespmem:v8+s25+$0x0], $0xffff  }
0x54d: {  	v9 =	vld.idx.msk [tilespmem:v9+s25+$0x0], $0xffff  }
0x54e: {  	v3 =	vadd.f32 v3, v5;
	v5 =	vld.idx.msk [tilespmem:v46+s25+$0x0], $0xffff;
	v10 =	vpop (erf)  }
0x54f: {  	v2 =	vadd.f32 v2, v4;
	v4 =	vld.idx.msk [tilespmem:v47+s25+$0x0], $0xffff;
	v11 =	vpop (erf)  }
0x550: {  	v6 =	vadd.f32 v7, v6;
	v3 =	vmul.f32 v3, v11  }
0x551: {  	vm1 =	vgt.f32 v40, $0.0e+00;
	v2 =	vmul.f32 v2, v10;
	v48 =	vpop (erf)  }
0x552: {  	v52 =	vlaneseq.u32;
	v1 =	vmul.f32 v6, v48;
	v3 =	vnsel vm1, $0x0, v3  }
0x553: {  	v5 =	vadd.f32 v5, v9;
	v2 =	vadd.f32 v3, v2;
	v3 =	vmul.u32 $0x10, v52  }
0x554: {  	v4 =	vadd.f32 v4, v8  }
0x555: {  	v5 =	vmul.f32 v5, v10;
	v1 =	vadd.f32 v1, v2;
	v57 =	vor.u32 $0x1, v3  }
0x556: {  	v58 =	vor.u32 $0x2, v3  }
0x557: {  	v4 =	vmul.f32 v4, v10;
	v1 =	vadd.f32 v5, v1;
	_ =	sdelay $0x1  }
0x558: {  	vm2 =	vmmov $0xff;
	vm11 =	vgt.f32 v0, $0.0e+00;
	v1 =	vadd.f32 v1, v4;
	v3 =	vld.idx.msk [tilespmem:v3+s25+$0x0], $0xffff  }
0x559: {  	vm1 =	vmand vm11, vm2;
	v2 =	vld.idx.msk [tilespmem:v57+s25+$0x0], $0xffff  }
0x55a: {  	v59 =	vld.idx.msk [tilespmem:v58+s25+$0x0], $0xffff;
	v1 =	vnsel vm1, $0x0, v1  }
0x55b: {  	v0 =	vnsel vm2, $0x0, v0;
	(xrf2) =	vadd.scan.msk.f32 $0xffff, v1  }
0x55c: {  	(xrf2) =	vadd.scan.msk.f32 $0xffff, v0  }
0x55d: {  	(xrf2) =	vadd.scan.msk.f32 $0xffff, v3  }
0x55e: {  	(xrf2) =	vadd.scan.msk.f32 $0xffff, v2  }
0x55f: {  	(xrf2) =	vadd.scan.msk.f32 $0xffff, v59;
	_ =	sdelay $0x5  }
0x560: {  	v60, _, _ =	vpop (xrf2)  }
0x561: {  	v61, _, _ =	vpop (xrf2)  }
0x562: {  	v62, _, _ =	vpop (xrf2)  }
0x563: {  	v63, _, _ =	vpop (xrf2);
	v2 =	vbroadcast v62, $0xF  }
0x564: {  	v4, _, _ =	vpop (xrf2);
	v3 =	vbroadcast v63, $0xF  }
0x565: {  	vm12 =	vcmask $0x314;
	v2 =	vnsel vm0, $0x0, v2;
	v4 =	vbroadcast v4, $0xF  }
0x566: {  	vm13 =	vcmask $0x714;
	v0 =	vbroadcast v60, $0xF;
	v2 =	vsel vm12, v2, v3  }
0x567: {  	vm14 =	vcmask $0xB14;
	v1 =	vbroadcast v61, $0xF;
	v2 =	vsel vm13, v2, v4  }
0x568: {  	vm15 =	vcmask $0xF14;
	v0 =	vsel vm14, v2, v0  }
0x569: {  	v0 =	vsel vm15, v0, v1  }
.Ltmp5:
0x56a: {  	s31 =	simm.s32 $0x18300;
	[tilespmem:$0x18300] =	vst v0;
	(pc) =	sbr.rel .LBB2_7-.Ltmp5, $4  }
0x56b: {  	[hbm4b:s14+s3] =	stream.linear.scatter [tilespmem:s31], [sflag:$0x1], $0x80, $0x38;
	[tilespmem:$0x18490] =	vst v63  }
0x56c: {  	_ =	swait.ge [sflag:s12], $0x80  }
0x56d: {  	[sflag:s12] =	ssyncset.done $0x0  }
0x56e: {  	[sflag:s12] =	ssyncadd.s32 $0xFFFFFF80  }
.LBB2_8:
0x56f: {  	_ =	sfence.sel $0x180000  }
0x570: {  	[bflag:$0x0] =	sbarrier.arrive $0xFFFF  }
0x571: {  	_ =	strace $0x90000047  }
0x572: {  	[bflag:$0x2] =	sbarrier.arrive $0xFFFF  }
0x573: {  	s0 =	rddreg [dreg:$0x5]  }
0x574: {  	s0 =	sadd.s32 @!p0 $0x100000, s0  }
0x575: {  	[sflag:s0] =	ssyncadd.tile.s32 @!p0 $0x1;
	_ =	shalt  }
.Lfunc_end2:
_tile_overlayer_lowered:
.L_overlay_start_2:
0x576: {  	(tag) =	ssettag $0x2  }
0x577: {  	s0 =	rddreg [dreg:$0x0];
	s2 =	stileid.u32  }
0x578: {  	s1 =	rddreg [dreg:$0x1];
	p0 =	sne.s32 s2, $0x0  }
0x579: {  	s3 =	rddreg [dreg:$0x2];
	[bflag:$0x3] =	sbarrier.arrive $0xFFFF;
	s2 =	simm.s32 @!p0 $0x1C01  }
0x57a: {  	[timem:s3], [sflag:s2] =	dma.local @!p0 [hbm:s0], s1  }
0x57b: {  	s0 =	simm.s32 @!p0 $0x1  }
0x57c: {  	_ =	swait.ge @!p0 [sflag:s0], s1  }
0x57d: {  	s1 =	ssub.s32 @!p0 $0x0, s1;
	[sflag:s0] =	ssyncset.done @!p0 $0x0  }
0x57e: {  	[sflag:s0] =	ssyncadd.s32 @!p0 s1  }
0x57f: {  	[bflag:$0x3] =	sbarrier.arrive $0xFFFF  }
0x580: {  	_ =	shalt  }

</sc_bundles>
